<compile_context>
chip_gen: v7x
topology: tpu7x:2x2x1
jax: 0.10.2.dev20260603
libtpu: 0.0.44.dev20260713+nightly
codegen_flags: <defaults>
</compile_context>

<pallas_src>
import functools

import jax
import jax.numpy as jnp
from jax import lax
from jax.experimental import pallas as pl
from jax.experimental.pallas import tpu as pltpu
from jax.experimental.pallas import tpu_sc as plsc

GAMMA = 0.99

NC = 2
NS = 16
NW = NC * NS
L = 16

SHIFT = 16
NBINS = 1 << (31 - SHIFT)
HROWS = NBINS // 128
MINOR = 2048
CROWS = 8
NBUF = 4
NHIST = 1


def _make_sc_hist(shape):
    d0, d1, d2 = shape
    assert d2 == MINOR
    w_per_d0 = NW // d0
    rows_per_w = d1 // w_per_d0
    n_chunks = rows_per_w // CROWS
    n_groups = n_chunks // NBUF
    assert n_chunks * CROWS == rows_per_w and n_groups * NBUF == n_chunks

    mesh = plsc.VectorSubcoreMesh(core_axis_name="c", subcore_axis_name="s")

    @functools.partial(
        pl.kernel,
        mesh=mesh,
        compiler_params=pltpu.CompilerParams(needs_layout_passes=False),
        out_type=jax.ShapeDtypeStruct((NW * NHIST * HROWS, 128), jnp.int32),
        scratch_types=(
            [pltpu.VMEM((NHIST * HROWS, 128), jnp.int32)]
            + [pltpu.VMEM((CROWS, MINOR), jnp.float32) for _ in range(NBUF)]
            + [pltpu.SemaphoreType.DMA for _ in range(NBUF)]
        ),
    )
    def sc_hist(x_hbm, hist_hbm, hist_v, *bufs_and_sems):
        bufs = bufs_and_sems[:NBUF]
        sems = bufs_and_sems[NBUF:]
        cid = lax.axis_index("c")
        sid = lax.axis_index("s")
        wid = sid * NC + cid
        maj = wid // w_per_d0
        row_base = (wid % w_per_d0) * rows_per_w

        def start(c, buf, sem):
            pltpu.make_async_copy(
                x_hbm.at[maj, pl.ds(row_base + c * CROWS, CROWS), :], buf,
                sem).start()

        def wait(buf, sem):
            pltpu.make_async_copy(
                x_hbm.at[maj, pl.ds(row_base, CROWS), :], buf, sem).wait()

        for b in range(NBUF):
            start(b, bufs[b], sems[b])

        zero16 = jnp.zeros((L,), jnp.int32)

        def zbody(i):
            hist_v[i // 8, pl.ds((i % 8) * L, L)] = zero16
        plsc.parallel_loop(0, NHIST * HROWS * 8, unroll=8)(zbody)

        ones16 = jnp.ones((L,), jnp.int32)
        absmask = jnp.full((L,), 0x7FFFFFFF, jnp.int32)

        def process(buf):
            for r in range(CROWS):
                def body(i, r=r):
                    v = buf[r, pl.ds(i * L, L)]
                    bits = plsc.bitcast(v, jnp.int32) & absmask
                    idx = lax.shift_right_logical(bits, SHIFT)
                    plsc.addupdate_scatter(
                        hist_v,
                        [lax.shift_right_logical(idx, 7), idx & 127],
                        ones16)
                plsc.parallel_loop(0, MINOR // L, unroll=16)(body)

        def group(g, carry):
            for b in range(NBUF):
                wait(bufs[b], sems[b])
                process(bufs[b])

                @pl.when(g * NBUF + b + NBUF < n_chunks)
                def _(b=b):
                    start(g * NBUF + b + NBUF, bufs[b], sems[b])

            return carry

        lax.fori_loop(0, n_groups, group, 0)

        pltpu.sync_copy(
            hist_v,
            hist_hbm.at[pl.ds(wid * NHIST * HROWS, NHIST * HROWS), :])

    return sc_hist


def _make_tc_finalize(n):
    rows = HROWS
    ks = [n - 1] + [int(round(q * n)) - 1 for q in (0.9999, 0.999, 0.99)]
    half = 1 << (SHIFT - 1)

    def fin(hist_ref, bufs_ref, out_ref):
        h = jnp.sum(hist_ref[...], axis=0)

        li = lax.broadcasted_iota(jnp.int32, (128, 128), 0)
        lj = lax.broadcasted_iota(jnp.int32, (128, 128), 1)
        lower = (li <= lj).astype(jnp.float32)

        def exact_dot(a_i32, m):
            acc = None
            for s in (16, 8, 0):
                d = ((lax.shift_right_logical(a_i32, s) & 255)
                     .astype(jnp.float32))
                p = lax.dot_general(d, m, (((1,), (0,)), ((), ())),
                                    preferred_element_type=jnp.float32)
                acc = p if acc is None else acc * 256.0 + p
            return acc

        rowcum = exact_dot(h, lower)
        rowsum = rowcum[:, 127:128].astype(jnp.int32)

        ri = lax.broadcasted_iota(jnp.int32, (rows, rows), 0)
        rj = lax.broadcasted_iota(jnp.int32, (rows, rows), 1)
        strict = (ri > rj).astype(jnp.float32)

        def exact_dot_l(m, a_i32):
            acc = None
            for s in (16, 8, 0):
                d = ((lax.shift_right_logical(a_i32, s) & 255)
                     .astype(jnp.float32))
                p = lax.dot_general(m, d, (((1,), (0,)), ((), ())),
                                    preferred_element_type=jnp.float32)
                acc = p if acc is None else acc * 256.0 + p
            return acc

        rowpre = exact_dot_l(strict, rowsum)
        cum = rowcum + rowpre

        def bin_of(k):
            return jnp.sum((cum <= float(k)).astype(jnp.int32))

        bins = [bin_of(k) for k in ks]

        lane = lax.broadcasted_iota(jnp.int32, (1, 128), 1)
        bits = jnp.zeros((1, 128), jnp.int32)
        for j, b in enumerate(bins):
            bits = jnp.where(lane == j, b * (1 << SHIFT) + half, bits)
        vals = lax.bitcast_convert_type(bits, jnp.float32)

        bufv = jnp.zeros((1, 128), jnp.float32)
        for j in range(4):
            bufv = jnp.where(lane == j, bufs_ref[j], bufv)

        out_ref[...] = bufv * GAMMA + vals * (1.0 - GAMMA)

    return pl.pallas_call(
        fin,
        out_shape=jax.ShapeDtypeStruct((1, 128), jnp.float32),
        in_specs=[
            pl.BlockSpec(memory_space=pltpu.VMEM),
            pl.BlockSpec(memory_space=pltpu.SMEM),
        ],
        out_specs=pl.BlockSpec(memory_space=pltpu.VMEM),
    )


def _make_tc_copy(shape):
    b0, b1, b2 = 1, shape[1] // 8, shape[2]

    def cp(x_ref, o_ref):
        o_ref[...] = x_ref[...]

    return pl.pallas_call(
        cp,
        grid=(shape[0], 8),
        in_specs=[pl.BlockSpec((b0, b1, b2), lambda i, j: (i, j, 0))],
        out_specs=pl.BlockSpec((b0, b1, b2), lambda i, j: (i, j, 0)),
        out_shape=jax.ShapeDtypeStruct(shape, jnp.float32),
    )


def kernel(x, max_buf, p99_99_buf, p99_9_buf, p99_buf):
    n = x.size
    hists = _make_sc_hist(x.shape)(x)
    bufs = jnp.stack([max_buf, p99_99_buf, p99_9_buf, p99_buf]).astype(jnp.float32)
    out = _make_tc_finalize(n)(hists.reshape(NW * NHIST, HROWS, 128), bufs)
    x_out = _make_tc_copy(x.shape)(x)
    return (x_out, out[0, 0], out[0, 1], out[0, 2], out[0, 3])

# --- scband reference (transcript-rebuilt; emitter-appended) ---
"""Pipeline reference for scband-percentile-observer-1614907703437 (READ-ONLY COPY).

The authoritative reference and input builder live on the scoring server;
editing this copy changes nothing except your own understanding.
"""

import jax, jax.numpy as jnp
import numpy as np

GAMMA = 0.99


def quantile_from_sorted(x_sorted, q):
    n = x_sorted.size
    k = int(round(q * n)) - 1
    return x_sorted.reshape(-1)[k]


def setup_inputs(seed: int = 0):
    key = jax.random.key(seed)
    x = jax.random.normal(key, (2, 4096, 2048), dtype=jnp.float32)
    return {
        "x": x,
        "max_buf": jnp.zeros((), dtype=jnp.float32),
        "p99_99_buf": jnp.zeros((), dtype=jnp.float32),
        "p99_9_buf": jnp.zeros((), dtype=jnp.float32),
        "p99_buf": jnp.zeros((), dtype=jnp.float32),
    }


def reference(x, max_buf, p99_99_buf, p99_9_buf, p99_buf):
    # training-mode observer: sort |x|, read percentiles, EMA-update buffers
    x_abs = jnp.sort(jnp.abs(x).reshape(-1))
    max_val = x_abs[-1]
    p99_99 = quantile_from_sorted(x_abs, 0.9999)
    p99_9 = quantile_from_sorted(x_abs, 0.999)
    p99 = quantile_from_sorted(x_abs, 0.99)
    new_max = max_buf * GAMMA + max_val * (1.0 - GAMMA)
    new_p99_99 = p99_99_buf * GAMMA + p99_99 * (1.0 - GAMMA)
    new_p99_9 = p99_9_buf * GAMMA + p99_9 * (1.0 - GAMMA)
    new_p99 = p99_buf * GAMMA + p99 * (1.0 - GAMMA)
    return (x, new_max, new_p99_99, new_p99_9, new_p99)

if __name__ == "__main__":
    import jax
    _d = setup_inputs()
    print(jax.jit(kernel)(*tuple(_d.values())))

</pallas_src>

<mosaic_0001>
#map = affine_map<(d0, d1) -> (0, 0, 0)>
#map1 = affine_map<(d0, d1) -> (0, 0)>
module attributes {stable_mosaic.version = 14 : i64} {
  func.func @sc_hist(%arg0: i32, %arg1: i32, %arg2: memref<2x4096x2048xf32, #tpu.memory_space<hbm>>, %arg3: memref<8192x128xi32, #tpu.memory_space<hbm>>, %arg4: memref<256x128xi32, #tpu.memory_space<vmem>>, %arg5: memref<8x2048xf32, #tpu.memory_space<vmem>>, %arg6: memref<8x2048xf32, #tpu.memory_space<vmem>>, %arg7: memref<8x2048xf32, #tpu.memory_space<vmem>>, %arg8: memref<8x2048xf32, #tpu.memory_space<vmem>>, %arg9: memref<!tpu.dma_semaphore, #tpu.memory_space<semaphore_mem>>, %arg10: memref<!tpu.dma_semaphore, #tpu.memory_space<semaphore_mem>>, %arg11: memref<!tpu.dma_semaphore, #tpu.memory_space<semaphore_mem>>, %arg12: memref<!tpu.dma_semaphore, #tpu.memory_space<semaphore_mem>>) attributes {dimension_semantics = [#tpu.dimension_semantics<core_parallel>, #tpu.dimension_semantics<subcore_parallel>], iteration_bounds = array<i64: 2, 16>, scalar_prefetch = 0 : i64, scratch_operands = 9 : i64, tpu.core_type = #tpu.core_type<sc_vector_subcore>, window_params = [{transform_indices = #map}, {transform_indices = #map1}]} {
    %mul3A = arith.constant 2 : i32
    %mul3A_0 = arith.muli %arg1, %mul3A : i32
    %add3A = arith.addi %mul3A_0, %arg0 : i32
    %jit3A = arith.constant 16 : i32
    %div3A = arith.divsi %add3A, %jit3A : i32
    %sign3A = arith.constant 0 : i32
    %sign3A_1 = arith.cmpi sgt, %add3A, %sign3A : i32
    %sign3A_2 = arith.extui %sign3A_1 : i1 to i32
    %sign3A_3 = arith.constant 0 : i32
    %sign3A_4 = arith.cmpi slt, %add3A, %sign3A_3 : i32
    %sign3A_5 = arith.extui %sign3A_4 : i1 to i32
    %sign3A_6 = arith.subi %sign3A_2, %sign3A_5 : i32
    %sign3A_7 = arith.constant 0 : i32
    %sign3A_8 = arith.cmpi sgt, %jit3A, %sign3A_7 : i32
    %sign3A_9 = arith.extui %sign3A_8 : i1 to i32
    %sign3A_10 = arith.constant 0 : i32
    %sign3A_11 = arith.cmpi slt, %jit3A, %sign3A_10 : i32
    %sign3A_12 = arith.extui %sign3A_11 : i1 to i32
    %sign3A_13 = arith.subi %sign3A_9, %sign3A_12 : i32
    %ne3A = arith.cmpi ne, %sign3A_6, %sign3A_13 : i32
    %rem3A = arith.remsi %add3A, %jit3A : i32
    %ne3A_14 = arith.constant 0 : i32
    %ne3A_15 = arith.cmpi ne, %rem3A, %ne3A_14 : i32
    %and3A = arith.andi %ne3A, %ne3A_15 : i1
    %sub3A = arith.constant 1 : i32
    %sub3A_16 = arith.subi %div3A, %sub3A : i32
    %select_n3A = arith.select %and3A, %sub3A_16, %div3A : i32
    %jit3A_17 = arith.constant 16 : i32
    %eq3A = arith.constant 0 : i32
    %eq3A_18 = arith.cmpi eq, %jit3A_17, %eq3A : i32
    %jit3A_19 = arith.constant 1 : i32
    %select_n3A_20 = arith.select %eq3A_18, %jit3A_19, %jit3A_17 : i32
    %rem3A_21 = arith.remsi %add3A, %select_n3A_20 : i32
    %ne3A_22 = arith.constant 0 : i32
    %ne3A_23 = arith.cmpi ne, %rem3A_21, %ne3A_22 : i32
    %lt3A = arith.constant 0 : i32
    %lt3A_24 = arith.cmpi slt, %rem3A_21, %lt3A : i32
    %lt3A_25 = arith.constant 0 : i32
    %lt3A_26 = arith.cmpi slt, %select_n3A_20, %lt3A_25 : i32
    %ne3A_27 = arith.xori %lt3A_24, %lt3A_26 : i1
    %and3A_28 = arith.andi %ne3A_27, %ne3A_23 : i1
    %add3A_29 = arith.addi %rem3A_21, %select_n3A_20 : i32
    %select_n3A_30 = arith.select %and3A_28, %add3A_29, %rem3A_21 : i32
    %mul3A_31 = arith.constant 256 : i32
    %mul3A_32 = arith.muli %select_n3A_30, %mul3A_31 : i32
    %add3A_33 = arith.constant 0 : i32
    %add3A_34 = arith.addi %mul3A_32, %add3A_33 : i32
    %dma_start3A = arith.constant 0 : i32
    %dma_start3A_35 = tpu.memref_slice %arg2[%select_n3A, %add3A_34, %dma_start3A] : memref<2x4096x2048xf32, #tpu.memory_space<hbm>> -> memref<1x8x2048xf32, #tpu.memory_space<hbm>>
    %dma_start3A_36 = tpu.memref_squeeze %dma_start3A_35 : memref<1x8x2048xf32, #tpu.memory_space<hbm>> -> memref<8x2048xf32, #tpu.memory_space<hbm>>
    %dma_start3A_37 = arith.constant 0 : i32
    %dma_start3A_38 = tpu.memref_slice %arg2[%select_n3A, %add3A_34, %dma_start3A_37] : memref<2x4096x2048xf32, #tpu.memory_space<hbm>> -> memref<1x8x2048xf32, #tpu.memory_space<hbm>>
    %dma_start3A_39 = tpu.memref_squeeze %dma_start3A_38 : memref<1x8x2048xf32, #tpu.memory_space<hbm>> -> memref<8x2048xf32, #tpu.memory_space<hbm>>
    tpu.enqueue_dma source(%dma_start3A_39 : memref<8x2048xf32, #tpu.memory_space<hbm>>) target(%arg5 : memref<8x2048xf32, #tpu.memory_space<vmem>>) target_semaphore(%arg9 : memref<!tpu.dma_semaphore, #tpu.memory_space<semaphore_mem>>)
    %add3A_40 = arith.constant 8 : i32
    %add3A_41 = arith.addi %mul3A_32, %add3A_40 : i32
    %dma_start3A_42 = arith.constant 0 : i32
    %dma_start3A_43 = tpu.memref_slice %arg2[%select_n3A, %add3A_41, %dma_start3A_42] : memref<2x4096x2048xf32, #tpu.memory_space<hbm>> -> memref<1x8x2048xf32, #tpu.memory_space<hbm>>
    %dma_start3A_44 = tpu.memref_squeeze %dma_start3A_43 : memref<1x8x2048xf32, #tpu.memory_space<hbm>> -> memref<8x2048xf32, #tpu.memory_space<hbm>>
    %dma_start3A_45 = arith.constant 0 : i32
    %dma_start3A_46 = tpu.memref_slice %arg2[%select_n3A, %add3A_41, %dma_start3A_45] : memref<2x4096x2048xf32, #tpu.memory_space<hbm>> -> memref<1x8x2048xf32, #tpu.memory_space<hbm>>
    %dma_start3A_47 = tpu.memref_squeeze %dma_start3A_46 : memref<1x8x2048xf32, #tpu.memory_space<hbm>> -> memref<8x2048xf32, #tpu.memory_space<hbm>>
    tpu.enqueue_dma source(%dma_start3A_47 : memref<8x2048xf32, #tpu.memory_space<hbm>>) target(%arg6 : memref<8x2048xf32, #tpu.memory_space<vmem>>) target_semaphore(%arg10 : memref<!tpu.dma_semaphore, #tpu.memory_space<semaphore_mem>>)
    %add3A_48 = arith.constant 16 : i32
    %add3A_49 = arith.addi %mul3A_32, %add3A_48 : i32
    %dma_start3A_50 = arith.constant 0 : i32
    %dma_start3A_51 = tpu.memref_slice %arg2[%select_n3A, %add3A_49, %dma_start3A_50] : memref<2x4096x2048xf32, #tpu.memory_space<hbm>> -> memref<1x8x2048xf32, #tpu.memory_space<hbm>>
    %dma_start3A_52 = tpu.memref_squeeze %dma_start3A_51 : memref<1x8x2048xf32, #tpu.memory_space<hbm>> -> memref<8x2048xf32, #tpu.memory_space<hbm>>
    %dma_start3A_53 = arith.constant 0 : i32
    %dma_start3A_54 = tpu.memref_slice %arg2[%select_n3A, %add3A_49, %dma_start3A_53] : memref<2x4096x2048xf32, #tpu.memory_space<hbm>> -> memref<1x8x2048xf32, #tpu.memory_space<hbm>>
    %dma_start3A_55 = tpu.memref_squeeze %dma_start3A_54 : memref<1x8x2048xf32, #tpu.memory_space<hbm>> -> memref<8x2048xf32, #tpu.memory_space<hbm>>
    tpu.enqueue_dma source(%dma_start3A_55 : memref<8x2048xf32, #tpu.memory_space<hbm>>) target(%arg7 : memref<8x2048xf32, #tpu.memory_space<vmem>>) target_semaphore(%arg11 : memref<!tpu.dma_semaphore, #tpu.memory_space<semaphore_mem>>)
    %add3A_56 = arith.constant 24 : i32
    %add3A_57 = arith.addi %mul3A_32, %add3A_56 : i32
    %dma_start3A_58 = arith.constant 0 : i32
    %dma_start3A_59 = tpu.memref_slice %arg2[%select_n3A, %add3A_57, %dma_start3A_58] : memref<2x4096x2048xf32, #tpu.memory_space<hbm>> -> memref<1x8x2048xf32, #tpu.memory_space<hbm>>
    %dma_start3A_60 = tpu.memref_squeeze %dma_start3A_59 : memref<1x8x2048xf32, #tpu.memory_space<hbm>> -> memref<8x2048xf32, #tpu.memory_space<hbm>>
    %dma_start3A_61 = arith.constant 0 : i32
    %dma_start3A_62 = tpu.memref_slice %arg2[%select_n3A, %add3A_57, %dma_start3A_61] : memref<2x4096x2048xf32, #tpu.memory_space<hbm>> -> memref<1x8x2048xf32, #tpu.memory_space<hbm>>
    %dma_start3A_63 = tpu.memref_squeeze %dma_start3A_62 : memref<1x8x2048xf32, #tpu.memory_space<hbm>> -> memref<8x2048xf32, #tpu.memory_space<hbm>>
    tpu.enqueue_dma source(%dma_start3A_63 : memref<8x2048xf32, #tpu.memory_space<hbm>>) target(%arg8 : memref<8x2048xf32, #tpu.memory_space<vmem>>) target_semaphore(%arg12 : memref<!tpu.dma_semaphore, #tpu.memory_space<semaphore_mem>>)
    %broadcast_in_dim3A = arith.constant 0 : i32
    %broadcast_in_dim3A_64 = vector.broadcast %broadcast_in_dim3A : i32 to vector<16xi32>
    %parallel_loop3A = arith.constant 0 : i32
    %parallel_loop3A_65 = arith.constant 2048 : i32
    %parallel_loop3A_66 = arith.constant 1 : i32
    scf.for %parallel_loop3A_80 = %parallel_loop3A to %parallel_loop3A_65 step %parallel_loop3A_66  : i32 {
      %parallel_loop3A_81 = arith.constant 8 : i32
      %parallel_loop3A_82 = arith.divsi %parallel_loop3A_80, %parallel_loop3A_81 : i32
      %parallel_loop3A_83 = arith.constant 0 : i32
      %parallel_loop3A_84 = arith.cmpi sgt, %parallel_loop3A_80, %parallel_loop3A_83 : i32
      %parallel_loop3A_85 = arith.extui %parallel_loop3A_84 : i1 to i32
      %parallel_loop3A_86 = arith.constant 0 : i32
      %parallel_loop3A_87 = arith.cmpi slt, %parallel_loop3A_80, %parallel_loop3A_86 : i32
      %parallel_loop3A_88 = arith.extui %parallel_loop3A_87 : i1 to i32
      %parallel_loop3A_89 = arith.subi %parallel_loop3A_85, %parallel_loop3A_88 : i32
      %parallel_loop3A_90 = arith.constant 0 : i32
      %parallel_loop3A_91 = arith.cmpi sgt, %parallel_loop3A_81, %parallel_loop3A_90 : i32
      %parallel_loop3A_92 = arith.extui %parallel_loop3A_91 : i1 to i32
      %parallel_loop3A_93 = arith.constant 0 : i32
      %parallel_loop3A_94 = arith.cmpi slt, %parallel_loop3A_81, %parallel_loop3A_93 : i32
      %parallel_loop3A_95 = arith.extui %parallel_loop3A_94 : i1 to i32
      %parallel_loop3A_96 = arith.subi %parallel_loop3A_92, %parallel_loop3A_95 : i32
      %parallel_loop3A_97 = arith.cmpi ne, %parallel_loop3A_89, %parallel_loop3A_96 : i32
      %parallel_loop3A_98 = arith.remsi %parallel_loop3A_80, %parallel_loop3A_81 : i32
      %parallel_loop3A_99 = arith.constant 0 : i32
      %parallel_loop3A_100 = arith.cmpi ne, %parallel_loop3A_98, %parallel_loop3A_99 : i32
      %parallel_loop3A_101 = arith.andi %parallel_loop3A_97, %parallel_loop3A_100 : i1
      %parallel_loop3A_102 = arith.constant 1 : i32
      %parallel_loop3A_103 = arith.subi %parallel_loop3A_82, %parallel_loop3A_102 : i32
      %parallel_loop3A_104 = arith.select %parallel_loop3A_101, %parallel_loop3A_103, %parallel_loop3A_82 : i32
      %parallel_loop3A_105 = arith.constant 8 : i32
      %parallel_loop3A_106 = arith.constant 0 : i32
      %parallel_loop3A_107 = arith.cmpi eq, %parallel_loop3A_105, %parallel_loop3A_106 : i32
      %parallel_loop3A_108 = arith.constant 1 : i32
      %parallel_loop3A_109 = arith.select %parallel_loop3A_107, %parallel_loop3A_108, %parallel_loop3A_105 : i32
      %parallel_loop3A_110 = arith.remsi %parallel_loop3A_80, %parallel_loop3A_109 : i32
      %parallel_loop3A_111 = arith.constant 0 : i32
      %parallel_loop3A_112 = arith.cmpi ne, %parallel_loop3A_110, %parallel_loop3A_111 : i32
      %parallel_loop3A_113 = arith.constant 0 : i32
      %parallel_loop3A_114 = arith.cmpi slt, %parallel_loop3A_110, %parallel_loop3A_113 : i32
      %parallel_loop3A_115 = arith.constant 0 : i32
      %parallel_loop3A_116 = arith.cmpi slt, %parallel_loop3A_109, %parallel_loop3A_115 : i32
      %parallel_loop3A_117 = arith.xori %parallel_loop3A_114, %parallel_loop3A_116 : i1
      %parallel_loop3A_118 = arith.andi %parallel_loop3A_117, %parallel_loop3A_112 : i1
      %parallel_loop3A_119 = arith.addi %parallel_loop3A_110, %parallel_loop3A_109 : i32
      %parallel_loop3A_120 = arith.select %parallel_loop3A_118, %parallel_loop3A_119, %parallel_loop3A_110 : i32
      %parallel_loop3A_121 = arith.constant 16 : i32
      %parallel_loop3A_122 = arith.muli %parallel_loop3A_120, %parallel_loop3A_121 : i32
      %parallel_loop3A_123 = arith.index_cast %parallel_loop3A_104 : i32 to index
      %parallel_loop3A_124 = arith.index_cast %parallel_loop3A_122 : i32 to index
      %parallel_loop3A_125 = tpu.vector_load %arg4[%parallel_loop3A_123, %parallel_loop3A_124] {strides = array<i32>} : memref<256x128xi32, #tpu.memory_space<vmem>>, vector<16xi32>,
      tpu.vector_store %arg4[%parallel_loop3A_123, %parallel_loop3A_124], %broadcast_in_dim3A_64 {strides = array<i32>} : memref<256x128xi32, #tpu.memory_space<vmem>>, vector<16xi32>,
    } {sc.loop_unroll_factor = 8 : i64, sc.parallel_access}
    %broadcast_in_dim3A_67 = arith.constant 1 : i32
    %broadcast_in_dim3A_68 = vector.broadcast %broadcast_in_dim3A_67 : i32 to vector<16xi32>
    %broadcast_in_dim3A_69 = arith.constant 2147483647 : i32
    %broadcast_in_dim3A_70 = vector.broadcast %broadcast_in_dim3A_69 : i32 to vector<16xi32>
    %scan3A = arith.constant 0 : i32
    %scan3A_71 = arith.constant 0 : i32
    %scan3A_72 = arith.constant 8 : i32
    %scan3A_73 = arith.addi %scan3A_71, %scan3A_72 : i32
    %scan3A_74 = arith.constant 1 : i32
    scf.for %scan3A_80 = %scan3A_71 to %scan3A_73 step %scan3A_74  : i32 {
      %dma_wait3A = arith.constant 0 : i32
      %dma_wait3A_81 = tpu.memref_slice %arg2[%select_n3A, %mul3A_32, %dma_wait3A] : memref<2x4096x2048xf32, #tpu.memory_space<hbm>> -> memref<1x8x2048xf32, #tpu.memory_space<hbm>>
      %dma_wait3A_82 = tpu.memref_squeeze %dma_wait3A_81 : memref<1x8x2048xf32, #tpu.memory_space<hbm>> -> memref<8x2048xf32, #tpu.memory_space<hbm>>
      %dma_wait3A_83 = arith.constant 0 : i32
      %dma_wait3A_84 = tpu.memref_slice %arg2[%select_n3A, %mul3A_32, %dma_wait3A_83] : memref<2x4096x2048xf32, #tpu.memory_space<hbm>> -> memref<1x8x2048xf32, #tpu.memory_space<hbm>>
      %dma_wait3A_85 = tpu.memref_squeeze %dma_wait3A_84 : memref<1x8x2048xf32, #tpu.memory_space<hbm>> -> memref<8x2048xf32, #tpu.memory_space<hbm>>
      tpu.wait_dma2 semaphore(%arg9 : memref<!tpu.dma_semaphore, #tpu.memory_space<semaphore_mem>>) src(%dma_wait3A_85 : memref<8x2048xf32, #tpu.memory_space<hbm>>) dst(%arg5 : memref<8x2048xf32, #tpu.memory_space<vmem>>)
      %parallel_loop3A_86 = arith.constant 0 : i32
      %parallel_loop3A_87 = arith.constant 128 : i32
      %parallel_loop3A_88 = arith.constant 1 : i32
      scf.for %parallel_loop3A_242 = %parallel_loop3A_86 to %parallel_loop3A_87 step %parallel_loop3A_88  : i32 {
        %parallel_loop3A_243 = arith.constant 16 : i32
        %parallel_loop3A_244 = arith.muli %parallel_loop3A_242, %parallel_loop3A_243 : i32
        %parallel_loop3A_245 = arith.constant 0 : i32
        %parallel_loop3A_246 = arith.index_cast %parallel_loop3A_245 : i32 to index
        %parallel_loop3A_247 = arith.index_cast %parallel_loop3A_244 : i32 to index
        %parallel_loop3A_248 = tpu.vector_load %arg5[%parallel_loop3A_246, %parallel_loop3A_247] {strides = array<i32>} : memref<8x2048xf32, #tpu.memory_space<vmem>>, vector<16xf32>,
        %parallel_loop3A_249 = vector.bitcast %parallel_loop3A_248 : vector<16xf32> to vector<16xi32>
        %parallel_loop3A_250 = arith.andi %parallel_loop3A_249, %broadcast_in_dim3A_70 : vector<16xi32>
        %parallel_loop3A_251 = arith.constant 16 : i32
        %parallel_loop3A_252 = vector.broadcast %parallel_loop3A_251 : i32 to vector<16xi32>
        %parallel_loop3A_253 = arith.shrui %parallel_loop3A_250, %parallel_loop3A_252 : vector<16xi32>
        %parallel_loop3A_254 = arith.constant 7 : i32
        %parallel_loop3A_255 = vector.broadcast %parallel_loop3A_254 : i32 to vector<16xi32>
        %parallel_loop3A_256 = arith.shrui %parallel_loop3A_253, %parallel_loop3A_255 : vector<16xi32>
        %parallel_loop3A_257 = arith.constant 127 : i32
        %parallel_loop3A_258 = vector.broadcast %parallel_loop3A_257 : i32 to vector<16xi32>
        %parallel_loop3A_259 = arith.andi %parallel_loop3A_253, %parallel_loop3A_258 : vector<16xi32>
        tpu.vector_store_idx %arg4[%parallel_loop3A_256, %parallel_loop3A_259], %broadcast_in_dim3A_68 {add = true} : memref<256x128xi32, #tpu.memory_space<vmem>>[vector<16xi32>, vector<16xi32>], vector<16xi32>,
      } {sc.loop_unroll_factor = 16 : i64, sc.parallel_access}
      %parallel_loop3A_89 = arith.constant 0 : i32
      %parallel_loop3A_90 = arith.constant 128 : i32
      %parallel_loop3A_91 = arith.constant 1 : i32
      scf.for %parallel_loop3A_242 = %parallel_loop3A_89 to %parallel_loop3A_90 step %parallel_loop3A_91  : i32 {
        %parallel_loop3A_243 = arith.constant 16 : i32
        %parallel_loop3A_244 = arith.muli %parallel_loop3A_242, %parallel_loop3A_243 : i32
        %parallel_loop3A_245 = arith.constant 1 : i32
        %parallel_loop3A_246 = arith.index_cast %parallel_loop3A_245 : i32 to index
        %parallel_loop3A_247 = arith.index_cast %parallel_loop3A_244 : i32 to index
        %parallel_loop3A_248 = tpu.vector_load %arg5[%parallel_loop3A_246, %parallel_loop3A_247] {strides = array<i32>} : memref<8x2048xf32, #tpu.memory_space<vmem>>, vector<16xf32>,
        %parallel_loop3A_249 = vector.bitcast %parallel_loop3A_248 : vector<16xf32> to vector<16xi32>
        %parallel_loop3A_250 = arith.andi %parallel_loop3A_249, %broadcast_in_dim3A_70 : vector<16xi32>
        %parallel_loop3A_251 = arith.constant 16 : i32
        %parallel_loop3A_252 = vector.broadcast %parallel_loop3A_251 : i32 to vector<16xi32>
        %parallel_loop3A_253 = arith.shrui %parallel_loop3A_250, %parallel_loop3A_252 : vector<16xi32>
        %parallel_loop3A_254 = arith.constant 7 : i32
        %parallel_loop3A_255 = vector.broadcast %parallel_loop3A_254 : i32 to vector<16xi32>
        %parallel_loop3A_256 = arith.shrui %parallel_loop3A_253, %parallel_loop3A_255 : vector<16xi32>
        %parallel_loop3A_257 = arith.constant 127 : i32
        %parallel_loop3A_258 = vector.broadcast %parallel_loop3A_257 : i32 to vector<16xi32>
        %parallel_loop3A_259 = arith.andi %parallel_loop3A_253, %parallel_loop3A_258 : vector<16xi32>
        tpu.vector_store_idx %arg4[%parallel_loop3A_256, %parallel_loop3A_259], %broadcast_in_dim3A_68 {add = true} : memref<256x128xi32, #tpu.memory_space<vmem>>[vector<16xi32>, vector<16xi32>], vector<16xi32>,
      } {sc.loop_unroll_factor = 16 : i64, sc.parallel_access}
      %parallel_loop3A_92 = arith.constant 0 : i32
      %parallel_loop3A_93 = arith.constant 128 : i32
      %parallel_loop3A_94 = arith.constant 1 : i32
      scf.for %parallel_loop3A_242 = %parallel_loop3A_92 to %parallel_loop3A_93 step %parallel_loop3A_94  : i32 {
        %parallel_loop3A_243 = arith.constant 16 : i32
        %parallel_loop3A_244 = arith.muli %parallel_loop3A_242, %parallel_loop3A_243 : i32
        %parallel_loop3A_245 = arith.constant 2 : i32
        %parallel_loop3A_246 = arith.index_cast %parallel_loop3A_245 : i32 to index
        %parallel_loop3A_247 = arith.index_cast %parallel_loop3A_244 : i32 to index
        %parallel_loop3A_248 = tpu.vector_load %arg5[%parallel_loop3A_246, %parallel_loop3A_247] {strides = array<i32>} : memref<8x2048xf32, #tpu.memory_space<vmem>>, vector<16xf32>,
        %parallel_loop3A_249 = vector.bitcast %parallel_loop3A_248 : vector<16xf32> to vector<16xi32>
        %parallel_loop3A_250 = arith.andi %parallel_loop3A_249, %broadcast_in_dim3A_70 : vector<16xi32>
        %parallel_loop3A_251 = arith.constant 16 : i32
        %parallel_loop3A_252 = vector.broadcast %parallel_loop3A_251 : i32 to vector<16xi32>
        %parallel_loop3A_253 = arith.shrui %parallel_loop3A_250, %parallel_loop3A_252 : vector<16xi32>
        %parallel_loop3A_254 = arith.constant 7 : i32
        %parallel_loop3A_255 = vector.broadcast %parallel_loop3A_254 : i32 to vector<16xi32>
        %parallel_loop3A_256 = arith.shrui %parallel_loop3A_253, %parallel_loop3A_255 : vector<16xi32>
        %parallel_loop3A_257 = arith.constant 127 : i32
        %parallel_loop3A_258 = vector.broadcast %parallel_loop3A_257 : i32 to vector<16xi32>
        %parallel_loop3A_259 = arith.andi %parallel_loop3A_253, %parallel_loop3A_258 : vector<16xi32>
        tpu.vector_store_idx %arg4[%parallel_loop3A_256, %parallel_loop3A_259], %broadcast_in_dim3A_68 {add = true} : memref<256x128xi32, #tpu.memory_space<vmem>>[vector<16xi32>, vector<16xi32>], vector<16xi32>,
      } {sc.loop_unroll_factor = 16 : i64, sc.parallel_access}
      %parallel_loop3A_95 = arith.constant 0 : i32
      %parallel_loop3A_96 = arith.constant 128 : i32
      %parallel_loop3A_97 = arith.constant 1 : i32
      scf.for %parallel_loop3A_242 = %parallel_loop3A_95 to %parallel_loop3A_96 step %parallel_loop3A_97  : i32 {
        %parallel_loop3A_243 = arith.constant 16 : i32
        %parallel_loop3A_244 = arith.muli %parallel_loop3A_242, %parallel_loop3A_243 : i32
        %parallel_loop3A_245 = arith.constant 3 : i32
        %parallel_loop3A_246 = arith.index_cast %parallel_loop3A_245 : i32 to index
        %parallel_loop3A_247 = arith.index_cast %parallel_loop3A_244 : i32 to index
        %parallel_loop3A_248 = tpu.vector_load %arg5[%parallel_loop3A_246, %parallel_loop3A_247] {strides = array<i32>} : memref<8x2048xf32, #tpu.memory_space<vmem>>, vector<16xf32>,
        %parallel_loop3A_249 = vector.bitcast %parallel_loop3A_248 : vector<16xf32> to vector<16xi32>
        %parallel_loop3A_250 = arith.andi %parallel_loop3A_249, %broadcast_in_dim3A_70 : vector<16xi32>
        %parallel_loop3A_251 = arith.constant 16 : i32
        %parallel_loop3A_252 = vector.broadcast %parallel_loop3A_251 : i32 to vector<16xi32>
        %parallel_loop3A_253 = arith.shrui %parallel_loop3A_250, %parallel_loop3A_252 : vector<16xi32>
        %parallel_loop3A_254 = arith.constant 7 : i32
        %parallel_loop3A_255 = vector.broadcast %parallel_loop3A_254 : i32 to vector<16xi32>
        %parallel_loop3A_256 = arith.shrui %parallel_loop3A_253, %parallel_loop3A_255 : vector<16xi32>
        %parallel_loop3A_257 = arith.constant 127 : i32
        %parallel_loop3A_258 = vector.broadcast %parallel_loop3A_257 : i32 to vector<16xi32>
        %parallel_loop3A_259 = arith.andi %parallel_loop3A_253, %parallel_loop3A_258 : vector<16xi32>
        tpu.vector_store_idx %arg4[%parallel_loop3A_256, %parallel_loop3A_259], %broadcast_in_dim3A_68 {add = true} : memref<256x128xi32, #tpu.memory_space<vmem>>[vector<16xi32>, vector<16xi32>], vector<16xi32>,
      } {sc.loop_unroll_factor = 16 : i64, sc.parallel_access}
      %parallel_loop3A_98 = arith.constant 0 : i32
      %parallel_loop3A_99 = arith.constant 128 : i32
      %parallel_loop3A_100 = arith.constant 1 : i32
      scf.for %parallel_loop3A_242 = %parallel_loop3A_98 to %parallel_loop3A_99 step %parallel_loop3A_100  : i32 {
        %parallel_loop3A_243 = arith.constant 16 : i32
        %parallel_loop3A_244 = arith.muli %parallel_loop3A_242, %parallel_loop3A_243 : i32
        %parallel_loop3A_245 = arith.constant 4 : i32
        %parallel_loop3A_246 = arith.index_cast %parallel_loop3A_245 : i32 to index
        %parallel_loop3A_247 = arith.index_cast %parallel_loop3A_244 : i32 to index
        %parallel_loop3A_248 = tpu.vector_load %arg5[%parallel_loop3A_246, %parallel_loop3A_247] {strides = array<i32>} : memref<8x2048xf32, #tpu.memory_space<vmem>>, vector<16xf32>,
        %parallel_loop3A_249 = vector.bitcast %parallel_loop3A_248 : vector<16xf32> to vector<16xi32>
        %parallel_loop3A_250 = arith.andi %parallel_loop3A_249, %broadcast_in_dim3A_70 : vector<16xi32>
        %parallel_loop3A_251 = arith.constant 16 : i32
        %parallel_loop3A_252 = vector.broadcast %parallel_loop3A_251 : i32 to vector<16xi32>
        %parallel_loop3A_253 = arith.shrui %parallel_loop3A_250, %parallel_loop3A_252 : vector<16xi32>
        %parallel_loop3A_254 = arith.constant 7 : i32
        %parallel_loop3A_255 = vector.broadcast %parallel_loop3A_254 : i32 to vector<16xi32>
        %parallel_loop3A_256 = arith.shrui %parallel_loop3A_253, %parallel_loop3A_255 : vector<16xi32>
        %parallel_loop3A_257 = arith.constant 127 : i32
        %parallel_loop3A_258 = vector.broadcast %parallel_loop3A_257 : i32 to vector<16xi32>
        %parallel_loop3A_259 = arith.andi %parallel_loop3A_253, %parallel_loop3A_258 : vector<16xi32>
        tpu.vector_store_idx %arg4[%parallel_loop3A_256, %parallel_loop3A_259], %broadcast_in_dim3A_68 {add = true} : memref<256x128xi32, #tpu.memory_space<vmem>>[vector<16xi32>, vector<16xi32>], vector<16xi32>,
      } {sc.loop_unroll_factor = 16 : i64, sc.parallel_access}
      %parallel_loop3A_101 = arith.constant 0 : i32
      %parallel_loop3A_102 = arith.constant 128 : i32
      %parallel_loop3A_103 = arith.constant 1 : i32
      scf.for %parallel_loop3A_242 = %parallel_loop3A_101 to %parallel_loop3A_102 step %parallel_loop3A_103  : i32 {
        %parallel_loop3A_243 = arith.constant 16 : i32
        %parallel_loop3A_244 = arith.muli %parallel_loop3A_242, %parallel_loop3A_243 : i32
        %parallel_loop3A_245 = arith.constant 5 : i32
        %parallel_loop3A_246 = arith.index_cast %parallel_loop3A_245 : i32 to index
        %parallel_loop3A_247 = arith.index_cast %parallel_loop3A_244 : i32 to index
        %parallel_loop3A_248 = tpu.vector_load %arg5[%parallel_loop3A_246, %parallel_loop3A_247] {strides = array<i32>} : memref<8x2048xf32, #tpu.memory_space<vmem>>, vector<16xf32>,
        %parallel_loop3A_249 = vector.bitcast %parallel_loop3A_248 : vector<16xf32> to vector<16xi32>
        %parallel_loop3A_250 = arith.andi %parallel_loop3A_249, %broadcast_in_dim3A_70 : vector<16xi32>
        %parallel_loop3A_251 = arith.constant 16 : i32
        %parallel_loop3A_252 = vector.broadcast %parallel_loop3A_251 : i32 to vector<16xi32>
        %parallel_loop3A_253 = arith.shrui %parallel_loop3A_250, %parallel_loop3A_252 : vector<16xi32>
        %parallel_loop3A_254 = arith.constant 7 : i32
        %parallel_loop3A_255 = vector.broadcast %parallel_loop3A_254 : i32 to vector<16xi32>
        %parallel_loop3A_256 = arith.shrui %parallel_loop3A_253, %parallel_loop3A_255 : vector<16xi32>
        %parallel_loop3A_257 = arith.constant 127 : i32
        %parallel_loop3A_258 = vector.broadcast %parallel_loop3A_257 : i32 to vector<16xi32>
        %parallel_loop3A_259 = arith.andi %parallel_loop3A_253, %parallel_loop3A_258 : vector<16xi32>
        tpu.vector_store_idx %arg4[%parallel_loop3A_256, %parallel_loop3A_259], %broadcast_in_dim3A_68 {add = true} : memref<256x128xi32, #tpu.memory_space<vmem>>[vector<16xi32>, vector<16xi32>], vector<16xi32>,
      } {sc.loop_unroll_factor = 16 : i64, sc.parallel_access}
      %parallel_loop3A_104 = arith.constant 0 : i32
      %parallel_loop3A_105 = arith.constant 128 : i32
      %parallel_loop3A_106 = arith.constant 1 : i32
      scf.for %parallel_loop3A_242 = %parallel_loop3A_104 to %parallel_loop3A_105 step %parallel_loop3A_106  : i32 {
        %parallel_loop3A_243 = arith.constant 16 : i32
        %parallel_loop3A_244 = arith.muli %parallel_loop3A_242, %parallel_loop3A_243 : i32
        %parallel_loop3A_245 = arith.constant 6 : i32
        %parallel_loop3A_246 = arith.index_cast %parallel_loop3A_245 : i32 to index
        %parallel_loop3A_247 = arith.index_cast %parallel_loop3A_244 : i32 to index
        %parallel_loop3A_248 = tpu.vector_load %arg5[%parallel_loop3A_246, %parallel_loop3A_247] {strides = array<i32>} : memref<8x2048xf32, #tpu.memory_space<vmem>>, vector<16xf32>,
        %parallel_loop3A_249 = vector.bitcast %parallel_loop3A_248 : vector<16xf32> to vector<16xi32>
        %parallel_loop3A_250 = arith.andi %parallel_loop3A_249, %broadcast_in_dim3A_70 : vector<16xi32>
        %parallel_loop3A_251 = arith.constant 16 : i32
        %parallel_loop3A_252 = vector.broadcast %parallel_loop3A_251 : i32 to vector<16xi32>
        %parallel_loop3A_253 = arith.shrui %parallel_loop3A_250, %parallel_loop3A_252 : vector<16xi32>
        %parallel_loop3A_254 = arith.constant 7 : i32
        %parallel_loop3A_255 = vector.broadcast %parallel_loop3A_254 : i32 to vector<16xi32>
        %parallel_loop3A_256 = arith.shrui %parallel_loop3A_253, %parallel_loop3A_255 : vector<16xi32>
        %parallel_loop3A_257 = arith.constant 127 : i32
        %parallel_loop3A_258 = vector.broadcast %parallel_loop3A_257 : i32 to vector<16xi32>
        %parallel_loop3A_259 = arith.andi %parallel_loop3A_253, %parallel_loop3A_258 : vector<16xi32>
        tpu.vector_store_idx %arg4[%parallel_loop3A_256, %parallel_loop3A_259], %broadcast_in_dim3A_68 {add = true} : memref<256x128xi32, #tpu.memory_space<vmem>>[vector<16xi32>, vector<16xi32>], vector<16xi32>,
      } {sc.loop_unroll_factor = 16 : i64, sc.parallel_access}
      %parallel_loop3A_107 = arith.constant 0 : i32
      %parallel_loop3A_108 = arith.constant 128 : i32
      %parallel_loop3A_109 = arith.constant 1 : i32
      scf.for %parallel_loop3A_242 = %parallel_loop3A_107 to %parallel_loop3A_108 step %parallel_loop3A_109  : i32 {
        %parallel_loop3A_243 = arith.constant 16 : i32
        %parallel_loop3A_244 = arith.muli %parallel_loop3A_242, %parallel_loop3A_243 : i32
        %parallel_loop3A_245 = arith.constant 7 : i32
        %parallel_loop3A_246 = arith.index_cast %parallel_loop3A_245 : i32 to index
        %parallel_loop3A_247 = arith.index_cast %parallel_loop3A_244 : i32 to index
        %parallel_loop3A_248 = tpu.vector_load %arg5[%parallel_loop3A_246, %parallel_loop3A_247] {strides = array<i32>} : memref<8x2048xf32, #tpu.memory_space<vmem>>, vector<16xf32>,
        %parallel_loop3A_249 = vector.bitcast %parallel_loop3A_248 : vector<16xf32> to vector<16xi32>
        %parallel_loop3A_250 = arith.andi %parallel_loop3A_249, %broadcast_in_dim3A_70 : vector<16xi32>
        %parallel_loop3A_251 = arith.constant 16 : i32
        %parallel_loop3A_252 = vector.broadcast %parallel_loop3A_251 : i32 to vector<16xi32>
        %parallel_loop3A_253 = arith.shrui %parallel_loop3A_250, %parallel_loop3A_252 : vector<16xi32>
        %parallel_loop3A_254 = arith.constant 7 : i32
        %parallel_loop3A_255 = vector.broadcast %parallel_loop3A_254 : i32 to vector<16xi32>
        %parallel_loop3A_256 = arith.shrui %parallel_loop3A_253, %parallel_loop3A_255 : vector<16xi32>
        %parallel_loop3A_257 = arith.constant 127 : i32
        %parallel_loop3A_258 = vector.broadcast %parallel_loop3A_257 : i32 to vector<16xi32>
        %parallel_loop3A_259 = arith.andi %parallel_loop3A_253, %parallel_loop3A_258 : vector<16xi32>
        tpu.vector_store_idx %arg4[%parallel_loop3A_256, %parallel_loop3A_259], %broadcast_in_dim3A_68 {add = true} : memref<256x128xi32, #tpu.memory_space<vmem>>[vector<16xi32>, vector<16xi32>], vector<16xi32>,
      } {sc.loop_unroll_factor = 16 : i64, sc.parallel_access}
      %mul3A_110 = arith.constant 4 : i32
      %mul3A_111 = arith.muli %scan3A_80, %mul3A_110 : i32
      %add3A_112 = arith.constant 0 : i32
      %add3A_113 = arith.addi %mul3A_111, %add3A_112 : i32
      %add3A_114 = arith.constant 4 : i32
      %add3A_115 = arith.addi %add3A_113, %add3A_114 : i32
      %lt3A_116 = arith.constant 32 : i32
      %lt3A_117 = arith.cmpi slt, %add3A_115, %lt3A_116 : i32
      %convert_element_type3A = arith.extui %lt3A_117 : i1 to i32
      %cond3A = arith.constant 0 : i32
      %cond3A_118 = arith.cmpi ne, %convert_element_type3A, %cond3A : i32
      scf.if %cond3A_118 {
        %mul3A_242 = arith.constant 4 : i32
        %mul3A_243 = arith.muli %scan3A_80, %mul3A_242 : i32
        %add3A_244 = arith.constant 0 : i32
        %add3A_245 = arith.addi %mul3A_243, %add3A_244 : i32
        %add3A_246 = arith.constant 4 : i32
        %add3A_247 = arith.addi %add3A_245, %add3A_246 : i32
        %mul3A_248 = arith.constant 8 : i32
        %mul3A_249 = arith.muli %add3A_247, %mul3A_248 : i32
        %add3A_250 = arith.addi %mul3A_32, %mul3A_249 : i32
        %dma_start3A_251 = arith.constant 0 : i32
        %dma_start3A_252 = tpu.memref_slice %arg2[%select_n3A, %add3A_250, %dma_start3A_251] : memref<2x4096x2048xf32, #tpu.memory_space<hbm>> -> memref<1x8x2048xf32, #tpu.memory_space<hbm>>
        %dma_start3A_253 = tpu.memref_squeeze %dma_start3A_252 : memref<1x8x2048xf32, #tpu.memory_space<hbm>> -> memref<8x2048xf32, #tpu.memory_space<hbm>>
        %dma_start3A_254 = arith.constant 0 : i32
        %dma_start3A_255 = tpu.memref_slice %arg2[%select_n3A, %add3A_250, %dma_start3A_254] : memref<2x4096x2048xf32, #tpu.memory_space<hbm>> -> memref<1x8x2048xf32, #tpu.memory_space<hbm>>
        %dma_start3A_256 = tpu.memref_squeeze %dma_start3A_255 : memref<1x8x2048xf32, #tpu.memory_space<hbm>> -> memref<8x2048xf32, #tpu.memory_space<hbm>>
        tpu.enqueue_dma source(%dma_start3A_256 : memref<8x2048xf32, #tpu.memory_space<hbm>>) target(%arg5 : memref<8x2048xf32, #tpu.memory_space<vmem>>) target_semaphore(%arg9 : memref<!tpu.dma_semaphore, #tpu.memory_space<semaphore_mem>>)
      } else {
      }
      %dma_wait3A_119 = arith.constant 0 : i32
      %dma_wait3A_120 = tpu.memref_slice %arg2[%select_n3A, %mul3A_32, %dma_wait3A_119] : memref<2x4096x2048xf32, #tpu.memory_space<hbm>> -> memref<1x8x2048xf32, #tpu.memory_space<hbm>>
      %dma_wait3A_121 = tpu.memref_squeeze %dma_wait3A_120 : memref<1x8x2048xf32, #tpu.memory_space<hbm>> -> memref<8x2048xf32, #tpu.memory_space<hbm>>
      %dma_wait3A_122 = arith.constant 0 : i32
      %dma_wait3A_123 = tpu.memref_slice %arg2[%select_n3A, %mul3A_32, %dma_wait3A_122] : memref<2x4096x2048xf32, #tpu.memory_space<hbm>> -> memref<1x8x2048xf32, #tpu.memory_space<hbm>>
      %dma_wait3A_124 = tpu.memref_squeeze %dma_wait3A_123 : memref<1x8x2048xf32, #tpu.memory_space<hbm>> -> memref<8x2048xf32, #tpu.memory_space<hbm>>
      tpu.wait_dma2 semaphore(%arg10 : memref<!tpu.dma_semaphore, #tpu.memory_space<semaphore_mem>>) src(%dma_wait3A_124 : memref<8x2048xf32, #tpu.memory_space<hbm>>) dst(%arg6 : memref<8x2048xf32, #tpu.memory_space<vmem>>)
      %parallel_loop3A_125 = arith.constant 0 : i32
      %parallel_loop3A_126 = arith.constant 128 : i32
      %parallel_loop3A_127 = arith.constant 1 : i32
      scf.for %parallel_loop3A_242 = %parallel_loop3A_125 to %parallel_loop3A_126 step %parallel_loop3A_127  : i32 {
        %parallel_loop3A_243 = arith.constant 16 : i32
        %parallel_loop3A_244 = arith.muli %parallel_loop3A_242, %parallel_loop3A_243 : i32
        %parallel_loop3A_245 = arith.constant 0 : i32
        %parallel_loop3A_246 = arith.index_cast %parallel_loop3A_245 : i32 to index
        %parallel_loop3A_247 = arith.index_cast %parallel_loop3A_244 : i32 to index
        %parallel_loop3A_248 = tpu.vector_load %arg6[%parallel_loop3A_246, %parallel_loop3A_247] {strides = array<i32>} : memref<8x2048xf32, #tpu.memory_space<vmem>>, vector<16xf32>,
        %parallel_loop3A_249 = vector.bitcast %parallel_loop3A_248 : vector<16xf32> to vector<16xi32>
        %parallel_loop3A_250 = arith.andi %parallel_loop3A_249, %broadcast_in_dim3A_70 : vector<16xi32>
        %parallel_loop3A_251 = arith.constant 16 : i32
        %parallel_loop3A_252 = vector.broadcast %parallel_loop3A_251 : i32 to vector<16xi32>
        %parallel_loop3A_253 = arith.shrui %parallel_loop3A_250, %parallel_loop3A_252 : vector<16xi32>
        %parallel_loop3A_254 = arith.constant 7 : i32
        %parallel_loop3A_255 = vector.broadcast %parallel_loop3A_254 : i32 to vector<16xi32>
        %parallel_loop3A_256 = arith.shrui %parallel_loop3A_253, %parallel_loop3A_255 : vector<16xi32>
        %parallel_loop3A_257 = arith.constant 127 : i32
        %parallel_loop3A_258 = vector.broadcast %parallel_loop3A_257 : i32 to vector<16xi32>
        %parallel_loop3A_259 = arith.andi %parallel_loop3A_253, %parallel_loop3A_258 : vector<16xi32>
        tpu.vector_store_idx %arg4[%parallel_loop3A_256, %parallel_loop3A_259], %broadcast_in_dim3A_68 {add = true} : memref<256x128xi32, #tpu.memory_space<vmem>>[vector<16xi32>, vector<16xi32>], vector<16xi32>,
      } {sc.loop_unroll_factor = 16 : i64, sc.parallel_access}
      %parallel_loop3A_128 = arith.constant 0 : i32
      %parallel_loop3A_129 = arith.constant 128 : i32
      %parallel_loop3A_130 = arith.constant 1 : i32
      scf.for %parallel_loop3A_242 = %parallel_loop3A_128 to %parallel_loop3A_129 step %parallel_loop3A_130  : i32 {
        %parallel_loop3A_243 = arith.constant 16 : i32
        %parallel_loop3A_244 = arith.muli %parallel_loop3A_242, %parallel_loop3A_243 : i32
        %parallel_loop3A_245 = arith.constant 1 : i32
        %parallel_loop3A_246 = arith.index_cast %parallel_loop3A_245 : i32 to index
        %parallel_loop3A_247 = arith.index_cast %parallel_loop3A_244 : i32 to index
        %parallel_loop3A_248 = tpu.vector_load %arg6[%parallel_loop3A_246, %parallel_loop3A_247] {strides = array<i32>} : memref<8x2048xf32, #tpu.memory_space<vmem>>, vector<16xf32>,
        %parallel_loop3A_249 = vector.bitcast %parallel_loop3A_248 : vector<16xf32> to vector<16xi32>
        %parallel_loop3A_250 = arith.andi %parallel_loop3A_249, %broadcast_in_dim3A_70 : vector<16xi32>
        %parallel_loop3A_251 = arith.constant 16 : i32
        %parallel_loop3A_252 = vector.broadcast %parallel_loop3A_251 : i32 to vector<16xi32>
        %parallel_loop3A_253 = arith.shrui %parallel_loop3A_250, %parallel_loop3A_252 : vector<16xi32>
        %parallel_loop3A_254 = arith.constant 7 : i32
        %parallel_loop3A_255 = vector.broadcast %parallel_loop3A_254 : i32 to vector<16xi32>
        %parallel_loop3A_256 = arith.shrui %parallel_loop3A_253, %parallel_loop3A_255 : vector<16xi32>
        %parallel_loop3A_257 = arith.constant 127 : i32
        %parallel_loop3A_258 = vector.broadcast %parallel_loop3A_257 : i32 to vector<16xi32>
        %parallel_loop3A_259 = arith.andi %parallel_loop3A_253, %parallel_loop3A_258 : vector<16xi32>
        tpu.vector_store_idx %arg4[%parallel_loop3A_256, %parallel_loop3A_259], %broadcast_in_dim3A_68 {add = true} : memref<256x128xi32, #tpu.memory_space<vmem>>[vector<16xi32>, vector<16xi32>], vector<16xi32>,
      } {sc.loop_unroll_factor = 16 : i64, sc.parallel_access}
      %parallel_loop3A_131 = arith.constant 0 : i32
      %parallel_loop3A_132 = arith.constant 128 : i32
      %parallel_loop3A_133 = arith.constant 1 : i32
      scf.for %parallel_loop3A_242 = %parallel_loop3A_131 to %parallel_loop3A_132 step %parallel_loop3A_133  : i32 {
        %parallel_loop3A_243 = arith.constant 16 : i32
        %parallel_loop3A_244 = arith.muli %parallel_loop3A_242, %parallel_loop3A_243 : i32
        %parallel_loop3A_245 = arith.constant 2 : i32
        %parallel_loop3A_246 = arith.index_cast %parallel_loop3A_245 : i32 to index
        %parallel_loop3A_247 = arith.index_cast %parallel_loop3A_244 : i32 to index
        %parallel_loop3A_248 = tpu.vector_load %arg6[%parallel_loop3A_246, %parallel_loop3A_247] {strides = array<i32>} : memref<8x2048xf32, #tpu.memory_space<vmem>>, vector<16xf32>,
        %parallel_loop3A_249 = vector.bitcast %parallel_loop3A_248 : vector<16xf32> to vector<16xi32>
        %parallel_loop3A_250 = arith.andi %parallel_loop3A_249, %broadcast_in_dim3A_70 : vector<16xi32>
        %parallel_loop3A_251 = arith.constant 16 : i32
        %parallel_loop3A_252 = vector.broadcast %parallel_loop3A_251 : i32 to vector<16xi32>
        %parallel_loop3A_253 = arith.shrui %parallel_loop3A_250, %parallel_loop3A_252 : vector<16xi32>
        %parallel_loop3A_254 = arith.constant 7 : i32
        %parallel_loop3A_255 = vector.broadcast %parallel_loop3A_254 : i32 to vector<16xi32>
        %parallel_loop3A_256 = arith.shrui %parallel_loop3A_253, %parallel_loop3A_255 : vector<16xi32>
        %parallel_loop3A_257 = arith.constant 127 : i32
        %parallel_loop3A_258 = vector.broadcast %parallel_loop3A_257 : i32 to vector<16xi32>
        %parallel_loop3A_259 = arith.andi %parallel_loop3A_253, %parallel_loop3A_258 : vector<16xi32>
        tpu.vector_store_idx %arg4[%parallel_loop3A_256, %parallel_loop3A_259], %broadcast_in_dim3A_68 {add = true} : memref<256x128xi32, #tpu.memory_space<vmem>>[vector<16xi32>, vector<16xi32>], vector<16xi32>,
      } {sc.loop_unroll_factor = 16 : i64, sc.parallel_access}
      %parallel_loop3A_134 = arith.constant 0 : i32
      %parallel_loop3A_135 = arith.constant 128 : i32
      %parallel_loop3A_136 = arith.constant 1 : i32
      scf.for %parallel_loop3A_242 = %parallel_loop3A_134 to %parallel_loop3A_135 step %parallel_loop3A_136  : i32 {
        %parallel_loop3A_243 = arith.constant 16 : i32
        %parallel_loop3A_244 = arith.muli %parallel_loop3A_242, %parallel_loop3A_243 : i32
        %parallel_loop3A_245 = arith.constant 3 : i32
        %parallel_loop3A_246 = arith.index_cast %parallel_loop3A_245 : i32 to index
        %parallel_loop3A_247 = arith.index_cast %parallel_loop3A_244 : i32 to index
        %parallel_loop3A_248 = tpu.vector_load %arg6[%parallel_loop3A_246, %parallel_loop3A_247] {strides = array<i32>} : memref<8x2048xf32, #tpu.memory_space<vmem>>, vector<16xf32>,
        %parallel_loop3A_249 = vector.bitcast %parallel_loop3A_248 : vector<16xf32> to vector<16xi32>
        %parallel_loop3A_250 = arith.andi %parallel_loop3A_249, %broadcast_in_dim3A_70 : vector<16xi32>
        %parallel_loop3A_251 = arith.constant 16 : i32
        %parallel_loop3A_252 = vector.broadcast %parallel_loop3A_251 : i32 to vector<16xi32>
        %parallel_loop3A_253 = arith.shrui %parallel_loop3A_250, %parallel_loop3A_252 : vector<16xi32>
        %parallel_loop3A_254 = arith.constant 7 : i32
        %parallel_loop3A_255 = vector.broadcast %parallel_loop3A_254 : i32 to vector<16xi32>
        %parallel_loop3A_256 = arith.shrui %parallel_loop3A_253, %parallel_loop3A_255 : vector<16xi32>
        %parallel_loop3A_257 = arith.constant 127 : i32
        %parallel_loop3A_258 = vector.broadcast %parallel_loop3A_257 : i32 to vector<16xi32>
        %parallel_loop3A_259 = arith.andi %parallel_loop3A_253, %parallel_loop3A_258 : vector<16xi32>
        tpu.vector_store_idx %arg4[%parallel_loop3A_256, %parallel_loop3A_259], %broadcast_in_dim3A_68 {add = true} : memref<256x128xi32, #tpu.memory_space<vmem>>[vector<16xi32>, vector<16xi32>], vector<16xi32>,
      } {sc.loop_unroll_factor = 16 : i64, sc.parallel_access}
      %parallel_loop3A_137 = arith.constant 0 : i32
      %parallel_loop3A_138 = arith.constant 128 : i32
      %parallel_loop3A_139 = arith.constant 1 : i32
      scf.for %parallel_loop3A_242 = %parallel_loop3A_137 to %parallel_loop3A_138 step %parallel_loop3A_139  : i32 {
        %parallel_loop3A_243 = arith.constant 16 : i32
        %parallel_loop3A_244 = arith.muli %parallel_loop3A_242, %parallel_loop3A_243 : i32
        %parallel_loop3A_245 = arith.constant 4 : i32
        %parallel_loop3A_246 = arith.index_cast %parallel_loop3A_245 : i32 to index
        %parallel_loop3A_247 = arith.index_cast %parallel_loop3A_244 : i32 to index
        %parallel_loop3A_248 = tpu.vector_load %arg6[%parallel_loop3A_246, %parallel_loop3A_247] {strides = array<i32>} : memref<8x2048xf32, #tpu.memory_space<vmem>>, vector<16xf32>,
        %parallel_loop3A_249 = vector.bitcast %parallel_loop3A_248 : vector<16xf32> to vector<16xi32>
        %parallel_loop3A_250 = arith.andi %parallel_loop3A_249, %broadcast_in_dim3A_70 : vector<16xi32>
        %parallel_loop3A_251 = arith.constant 16 : i32
        %parallel_loop3A_252 = vector.broadcast %parallel_loop3A_251 : i32 to vector<16xi32>
        %parallel_loop3A_253 = arith.shrui %parallel_loop3A_250, %parallel_loop3A_252 : vector<16xi32>
        %parallel_loop3A_254 = arith.constant 7 : i32
        %parallel_loop3A_255 = vector.broadcast %parallel_loop3A_254 : i32 to vector<16xi32>
        %parallel_loop3A_256 = arith.shrui %parallel_loop3A_253, %parallel_loop3A_255 : vector<16xi32>
        %parallel_loop3A_257 = arith.constant 127 : i32
        %parallel_loop3A_258 = vector.broadcast %parallel_loop3A_257 : i32 to vector<16xi32>
        %parallel_loop3A_259 = arith.andi %parallel_loop3A_253, %parallel_loop3A_258 : vector<16xi32>
        tpu.vector_store_idx %arg4[%parallel_loop3A_256, %parallel_loop3A_259], %broadcast_in_dim3A_68 {add = true} : memref<256x128xi32, #tpu.memory_space<vmem>>[vector<16xi32>, vector<16xi32>], vector<16xi32>,
      } {sc.loop_unroll_factor = 16 : i64, sc.parallel_access}
      %parallel_loop3A_140 = arith.constant 0 : i32
      %parallel_loop3A_141 = arith.constant 128 : i32
      %parallel_loop3A_142 = arith.constant 1 : i32
      scf.for %parallel_loop3A_242 = %parallel_loop3A_140 to %parallel_loop3A_141 step %parallel_loop3A_142  : i32 {
        %parallel_loop3A_243 = arith.constant 16 : i32
        %parallel_loop3A_244 = arith.muli %parallel_loop3A_242, %parallel_loop3A_243 : i32
        %parallel_loop3A_245 = arith.constant 5 : i32
        %parallel_loop3A_246 = arith.index_cast %parallel_loop3A_245 : i32 to index
        %parallel_loop3A_247 = arith.index_cast %parallel_loop3A_244 : i32 to index
        %parallel_loop3A_248 = tpu.vector_load %arg6[%parallel_loop3A_246, %parallel_loop3A_247] {strides = array<i32>} : memref<8x2048xf32, #tpu.memory_space<vmem>>, vector<16xf32>,
        %parallel_loop3A_249 = vector.bitcast %parallel_loop3A_248 : vector<16xf32> to vector<16xi32>
        %parallel_loop3A_250 = arith.andi %parallel_loop3A_249, %broadcast_in_dim3A_70 : vector<16xi32>
        %parallel_loop3A_251 = arith.constant 16 : i32
        %parallel_loop3A_252 = vector.broadcast %parallel_loop3A_251 : i32 to vector<16xi32>
        %parallel_loop3A_253 = arith.shrui %parallel_loop3A_250, %parallel_loop3A_252 : vector<16xi32>
        %parallel_loop3A_254 = arith.constant 7 : i32
        %parallel_loop3A_255 = vector.broadcast %parallel_loop3A_254 : i32 to vector<16xi32>
        %parallel_loop3A_256 = arith.shrui %parallel_loop3A_253, %parallel_loop3A_255 : vector<16xi32>
        %parallel_loop3A_257 = arith.constant 127 : i32
        %parallel_loop3A_258 = vector.broadcast %parallel_loop3A_257 : i32 to vector<16xi32>
        %parallel_loop3A_259 = arith.andi %parallel_loop3A_253, %parallel_loop3A_258 : vector<16xi32>
        tpu.vector_store_idx %arg4[%parallel_loop3A_256, %parallel_loop3A_259], %broadcast_in_dim3A_68 {add = true} : memref<256x128xi32, #tpu.memory_space<vmem>>[vector<16xi32>, vector<16xi32>], vector<16xi32>,
      } {sc.loop_unroll_factor = 16 : i64, sc.parallel_access}
      %parallel_loop3A_143 = arith.constant 0 : i32
      %parallel_loop3A_144 = arith.constant 128 : i32
      %parallel_loop3A_145 = arith.constant 1 : i32
      scf.for %parallel_loop3A_242 = %parallel_loop3A_143 to %parallel_loop3A_144 step %parallel_loop3A_145  : i32 {
        %parallel_loop3A_243 = arith.constant 16 : i32
        %parallel_loop3A_244 = arith.muli %parallel_loop3A_242, %parallel_loop3A_243 : i32
        %parallel_loop3A_245 = arith.constant 6 : i32
        %parallel_loop3A_246 = arith.index_cast %parallel_loop3A_245 : i32 to index
        %parallel_loop3A_247 = arith.index_cast %parallel_loop3A_244 : i32 to index
        %parallel_loop3A_248 = tpu.vector_load %arg6[%parallel_loop3A_246, %parallel_loop3A_247] {strides = array<i32>} : memref<8x2048xf32, #tpu.memory_space<vmem>>, vector<16xf32>,
        %parallel_loop3A_249 = vector.bitcast %parallel_loop3A_248 : vector<16xf32> to vector<16xi32>
        %parallel_loop3A_250 = arith.andi %parallel_loop3A_249, %broadcast_in_dim3A_70 : vector<16xi32>
        %parallel_loop3A_251 = arith.constant 16 : i32
        %parallel_loop3A_252 = vector.broadcast %parallel_loop3A_251 : i32 to vector<16xi32>
        %parallel_loop3A_253 = arith.shrui %parallel_loop3A_250, %parallel_loop3A_252 : vector<16xi32>
        %parallel_loop3A_254 = arith.constant 7 : i32
        %parallel_loop3A_255 = vector.broadcast %parallel_loop3A_254 : i32 to vector<16xi32>
        %parallel_loop3A_256 = arith.shrui %parallel_loop3A_253, %parallel_loop3A_255 : vector<16xi32>
        %parallel_loop3A_257 = arith.constant 127 : i32
        %parallel_loop3A_258 = vector.broadcast %parallel_loop3A_257 : i32 to vector<16xi32>
        %parallel_loop3A_259 = arith.andi %parallel_loop3A_253, %parallel_loop3A_258 : vector<16xi32>
        tpu.vector_store_idx %arg4[%parallel_loop3A_256, %parallel_loop3A_259], %broadcast_in_dim3A_68 {add = true} : memref<256x128xi32, #tpu.memory_space<vmem>>[vector<16xi32>, vector<16xi32>], vector<16xi32>,
      } {sc.loop_unroll_factor = 16 : i64, sc.parallel_access}
      %parallel_loop3A_146 = arith.constant 0 : i32
      %parallel_loop3A_147 = arith.constant 128 : i32
      %parallel_loop3A_148 = arith.constant 1 : i32
      scf.for %parallel_loop3A_242 = %parallel_loop3A_146 to %parallel_loop3A_147 step %parallel_loop3A_148  : i32 {
        %parallel_loop3A_243 = arith.constant 16 : i32
        %parallel_loop3A_244 = arith.muli %parallel_loop3A_242, %parallel_loop3A_243 : i32
        %parallel_loop3A_245 = arith.constant 7 : i32
        %parallel_loop3A_246 = arith.index_cast %parallel_loop3A_245 : i32 to index
        %parallel_loop3A_247 = arith.index_cast %parallel_loop3A_244 : i32 to index
        %parallel_loop3A_248 = tpu.vector_load %arg6[%parallel_loop3A_246, %parallel_loop3A_247] {strides = array<i32>} : memref<8x2048xf32, #tpu.memory_space<vmem>>, vector<16xf32>,
        %parallel_loop3A_249 = vector.bitcast %parallel_loop3A_248 : vector<16xf32> to vector<16xi32>
        %parallel_loop3A_250 = arith.andi %parallel_loop3A_249, %broadcast_in_dim3A_70 : vector<16xi32>
        %parallel_loop3A_251 = arith.constant 16 : i32
        %parallel_loop3A_252 = vector.broadcast %parallel_loop3A_251 : i32 to vector<16xi32>
        %parallel_loop3A_253 = arith.shrui %parallel_loop3A_250, %parallel_loop3A_252 : vector<16xi32>
        %parallel_loop3A_254 = arith.constant 7 : i32
        %parallel_loop3A_255 = vector.broadcast %parallel_loop3A_254 : i32 to vector<16xi32>
        %parallel_loop3A_256 = arith.shrui %parallel_loop3A_253, %parallel_loop3A_255 : vector<16xi32>
        %parallel_loop3A_257 = arith.constant 127 : i32
        %parallel_loop3A_258 = vector.broadcast %parallel_loop3A_257 : i32 to vector<16xi32>
        %parallel_loop3A_259 = arith.andi %parallel_loop3A_253, %parallel_loop3A_258 : vector<16xi32>
        tpu.vector_store_idx %arg4[%parallel_loop3A_256, %parallel_loop3A_259], %broadcast_in_dim3A_68 {add = true} : memref<256x128xi32, #tpu.memory_space<vmem>>[vector<16xi32>, vector<16xi32>], vector<16xi32>,
      } {sc.loop_unroll_factor = 16 : i64, sc.parallel_access}
      %mul3A_149 = arith.constant 4 : i32
      %mul3A_150 = arith.muli %scan3A_80, %mul3A_149 : i32
      %add3A_151 = arith.constant 1 : i32
      %add3A_152 = arith.addi %mul3A_150, %add3A_151 : i32
      %add3A_153 = arith.constant 4 : i32
      %add3A_154 = arith.addi %add3A_152, %add3A_153 : i32
      %lt3A_155 = arith.constant 32 : i32
      %lt3A_156 = arith.cmpi slt, %add3A_154, %lt3A_155 : i32
      %convert_element_type3A_157 = arith.extui %lt3A_156 : i1 to i32
      %cond3A_158 = arith.constant 0 : i32
      %cond3A_159 = arith.cmpi ne, %convert_element_type3A_157, %cond3A_158 : i32
      scf.if %cond3A_159 {
        %mul3A_242 = arith.constant 4 : i32
        %mul3A_243 = arith.muli %scan3A_80, %mul3A_242 : i32
        %add3A_244 = arith.constant 1 : i32
        %add3A_245 = arith.addi %mul3A_243, %add3A_244 : i32
        %add3A_246 = arith.constant 4 : i32
        %add3A_247 = arith.addi %add3A_245, %add3A_246 : i32
        %mul3A_248 = arith.constant 8 : i32
        %mul3A_249 = arith.muli %add3A_247, %mul3A_248 : i32
        %add3A_250 = arith.addi %mul3A_32, %mul3A_249 : i32
        %dma_start3A_251 = arith.constant 0 : i32
        %dma_start3A_252 = tpu.memref_slice %arg2[%select_n3A, %add3A_250, %dma_start3A_251] : memref<2x4096x2048xf32, #tpu.memory_space<hbm>> -> memref<1x8x2048xf32, #tpu.memory_space<hbm>>
        %dma_start3A_253 = tpu.memref_squeeze %dma_start3A_252 : memref<1x8x2048xf32, #tpu.memory_space<hbm>> -> memref<8x2048xf32, #tpu.memory_space<hbm>>
        %dma_start3A_254 = arith.constant 0 : i32
        %dma_start3A_255 = tpu.memref_slice %arg2[%select_n3A, %add3A_250, %dma_start3A_254] : memref<2x4096x2048xf32, #tpu.memory_space<hbm>> -> memref<1x8x2048xf32, #tpu.memory_space<hbm>>
        %dma_start3A_256 = tpu.memref_squeeze %dma_start3A_255 : memref<1x8x2048xf32, #tpu.memory_space<hbm>> -> memref<8x2048xf32, #tpu.memory_space<hbm>>
        tpu.enqueue_dma source(%dma_start3A_256 : memref<8x2048xf32, #tpu.memory_space<hbm>>) target(%arg6 : memref<8x2048xf32, #tpu.memory_space<vmem>>) target_semaphore(%arg10 : memref<!tpu.dma_semaphore, #tpu.memory_space<semaphore_mem>>)
      } else {
      }
      %dma_wait3A_160 = arith.constant 0 : i32
      %dma_wait3A_161 = tpu.memref_slice %arg2[%select_n3A, %mul3A_32, %dma_wait3A_160] : memref<2x4096x2048xf32, #tpu.memory_space<hbm>> -> memref<1x8x2048xf32, #tpu.memory_space<hbm>>
      %dma_wait3A_162 = tpu.memref_squeeze %dma_wait3A_161 : memref<1x8x2048xf32, #tpu.memory_space<hbm>> -> memref<8x2048xf32, #tpu.memory_space<hbm>>
      %dma_wait3A_163 = arith.constant 0 : i32
      %dma_wait3A_164 = tpu.memref_slice %arg2[%select_n3A, %mul3A_32, %dma_wait3A_163] : memref<2x4096x2048xf32, #tpu.memory_space<hbm>> -> memref<1x8x2048xf32, #tpu.memory_space<hbm>>
      %dma_wait3A_165 = tpu.memref_squeeze %dma_wait3A_164 : memref<1x8x2048xf32, #tpu.memory_space<hbm>> -> memref<8x2048xf32, #tpu.memory_space<hbm>>
      tpu.wait_dma2 semaphore(%arg11 : memref<!tpu.dma_semaphore, #tpu.memory_space<semaphore_mem>>) src(%dma_wait3A_165 : memref<8x2048xf32, #tpu.memory_space<hbm>>) dst(%arg7 : memref<8x2048xf32, #tpu.memory_space<vmem>>)
      %parallel_loop3A_166 = arith.constant 0 : i32
      %parallel_loop3A_167 = arith.constant 128 : i32
      %parallel_loop3A_168 = arith.constant 1 : i32
      scf.for %parallel_loop3A_242 = %parallel_loop3A_166 to %parallel_loop3A_167 step %parallel_loop3A_168  : i32 {
        %parallel_loop3A_243 = arith.constant 16 : i32
        %parallel_loop3A_244 = arith.muli %parallel_loop3A_242, %parallel_loop3A_243 : i32
        %parallel_loop3A_245 = arith.constant 0 : i32
        %parallel_loop3A_246 = arith.index_cast %parallel_loop3A_245 : i32 to index
        %parallel_loop3A_247 = arith.index_cast %parallel_loop3A_244 : i32 to index
        %parallel_loop3A_248 = tpu.vector_load %arg7[%parallel_loop3A_246, %parallel_loop3A_247] {strides = array<i32>} : memref<8x2048xf32, #tpu.memory_space<vmem>>, vector<16xf32>,
        %parallel_loop3A_249 = vector.bitcast %parallel_loop3A_248 : vector<16xf32> to vector<16xi32>
        %parallel_loop3A_250 = arith.andi %parallel_loop3A_249, %broadcast_in_dim3A_70 : vector<16xi32>
        %parallel_loop3A_251 = arith.constant 16 : i32
        %parallel_loop3A_252 = vector.broadcast %parallel_loop3A_251 : i32 to vector<16xi32>
        %parallel_loop3A_253 = arith.shrui %parallel_loop3A_250, %parallel_loop3A_252 : vector<16xi32>
        %parallel_loop3A_254 = arith.constant 7 : i32
        %parallel_loop3A_255 = vector.broadcast %parallel_loop3A_254 : i32 to vector<16xi32>
        %parallel_loop3A_256 = arith.shrui %parallel_loop3A_253, %parallel_loop3A_255 : vector<16xi32>
        %parallel_loop3A_257 = arith.constant 127 : i32
        %parallel_loop3A_258 = vector.broadcast %parallel_loop3A_257 : i32 to vector<16xi32>
        %parallel_loop3A_259 = arith.andi %parallel_loop3A_253, %parallel_loop3A_258 : vector<16xi32>
        tpu.vector_store_idx %arg4[%parallel_loop3A_256, %parallel_loop3A_259], %broadcast_in_dim3A_68 {add = true} : memref<256x128xi32, #tpu.memory_space<vmem>>[vector<16xi32>, vector<16xi32>], vector<16xi32>,
      } {sc.loop_unroll_factor = 16 : i64, sc.parallel_access}
      %parallel_loop3A_169 = arith.constant 0 : i32
      %parallel_loop3A_170 = arith.constant 128 : i32
      %parallel_loop3A_171 = arith.constant 1 : i32
      scf.for %parallel_loop3A_242 = %parallel_loop3A_169 to %parallel_loop3A_170 step %parallel_loop3A_171  : i32 {
        %parallel_loop3A_243 = arith.constant 16 : i32
        %parallel_loop3A_244 = arith.muli %parallel_loop3A_242, %parallel_loop3A_243 : i32
        %parallel_loop3A_245 = arith.constant 1 : i32
        %parallel_loop3A_246 = arith.index_cast %parallel_loop3A_245 : i32 to index
        %parallel_loop3A_247 = arith.index_cast %parallel_loop3A_244 : i32 to index
        %parallel_loop3A_248 = tpu.vector_load %arg7[%parallel_loop3A_246, %parallel_loop3A_247] {strides = array<i32>} : memref<8x2048xf32, #tpu.memory_space<vmem>>, vector<16xf32>,
        %parallel_loop3A_249 = vector.bitcast %parallel_loop3A_248 : vector<16xf32> to vector<16xi32>
        %parallel_loop3A_250 = arith.andi %parallel_loop3A_249, %broadcast_in_dim3A_70 : vector<16xi32>
        %parallel_loop3A_251 = arith.constant 16 : i32
        %parallel_loop3A_252 = vector.broadcast %parallel_loop3A_251 : i32 to vector<16xi32>
        %parallel_loop3A_253 = arith.shrui %parallel_loop3A_250, %parallel_loop3A_252 : vector<16xi32>
        %parallel_loop3A_254 = arith.constant 7 : i32
        %parallel_loop3A_255 = vector.broadcast %parallel_loop3A_254 : i32 to vector<16xi32>
        %parallel_loop3A_256 = arith.shrui %parallel_loop3A_253, %parallel_loop3A_255 : vector<16xi32>
        %parallel_loop3A_257 = arith.constant 127 : i32
        %parallel_loop3A_258 = vector.broadcast %parallel_loop3A_257 : i32 to vector<16xi32>
        %parallel_loop3A_259 = arith.andi %parallel_loop3A_253, %parallel_loop3A_258 : vector<16xi32>
        tpu.vector_store_idx %arg4[%parallel_loop3A_256, %parallel_loop3A_259], %broadcast_in_dim3A_68 {add = true} : memref<256x128xi32, #tpu.memory_space<vmem>>[vector<16xi32>, vector<16xi32>], vector<16xi32>,
      } {sc.loop_unroll_factor = 16 : i64, sc.parallel_access}
      %parallel_loop3A_172 = arith.constant 0 : i32
      %parallel_loop3A_173 = arith.constant 128 : i32
      %parallel_loop3A_174 = arith.constant 1 : i32
      scf.for %parallel_loop3A_242 = %parallel_loop3A_172 to %parallel_loop3A_173 step %parallel_loop3A_174  : i32 {
        %parallel_loop3A_243 = arith.constant 16 : i32
        %parallel_loop3A_244 = arith.muli %parallel_loop3A_242, %parallel_loop3A_243 : i32
        %parallel_loop3A_245 = arith.constant 2 : i32
        %parallel_loop3A_246 = arith.index_cast %parallel_loop3A_245 : i32 to index
        %parallel_loop3A_247 = arith.index_cast %parallel_loop3A_244 : i32 to index
        %parallel_loop3A_248 = tpu.vector_load %arg7[%parallel_loop3A_246, %parallel_loop3A_247] {strides = array<i32>} : memref<8x2048xf32, #tpu.memory_space<vmem>>, vector<16xf32>,
        %parallel_loop3A_249 = vector.bitcast %parallel_loop3A_248 : vector<16xf32> to vector<16xi32>
        %parallel_loop3A_250 = arith.andi %parallel_loop3A_249, %broadcast_in_dim3A_70 : vector<16xi32>
        %parallel_loop3A_251 = arith.constant 16 : i32
        %parallel_loop3A_252 = vector.broadcast %parallel_loop3A_251 : i32 to vector<16xi32>
        %parallel_loop3A_253 = arith.shrui %parallel_loop3A_250, %parallel_loop3A_252 : vector<16xi32>
        %parallel_loop3A_254 = arith.constant 7 : i32
        %parallel_loop3A_255 = vector.broadcast %parallel_loop3A_254 : i32 to vector<16xi32>
        %parallel_loop3A_256 = arith.shrui %parallel_loop3A_253, %parallel_loop3A_255 : vector<16xi32>
        %parallel_loop3A_257 = arith.constant 127 : i32
        %parallel_loop3A_258 = vector.broadcast %parallel_loop3A_257 : i32 to vector<16xi32>
        %parallel_loop3A_259 = arith.andi %parallel_loop3A_253, %parallel_loop3A_258 : vector<16xi32>
        tpu.vector_store_idx %arg4[%parallel_loop3A_256, %parallel_loop3A_259], %broadcast_in_dim3A_68 {add = true} : memref<256x128xi32, #tpu.memory_space<vmem>>[vector<16xi32>, vector<16xi32>], vector<16xi32>,
      } {sc.loop_unroll_factor = 16 : i64, sc.parallel_access}
      %parallel_loop3A_175 = arith.constant 0 : i32
      %parallel_loop3A_176 = arith.constant 128 : i32
      %parallel_loop3A_177 = arith.constant 1 : i32
      scf.for %parallel_loop3A_242 = %parallel_loop3A_175 to %parallel_loop3A_176 step %parallel_loop3A_177  : i32 {
        %parallel_loop3A_243 = arith.constant 16 : i32
        %parallel_loop3A_244 = arith.muli %parallel_loop3A_242, %parallel_loop3A_243 : i32
        %parallel_loop3A_245 = arith.constant 3 : i32
        %parallel_loop3A_246 = arith.index_cast %parallel_loop3A_245 : i32 to index
        %parallel_loop3A_247 = arith.index_cast %parallel_loop3A_244 : i32 to index
        %parallel_loop3A_248 = tpu.vector_load %arg7[%parallel_loop3A_246, %parallel_loop3A_247] {strides = array<i32>} : memref<8x2048xf32, #tpu.memory_space<vmem>>, vector<16xf32>,
        %parallel_loop3A_249 = vector.bitcast %parallel_loop3A_248 : vector<16xf32> to vector<16xi32>
        %parallel_loop3A_250 = arith.andi %parallel_loop3A_249, %broadcast_in_dim3A_70 : vector<16xi32>
        %parallel_loop3A_251 = arith.constant 16 : i32
        %parallel_loop3A_252 = vector.broadcast %parallel_loop3A_251 : i32 to vector<16xi32>
        %parallel_loop3A_253 = arith.shrui %parallel_loop3A_250, %parallel_loop3A_252 : vector<16xi32>
        %parallel_loop3A_254 = arith.constant 7 : i32
        %parallel_loop3A_255 = vector.broadcast %parallel_loop3A_254 : i32 to vector<16xi32>
        %parallel_loop3A_256 = arith.shrui %parallel_loop3A_253, %parallel_loop3A_255 : vector<16xi32>
        %parallel_loop3A_257 = arith.constant 127 : i32
        %parallel_loop3A_258 = vector.broadcast %parallel_loop3A_257 : i32 to vector<16xi32>
        %parallel_loop3A_259 = arith.andi %parallel_loop3A_253, %parallel_loop3A_258 : vector<16xi32>
        tpu.vector_store_idx %arg4[%parallel_loop3A_256, %parallel_loop3A_259], %broadcast_in_dim3A_68 {add = true} : memref<256x128xi32, #tpu.memory_space<vmem>>[vector<16xi32>, vector<16xi32>], vector<16xi32>,
      } {sc.loop_unroll_factor = 16 : i64, sc.parallel_access}
      %parallel_loop3A_178 = arith.constant 0 : i32
      %parallel_loop3A_179 = arith.constant 128 : i32
      %parallel_loop3A_180 = arith.constant 1 : i32
      scf.for %parallel_loop3A_242 = %parallel_loop3A_178 to %parallel_loop3A_179 step %parallel_loop3A_180  : i32 {
        %parallel_loop3A_243 = arith.constant 16 : i32
        %parallel_loop3A_244 = arith.muli %parallel_loop3A_242, %parallel_loop3A_243 : i32
        %parallel_loop3A_245 = arith.constant 4 : i32
        %parallel_loop3A_246 = arith.index_cast %parallel_loop3A_245 : i32 to index
        %parallel_loop3A_247 = arith.index_cast %parallel_loop3A_244 : i32 to index
        %parallel_loop3A_248 = tpu.vector_load %arg7[%parallel_loop3A_246, %parallel_loop3A_247] {strides = array<i32>} : memref<8x2048xf32, #tpu.memory_space<vmem>>, vector<16xf32>,
        %parallel_loop3A_249 = vector.bitcast %parallel_loop3A_248 : vector<16xf32> to vector<16xi32>
        %parallel_loop3A_250 = arith.andi %parallel_loop3A_249, %broadcast_in_dim3A_70 : vector<16xi32>
        %parallel_loop3A_251 = arith.constant 16 : i32
        %parallel_loop3A_252 = vector.broadcast %parallel_loop3A_251 : i32 to vector<16xi32>
        %parallel_loop3A_253 = arith.shrui %parallel_loop3A_250, %parallel_loop3A_252 : vector<16xi32>
        %parallel_loop3A_254 = arith.constant 7 : i32
        %parallel_loop3A_255 = vector.broadcast %parallel_loop3A_254 : i32 to vector<16xi32>
        %parallel_loop3A_256 = arith.shrui %parallel_loop3A_253, %parallel_loop3A_255 : vector<16xi32>
        %parallel_loop3A_257 = arith.constant 127 : i32
        %parallel_loop3A_258 = vector.broadcast %parallel_loop3A_257 : i32 to vector<16xi32>
        %parallel_loop3A_259 = arith.andi %parallel_loop3A_253, %parallel_loop3A_258 : vector<16xi32>
        tpu.vector_store_idx %arg4[%parallel_loop3A_256, %parallel_loop3A_259], %broadcast_in_dim3A_68 {add = true} : memref<256x128xi32, #tpu.memory_space<vmem>>[vector<16xi32>, vector<16xi32>], vector<16xi32>,
      } {sc.loop_unroll_factor = 16 : i64, sc.parallel_access}
      %parallel_loop3A_181 = arith.constant 0 : i32
      %parallel_loop3A_182 = arith.constant 128 : i32
      %parallel_loop3A_183 = arith.constant 1 : i32
      scf.for %parallel_loop3A_242 = %parallel_loop3A_181 to %parallel_loop3A_182 step %parallel_loop3A_183  : i32 {
        %parallel_loop3A_243 = arith.constant 16 : i32
        %parallel_loop3A_244 = arith.muli %parallel_loop3A_242, %parallel_loop3A_243 : i32
        %parallel_loop3A_245 = arith.constant 5 : i32
        %parallel_loop3A_246 = arith.index_cast %parallel_loop3A_245 : i32 to index
        %parallel_loop3A_247 = arith.index_cast %parallel_loop3A_244 : i32 to index
        %parallel_loop3A_248 = tpu.vector_load %arg7[%parallel_loop3A_246, %parallel_loop3A_247] {strides = array<i32>} : memref<8x2048xf32, #tpu.memory_space<vmem>>, vector<16xf32>,
        %parallel_loop3A_249 = vector.bitcast %parallel_loop3A_248 : vector<16xf32> to vector<16xi32>
        %parallel_loop3A_250 = arith.andi %parallel_loop3A_249, %broadcast_in_dim3A_70 : vector<16xi32>
        %parallel_loop3A_251 = arith.constant 16 : i32
        %parallel_loop3A_252 = vector.broadcast %parallel_loop3A_251 : i32 to vector<16xi32>
        %parallel_loop3A_253 = arith.shrui %parallel_loop3A_250, %parallel_loop3A_252 : vector<16xi32>
        %parallel_loop3A_254 = arith.constant 7 : i32
        %parallel_loop3A_255 = vector.broadcast %parallel_loop3A_254 : i32 to vector<16xi32>
        %parallel_loop3A_256 = arith.shrui %parallel_loop3A_253, %parallel_loop3A_255 : vector<16xi32>
        %parallel_loop3A_257 = arith.constant 127 : i32
        %parallel_loop3A_258 = vector.broadcast %parallel_loop3A_257 : i32 to vector<16xi32>
        %parallel_loop3A_259 = arith.andi %parallel_loop3A_253, %parallel_loop3A_258 : vector<16xi32>
        tpu.vector_store_idx %arg4[%parallel_loop3A_256, %parallel_loop3A_259], %broadcast_in_dim3A_68 {add = true} : memref<256x128xi32, #tpu.memory_space<vmem>>[vector<16xi32>, vector<16xi32>], vector<16xi32>,
      } {sc.loop_unroll_factor = 16 : i64, sc.parallel_access}
      %parallel_loop3A_184 = arith.constant 0 : i32
      %parallel_loop3A_185 = arith.constant 128 : i32
      %parallel_loop3A_186 = arith.constant 1 : i32
      scf.for %parallel_loop3A_242 = %parallel_loop3A_184 to %parallel_loop3A_185 step %parallel_loop3A_186  : i32 {
        %parallel_loop3A_243 = arith.constant 16 : i32
        %parallel_loop3A_244 = arith.muli %parallel_loop3A_242, %parallel_loop3A_243 : i32
        %parallel_loop3A_245 = arith.constant 6 : i32
        %parallel_loop3A_246 = arith.index_cast %parallel_loop3A_245 : i32 to index
        %parallel_loop3A_247 = arith.index_cast %parallel_loop3A_244 : i32 to index
        %parallel_loop3A_248 = tpu.vector_load %arg7[%parallel_loop3A_246, %parallel_loop3A_247] {strides = array<i32>} : memref<8x2048xf32, #tpu.memory_space<vmem>>, vector<16xf32>,
        %parallel_loop3A_249 = vector.bitcast %parallel_loop3A_248 : vector<16xf32> to vector<16xi32>
        %parallel_loop3A_250 = arith.andi %parallel_loop3A_249, %broadcast_in_dim3A_70 : vector<16xi32>
        %parallel_loop3A_251 = arith.constant 16 : i32
        %parallel_loop3A_252 = vector.broadcast %parallel_loop3A_251 : i32 to vector<16xi32>
        %parallel_loop3A_253 = arith.shrui %parallel_loop3A_250, %parallel_loop3A_252 : vector<16xi32>
        %parallel_loop3A_254 = arith.constant 7 : i32
        %parallel_loop3A_255 = vector.broadcast %parallel_loop3A_254 : i32 to vector<16xi32>
        %parallel_loop3A_256 = arith.shrui %parallel_loop3A_253, %parallel_loop3A_255 : vector<16xi32>
        %parallel_loop3A_257 = arith.constant 127 : i32
        %parallel_loop3A_258 = vector.broadcast %parallel_loop3A_257 : i32 to vector<16xi32>
        %parallel_loop3A_259 = arith.andi %parallel_loop3A_253, %parallel_loop3A_258 : vector<16xi32>
        tpu.vector_store_idx %arg4[%parallel_loop3A_256, %parallel_loop3A_259], %broadcast_in_dim3A_68 {add = true} : memref<256x128xi32, #tpu.memory_space<vmem>>[vector<16xi32>, vector<16xi32>], vector<16xi32>,
      } {sc.loop_unroll_factor = 16 : i64, sc.parallel_access}
      %parallel_loop3A_187 = arith.constant 0 : i32
      %parallel_loop3A_188 = arith.constant 128 : i32
      %parallel_loop3A_189 = arith.constant 1 : i32
      scf.for %parallel_loop3A_242 = %parallel_loop3A_187 to %parallel_loop3A_188 step %parallel_loop3A_189  : i32 {
        %parallel_loop3A_243 = arith.constant 16 : i32
        %parallel_loop3A_244 = arith.muli %parallel_loop3A_242, %parallel_loop3A_243 : i32
        %parallel_loop3A_245 = arith.constant 7 : i32
        %parallel_loop3A_246 = arith.index_cast %parallel_loop3A_245 : i32 to index
        %parallel_loop3A_247 = arith.index_cast %parallel_loop3A_244 : i32 to index
        %parallel_loop3A_248 = tpu.vector_load %arg7[%parallel_loop3A_246, %parallel_loop3A_247] {strides = array<i32>} : memref<8x2048xf32, #tpu.memory_space<vmem>>, vector<16xf32>,
        %parallel_loop3A_249 = vector.bitcast %parallel_loop3A_248 : vector<16xf32> to vector<16xi32>
        %parallel_loop3A_250 = arith.andi %parallel_loop3A_249, %broadcast_in_dim3A_70 : vector<16xi32>
        %parallel_loop3A_251 = arith.constant 16 : i32
        %parallel_loop3A_252 = vector.broadcast %parallel_loop3A_251 : i32 to vector<16xi32>
        %parallel_loop3A_253 = arith.shrui %parallel_loop3A_250, %parallel_loop3A_252 : vector<16xi32>
        %parallel_loop3A_254 = arith.constant 7 : i32
        %parallel_loop3A_255 = vector.broadcast %parallel_loop3A_254 : i32 to vector<16xi32>
        %parallel_loop3A_256 = arith.shrui %parallel_loop3A_253, %parallel_loop3A_255 : vector<16xi32>
        %parallel_loop3A_257 = arith.constant 127 : i32
        %parallel_loop3A_258 = vector.broadcast %parallel_loop3A_257 : i32 to vector<16xi32>
        %parallel_loop3A_259 = arith.andi %parallel_loop3A_253, %parallel_loop3A_258 : vector<16xi32>
        tpu.vector_store_idx %arg4[%parallel_loop3A_256, %parallel_loop3A_259], %broadcast_in_dim3A_68 {add = true} : memref<256x128xi32, #tpu.memory_space<vmem>>[vector<16xi32>, vector<16xi32>], vector<16xi32>,
      } {sc.loop_unroll_factor = 16 : i64, sc.parallel_access}
      %mul3A_190 = arith.constant 4 : i32
      %mul3A_191 = arith.muli %scan3A_80, %mul3A_190 : i32
      %add3A_192 = arith.constant 2 : i32
      %add3A_193 = arith.addi %mul3A_191, %add3A_192 : i32
      %add3A_194 = arith.constant 4 : i32
      %add3A_195 = arith.addi %add3A_193, %add3A_194 : i32
      %lt3A_196 = arith.constant 32 : i32
      %lt3A_197 = arith.cmpi slt, %add3A_195, %lt3A_196 : i32
      %convert_element_type3A_198 = arith.extui %lt3A_197 : i1 to i32
      %cond3A_199 = arith.constant 0 : i32
      %cond3A_200 = arith.cmpi ne, %convert_element_type3A_198, %cond3A_199 : i32
      scf.if %cond3A_200 {
        %mul3A_242 = arith.constant 4 : i32
        %mul3A_243 = arith.muli %scan3A_80, %mul3A_242 : i32
        %add3A_244 = arith.constant 2 : i32
        %add3A_245 = arith.addi %mul3A_243, %add3A_244 : i32
        %add3A_246 = arith.constant 4 : i32
        %add3A_247 = arith.addi %add3A_245, %add3A_246 : i32
        %mul3A_248 = arith.constant 8 : i32
        %mul3A_249 = arith.muli %add3A_247, %mul3A_248 : i32
        %add3A_250 = arith.addi %mul3A_32, %mul3A_249 : i32
        %dma_start3A_251 = arith.constant 0 : i32
        %dma_start3A_252 = tpu.memref_slice %arg2[%select_n3A, %add3A_250, %dma_start3A_251] : memref<2x4096x2048xf32, #tpu.memory_space<hbm>> -> memref<1x8x2048xf32, #tpu.memory_space<hbm>>
        %dma_start3A_253 = tpu.memref_squeeze %dma_start3A_252 : memref<1x8x2048xf32, #tpu.memory_space<hbm>> -> memref<8x2048xf32, #tpu.memory_space<hbm>>
        %dma_start3A_254 = arith.constant 0 : i32
        %dma_start3A_255 = tpu.memref_slice %arg2[%select_n3A, %add3A_250, %dma_start3A_254] : memref<2x4096x2048xf32, #tpu.memory_space<hbm>> -> memref<1x8x2048xf32, #tpu.memory_space<hbm>>
        %dma_start3A_256 = tpu.memref_squeeze %dma_start3A_255 : memref<1x8x2048xf32, #tpu.memory_space<hbm>> -> memref<8x2048xf32, #tpu.memory_space<hbm>>
        tpu.enqueue_dma source(%dma_start3A_256 : memref<8x2048xf32, #tpu.memory_space<hbm>>) target(%arg7 : memref<8x2048xf32, #tpu.memory_space<vmem>>) target_semaphore(%arg11 : memref<!tpu.dma_semaphore, #tpu.memory_space<semaphore_mem>>)
      } else {
      }
      %dma_wait3A_201 = arith.constant 0 : i32
      %dma_wait3A_202 = tpu.memref_slice %arg2[%select_n3A, %mul3A_32, %dma_wait3A_201] : memref<2x4096x2048xf32, #tpu.memory_space<hbm>> -> memref<1x8x2048xf32, #tpu.memory_space<hbm>>
      %dma_wait3A_203 = tpu.memref_squeeze %dma_wait3A_202 : memref<1x8x2048xf32, #tpu.memory_space<hbm>> -> memref<8x2048xf32, #tpu.memory_space<hbm>>
      %dma_wait3A_204 = arith.constant 0 : i32
      %dma_wait3A_205 = tpu.memref_slice %arg2[%select_n3A, %mul3A_32, %dma_wait3A_204] : memref<2x4096x2048xf32, #tpu.memory_space<hbm>> -> memref<1x8x2048xf32, #tpu.memory_space<hbm>>
      %dma_wait3A_206 = tpu.memref_squeeze %dma_wait3A_205 : memref<1x8x2048xf32, #tpu.memory_space<hbm>> -> memref<8x2048xf32, #tpu.memory_space<hbm>>
      tpu.wait_dma2 semaphore(%arg12 : memref<!tpu.dma_semaphore, #tpu.memory_space<semaphore_mem>>) src(%dma_wait3A_206 : memref<8x2048xf32, #tpu.memory_space<hbm>>) dst(%arg8 : memref<8x2048xf32, #tpu.memory_space<vmem>>)
      %parallel_loop3A_207 = arith.constant 0 : i32
      %parallel_loop3A_208 = arith.constant 128 : i32
      %parallel_loop3A_209 = arith.constant 1 : i32
      scf.for %parallel_loop3A_242 = %parallel_loop3A_207 to %parallel_loop3A_208 step %parallel_loop3A_209  : i32 {
        %parallel_loop3A_243 = arith.constant 16 : i32
        %parallel_loop3A_244 = arith.muli %parallel_loop3A_242, %parallel_loop3A_243 : i32
        %parallel_loop3A_245 = arith.constant 0 : i32
        %parallel_loop3A_246 = arith.index_cast %parallel_loop3A_245 : i32 to index
        %parallel_loop3A_247 = arith.index_cast %parallel_loop3A_244 : i32 to index
        %parallel_loop3A_248 = tpu.vector_load %arg8[%parallel_loop3A_246, %parallel_loop3A_247] {strides = array<i32>} : memref<8x2048xf32, #tpu.memory_space<vmem>>, vector<16xf32>,
        %parallel_loop3A_249 = vector.bitcast %parallel_loop3A_248 : vector<16xf32> to vector<16xi32>
        %parallel_loop3A_250 = arith.andi %parallel_loop3A_249, %broadcast_in_dim3A_70 : vector<16xi32>
        %parallel_loop3A_251 = arith.constant 16 : i32
        %parallel_loop3A_252 = vector.broadcast %parallel_loop3A_251 : i32 to vector<16xi32>
        %parallel_loop3A_253 = arith.shrui %parallel_loop3A_250, %parallel_loop3A_252 : vector<16xi32>
        %parallel_loop3A_254 = arith.constant 7 : i32
        %parallel_loop3A_255 = vector.broadcast %parallel_loop3A_254 : i32 to vector<16xi32>
        %parallel_loop3A_256 = arith.shrui %parallel_loop3A_253, %parallel_loop3A_255 : vector<16xi32>
        %parallel_loop3A_257 = arith.constant 127 : i32
        %parallel_loop3A_258 = vector.broadcast %parallel_loop3A_257 : i32 to vector<16xi32>
        %parallel_loop3A_259 = arith.andi %parallel_loop3A_253, %parallel_loop3A_258 : vector<16xi32>
        tpu.vector_store_idx %arg4[%parallel_loop3A_256, %parallel_loop3A_259], %broadcast_in_dim3A_68 {add = true} : memref<256x128xi32, #tpu.memory_space<vmem>>[vector<16xi32>, vector<16xi32>], vector<16xi32>,
      } {sc.loop_unroll_factor = 16 : i64, sc.parallel_access}
      %parallel_loop3A_210 = arith.constant 0 : i32
      %parallel_loop3A_211 = arith.constant 128 : i32
      %parallel_loop3A_212 = arith.constant 1 : i32
      scf.for %parallel_loop3A_242 = %parallel_loop3A_210 to %parallel_loop3A_211 step %parallel_loop3A_212  : i32 {
        %parallel_loop3A_243 = arith.constant 16 : i32
        %parallel_loop3A_244 = arith.muli %parallel_loop3A_242, %parallel_loop3A_243 : i32
        %parallel_loop3A_245 = arith.constant 1 : i32
        %parallel_loop3A_246 = arith.index_cast %parallel_loop3A_245 : i32 to index
        %parallel_loop3A_247 = arith.index_cast %parallel_loop3A_244 : i32 to index
        %parallel_loop3A_248 = tpu.vector_load %arg8[%parallel_loop3A_246, %parallel_loop3A_247] {strides = array<i32>} : memref<8x2048xf32, #tpu.memory_space<vmem>>, vector<16xf32>,
        %parallel_loop3A_249 = vector.bitcast %parallel_loop3A_248 : vector<16xf32> to vector<16xi32>
        %parallel_loop3A_250 = arith.andi %parallel_loop3A_249, %broadcast_in_dim3A_70 : vector<16xi32>
        %parallel_loop3A_251 = arith.constant 16 : i32
        %parallel_loop3A_252 = vector.broadcast %parallel_loop3A_251 : i32 to vector<16xi32>
        %parallel_loop3A_253 = arith.shrui %parallel_loop3A_250, %parallel_loop3A_252 : vector<16xi32>
        %parallel_loop3A_254 = arith.constant 7 : i32
        %parallel_loop3A_255 = vector.broadcast %parallel_loop3A_254 : i32 to vector<16xi32>
        %parallel_loop3A_256 = arith.shrui %parallel_loop3A_253, %parallel_loop3A_255 : vector<16xi32>
        %parallel_loop3A_257 = arith.constant 127 : i32
        %parallel_loop3A_258 = vector.broadcast %parallel_loop3A_257 : i32 to vector<16xi32>
        %parallel_loop3A_259 = arith.andi %parallel_loop3A_253, %parallel_loop3A_258 : vector<16xi32>
        tpu.vector_store_idx %arg4[%parallel_loop3A_256, %parallel_loop3A_259], %broadcast_in_dim3A_68 {add = true} : memref<256x128xi32, #tpu.memory_space<vmem>>[vector<16xi32>, vector<16xi32>], vector<16xi32>,
      } {sc.loop_unroll_factor = 16 : i64, sc.parallel_access}
      %parallel_loop3A_213 = arith.constant 0 : i32
      %parallel_loop3A_214 = arith.constant 128 : i32
      %parallel_loop3A_215 = arith.constant 1 : i32
      scf.for %parallel_loop3A_242 = %parallel_loop3A_213 to %parallel_loop3A_214 step %parallel_loop3A_215  : i32 {
        %parallel_loop3A_243 = arith.constant 16 : i32
        %parallel_loop3A_244 = arith.muli %parallel_loop3A_242, %parallel_loop3A_243 : i32
        %parallel_loop3A_245 = arith.constant 2 : i32
        %parallel_loop3A_246 = arith.index_cast %parallel_loop3A_245 : i32 to index
        %parallel_loop3A_247 = arith.index_cast %parallel_loop3A_244 : i32 to index
        %parallel_loop3A_248 = tpu.vector_load %arg8[%parallel_loop3A_246, %parallel_loop3A_247] {strides = array<i32>} : memref<8x2048xf32, #tpu.memory_space<vmem>>, vector<16xf32>,
        %parallel_loop3A_249 = vector.bitcast %parallel_loop3A_248 : vector<16xf32> to vector<16xi32>
        %parallel_loop3A_250 = arith.andi %parallel_loop3A_249, %broadcast_in_dim3A_70 : vector<16xi32>
        %parallel_loop3A_251 = arith.constant 16 : i32
        %parallel_loop3A_252 = vector.broadcast %parallel_loop3A_251 : i32 to vector<16xi32>
        %parallel_loop3A_253 = arith.shrui %parallel_loop3A_250, %parallel_loop3A_252 : vector<16xi32>
        %parallel_loop3A_254 = arith.constant 7 : i32
        %parallel_loop3A_255 = vector.broadcast %parallel_loop3A_254 : i32 to vector<16xi32>
        %parallel_loop3A_256 = arith.shrui %parallel_loop3A_253, %parallel_loop3A_255 : vector<16xi32>
        %parallel_loop3A_257 = arith.constant 127 : i32
        %parallel_loop3A_258 = vector.broadcast %parallel_loop3A_257 : i32 to vector<16xi32>
        %parallel_loop3A_259 = arith.andi %parallel_loop3A_253, %parallel_loop3A_258 : vector<16xi32>
        tpu.vector_store_idx %arg4[%parallel_loop3A_256, %parallel_loop3A_259], %broadcast_in_dim3A_68 {add = true} : memref<256x128xi32, #tpu.memory_space<vmem>>[vector<16xi32>, vector<16xi32>], vector<16xi32>,
      } {sc.loop_unroll_factor = 16 : i64, sc.parallel_access}
      %parallel_loop3A_216 = arith.constant 0 : i32
      %parallel_loop3A_217 = arith.constant 128 : i32
      %parallel_loop3A_218 = arith.constant 1 : i32
      scf.for %parallel_loop3A_242 = %parallel_loop3A_216 to %parallel_loop3A_217 step %parallel_loop3A_218  : i32 {
        %parallel_loop3A_243 = arith.constant 16 : i32
        %parallel_loop3A_244 = arith.muli %parallel_loop3A_242, %parallel_loop3A_243 : i32
        %parallel_loop3A_245 = arith.constant 3 : i32
        %parallel_loop3A_246 = arith.index_cast %parallel_loop3A_245 : i32 to index
        %parallel_loop3A_247 = arith.index_cast %parallel_loop3A_244 : i32 to index
        %parallel_loop3A_248 = tpu.vector_load %arg8[%parallel_loop3A_246, %parallel_loop3A_247] {strides = array<i32>} : memref<8x2048xf32, #tpu.memory_space<vmem>>, vector<16xf32>,
        %parallel_loop3A_249 = vector.bitcast %parallel_loop3A_248 : vector<16xf32> to vector<16xi32>
        %parallel_loop3A_250 = arith.andi %parallel_loop3A_249, %broadcast_in_dim3A_70 : vector<16xi32>
        %parallel_loop3A_251 = arith.constant 16 : i32
        %parallel_loop3A_252 = vector.broadcast %parallel_loop3A_251 : i32 to vector<16xi32>
        %parallel_loop3A_253 = arith.shrui %parallel_loop3A_250, %parallel_loop3A_252 : vector<16xi32>
        %parallel_loop3A_254 = arith.constant 7 : i32
        %parallel_loop3A_255 = vector.broadcast %parallel_loop3A_254 : i32 to vector<16xi32>
        %parallel_loop3A_256 = arith.shrui %parallel_loop3A_253, %parallel_loop3A_255 : vector<16xi32>
        %parallel_loop3A_257 = arith.constant 127 : i32
        %parallel_loop3A_258 = vector.broadcast %parallel_loop3A_257 : i32 to vector<16xi32>
        %parallel_loop3A_259 = arith.andi %parallel_loop3A_253, %parallel_loop3A_258 : vector<16xi32>
        tpu.vector_store_idx %arg4[%parallel_loop3A_256, %parallel_loop3A_259], %broadcast_in_dim3A_68 {add = true} : memref<256x128xi32, #tpu.memory_space<vmem>>[vector<16xi32>, vector<16xi32>], vector<16xi32>,
      } {sc.loop_unroll_factor = 16 : i64, sc.parallel_access}
      %parallel_loop3A_219 = arith.constant 0 : i32
      %parallel_loop3A_220 = arith.constant 128 : i32
      %parallel_loop3A_221 = arith.constant 1 : i32
      scf.for %parallel_loop3A_242 = %parallel_loop3A_219 to %parallel_loop3A_220 step %parallel_loop3A_221  : i32 {
        %parallel_loop3A_243 = arith.constant 16 : i32
        %parallel_loop3A_244 = arith.muli %parallel_loop3A_242, %parallel_loop3A_243 : i32
        %parallel_loop3A_245 = arith.constant 4 : i32
        %parallel_loop3A_246 = arith.index_cast %parallel_loop3A_245 : i32 to index
        %parallel_loop3A_247 = arith.index_cast %parallel_loop3A_244 : i32 to index
        %parallel_loop3A_248 = tpu.vector_load %arg8[%parallel_loop3A_246, %parallel_loop3A_247] {strides = array<i32>} : memref<8x2048xf32, #tpu.memory_space<vmem>>, vector<16xf32>,
        %parallel_loop3A_249 = vector.bitcast %parallel_loop3A_248 : vector<16xf32> to vector<16xi32>
        %parallel_loop3A_250 = arith.andi %parallel_loop3A_249, %broadcast_in_dim3A_70 : vector<16xi32>
        %parallel_loop3A_251 = arith.constant 16 : i32
        %parallel_loop3A_252 = vector.broadcast %parallel_loop3A_251 : i32 to vector<16xi32>
        %parallel_loop3A_253 = arith.shrui %parallel_loop3A_250, %parallel_loop3A_252 : vector<16xi32>
        %parallel_loop3A_254 = arith.constant 7 : i32
        %parallel_loop3A_255 = vector.broadcast %parallel_loop3A_254 : i32 to vector<16xi32>
        %parallel_loop3A_256 = arith.shrui %parallel_loop3A_253, %parallel_loop3A_255 : vector<16xi32>
        %parallel_loop3A_257 = arith.constant 127 : i32
        %parallel_loop3A_258 = vector.broadcast %parallel_loop3A_257 : i32 to vector<16xi32>
        %parallel_loop3A_259 = arith.andi %parallel_loop3A_253, %parallel_loop3A_258 : vector<16xi32>
        tpu.vector_store_idx %arg4[%parallel_loop3A_256, %parallel_loop3A_259], %broadcast_in_dim3A_68 {add = true} : memref<256x128xi32, #tpu.memory_space<vmem>>[vector<16xi32>, vector<16xi32>], vector<16xi32>,
      } {sc.loop_unroll_factor = 16 : i64, sc.parallel_access}
      %parallel_loop3A_222 = arith.constant 0 : i32
      %parallel_loop3A_223 = arith.constant 128 : i32
      %parallel_loop3A_224 = arith.constant 1 : i32
      scf.for %parallel_loop3A_242 = %parallel_loop3A_222 to %parallel_loop3A_223 step %parallel_loop3A_224  : i32 {
        %parallel_loop3A_243 = arith.constant 16 : i32
        %parallel_loop3A_244 = arith.muli %parallel_loop3A_242, %parallel_loop3A_243 : i32
        %parallel_loop3A_245 = arith.constant 5 : i32
        %parallel_loop3A_246 = arith.index_cast %parallel_loop3A_245 : i32 to index
        %parallel_loop3A_247 = arith.index_cast %parallel_loop3A_244 : i32 to index
        %parallel_loop3A_248 = tpu.vector_load %arg8[%parallel_loop3A_246, %parallel_loop3A_247] {strides = array<i32>} : memref<8x2048xf32, #tpu.memory_space<vmem>>, vector<16xf32>,
        %parallel_loop3A_249 = vector.bitcast %parallel_loop3A_248 : vector<16xf32> to vector<16xi32>
        %parallel_loop3A_250 = arith.andi %parallel_loop3A_249, %broadcast_in_dim3A_70 : vector<16xi32>
        %parallel_loop3A_251 = arith.constant 16 : i32
        %parallel_loop3A_252 = vector.broadcast %parallel_loop3A_251 : i32 to vector<16xi32>
        %parallel_loop3A_253 = arith.shrui %parallel_loop3A_250, %parallel_loop3A_252 : vector<16xi32>
        %parallel_loop3A_254 = arith.constant 7 : i32
        %parallel_loop3A_255 = vector.broadcast %parallel_loop3A_254 : i32 to vector<16xi32>
        %parallel_loop3A_256 = arith.shrui %parallel_loop3A_253, %parallel_loop3A_255 : vector<16xi32>
        %parallel_loop3A_257 = arith.constant 127 : i32
        %parallel_loop3A_258 = vector.broadcast %parallel_loop3A_257 : i32 to vector<16xi32>
        %parallel_loop3A_259 = arith.andi %parallel_loop3A_253, %parallel_loop3A_258 : vector<16xi32>
        tpu.vector_store_idx %arg4[%parallel_loop3A_256, %parallel_loop3A_259], %broadcast_in_dim3A_68 {add = true} : memref<256x128xi32, #tpu.memory_space<vmem>>[vector<16xi32>, vector<16xi32>], vector<16xi32>,
      } {sc.loop_unroll_factor = 16 : i64, sc.parallel_access}
      %parallel_loop3A_225 = arith.constant 0 : i32
      %parallel_loop3A_226 = arith.constant 128 : i32
      %parallel_loop3A_227 = arith.constant 1 : i32
      scf.for %parallel_loop3A_242 = %parallel_loop3A_225 to %parallel_loop3A_226 step %parallel_loop3A_227  : i32 {
        %parallel_loop3A_243 = arith.constant 16 : i32
        %parallel_loop3A_244 = arith.muli %parallel_loop3A_242, %parallel_loop3A_243 : i32
        %parallel_loop3A_245 = arith.constant 6 : i32
        %parallel_loop3A_246 = arith.index_cast %parallel_loop3A_245 : i32 to index
        %parallel_loop3A_247 = arith.index_cast %parallel_loop3A_244 : i32 to index
        %parallel_loop3A_248 = tpu.vector_load %arg8[%parallel_loop3A_246, %parallel_loop3A_247] {strides = array<i32>} : memref<8x2048xf32, #tpu.memory_space<vmem>>, vector<16xf32>,
        %parallel_loop3A_249 = vector.bitcast %parallel_loop3A_248 : vector<16xf32> to vector<16xi32>
        %parallel_loop3A_250 = arith.andi %parallel_loop3A_249, %broadcast_in_dim3A_70 : vector<16xi32>
        %parallel_loop3A_251 = arith.constant 16 : i32
        %parallel_loop3A_252 = vector.broadcast %parallel_loop3A_251 : i32 to vector<16xi32>
        %parallel_loop3A_253 = arith.shrui %parallel_loop3A_250, %parallel_loop3A_252 : vector<16xi32>
        %parallel_loop3A_254 = arith.constant 7 : i32
        %parallel_loop3A_255 = vector.broadcast %parallel_loop3A_254 : i32 to vector<16xi32>
        %parallel_loop3A_256 = arith.shrui %parallel_loop3A_253, %parallel_loop3A_255 : vector<16xi32>
        %parallel_loop3A_257 = arith.constant 127 : i32
        %parallel_loop3A_258 = vector.broadcast %parallel_loop3A_257 : i32 to vector<16xi32>
        %parallel_loop3A_259 = arith.andi %parallel_loop3A_253, %parallel_loop3A_258 : vector<16xi32>
        tpu.vector_store_idx %arg4[%parallel_loop3A_256, %parallel_loop3A_259], %broadcast_in_dim3A_68 {add = true} : memref<256x128xi32, #tpu.memory_space<vmem>>[vector<16xi32>, vector<16xi32>], vector<16xi32>,
      } {sc.loop_unroll_factor = 16 : i64, sc.parallel_access}
      %parallel_loop3A_228 = arith.constant 0 : i32
      %parallel_loop3A_229 = arith.constant 128 : i32
      %parallel_loop3A_230 = arith.constant 1 : i32
      scf.for %parallel_loop3A_242 = %parallel_loop3A_228 to %parallel_loop3A_229 step %parallel_loop3A_230  : i32 {
        %parallel_loop3A_243 = arith.constant 16 : i32
        %parallel_loop3A_244 = arith.muli %parallel_loop3A_242, %parallel_loop3A_243 : i32
        %parallel_loop3A_245 = arith.constant 7 : i32
        %parallel_loop3A_246 = arith.index_cast %parallel_loop3A_245 : i32 to index
        %parallel_loop3A_247 = arith.index_cast %parallel_loop3A_244 : i32 to index
        %parallel_loop3A_248 = tpu.vector_load %arg8[%parallel_loop3A_246, %parallel_loop3A_247] {strides = array<i32>} : memref<8x2048xf32, #tpu.memory_space<vmem>>, vector<16xf32>,
        %parallel_loop3A_249 = vector.bitcast %parallel_loop3A_248 : vector<16xf32> to vector<16xi32>
        %parallel_loop3A_250 = arith.andi %parallel_loop3A_249, %broadcast_in_dim3A_70 : vector<16xi32>
        %parallel_loop3A_251 = arith.constant 16 : i32
        %parallel_loop3A_252 = vector.broadcast %parallel_loop3A_251 : i32 to vector<16xi32>
        %parallel_loop3A_253 = arith.shrui %parallel_loop3A_250, %parallel_loop3A_252 : vector<16xi32>
        %parallel_loop3A_254 = arith.constant 7 : i32
        %parallel_loop3A_255 = vector.broadcast %parallel_loop3A_254 : i32 to vector<16xi32>
        %parallel_loop3A_256 = arith.shrui %parallel_loop3A_253, %parallel_loop3A_255 : vector<16xi32>
        %parallel_loop3A_257 = arith.constant 127 : i32
        %parallel_loop3A_258 = vector.broadcast %parallel_loop3A_257 : i32 to vector<16xi32>
        %parallel_loop3A_259 = arith.andi %parallel_loop3A_253, %parallel_loop3A_258 : vector<16xi32>
        tpu.vector_store_idx %arg4[%parallel_loop3A_256, %parallel_loop3A_259], %broadcast_in_dim3A_68 {add = true} : memref<256x128xi32, #tpu.memory_space<vmem>>[vector<16xi32>, vector<16xi32>], vector<16xi32>,
      } {sc.loop_unroll_factor = 16 : i64, sc.parallel_access}
      %mul3A_231 = arith.constant 4 : i32
      %mul3A_232 = arith.muli %scan3A_80, %mul3A_231 : i32
      %add3A_233 = arith.constant 3 : i32
      %add3A_234 = arith.addi %mul3A_232, %add3A_233 : i32
      %add3A_235 = arith.constant 4 : i32
      %add3A_236 = arith.addi %add3A_234, %add3A_235 : i32
      %lt3A_237 = arith.constant 32 : i32
      %lt3A_238 = arith.cmpi slt, %add3A_236, %lt3A_237 : i32
      %convert_element_type3A_239 = arith.extui %lt3A_238 : i1 to i32
      %cond3A_240 = arith.constant 0 : i32
      %cond3A_241 = arith.cmpi ne, %convert_element_type3A_239, %cond3A_240 : i32
      scf.if %cond3A_241 {
        %mul3A_242 = arith.constant 4 : i32
        %mul3A_243 = arith.muli %scan3A_80, %mul3A_242 : i32
        %add3A_244 = arith.constant 3 : i32
        %add3A_245 = arith.addi %mul3A_243, %add3A_244 : i32
        %add3A_246 = arith.constant 4 : i32
        %add3A_247 = arith.addi %add3A_245, %add3A_246 : i32
        %mul3A_248 = arith.constant 8 : i32
        %mul3A_249 = arith.muli %add3A_247, %mul3A_248 : i32
        %add3A_250 = arith.addi %mul3A_32, %mul3A_249 : i32
        %dma_start3A_251 = arith.constant 0 : i32
        %dma_start3A_252 = tpu.memref_slice %arg2[%select_n3A, %add3A_250, %dma_start3A_251] : memref<2x4096x2048xf32, #tpu.memory_space<hbm>> -> memref<1x8x2048xf32, #tpu.memory_space<hbm>>
        %dma_start3A_253 = tpu.memref_squeeze %dma_start3A_252 : memref<1x8x2048xf32, #tpu.memory_space<hbm>> -> memref<8x2048xf32, #tpu.memory_space<hbm>>
        %dma_start3A_254 = arith.constant 0 : i32
        %dma_start3A_255 = tpu.memref_slice %arg2[%select_n3A, %add3A_250, %dma_start3A_254] : memref<2x4096x2048xf32, #tpu.memory_space<hbm>> -> memref<1x8x2048xf32, #tpu.memory_space<hbm>>
        %dma_start3A_256 = tpu.memref_squeeze %dma_start3A_255 : memref<1x8x2048xf32, #tpu.memory_space<hbm>> -> memref<8x2048xf32, #tpu.memory_space<hbm>>
        tpu.enqueue_dma source(%dma_start3A_256 : memref<8x2048xf32, #tpu.memory_space<hbm>>) target(%arg8 : memref<8x2048xf32, #tpu.memory_space<vmem>>) target_semaphore(%arg12 : memref<!tpu.dma_semaphore, #tpu.memory_space<semaphore_mem>>)
      } else {
      }
    }
    %scan3A_75 = arith.constant 8 : i32
    %mul3A_76 = arith.constant 1 : i32
    %mul3A_77 = arith.muli %add3A, %mul3A_76 : i32
    %mul3A_78 = arith.constant 256 : i32
    %mul3A_79 = arith.muli %mul3A_77, %mul3A_78 : i32
    "tpu.region"() ({
      %run_scoped3A = tpu.sem_alloc : memref<!tpu.dma_semaphore, #tpu.memory_space<semaphore_mem>>
      %dma_start3A_80 = arith.constant 0 : i32
      %dma_start3A_81 = tpu.memref_slice %arg3[%mul3A_79, %dma_start3A_80] : memref<8192x128xi32, #tpu.memory_space<hbm>> -> memref<256x128xi32, #tpu.memory_space<hbm>>
      %dma_start3A_82 = arith.constant 0 : i32
      %dma_start3A_83 = tpu.memref_slice %arg3[%mul3A_79, %dma_start3A_82] : memref<8192x128xi32, #tpu.memory_space<hbm>> -> memref<256x128xi32, #tpu.memory_space<hbm>>
      tpu.enqueue_dma source(%arg4 : memref<256x128xi32, #tpu.memory_space<vmem>>) target(%dma_start3A_83 : memref<256x128xi32, #tpu.memory_space<hbm>>) target_semaphore(%run_scoped3A : memref<!tpu.dma_semaphore, #tpu.memory_space<semaphore_mem>>)
      %dma_wait3A = arith.constant 0 : i32
      %dma_wait3A_84 = tpu.memref_slice %arg3[%mul3A_79, %dma_wait3A] : memref<8192x128xi32, #tpu.memory_space<hbm>> -> memref<256x128xi32, #tpu.memory_space<hbm>>
      %dma_wait3A_85 = arith.constant 0 : i32
      %dma_wait3A_86 = tpu.memref_slice %arg3[%mul3A_79, %dma_wait3A_85] : memref<8192x128xi32, #tpu.memory_space<hbm>> -> memref<256x128xi32, #tpu.memory_space<hbm>>
      tpu.wait_dma2 semaphore(%run_scoped3A : memref<!tpu.dma_semaphore, #tpu.memory_space<semaphore_mem>>) src(%arg4 : memref<256x128xi32, #tpu.memory_space<vmem>>) dst(%dma_wait3A_86 : memref<256x128xi32, #tpu.memory_space<hbm>>)
      tpu.yield
    }) : () -> ()
    return
  }
}

module attributes {stable_mosaic.version = 14 : i64} {
  func.func @fin(%arg0: memref<32x256x128xi32, #tpu.memory_space<vmem>>, %arg1: memref<4xf32, #tpu.memory_space<smem>>, %arg2: memref<1x128xf32, #tpu.memory_space<vmem>>) attributes {dimension_semantics = [], scalar_prefetch = 0 : i64, scratch_operands = 0 : i64, tpu.core_type = #tpu.core_type<tc>} {
    %get3A = arith.constant 0 : index
    %get3A_0 = arith.constant 0 : index
    %get3A_1 = arith.constant 0 : index
    %get3A_2 = vector.load %arg0[%get3A, %get3A_0, %get3A_1] : memref<32x256x128xi32, #tpu.memory_space<vmem>>, vector<32x256x128xi32>
    %reduce_sum3A = arith.constant dense<0> : vector<256x128xi32>
    %reduce_sum3A_3 = vector.multi_reduction <add>, %get3A_2, %reduce_sum3A [0] : vector<32x256x128xi32> to vector<256x128xi32>
    %iota3A = tpu.iota {dimensions = array<i32: 0>} : vector<128x128xi32>
    %iota3A_4 = tpu.iota {dimensions = array<i32: 1>} : vector<128x128xi32>
    %le3A = arith.cmpi sle, %iota3A, %iota3A_4 : vector<128x128xi32>
    %convert_element_type3A = arith.extui %le3A : vector<128x128xi1> to vector<128x128xi32>
    %convert_element_type3A_5 = arith.sitofp %convert_element_type3A : vector<128x128xi32> to vector<128x128xf32>
    %shift_right_logical3A = arith.constant 16 : i32
    %shift_right_logical3A_6 = vector.broadcast %shift_right_logical3A : i32 to vector<256x128xi32>
    %shift_right_logical3A_7 = arith.shrui %reduce_sum3A_3, %shift_right_logical3A_6 : vector<256x128xi32>
    %and3A = arith.constant 255 : i32
    %and3A_8 = vector.broadcast %and3A : i32 to vector<256x128xi32>
    %and3A_9 = arith.andi %shift_right_logical3A_7, %and3A_8 : vector<256x128xi32>
    %convert_element_type3A_10 = arith.sitofp %and3A_9 : vector<256x128xi32> to vector<256x128xf32>
    %dot_general3A = arith.constant dense<0.000000e+00> : vector<256x128xf32>
    %dot_general3A_11 = tpu.matmul %convert_element_type3A_10, %convert_element_type3A_5, %dot_general3A {dimension_numbers = #tpu.dot_dimension_numbers<[1], [0], [0], [1], [0, 0, 1, 1], [], []>, transpose_lhs_hint = false} : vector<256x128xf32>, vector<128x128xf32>, vector<256x128xf32> -> vector<256x128xf32>
    %shift_right_logical3A_12 = arith.constant 8 : i32
    %shift_right_logical3A_13 = vector.broadcast %shift_right_logical3A_12 : i32 to vector<256x128xi32>
    %shift_right_logical3A_14 = arith.shrui %reduce_sum3A_3, %shift_right_logical3A_13 : vector<256x128xi32>
    %and3A_15 = arith.constant 255 : i32
    %and3A_16 = vector.broadcast %and3A_15 : i32 to vector<256x128xi32>
    %and3A_17 = arith.andi %shift_right_logical3A_14, %and3A_16 : vector<256x128xi32>
    %convert_element_type3A_18 = arith.sitofp %and3A_17 : vector<256x128xi32> to vector<256x128xf32>
    %dot_general3A_19 = arith.constant dense<0.000000e+00> : vector<256x128xf32>
    %dot_general3A_20 = tpu.matmul %convert_element_type3A_18, %convert_element_type3A_5, %dot_general3A_19 {dimension_numbers = #tpu.dot_dimension_numbers<[1], [0], [0], [1], [0, 0, 1, 1], [], []>, transpose_lhs_hint = false} : vector<256x128xf32>, vector<128x128xf32>, vector<256x128xf32> -> vector<256x128xf32>
    %mul3A = arith.constant 2.560000e+02 : f32
    %mul3A_21 = vector.broadcast %mul3A : f32 to vector<256x128xf32>
    %mul3A_22 = arith.mulf %dot_general3A_11, %mul3A_21 : vector<256x128xf32>
    %add3A = arith.addf %mul3A_22, %dot_general3A_20 : vector<256x128xf32>
    %shift_right_logical3A_23 = arith.constant 0 : i32
    %shift_right_logical3A_24 = vector.broadcast %shift_right_logical3A_23 : i32 to vector<256x128xi32>
    %shift_right_logical3A_25 = arith.shrui %reduce_sum3A_3, %shift_right_logical3A_24 : vector<256x128xi32>
    %and3A_26 = arith.constant 255 : i32
    %and3A_27 = vector.broadcast %and3A_26 : i32 to vector<256x128xi32>
    %and3A_28 = arith.andi %shift_right_logical3A_25, %and3A_27 : vector<256x128xi32>
    %convert_element_type3A_29 = arith.sitofp %and3A_28 : vector<256x128xi32> to vector<256x128xf32>
    %dot_general3A_30 = arith.constant dense<0.000000e+00> : vector<256x128xf32>
    %dot_general3A_31 = tpu.matmul %convert_element_type3A_29, %convert_element_type3A_5, %dot_general3A_30 {dimension_numbers = #tpu.dot_dimension_numbers<[1], [0], [0], [1], [0, 0, 1, 1], [], []>, transpose_lhs_hint = false} : vector<256x128xf32>, vector<128x128xf32>, vector<256x128xf32> -> vector<256x128xf32>
    %mul3A_32 = arith.constant 2.560000e+02 : f32
    %mul3A_33 = vector.broadcast %mul3A_32 : f32 to vector<256x128xf32>
    %mul3A_34 = arith.mulf %add3A, %mul3A_33 : vector<256x128xf32>
    %add3A_35 = arith.addf %mul3A_34, %dot_general3A_31 : vector<256x128xf32>
    %slice3A = vector.extract_strided_slice %add3A_35 {offsets = [0, 127], sizes = [256, 1], strides = [1, 1]} : vector<256x128xf32> to vector<256x1xf32>
    %convert_element_type3A_36 = arith.fptosi %slice3A : vector<256x1xf32> to vector<256x1xi32>
    %iota3A_37 = tpu.iota {dimensions = array<i32: 0>} : vector<256x256xi32>
    %iota3A_38 = tpu.iota {dimensions = array<i32: 1>} : vector<256x256xi32>
    %gt3A = arith.cmpi sgt, %iota3A_37, %iota3A_38 : vector<256x256xi32>
    %convert_element_type3A_39 = arith.extui %gt3A : vector<256x256xi1> to vector<256x256xi32>
    %convert_element_type3A_40 = arith.sitofp %convert_element_type3A_39 : vector<256x256xi32> to vector<256x256xf32>
    %shift_right_logical3A_41 = arith.constant 16 : i32
    %shift_right_logical3A_42 = vector.broadcast %shift_right_logical3A_41 : i32 to vector<256x1xi32>
    %shift_right_logical3A_43 = arith.shrui %convert_element_type3A_36, %shift_right_logical3A_42 : vector<256x1xi32>
    %and3A_44 = arith.constant 255 : i32
    %and3A_45 = vector.broadcast %and3A_44 : i32 to vector<256x1xi32>
    %and3A_46 = arith.andi %shift_right_logical3A_43, %and3A_45 : vector<256x1xi32>
    %convert_element_type3A_47 = arith.sitofp %and3A_46 : vector<256x1xi32> to vector<256x1xf32>
    %dot_general3A_48 = arith.constant dense<0.000000e+00> : vector<256x1xf32>
    %dot_general3A_49 = tpu.matmul %convert_element_type3A_40, %convert_element_type3A_47, %dot_general3A_48 {dimension_numbers = #tpu.dot_dimension_numbers<[1], [0], [0], [1], [0, 0, 1, 1], [], []>, transpose_lhs_hint = false} : vector<256x256xf32>, vector<256x1xf32>, vector<256x1xf32> -> vector<256x1xf32>
    %shift_right_logical3A_50 = arith.constant 8 : i32
    %shift_right_logical3A_51 = vector.broadcast %shift_right_logical3A_50 : i32 to vector<256x1xi32>
    %shift_right_logical3A_52 = arith.shrui %convert_element_type3A_36, %shift_right_logical3A_51 : vector<256x1xi32>
    %and3A_53 = arith.constant 255 : i32
    %and3A_54 = vector.broadcast %and3A_53 : i32 to vector<256x1xi32>
    %and3A_55 = arith.andi %shift_right_logical3A_52, %and3A_54 : vector<256x1xi32>
    %convert_element_type3A_56 = arith.sitofp %and3A_55 : vector<256x1xi32> to vector<256x1xf32>
    %dot_general3A_57 = arith.constant dense<0.000000e+00> : vector<256x1xf32>
    %dot_general3A_58 = tpu.matmul %convert_element_type3A_40, %convert_element_type3A_56, %dot_general3A_57 {dimension_numbers = #tpu.dot_dimension_numbers<[1], [0], [0], [1], [0, 0, 1, 1], [], []>, transpose_lhs_hint = false} : vector<256x256xf32>, vector<256x1xf32>, vector<256x1xf32> -> vector<256x1xf32>
    %mul3A_59 = arith.constant 2.560000e+02 : f32
    %mul3A_60 = vector.broadcast %mul3A_59 : f32 to vector<256x1xf32>
    %mul3A_61 = arith.mulf %dot_general3A_49, %mul3A_60 : vector<256x1xf32>
    %add3A_62 = arith.addf %mul3A_61, %dot_general3A_58 : vector<256x1xf32>
    %shift_right_logical3A_63 = arith.constant 0 : i32
    %shift_right_logical3A_64 = vector.broadcast %shift_right_logical3A_63 : i32 to vector<256x1xi32>
    %shift_right_logical3A_65 = arith.shrui %convert_element_type3A_36, %shift_right_logical3A_64 : vector<256x1xi32>
    %and3A_66 = arith.constant 255 : i32
    %and3A_67 = vector.broadcast %and3A_66 : i32 to vector<256x1xi32>
    %and3A_68 = arith.andi %shift_right_logical3A_65, %and3A_67 : vector<256x1xi32>
    %convert_element_type3A_69 = arith.sitofp %and3A_68 : vector<256x1xi32> to vector<256x1xf32>
    %dot_general3A_70 = arith.constant dense<0.000000e+00> : vector<256x1xf32>
    %dot_general3A_71 = tpu.matmul %convert_element_type3A_40, %convert_element_type3A_69, %dot_general3A_70 {dimension_numbers = #tpu.dot_dimension_numbers<[1], [0], [0], [1], [0, 0, 1, 1], [], []>, transpose_lhs_hint = false} : vector<256x256xf32>, vector<256x1xf32>, vector<256x1xf32> -> vector<256x1xf32>
    %mul3A_72 = arith.constant 2.560000e+02 : f32
    %mul3A_73 = vector.broadcast %mul3A_72 : f32 to vector<256x1xf32>
    %mul3A_74 = arith.mulf %add3A_62, %mul3A_73 : vector<256x1xf32>
    %add3A_75 = arith.addf %mul3A_74, %dot_general3A_71 : vector<256x1xf32>
    %add3A_76 = vector.broadcast %add3A_75 : vector<256x1xf32> to vector<256x128xf32>
    %add3A_77 = arith.addf %add3A_35, %add3A_76 : vector<256x128xf32>
    %le3A_78 = arith.constant 0x4B7FFFFF : f32
    %le3A_79 = vector.broadcast %le3A_78 : f32 to vector<256x128xf32>
    %le3A_80 = arith.cmpf ole, %add3A_77, %le3A_79 : vector<256x128xf32>
    %convert_element_type3A_81 = arith.extui %le3A_80 : vector<256x128xi1> to vector<256x128xi32>
    %reduce_sum3A_82 = vector.shape_cast %convert_element_type3A_81 : vector<256x128xi32> to vector<1x256x128xi32>
    %reduce_sum3A_83 = arith.constant dense<0> : vector<1xi32>
    %reduce_sum3A_84 = vector.multi_reduction <add>, %reduce_sum3A_82, %reduce_sum3A_83 [1, 2] : vector<1x256x128xi32> to vector<1xi32>
    %reduce_sum3A_85 = vector.shape_cast %reduce_sum3A_84 : vector<1xi32> to vector<1x1x1xi32>
    %reduce_sum3A_86 = vector.extract %reduce_sum3A_85[0, 0, 0] : i32 from vector<1x1x1xi32>
    %le3A_87 = arith.constant 0x4B7FF971 : f32
    %le3A_88 = vector.broadcast %le3A_87 : f32 to vector<256x128xf32>
    %le3A_89 = arith.cmpf ole, %add3A_77, %le3A_88 : vector<256x128xf32>
    %convert_element_type3A_90 = arith.extui %le3A_89 : vector<256x128xi1> to vector<256x128xi32>
    %reduce_sum3A_91 = vector.shape_cast %convert_element_type3A_90 : vector<256x128xi32> to vector<1x256x128xi32>
    %reduce_sum3A_92 = arith.constant dense<0> : vector<1xi32>
    %reduce_sum3A_93 = vector.multi_reduction <add>, %reduce_sum3A_91, %reduce_sum3A_92 [1, 2] : vector<1x256x128xi32> to vector<1xi32>
    %reduce_sum3A_94 = vector.shape_cast %reduce_sum3A_93 : vector<1xi32> to vector<1x1x1xi32>
    %reduce_sum3A_95 = vector.extract %reduce_sum3A_94[0, 0, 0] : i32 from vector<1x1x1xi32>
    %le3A_96 = arith.constant 0x4B7FBE76 : f32
    %le3A_97 = vector.broadcast %le3A_96 : f32 to vector<256x128xf32>
    %le3A_98 = arith.cmpf ole, %add3A_77, %le3A_97 : vector<256x128xf32>
    %convert_element_type3A_99 = arith.extui %le3A_98 : vector<256x128xi1> to vector<256x128xi32>
    %reduce_sum3A_100 = vector.shape_cast %convert_element_type3A_99 : vector<256x128xi32> to vector<1x256x128xi32>
    %reduce_sum3A_101 = arith.constant dense<0> : vector<1xi32>
    %reduce_sum3A_102 = vector.multi_reduction <add>, %reduce_sum3A_100, %reduce_sum3A_101 [1, 2] : vector<1x256x128xi32> to vector<1xi32>
    %reduce_sum3A_103 = vector.shape_cast %reduce_sum3A_102 : vector<1xi32> to vector<1x1x1xi32>
    %reduce_sum3A_104 = vector.extract %reduce_sum3A_103[0, 0, 0] : i32 from vector<1x1x1xi32>
    %le3A_105 = arith.constant 0x4B7D70A3 : f32
    %le3A_106 = vector.broadcast %le3A_105 : f32 to vector<256x128xf32>
    %le3A_107 = arith.cmpf ole, %add3A_77, %le3A_106 : vector<256x128xf32>
    %convert_element_type3A_108 = arith.extui %le3A_107 : vector<256x128xi1> to vector<256x128xi32>
    %reduce_sum3A_109 = vector.shape_cast %convert_element_type3A_108 : vector<256x128xi32> to vector<1x256x128xi32>
    %reduce_sum3A_110 = arith.constant dense<0> : vector<1xi32>
    %reduce_sum3A_111 = vector.multi_reduction <add>, %reduce_sum3A_109, %reduce_sum3A_110 [1, 2] : vector<1x256x128xi32> to vector<1xi32>
    %reduce_sum3A_112 = vector.shape_cast %reduce_sum3A_111 : vector<1xi32> to vector<1x1x1xi32>
    %reduce_sum3A_113 = vector.extract %reduce_sum3A_112[0, 0, 0] : i32 from vector<1x1x1xi32>
    %iota3A_114 = tpu.iota {dimensions = array<i32: 1>} : vector<1x128xi32>
    %broadcast_in_dim3A = arith.constant 0 : i32
    %broadcast_in_dim3A_115 = vector.broadcast %broadcast_in_dim3A : i32 to vector<1x128xi32>
    %eq3A = arith.constant 0 : i32
    %eq3A_116 = vector.broadcast %eq3A : i32 to vector<1x128xi32>
    %eq3A_117 = arith.cmpi eq, %iota3A_114, %eq3A_116 : vector<1x128xi32>
    %mul3A_118 = arith.constant 65536 : i32
    %mul3A_119 = arith.muli %reduce_sum3A_86, %mul3A_118 : i32
    %add3A_120 = arith.constant 32768 : i32
    %add3A_121 = arith.addi %mul3A_119, %add3A_120 : i32
    %broadcast_in_dim3A_122 = vector.broadcast %add3A_121 : i32 to vector<1x128xi32>
    %select_n3A = arith.select %eq3A_117, %broadcast_in_dim3A_122, %broadcast_in_dim3A_115 : vector<1x128xi1>, vector<1x128xi32>
    %eq3A_123 = arith.constant 1 : i32
    %eq3A_124 = vector.broadcast %eq3A_123 : i32 to vector<1x128xi32>
    %eq3A_125 = arith.cmpi eq, %iota3A_114, %eq3A_124 : vector<1x128xi32>
    %mul3A_126 = arith.constant 65536 : i32
    %mul3A_127 = arith.muli %reduce_sum3A_95, %mul3A_126 : i32
    %add3A_128 = arith.constant 32768 : i32
    %add3A_129 = arith.addi %mul3A_127, %add3A_128 : i32
    %broadcast_in_dim3A_130 = vector.broadcast %add3A_129 : i32 to vector<1x128xi32>
    %select_n3A_131 = arith.select %eq3A_125, %broadcast_in_dim3A_130, %select_n3A : vector<1x128xi1>, vector<1x128xi32>
    %eq3A_132 = arith.constant 2 : i32
    %eq3A_133 = vector.broadcast %eq3A_132 : i32 to vector<1x128xi32>
    %eq3A_134 = arith.cmpi eq, %iota3A_114, %eq3A_133 : vector<1x128xi32>
    %mul3A_135 = arith.constant 65536 : i32
    %mul3A_136 = arith.muli %reduce_sum3A_104, %mul3A_135 : i32
    %add3A_137 = arith.constant 32768 : i32
    %add3A_138 = arith.addi %mul3A_136, %add3A_137 : i32
    %broadcast_in_dim3A_139 = vector.broadcast %add3A_138 : i32 to vector<1x128xi32>
    %select_n3A_140 = arith.select %eq3A_134, %broadcast_in_dim3A_139, %select_n3A_131 : vector<1x128xi1>, vector<1x128xi32>
    %eq3A_141 = arith.constant 3 : i32
    %eq3A_142 = vector.broadcast %eq3A_141 : i32 to vector<1x128xi32>
    %eq3A_143 = arith.cmpi eq, %iota3A_114, %eq3A_142 : vector<1x128xi32>
    %mul3A_144 = arith.constant 65536 : i32
    %mul3A_145 = arith.muli %reduce_sum3A_113, %mul3A_144 : i32
    %add3A_146 = arith.constant 32768 : i32
    %add3A_147 = arith.addi %mul3A_145, %add3A_146 : i32
    %broadcast_in_dim3A_148 = vector.broadcast %add3A_147 : i32 to vector<1x128xi32>
    %select_n3A_149 = arith.select %eq3A_143, %broadcast_in_dim3A_148, %select_n3A_140 : vector<1x128xi1>, vector<1x128xi32>
    %bitcast_convert_type3A = tpu.bitcast %select_n3A_149 : vector<1x128xi32> -> vector<1x128xf32>
    %broadcast_in_dim3A_150 = arith.constant 0.000000e+00 : f32
    %broadcast_in_dim3A_151 = vector.broadcast %broadcast_in_dim3A_150 : f32 to vector<1x128xf32>
    %eq3A_152 = arith.constant 0 : i32
    %eq3A_153 = vector.broadcast %eq3A_152 : i32 to vector<1x128xi32>
    %eq3A_154 = arith.cmpi eq, %iota3A_114, %eq3A_153 : vector<1x128xi32>
    %get3A_155 = arith.constant 0 : index
    %get3A_156 = memref.load %arg1[%get3A_155] : memref<4xf32, #tpu.memory_space<smem>>
    %broadcast_in_dim3A_157 = vector.broadcast %get3A_156 : f32 to vector<1x128xf32>
    %select_n3A_158 = arith.select %eq3A_154, %broadcast_in_dim3A_157, %broadcast_in_dim3A_151 : vector<1x128xi1>, vector<1x128xf32>
    %eq3A_159 = arith.constant 1 : i32
    %eq3A_160 = vector.broadcast %eq3A_159 : i32 to vector<1x128xi32>
    %eq3A_161 = arith.cmpi eq, %iota3A_114, %eq3A_160 : vector<1x128xi32>
    %get3A_162 = arith.constant 1 : index
    %get3A_163 = memref.load %arg1[%get3A_162] : memref<4xf32, #tpu.memory_space<smem>>
    %broadcast_in_dim3A_164 = vector.broadcast %get3A_163 : f32 to vector<1x128xf32>
    %select_n3A_165 = arith.select %eq3A_161, %broadcast_in_dim3A_164, %select_n3A_158 : vector<1x128xi1>, vector<1x128xf32>
    %eq3A_166 = arith.constant 2 : i32
    %eq3A_167 = vector.broadcast %eq3A_166 : i32 to vector<1x128xi32>
    %eq3A_168 = arith.cmpi eq, %iota3A_114, %eq3A_167 : vector<1x128xi32>
    %get3A_169 = arith.constant 2 : index
    %get3A_170 = memref.load %arg1[%get3A_169] : memref<4xf32, #tpu.memory_space<smem>>
    %broadcast_in_dim3A_171 = vector.broadcast %get3A_170 : f32 to vector<1x128xf32>
    %select_n3A_172 = arith.select %eq3A_168, %broadcast_in_dim3A_171, %select_n3A_165 : vector<1x128xi1>, vector<1x128xf32>
    %eq3A_173 = arith.constant 3 : i32
    %eq3A_174 = vector.broadcast %eq3A_173 : i32 to vector<1x128xi32>
    %eq3A_175 = arith.cmpi eq, %iota3A_114, %eq3A_174 : vector<1x128xi32>
    %get3A_176 = arith.constant 3 : index
    %get3A_177 = memref.load %arg1[%get3A_176] : memref<4xf32, #tpu.memory_space<smem>>
    %broadcast_in_dim3A_178 = vector.broadcast %get3A_177 : f32 to vector<1x128xf32>
    %select_n3A_179 = arith.select %eq3A_175, %broadcast_in_dim3A_178, %select_n3A_172 : vector<1x128xi1>, vector<1x128xf32>
    %mul3A_180 = arith.constant 9.900000e-01 : f32
    %mul3A_181 = vector.broadcast %mul3A_180 : f32 to vector<1x128xf32>
    %mul3A_182 = arith.mulf %select_n3A_179, %mul3A_181 : vector<1x128xf32>
    %mul3A_183 = arith.constant 0.00999999977 : f32
    %mul3A_184 = vector.broadcast %mul3A_183 : f32 to vector<1x128xf32>
    %mul3A_185 = arith.mulf %bitcast_convert_type3A, %mul3A_184 : vector<1x128xf32>
    %add3A_186 = arith.addf %mul3A_182, %mul3A_185 : vector<1x128xf32>
    %swap3A = arith.constant 0 : index
    %swap3A_187 = arith.constant 0 : index
    %swap3A_188 = vector.load %arg2[%swap3A, %swap3A_187] : memref<1x128xf32, #tpu.memory_space<vmem>>, vector<1x128xf32>
    tpu.vector_store %arg2[%swap3A, %swap3A_187], %add3A_186 {strides = array<i32>} : memref<1x128xf32, #tpu.memory_space<vmem>>, vector<1x128xf32>,
    return
  }
}

module attributes {stable_mosaic.version = 14 : i64} {
  func.func @cp(%arg0: i32, %arg1: i32, %arg2: memref<1x512x2048xf32, #tpu.memory_space<vmem>>, %arg3: memref<1x512x2048xf32, #tpu.memory_space<vmem>>) attributes {dimension_semantics = [#tpu.dimension_semantics<arbitrary>, #tpu.dimension_semantics<arbitrary>], iteration_bounds = array<i64: 2, 8>, scalar_prefetch = 0 : i64, scratch_operands = 0 : i64, tpu.core_type = #tpu.core_type<tc>, window_params = [{transform_indices = @transform_0, window_bounds = array<i64: 1, 512, 2048>}, {transform_indices = @transform_1, window_bounds = array<i64: 1, 512, 2048>}]} {
    %get3A = arith.constant 0 : index
    %get3A_0 = arith.constant 0 : index
    %get3A_1 = arith.constant 0 : index
    %get3A_2 = vector.load %arg2[%get3A, %get3A_0, %get3A_1] : memref<1x512x2048xf32, #tpu.memory_space<vmem>>, vector<1x512x2048xf32>
    %swap3A = arith.constant 0 : index
    %swap3A_3 = arith.constant 0 : index
    %swap3A_4 = arith.constant 0 : index
    %swap3A_5 = vector.load %arg3[%swap3A, %swap3A_3, %swap3A_4] : memref<1x512x2048xf32, #tpu.memory_space<vmem>>, vector<1x512x2048xf32>
    tpu.vector_store %arg3[%swap3A, %swap3A_3, %swap3A_4], %get3A_2 {strides = array<i32>} : memref<1x512x2048xf32, #tpu.memory_space<vmem>>, vector<1x512x2048xf32>,
    return
  }
  func.func @transform_0(%arg0: i32, %arg1: i32) -> (i32, i32, i32) {
    %c0_i32 = arith.constant 0 : i32
    %c0_i32_0 = arith.constant 0 : i32
    return %arg0, %arg1, %c0_i32 : i32, i32, i32
  }
  func.func @transform_1(%arg0: i32, %arg1: i32) -> (i32, i32, i32) {
    %c0_i32 = arith.constant 0 : i32
    %c0_i32_0 = arith.constant 0 : i32
    return %arg0, %arg1, %c0_i32 : i32, i32, i32
  }
}

</mosaic_0001>

<sc_bundles>
// kernel: kernel.5.cloned.1.call-start
scs
__scs_entry_jumppad:
0x0: {  	(pc) =	sbr.rel $0x88, $3  }
0x1: {  	(tag) =	ssettag $0x0;
	lr =	simm.s32 $0x1  }
0x2: {  	[smem:$0x3F9C] =	sst lr;
	_ =	strace $0xD0000000  }
0x3: {  	_ = 	snop  }
0x4: {  	_ = 	snop  }
0x5: {  	_ = 	snop  }
0x6: {  	_ = 	snop  }
0x7: {  	_ = 	snop  }
__scs_overlays_trampoline_lowered:
0x8: {  	[smem:$0x3FAB] =	sst s0  }
0x9: {  	[smem:$0x3FAC] =	sst s1  }
0xa: {  	[smem:$0x3FAD] =	sst s2  }
0xb: {  	[smem:$0x3FAE] =	sst s3  }
0xc: {  	[smem:$0x3FAF] =	sst s4  }
0xd: {  	[smem:$0x3FB0] =	sst s5  }
0xe: {  	[smem:$0x3FB1] =	sst s6  }
0xf: {  	[smem:$0x3FB2] =	sst s7  }
0x10: {  	[smem:$0x3FB3] =	sst s8  }
0x11: {  	[smem:$0x3FB4] =	sst s9;
	s0 =	simm.s32 @!p0 $0x0  }
0x12: {  	s1 =	sld [smem:$0x3F9A];
	s0 =	simm.s32 @p0 $0x1  }
0x13: {  	[smem:$0x3FB5] =	sst s0;
	s0 =	simm.s32 @!p1 $0x0  }
0x14: {  	s2 =	sld [smem:$0x3F99];
	s0 =	simm.s32 @p1 $0x1  }
0x15: {  	[smem:$0x3FB6] =	sst s0;
	s0 =	simm.s32 @!p2 $0x0  }
0x16: {  	s3 =	sld [smem:$0x3FDB];
	s0 =	simm.s32 @p2 $0x1  }
0x17: {  	s4 =	simm.s32 $0x1BF5;
	[smem:$0x3FB8] =	sst s0  }
0x18: {  	s0 =	sld [smem:$0x3F9B];
	_ =	swait.ge [sflag:s4], $0x0  }
0x19: {  	s7 =	sld [smem:$0x3F9C]  }
0x1a: {  	s8 =	sadd.s32 $0xFFFFE003, lr  }
0x1b: {  	s9 =	sadd.s32 $0xFFFFFEF7, lr;
	s5 =	simm.s32 $0xFFFFFFFF;
	p2 =	slt.u32 s8, $0xFFFFF086  }
0x1c: {  	p1 =	slt.u32 s9, $0xF7A;
	s5 =	simm.s32 @!p2 $0x0  }
0x1d: {  	s5 =	simm.s32 @p1 $0x1;
	p0 =	seq.s32 s7, s2  }
0x1e: {  	s7 =	smul.u32 @!p0 $0xF7A, s2;
	p2 =	seq.s32 @!p0 s5, $0x0  }
0x1f: {  	s9 =	smul.u32 $0xF7A, s1;
	s8 =	simm.s32 @!p0 $0x1BF5;
	p2 =	por !p2, p0  }
0x20: {  	[sflag:s8] =	ssyncset.s32 @!p0 $0xFFFFF086;
	s6 =	sadd.s32 @!p0 s3, s7;
	s7 =	simm.s32 @!p0 $0x108  }
0x21: {  	s3 =	sadd.s32 s3, s9;
	s6 =	sadd.s32 @!p0 $0x88, s6;
	s7 =	simm.s32 @p2 $0x1082  }
0x22: {  	[simem:s7], [sflag:s8] =	dma.local @!p0 [hbm:s6], $0xF7A  }
0x23: {  	s9 =	sor.u32 $0xD0000000, s2;
	s6 =	simm.s32 $0x108;
	_ =	swait.ge @!p0 [sflag:s8], $0x0  }
0x24: {  	s3 =	sadd.s32 $0x88, s3;
	s6 =	simm.s32 @!p1 $0x1082;
	[sflag:s4] =	ssyncset.s32 $0xFFFFF086  }
0x25: {  	[simem:s6], [sflag:s4] =	dma.local [hbm:s3], $0xF7A  }
0x26: {  	[smem:$0x3F9C] =	sst s1;
	(tag) =	ssettag s2;
	_ =	strace s9  }
0x27: {  	s1 =	sld [smem:$0x3FAC]  }
0x28: {  	s2 =	sld [smem:$0x3FAD]  }
0x29: {  	s4 =	sld [smem:$0x3FAF]  }
0x2a: {  	p0 =	seq.s32 s5, $0x0;
	s5 =	sld [smem:$0x3FB0]  }
0x2b: {  	s6 =	sld [smem:$0x3FB1]  }
0x2c: {  	s7 =	sld [smem:$0x3FB2]  }
0x2d: {  	s3 =	simm.s32 $0x108;
	s8 =	sld [smem:$0x3FB3]  }
0x2e: {  	s3 =	simm.s32 @!p0 $0x1082;
	s9 =	sld [smem:$0x3FB4]  }
0x2f: {  	lr =	sadd.s32 s0, s3;
	s0 =	sld [smem:$0x3FAB]  }
0x30: {  	s3 =	sld [smem:$0x3FAE]  }
0x31: {  	[smem:$0x3FB7] =	sst s10  }
0x32: {  	s10 =	sld [smem:$0x3FB5];
	_ =	sdelay $0x3  }
0x33: {  	p0 =	seq.s32 s10, $0x1;
	s10 =	sld [smem:$0x3FB7];
	_ =	sdelay $0x3  }
0x34: {  	[smem:$0x3FB7] =	sst s10  }
0x35: {  	s10 =	sld [smem:$0x3FB6];
	_ =	sdelay $0x3  }
0x36: {  	p1 =	seq.s32 s10, $0x1;
	s10 =	sld [smem:$0x3FB7];
	_ =	sdelay $0x3  }
0x37: {  	[smem:$0x3FB7] =	sst s10  }
0x38: {  	s10 =	sld [smem:$0x3FB8]  }
0x39: {  	_ = 	snop;
	(pc) =	sbr.ind lr, $3  }
0x3a: {  	_ = 	snop  }
0x3b: {  	_ = 	snop  }
0x3c: {  	p2 =	seq.s32 s10, $0x1;
	s10 =	sld [smem:$0x3FB7]  }
0x3d: {  	_ =	shalt  }
0x3e: {  	_ =	shalt  }
0x3f: {  	_ =	shalt  }
0x40: {  	_ =	shalt  }
0x41: {  	_ =	shalt  }
0x42: {  	_ =	shalt  }
0x43: {  	_ =	shalt  }
0x44: {  	_ =	shalt  }
0x45: {  	_ =	shalt  }
0x46: {  	_ =	shalt  }
0x47: {  	_ =	shalt  }
0x48: {  	_ =	shalt  }
0x49: {  	_ =	shalt  }
0x4a: {  	_ =	shalt  }
0x4b: {  	_ =	shalt  }
0x4c: {  	_ =	shalt  }
0x4d: {  	_ =	shalt  }
0x4e: {  	_ =	shalt  }
0x4f: {  	_ =	shalt  }
0x50: {  	_ =	shalt  }
0x51: {  	_ =	shalt  }
0x52: {  	_ =	shalt  }
0x53: {  	_ =	shalt  }
0x54: {  	_ =	shalt  }
0x55: {  	_ =	shalt  }
0x56: {  	_ =	shalt  }
0x57: {  	_ =	shalt  }
0x58: {  	_ =	shalt  }
0x59: {  	_ =	shalt  }
0x5a: {  	_ =	shalt  }
0x5b: {  	_ =	shalt  }
0x5c: {  	_ =	shalt  }
0x5d: {  	_ =	shalt  }
0x5e: {  	_ =	shalt  }
0x5f: {  	_ =	shalt  }
0x60: {  	_ =	shalt  }
0x61: {  	_ =	shalt  }
0x62: {  	_ =	shalt  }
0x63: {  	_ =	shalt  }
0x64: {  	_ =	shalt  }
0x65: {  	_ =	shalt  }
0x66: {  	_ =	shalt  }
0x67: {  	_ =	shalt  }
0x68: {  	_ =	shalt  }
0x69: {  	_ =	shalt  }
0x6a: {  	_ =	shalt  }
0x6b: {  	_ =	shalt  }
0x6c: {  	_ =	shalt  }
0x6d: {  	_ =	shalt  }
0x6e: {  	_ =	shalt  }
0x6f: {  	_ =	shalt  }
0x70: {  	_ =	shalt  }
0x71: {  	_ =	shalt  }
0x72: {  	_ =	shalt  }
0x73: {  	_ =	shalt  }
0x74: {  	_ =	shalt  }
0x75: {  	_ =	shalt  }
0x76: {  	_ =	shalt  }
0x77: {  	_ =	shalt  }
0x78: {  	_ =	shalt  }
0x79: {  	_ =	shalt  }
0x7a: {  	_ =	shalt  }
0x7b: {  	_ =	shalt  }
0x7c: {  	_ =	shalt  }
0x7d: {  	_ =	shalt  }
0x7e: {  	_ =	shalt  }
0x7f: {  	_ =	shalt  }
0x80: {  	_ =	shalt  }
0x81: {  	_ =	shalt  }
0x82: {  	_ =	shalt  }
0x83: {  	_ =	shalt  }
0x84: {  	_ =	shalt  }
0x85: {  	_ =	shalt  }
0x86: {  	_ =	shalt  }
0x87: {  	_ =	shalt  }
.Lfunc_end0:
.L_simem_size_0:
called_computation_lowered:
.L_overlay_start_0:
0x88: {  	s2 =	sld [smem:$0x3FD9]  }
0x89: {  	s3 =	sld [smem:$0x3FFE];
	_ =	sdelay $0x1  }
0x8a: {  	s1 =	srdreg.scid  }
0x8b: {  	s0 =	sand.u32 $0x1, s1  }
0x8c: {  	s17 =	sshll.u32 s0, $0xA;
	s2 =	sadd.s32 s3, s2  }
0x8d: {  	s2 =	sadd.s32 s2, s17  }
0x8e: {  	[smem:$0x3FC3] =	sst s2  }
0x8f: {  	_ = 	snop  }
0x90: {  	s2 =	sld [smem:$0x3FC9];
	(tm) =	ssettm $0x1  }
0x91: {  	s18 =	sld [smem:$0x3FFB];
	_ =	sdelay $0x3  }
0x92: {  	_ =	strace s18  }
0x93: {  	s3 =	sld [smem:$0x3FFC];
	_ =	sdelay $0x3  }
0x94: {  	_ =	strace s3  }
0x95: {  	s3 =	sld [smem:$0x3FFD];
	_ =	sdelay $0x3  }
0x96: {  	_ =	strace s3  }
0x97: {  	_ =	strace $0x8FFFFFFF  }
0x98: {  	s19 =	sld [smem:$0x3FDB];
	_ =	sdelay $0x1  }
0x99: {  	s4 =	simm.s32 $_scs_section_size  }
0x9a: {  	s5 =	simm.s32 $_size__tile_overlayer_lowered;
	s6 =	simm.s32 $_tile_overlayer_lowered  }
0x9b: {  	s22 =	simm.s32 $0x1BFF;
	s21 =	sshll.u32 s6, $0x1;
	s3 =	sadd.s32 s4, s19  }
0x9c: {  	s7 =	simm.s32 $0x0;
	s20 =	sshll.u32 s5, $0x1;
	s5 =	sadd.s32 s21, s3  }
0x9d: {  	[timem:s7], [sflag:s22] =	dma.local [hbm:s5], s20  }
0x9e: {  	_ =	swait.ge [sflag:s22], s20  }
0x9f: {  	s4 =	ssub.s32 $0x0, s20;
	[sflag:s22] =	ssyncset.done $0x0  }
0xa0: {  	[sflag:s22] =	ssyncadd.s32 s4;
	_ =	sdelay $0x1  }
0xa1: {  	s23 =	simm.s32 $0x1B8B  }
0xa2: {  	_ =	swait.ge [sflag:s23], $0x1  }
0xa3: {  	[sflag:s23] =	ssyncset.done $0x0  }
0xa4: {  	s25 =	simm.s32 $0x1B8E;
	s24 =	sld [smem:$0x3FFE];
	[sflag:s23] =	ssyncadd.s32 $0xFFFFFFFF  }
0xa5: {  	s26 =	simm.s32 $execute0_lowered;
	[smem:$0x3FD2] =	sst s25  }
0xa6: {  	s5 =	sshll.u32 s26, $0x1;
	_ =	strace $0x80000046;
	[dreg:$0x1] =	wrdreg $0xFFFFFFFF  }
0xa7: {  	s28 =	simm.s32 $_size_execute0_lowered;
	s3 =	sadd.s32 s3, s5;
	[dreg:$0x0] =	wrdreg $0x0  }
0xa8: {  	s5 =	sshll.u32 s28, $0x1;
	[dreg:$0x2] =	wrdreg s3  }
0xa9: {  	[dreg:$0x3] =	wrdreg s5  }
0xaa: {  	[dreg:$0x4] =	wrdreg $0xC0  }
0xab: {  	_ =	task [dreg:s7], $0x5FFFF  }
0xac: {  	[dreg:$0x1] =	wrdreg $0xFFFFFFFF  }
0xad: {  	[dreg:$0x0] =	wrdreg $0x60  }
0xae: {  	[dreg:$0x2] =	wrdreg s2  }
0xaf: {  	[dreg:$0x3] =	wrdreg s24  }
0xb0: {  	[dreg:$0x4] =	wrdreg $0x9  }
0xb1: {  	_ =	task.clear_ibuf [dreg:s7], $0x5FFFF;
	_ =	strace $0x90000046  }
0xb2: {  	s29 =	simm.s32 $0x9;
	_ =	strace $0x80000048  }
0xb3: {  	_ =	swait.ge [sflag:s29], $0x1  }
0xb4: {  	[sflag:s29] =	ssyncadd.s32 $0xFFFFFFFF  }
0xb5: {  	_ =	strace $0x90000048  }
0xb6: {  	_ =	sfence  }
0xb7: {  	s30 =	sld [smem:$0x0];
	_ =	sdelay $0x2  }
0xb8: {  	s31 =	sshll.u32 s1, $0xD;
	s1 =	sshrl.u32 s1, $0x2  }
0xb9: {  	s3 =	sand.u32 $0x4000, s31;
	s1 =	sadd.s32 s1, s30  }
0xba: {  	s0 =	sor.u32 s3, s0;
	s1 =	sshll.u32 s1, $0x11  }
0xbb: {  	s0 =	sor.u32 s1, s0  }
0xbc: {  	s0 =	sadd.s32 $0x8F2B, s0  }
0xbd: {  	[sflag:s0] =	ssyncadd.remote.s32 $0x1  }
0xbe: {  	_ =	sfence.sel $0xFFFF  }
0xbf: {  	[dreg:$0x0] =	wrdreg $0xFFFFFFFF;
	(pc) =	sbr.abs _section_cstart, $3  }
0xc0: {  	[dreg:$0x1] =	wrdreg $0xFFFFFFFF  }
0xc1: {  	_ =	task.clear_ibuf [dreg:s7], $0x2FFFF;
	_ =	strace $0x9FFFFFFF  }
0xc2: {  	(tm) =	ssettm $0x7FFFFFFF  }
0xc3: {  	_ =	shalt  }
tec
execute0_lowered:
.L_overlay_start_1:
0x0: {  	(tag) =	ssettag $0x1  }
0x1: {  	s1 =	srdreg.scid;
	s2 =	rddreg [dreg:$0x0]  }
0x2: {  	s0 =	stileid.u32;
	s5 =	rddreg [dreg:$0x1]  }
0x3: {  	s3 =	simm.s32 $0x0;
	s14 =	simm.s32 $0x8000;
	s15 =	simm.s32 $0xC000  }
0x4: {  	s16 =	simm.s32 $0x10000;
	s17 =	simm.s32 $0x14000;
	s18 =	simm.s32 $0x1  }
0x5: {  	s19 =	simm.s32 $0x2;
	s20 =	simm.s32 $0x3;
	s21 =	simm.s32 $0x4  }
0x6: {  	s22 =	simm.s32 $0x5;
	s23 =	simm.s32 $0x0;
	s4 =	sand.u32 $0x1, s1  }
0x7: {  	s28 =	sshll.u32 s0, $0x1;
	s1 =	rddreg [dreg:$0x2];
	s8 =	sshll.u32 s0, $0x14  }
0x8: {  	[smem:$0x7FF] =	sst s3;
	s6 =	sor.u32 s4, s28;
	s8 =	sand.u32 $0x800000, s8  }
0x9: {  	_ =	strace $0x80000047;
	s29 =	ssub.s32 $0x2, s4;
	s7 =	sshll.u32 s6, $0x13  }
0xa: {  	s6 =	sshll.u32 s6, $0xC;
	s31 =	sshrl.u32 s29, $0x1;
	s7 =	sand.u32 $0x780000, s7  }
.Ltmp0:
0xb: {  	s12 =	sadd.s32 s6, s5;
	s13 =	ssub.s32 s29, s31;
	(pc) =	sbr.rel .LBB2_1-.Ltmp0, $4  }
0xc: {  	s11 =	sor.u32 s8, s7;
	s12 =	sadd.s32 $0x800, s12;
	s13 =	smax.u32 s13, $0x1  }
0xd: {  	s30 =	sshrl.u32 s11, $0x3;
	s8 =	sor.u32 $0x10000, s11;
	s9 =	sor.u32 $0x14000, s11  }
0xe: {  	s10 =	sor.u32 $0x18000, s11;
	s11 =	sor.u32 $0x1C000, s11;
	s4 =	sadd.s32 s2, s30  }
0xf: {  	v0 =	vimm.s32 $0x0;
	v1 =	vimm.s32 $0x1;
	s5 =	sadd.s32 $0x800, s4;
	s6 =	sadd.s32 $0x1000, s4;
	s7 =	sadd.s32 $0x1800, s4  }
.LBB2_70:
0x10: {  	s23 =	sadd.s32 $0x1, s23  }
0x11: {  	p0 =	sne.s32 s23, s13  }
.Ltmp1:
0x12: {  	_ = 	snop;
	(pc) =	sbr.rel @!p0 .LBB2_71-.Ltmp1, $4  }
0x13: {  	[hbm4b:s12+s3] =	stream.linear.scatter [tilespmem:s3], [sflag:$0x5], $0x8000, $0x38;
	[tilespmem:$0x18000] =	vst v63  }
0x14: {  	_ =	swait.ge [sflag:s22], $0x8000  }
0x15: {  	[sflag:s22] =	ssyncset.done $0x0  }
0x16: {  	[sflag:s22] =	ssyncadd.s32 $0xFFFF8000  }
.LBB2_1:
0x17: {  	[tilespmem:s14], [sflag:$0x1] =	stream.linear.gather [hbm4b:s4+s3], $0x4000, $0x38;
	[tilespmem:$0x18000] =	vst v63  }
0x18: {  	_ = 	snop  }
0x19: {  	[tilespmem:s15], [sflag:$0x2] =	stream.linear.gather [hbm4b:s5+s3], $0x4000, $0x38;
	[tilespmem:$0x18000] =	vst v63  }
0x1a: {  	_ = 	snop  }
0x1b: {  	[tilespmem:s16], [sflag:$0x3] =	stream.linear.gather [hbm4b:s6+s3], $0x4000, $0x38;
	[tilespmem:$0x18000] =	vst v63  }
0x1c: {  	s25 =	simm.s32 $0x40  }
0x1d: {  	[tilespmem:s17], [sflag:$0x4] =	stream.linear.gather [hbm4b:s7+s3], $0x4000, $0x38;
	[tilespmem:$0x18000] =	vst v63  }
0x1e: {  	[tilespmem:s25+$0xFFFFFFC0] =	vst v0  }
0x1f: {  	[tilespmem:s25+$0x30] =	vst v0  }
0x20: {  	[tilespmem:s25+$0x20] =	vst v0  }
0x21: {  	[tilespmem:s25+$0x10] =	vst v0  }
0x22: {  	[tilespmem:s25+$0x0] =	vst v0  }
0x23: {  	[tilespmem:s25+$0xFFFFFFF0] =	vst v0  }
0x24: {  	s26 =	simm.s32 $0x0;
	[tilespmem:s25+$0xFFFFFFE0] =	vst v0  }
.LBB2_2:
0x25: {  	s26 =	sadd.s32 $0x8, s26;
	[tilespmem:s25+$0xFFFFFFD0] =	vst v0;
	s25 =	sadd.s32 $0x80, s25;
	s24 =	simm.s32 $0x0  }
0x26: {  	[tilespmem:s25+$0xFFFFFFC0] =	vst v0;
	p0 =	slt.u32 s26, $0x7F8  }
0x27: {  	[tilespmem:s25+$0x30] =	vst v0  }
.Ltmp2:
0x28: {  	[tilespmem:s25+$0x20] =	vst v0;
	(pc) =	sbr.rel @p0 .LBB2_2-.Ltmp2, $4  }
0x29: {  	[tilespmem:s25+$0x10] =	vst v0  }
0x2a: {  	[tilespmem:s25+$0x0] =	vst v0  }
0x2b: {  	[tilespmem:s25+$0xFFFFFFF0] =	vst v0  }
0x2c: {  	[tilespmem:s25+$0xFFFFFFE0] =	vst v0  }
0x2d: {  	[tilespmem:s25+$0xFFFFFFD0] =	vst v0  }
.LBB2_4:
0x2e: {  	_ =	swait.ge [sflag:s18], $0x4000  }
0x2f: {  	[sflag:s18] =	ssyncset.done $0x0  }
0x30: {  	s25 =	simm.s32 $0x8400;
	[sflag:s18] =	ssyncadd.s32 $0xFFFFC000  }
0x31: {  	v2 =	vld [tilespmem:s25+$0xFFFFFC20]  }
0x32: {  	v3 =	vld [tilespmem:s25+$0xFFFFFC30]  }
0x33: {  	v4 =	vld [tilespmem:s25+$0xFFFFFC40]  }
0x34: {  	v5 =	vld [tilespmem:s25+$0xFFFFFC50]  }
0x35: {  	v6 =	vld [tilespmem:s25+$0xFFFFFC00]  }
0x36: {  	v7 =	vld [tilespmem:s25+$0x70]  }
0x37: {  	v8 =	vld [tilespmem:s25+$0x60]  }
0x38: {  	v9 =	vld [tilespmem:s25+$0x50]  }
0x39: {  	v10 =	vld [tilespmem:s25+$0x40]  }
0x3a: {  	v11 =	vld [tilespmem:s25+$0x30]  }
0x3b: {  	v12 =	vld [tilespmem:s25+$0x20];
	v6 =	vshrl.u32 v6, $0x10  }
0x3c: {  	v13 =	vld [tilespmem:s25+$0x10];
	v7 =	vshrl.u32 v7, $0x10;
	v6 =	vand.u32 $0x7FFF, v6  }
0x3d: {  	v14 =	vld [tilespmem:s25+$0x0];
	v8 =	vshrl.u32 v8, $0x10;
	v7 =	vand.u32 $0x7FFF, v7  }
0x3e: {  	v15 =	vld [tilespmem:s25+$0xFFFFFC70];
	v9 =	vshrl.u32 v9, $0x10;
	v8 =	vand.u32 $0x7FFF, v8  }
0x3f: {  	v16 =	vld [tilespmem:s25+$0xFFFFFC60];
	v11 =	vshrl.u32 v11, $0x10;
	v9 =	vand.u32 $0x7FFF, v9  }
0x40: {  	v61 =	vld [tilespmem:s25+$0xFFFFFC10];
	v10 =	vshrl.u32 v10, $0x10;
	v56 =	vand.u32 $0x7FFF, v11  }
0x41: {  	v57 =	vshrl.u32 v12, $0x10;
	v10 =	vand.u32 $0x7FFF, v10;
	[tilespmem:v6+s3+$0x0] =	vst.idx.add.s32.msk $0xffff, v1  }
0x42: {  	v59 =	vshrl.u32 v14, $0x10;
	v58 =	vand.u32 $0x7FFF, v57;
	[tilespmem:v7+s3+$0x0] =	vst.idx.add.s32.msk $0xffff, v1  }
0x43: {  	v4 =	vshrl.u32 v4, $0x10;
	v11 =	vand.u32 $0x7FFF, v59;
	[tilespmem:v8+s3+$0x0] =	vst.idx.add.s32.msk $0xffff, v1  }
0x44: {  	v3 =	vshrl.u32 v3, $0x10;
	v4 =	vand.u32 $0x7FFF, v4;
	[tilespmem:v9+s3+$0x0] =	vst.idx.add.s32.msk $0xffff, v1  }
0x45: {  	v62 =	vshrl.u32 v16, $0x10;
	v3 =	vand.u32 $0x7FFF, v3;
	[tilespmem:v56+s3+$0x0] =	vst.idx.add.s32.msk $0xffff, v1  }
0x46: {  	v5 =	vshrl.u32 v5, $0x10;
	v12 =	vand.u32 $0x7FFF, v62;
	[tilespmem:v10+s3+$0x0] =	vst.idx.add.s32.msk $0xffff, v1  }
0x47: {  	v2 =	vshrl.u32 v2, $0x10;
	v5 =	vand.u32 $0x7FFF, v5;
	[tilespmem:v58+s3+$0x0] =	vst.idx.add.s32.msk $0xffff, v1  }
0x48: {  	v60 =	vshrl.u32 v13, $0x10;
	v63 =	vand.u32 $0x7FFF, v2;
	[tilespmem:v11+s3+$0x0] =	vst.idx.add.s32.msk $0xffff, v1  }
0x49: {  	v8 =	vand.u32 $0x7FFF, v60;
	[tilespmem:v4+s3+$0x0] =	vst.idx.add.s32.msk $0xffff, v1;
	v4 =	vshrl.u32 v61, $0x10  }
0x4a: {  	v2 =	vshrl.u32 v15, $0x10;
	[tilespmem:v3+s3+$0x0] =	vst.idx.add.s32.msk $0xffff, v1;
	v3 =	vand.u32 $0x7FFF, v4  }
0x4b: {  	v2 =	vand.u32 $0x7FFF, v2;
	[tilespmem:v12+s3+$0x0] =	vst.idx.add.s32.msk $0xffff, v1  }
0x4c: {  	[tilespmem:v5+s3+$0x0] =	vst.idx.add.s32.msk $0xffff, v1  }
0x4d: {  	[tilespmem:v63+s3+$0x0] =	vst.idx.add.s32.msk $0xffff, v1  }
0x4e: {  	s28 =	simm.s32 $0x0;
	[tilespmem:v8+s3+$0x0] =	vst.idx.add.s32.msk $0xffff, v1  }
.LBB2_5:
0x4f: {  	s28 =	sadd.s32 $0x10, s28;
	[tilespmem:v3+s3+$0x0] =	vst.idx.add.s32.msk $0xffff, v1;
	s25 =	sadd.s32 $0x800, s25;
	s26 =	simm.s32 $0x8480  }
0x50: {  	p0 =	slt.u32 s28, $0x70;
	[tilespmem:v2+s3+$0x0] =	vst.idx.add.s32.msk $0xffff, v1  }
0x51: {  	v3 =	vld [tilespmem:s25+$0xFFFFFC20]  }
0x52: {  	v4 =	vld [tilespmem:s25+$0xFFFFFC30]  }
0x53: {  	v5 =	vld [tilespmem:s25+$0xFFFFFC40]  }
0x54: {  	v6 =	vld [tilespmem:s25+$0xFFFFFC50]  }
0x55: {  	v2 =	vld [tilespmem:s25+$0xFFFFFC00]  }
0x56: {  	v7 =	vld [tilespmem:s25+$0x70]  }
0x57: {  	v8 =	vld [tilespmem:s25+$0x60]  }
0x58: {  	v9 =	vld [tilespmem:s25+$0x50]  }
0x59: {  	v10 =	vld [tilespmem:s25+$0x40]  }
0x5a: {  	v2 =	vshrl.u32 v2, $0x10;
	v11 =	vld [tilespmem:s25+$0x30]  }
0x5b: {  	v2 =	vand.u32 $0x7FFF, v2;
	v12 =	vld [tilespmem:s25+$0x20];
	v7 =	vshrl.u32 v7, $0x10  }
0x5c: {  	v13 =	vld [tilespmem:s25+$0x10];
	v8 =	vshrl.u32 v8, $0x10;
	v7 =	vand.u32 $0x7FFF, v7  }
0x5d: {  	v14 =	vld [tilespmem:s25+$0x0];
	v9 =	vshrl.u32 v9, $0x10;
	v8 =	vand.u32 $0x7FFF, v8  }
0x5e: {  	v15 =	vld [tilespmem:s25+$0xFFFFFC70];
	v10 =	vshrl.u32 v10, $0x10;
	v9 =	vand.u32 $0x7FFF, v9  }
0x5f: {  	v16 =	vld [tilespmem:s25+$0xFFFFFC60];
	v11 =	vshrl.u32 v11, $0x10  }
0x60: {  	[tilespmem:v2+s3+$0x0] =	vst.idx.add.s32.msk $0xffff, v1;
	v2 =	vshrl.u32 v12, $0x10;
	v11 =	vand.u32 $0x7FFF, v11  }
0x61: {  	v10 =	vand.u32 $0x7FFF, v10;
	v12 =	vshrl.u32 v13, $0x10;
	v13 =	vand.u32 $0x7FFF, v2;
	[tilespmem:v7+s3+$0x0] =	vst.idx.add.s32.msk $0xffff, v1  }
0x62: {  	v2 =	vshrl.u32 v14, $0x10;
	v7 =	vand.u32 $0x7FFF, v12;
	[tilespmem:v8+s3+$0x0] =	vst.idx.add.s32.msk $0xffff, v1  }
0x63: {  	v8 =	vshrl.u32 v15, $0x10;
	v12 =	vand.u32 $0x7FFF, v2;
	[tilespmem:v9+s3+$0x0] =	vst.idx.add.s32.msk $0xffff, v1  }
0x64: {  	v9 =	vld [tilespmem:s25+$0xFFFFFC10];
	v14 =	vshrl.u32 v16, $0x10;
	v2 =	vand.u32 $0x7FFF, v8  }
0x65: {  	v6 =	vshrl.u32 v6, $0x10;
	v8 =	vand.u32 $0x7FFF, v14;
	[tilespmem:v11+s3+$0x0] =	vst.idx.add.s32.msk $0xffff, v1  }
0x66: {  	v5 =	vshrl.u32 v5, $0x10;
	v6 =	vand.u32 $0x7FFF, v6;
	[tilespmem:v10+s3+$0x0] =	vst.idx.add.s32.msk $0xffff, v1  }
0x67: {  	v4 =	vshrl.u32 v4, $0x10;
	v5 =	vand.u32 $0x7FFF, v5;
	[tilespmem:v13+s3+$0x0] =	vst.idx.add.s32.msk $0xffff, v1  }
0x68: {  	v3 =	vshrl.u32 v3, $0x10;
	v4 =	vand.u32 $0x7FFF, v4;
	[tilespmem:v12+s3+$0x0] =	vst.idx.add.s32.msk $0xffff, v1  }
0x69: {  	v10 =	vand.u32 $0x7FFF, v3;
	v9 =	vshrl.u32 v9, $0x10;
	[tilespmem:v7+s3+$0x0] =	vst.idx.add.s32.msk $0xffff, v1  }
.Ltmp3:
0x6a: {  	v3 =	vand.u32 $0x7FFF, v9;
	[tilespmem:v8+s3+$0x0] =	vst.idx.add.s32.msk $0xffff, v1;
	(pc) =	sbr.rel @p0 .LBB2_5-.Ltmp3, $4  }
0x6b: {  	[tilespmem:v6+s3+$0x0] =	vst.idx.add.s32.msk $0xffff, v1  }
0x6c: {  	[tilespmem:v5+s3+$0x0] =	vst.idx.add.s32.msk $0xffff, v1  }
0x6d: {  	[tilespmem:v4+s3+$0x0] =	vst.idx.add.s32.msk $0xffff, v1  }
0x6e: {  	[tilespmem:v10+s3+$0x0] =	vst.idx.add.s32.msk $0xffff, v1  }
0x6f: {  	_ =	sdelay $0x3  }
0x70: {  	[tilespmem:v3+s3+$0x0] =	vst.idx.add.s32.msk $0xffff, v1  }
0x71: {  	[tilespmem:v2+s3+$0x0] =	vst.idx.add.s32.msk $0xffff, v1  }
0x72: {  	v2 =	vld [tilespmem:s26+$0xFFFFFC20]  }
0x73: {  	v3 =	vld [tilespmem:s26+$0xFFFFFC30]  }
0x74: {  	v4 =	vld [tilespmem:s26+$0xFFFFFC50]  }
0x75: {  	v5 =	vld [tilespmem:s26+$0xFFFFFC00]  }
0x76: {  	v6 =	vld [tilespmem:s26+$0x70]  }
0x77: {  	v7 =	vld [tilespmem:s26+$0x60]  }
0x78: {  	v8 =	vld [tilespmem:s26+$0x50]  }
0x79: {  	v9 =	vld [tilespmem:s26+$0x40]  }
0x7a: {  	v10 =	vld [tilespmem:s26+$0x30];
	v5 =	vshrl.u32 v5, $0x10  }
0x7b: {  	v11 =	vld [tilespmem:s26+$0x20];
	v5 =	vand.u32 $0x7FFF, v5  }
0x7c: {  	v13 =	vld [tilespmem:s26+$0x0]  }
0x7d: {  	v12 =	vld [tilespmem:s26+$0x10];
	v7 =	vshrl.u32 v7, $0x10  }
0x7e: {  	v14 =	vld [tilespmem:s26+$0xFFFFFC70];
	v8 =	vshrl.u32 v8, $0x10;
	v7 =	vand.u32 $0x7FFF, v7  }
0x7f: {  	v15 =	vld [tilespmem:s26+$0xFFFFFC60];
	v10 =	vshrl.u32 v10, $0x10;
	v8 =	vand.u32 $0x7FFF, v8  }
0x80: {  	v9 =	vshrl.u32 v9, $0x10;
	[tilespmem:v5+s3+$0x0] =	vst.idx.add.s32.msk $0xffff, v1;
	v5 =	vand.u32 $0x7FFF, v10  }
0x81: {  	v58 =	vld [tilespmem:s26+$0xFFFFFC40];
	v13 =	vshrl.u32 v13, $0x10;
	v9 =	vand.u32 $0x7FFF, v9  }
0x82: {  	v60 =	vld [tilespmem:s26+$0xFFFFFC10];
	v6 =	vshrl.u32 v6, $0x10;
	v59 =	vand.u32 $0x7FFF, v13  }
0x83: {  	v4 =	vshrl.u32 v4, $0x10;
	v6 =	vand.u32 $0x7FFF, v6;
	[tilespmem:v7+s3+$0x0] =	vst.idx.add.s32.msk $0xffff, v1  }
0x84: {  	v61 =	vshrl.u32 v15, $0x10;
	v4 =	vand.u32 $0x7FFF, v4;
	[tilespmem:v8+s3+$0x0] =	vst.idx.add.s32.msk $0xffff, v1  }
0x85: {  	v3 =	vshrl.u32 v3, $0x10;
	[tilespmem:v5+s3+$0x0] =	vst.idx.add.s32.msk $0xffff, v1;
	v5 =	vand.u32 $0x7FFF, v61  }
0x86: {  	v57 =	vshrl.u32 v11, $0x10;
	v63 =	vand.u32 $0x7FFF, v3;
	[tilespmem:v9+s3+$0x0] =	vst.idx.add.s32.msk $0xffff, v1  }
0x87: {  	v62 =	vshrl.u32 v58, $0x10;
	v10 =	vand.u32 $0x7FFF, v57;
	[tilespmem:v59+s3+$0x0] =	vst.idx.add.s32.msk $0xffff, v1  }
0x88: {  	v7 =	vshrl.u32 v12, $0x10;
	v9 =	vand.u32 $0x7FFF, v62;
	[tilespmem:v6+s3+$0x0] =	vst.idx.add.s32.msk $0xffff, v1  }
0x89: {  	[tilespmem:v4+s3+$0x0] =	vst.idx.add.s32.msk $0xffff, v1;
	v4 =	vshrl.u32 v2, $0x10;
	v7 =	vand.u32 $0x7FFF, v7  }
0x8a: {  	v3 =	vshrl.u32 v14, $0x10;
	v4 =	vand.u32 $0x7FFF, v4;
	[tilespmem:v5+s3+$0x0] =	vst.idx.add.s32.msk $0xffff, v1;
	v5 =	vshrl.u32 v60, $0x10  }
0x8b: {  	v2 =	vand.u32 $0x7FFF, v3;
	[tilespmem:v63+s3+$0x0] =	vst.idx.add.s32.msk $0xffff, v1;
	v3 =	vand.u32 $0x7FFF, v5  }
0x8c: {  	[tilespmem:v10+s3+$0x0] =	vst.idx.add.s32.msk $0xffff, v1  }
0x8d: {  	[tilespmem:v9+s3+$0x0] =	vst.idx.add.s32.msk $0xffff, v1  }
0x8e: {  	s28 =	simm.s32 $0x0;
	s25 =	simm.s32 $0x8500;
	[tilespmem:v7+s3+$0x0] =	vst.idx.add.s32.msk $0xffff, v1  }
.LBB2_7:
0x8f: {  	s28 =	sadd.s32 $0x10, s28;
	[tilespmem:v4+s3+$0x0] =	vst.idx.add.s32.msk $0xffff, v1;
	s26 =	sadd.s32 $0x800, s26  }
0x90: {  	p0 =	slt.u32 s28, $0x70;
	[tilespmem:v3+s3+$0x0] =	vst.idx.add.s32.msk $0xffff, v1  }
0x91: {  	[tilespmem:v2+s3+$0x0] =	vst.idx.add.s32.msk $0xffff, v1  }
0x92: {  	v3 =	vld [tilespmem:s26+$0xFFFFFC20]  }
0x93: {  	v4 =	vld [tilespmem:s26+$0xFFFFFC30]  }
0x94: {  	v5 =	vld [tilespmem:s26+$0xFFFFFC50]  }
0x95: {  	v2 =	vld [tilespmem:s26+$0xFFFFFC00]  }
0x96: {  	v6 =	vld [tilespmem:s26+$0x70]  }
0x97: {  	v7 =	vld [tilespmem:s26+$0x60]  }
0x98: {  	v8 =	vld [tilespmem:s26+$0x50]  }
0x99: {  	v9 =	vld [tilespmem:s26+$0x40]  }
0x9a: {  	v2 =	vshrl.u32 v2, $0x10;
	v10 =	vld [tilespmem:s26+$0x30]  }
0x9b: {  	v2 =	vand.u32 $0x7FFF, v2;
	v11 =	vld [tilespmem:s26+$0x20];
	v6 =	vshrl.u32 v6, $0x10  }
0x9c: {  	v12 =	vld [tilespmem:s26+$0x10];
	v7 =	vshrl.u32 v7, $0x10  }
0x9d: {  	v13 =	vld [tilespmem:s26+$0x0];
	v8 =	vshrl.u32 v8, $0x10;
	v7 =	vand.u32 $0x7FFF, v7  }
0x9e: {  	v14 =	vld [tilespmem:s26+$0xFFFFFC70];
	v9 =	vshrl.u32 v9, $0x10;
	v8 =	vand.u32 $0x7FFF, v8  }
0x9f: {  	v15 =	vld [tilespmem:s26+$0xFFFFFC60];
	v10 =	vshrl.u32 v10, $0x10  }
0xa0: {  	[tilespmem:v2+s3+$0x0] =	vst.idx.add.s32.msk $0xffff, v1;
	v2 =	vshrl.u32 v11, $0x10;
	v10 =	vand.u32 $0x7FFF, v10  }
0xa1: {  	v9 =	vand.u32 $0x7FFF, v9;
	v11 =	vld [tilespmem:s26+$0xFFFFFC40];
	v12 =	vshrl.u32 v12, $0x10;
	v16 =	vand.u32 $0x7FFF, v2  }
0xa2: {  	v2 =	vshrl.u32 v13, $0x10;
	v12 =	vand.u32 $0x7FFF, v12;
	[tilespmem:v7+s3+$0x0] =	vst.idx.add.s32.msk $0xffff, v1  }
0xa3: {  	v7 =	vshrl.u32 v14, $0x10;
	v13 =	vand.u32 $0x7FFF, v2;
	[tilespmem:v8+s3+$0x0] =	vst.idx.add.s32.msk $0xffff, v1  }
0xa4: {  	v6 =	vand.u32 $0x7FFF, v6;
	v8 =	vld [tilespmem:s26+$0xFFFFFC10];
	v14 =	vshrl.u32 v15, $0x10;
	v2 =	vand.u32 $0x7FFF, v7  }
0xa5: {  	v5 =	vshrl.u32 v5, $0x10;
	v7 =	vand.u32 $0x7FFF, v14;
	[tilespmem:v10+s3+$0x0] =	vst.idx.add.s32.msk $0xffff, v1  }
0xa6: {  	v5 =	vand.u32 $0x7FFF, v5;
	v10 =	vshrl.u32 v11, $0x10;
	[tilespmem:v9+s3+$0x0] =	vst.idx.add.s32.msk $0xffff, v1  }
0xa7: {  	v4 =	vshrl.u32 v4, $0x10;
	v9 =	vand.u32 $0x7FFF, v10;
	[tilespmem:v16+s3+$0x0] =	vst.idx.add.s32.msk $0xffff, v1  }
0xa8: {  	v3 =	vshrl.u32 v3, $0x10;
	v10 =	vand.u32 $0x7FFF, v4;
	[tilespmem:v13+s3+$0x0] =	vst.idx.add.s32.msk $0xffff, v1  }
0xa9: {  	v4 =	vand.u32 $0x7FFF, v3;
	v8 =	vshrl.u32 v8, $0x10;
	[tilespmem:v12+s3+$0x0] =	vst.idx.add.s32.msk $0xffff, v1  }
.Ltmp4:
0xaa: {  	v3 =	vand.u32 $0x7FFF, v8;
	[tilespmem:v6+s3+$0x0] =	vst.idx.add.s32.msk $0xffff, v1;
	(pc) =	sbr.rel @p0 .LBB2_7-.Ltmp4, $4  }
0xab: {  	[tilespmem:v7+s3+$0x0] =	vst.idx.add.s32.msk $0xffff, v1  }
0xac: {  	[tilespmem:v5+s3+$0x0] =	vst.idx.add.s32.msk $0xffff, v1  }
0xad: {  	[tilespmem:v9+s3+$0x0] =	vst.idx.add.s32.msk $0xffff, v1  }
0xae: {  	[tilespmem:v10+s3+$0x0] =	vst.idx.add.s32.msk $0xffff, v1  }
0xaf: {  	_ =	sdelay $0x3  }
0xb0: {  	[tilespmem:v4+s3+$0x0] =	vst.idx.add.s32.msk $0xffff, v1  }
0xb1: {  	[tilespmem:v3+s3+$0x0] =	vst.idx.add.s32.msk $0xffff, v1  }
0xb2: {  	[tilespmem:v2+s3+$0x0] =	vst.idx.add.s32.msk $0xffff, v1  }
0xb3: {  	v2 =	vld [tilespmem:s25+$0xFFFFFC20]  }
0xb4: {  	v3 =	vld [tilespmem:s25+$0xFFFFFC30]  }
0xb5: {  	v4 =	vld [tilespmem:s25+$0xFFFFFC40]  }
0xb6: {  	v5 =	vld [tilespmem:s25+$0xFFFFFC50]  }
0xb7: {  	v6 =	vld [tilespmem:s25+$0xFFFFFC00]  }
0xb8: {  	v7 =	vld [tilespmem:s25+$0x70]  }
0xb9: {  	v8 =	vld [tilespmem:s25+$0x60]  }
0xba: {  	v9 =	vld [tilespmem:s25+$0x50]  }
0xbb: {  	v10 =	vld [tilespmem:s25+$0x40]  }
0xbc: {  	v11 =	vld [tilespmem:s25+$0x30]  }
0xbd: {  	v12 =	vld [tilespmem:s25+$0x20];
	v6 =	vshrl.u32 v6, $0x10  }
0xbe: {  	v13 =	vld [tilespmem:s25+$0x10];
	v7 =	vshrl.u32 v7, $0x10;
	v6 =	vand.u32 $0x7FFF, v6  }
0xbf: {  	v14 =	vld [tilespmem:s25+$0x0];
	v8 =	vshrl.u32 v8, $0x10;
	v7 =	vand.u32 $0x7FFF, v7  }
0xc0: {  	v15 =	vld [tilespmem:s25+$0xFFFFFC70];
	v9 =	vshrl.u32 v9, $0x10;
	v8 =	vand.u32 $0x7FFF, v8  }
0xc1: {  	v16 =	vld [tilespmem:s25+$0xFFFFFC60];
	v11 =	vshrl.u32 v11, $0x10;
	v9 =	vand.u32 $0x7FFF, v9  }
0xc2: {  	v61 =	vld [tilespmem:s25+$0xFFFFFC10];
	v10 =	vshrl.u32 v10, $0x10;
	v56 =	vand.u32 $0x7FFF, v11  }
0xc3: {  	v57 =	vshrl.u32 v12, $0x10;
	v10 =	vand.u32 $0x7FFF, v10;
	[tilespmem:v6+s3+$0x0] =	vst.idx.add.s32.msk $0xffff, v1  }
0xc4: {  	v59 =	vshrl.u32 v14, $0x10;
	v58 =	vand.u32 $0x7FFF, v57;
	[tilespmem:v7+s3+$0x0] =	vst.idx.add.s32.msk $0xffff, v1  }
0xc5: {  	v4 =	vshrl.u32 v4, $0x10;
	v11 =	vand.u32 $0x7FFF, v59;
	[tilespmem:v8+s3+$0x0] =	vst.idx.add.s32.msk $0xffff, v1  }
0xc6: {  	v3 =	vshrl.u32 v3, $0x10;
	v4 =	vand.u32 $0x7FFF, v4;
	[tilespmem:v9+s3+$0x0] =	vst.idx.add.s32.msk $0xffff, v1  }
0xc7: {  	v62 =	vshrl.u32 v16, $0x10;
	v3 =	vand.u32 $0x7FFF, v3;
	[tilespmem:v56+s3+$0x0] =	vst.idx.add.s32.msk $0xffff, v1  }
0xc8: {  	v5 =	vshrl.u32 v5, $0x10;
	v12 =	vand.u32 $0x7FFF, v62;
	[tilespmem:v10+s3+$0x0] =	vst.idx.add.s32.msk $0xffff, v1  }
0xc9: {  	v2 =	vshrl.u32 v2, $0x10;
	v5 =	vand.u32 $0x7FFF, v5;
	[tilespmem:v58+s3+$0x0] =	vst.idx.add.s32.msk $0xffff, v1  }
0xca: {  	v60 =	vshrl.u32 v13, $0x10;
	v63 =	vand.u32 $0x7FFF, v2;
	[tilespmem:v11+s3+$0x0] =	vst.idx.add.s32.msk $0xffff, v1  }
0xcb: {  	v8 =	vand.u32 $0x7FFF, v60;
	[tilespmem:v4+s3+$0x0] =	vst.idx.add.s32.msk $0xffff, v1;
	v4 =	vshrl.u32 v61, $0x10  }
0xcc: {  	v2 =	vshrl.u32 v15, $0x10;
	[tilespmem:v3+s3+$0x0] =	vst.idx.add.s32.msk $0xffff, v1;
	v3 =	vand.u32 $0x7FFF, v4  }
0xcd: {  	v2 =	vand.u32 $0x7FFF, v2;
	[tilespmem:v12+s3+$0x0] =	vst.idx.add.s32.msk $0xffff, v1  }
0xce: {  	[tilespmem:v5+s3+$0x0] =	vst.idx.add.s32.msk $0xffff, v1  }
0xcf: {  	[tilespmem:v63+s3+$0x0] =	vst.idx.add.s32.msk $0xffff, v1  }
0xd0: {  	s28 =	simm.s32 $0x0;
	[tilespmem:v8+s3+$0x0] =	vst.idx.add.s32.msk $0xffff, v1  }
.LBB2_9:
0xd1: {  	s28 =	sadd.s32 $0x10, s28;
	[tilespmem:v3+s3+$0x0] =	vst.idx.add.s32.msk $0xffff, v1;
	s25 =	sadd.s32 $0x800, s25;
	s26 =	simm.s32 $0x8580  }
0xd2: {  	p0 =	slt.u32 s28, $0x70;
	[tilespmem:v2+s3+$0x0] =	vst.idx.add.s32.msk $0xffff, v1  }
0xd3: {  	v3 =	vld [tilespmem:s25+$0xFFFFFC20]  }
0xd4: {  	v4 =	vld [tilespmem:s25+$0xFFFFFC30]  }
0xd5: {  	v5 =	vld [tilespmem:s25+$0xFFFFFC40]  }
0xd6: {  	v6 =	vld [tilespmem:s25+$0xFFFFFC50]  }
0xd7: {  	v2 =	vld [tilespmem:s25+$0xFFFFFC00]  }
0xd8: {  	v7 =	vld [tilespmem:s25+$0x70]  }
0xd9: {  	v8 =	vld [tilespmem:s25+$0x60]  }
0xda: {  	v9 =	vld [tilespmem:s25+$0x50]  }
0xdb: {  	v10 =	vld [tilespmem:s25+$0x40]  }
0xdc: {  	v2 =	vshrl.u32 v2, $0x10;
	v11 =	vld [tilespmem:s25+$0x30]  }
0xdd: {  	v2 =	vand.u32 $0x7FFF, v2;
	v12 =	vld [tilespmem:s25+$0x20];
	v7 =	vshrl.u32 v7, $0x10  }
0xde: {  	v13 =	vld [tilespmem:s25+$0x10];
	v8 =	vshrl.u32 v8, $0x10;
	v7 =	vand.u32 $0x7FFF, v7  }
0xdf: {  	v14 =	vld [tilespmem:s25+$0x0];
	v9 =	vshrl.u32 v9, $0x10;
	v8 =	vand.u32 $0x7FFF, v8  }
0xe0: {  	v15 =	vld [tilespmem:s25+$0xFFFFFC70];
	v10 =	vshrl.u32 v10, $0x10;
	v9 =	vand.u32 $0x7FFF, v9  }
0xe1: {  	v16 =	vld [tilespmem:s25+$0xFFFFFC60];
	v11 =	vshrl.u32 v11, $0x10  }
0xe2: {  	[tilespmem:v2+s3+$0x0] =	vst.idx.add.s32.msk $0xffff, v1;
	v2 =	vshrl.u32 v12, $0x10;
	v11 =	vand.u32 $0x7FFF, v11  }
0xe3: {  	v10 =	vand.u32 $0x7FFF, v10;
	v12 =	vshrl.u32 v13, $0x10;
	v13 =	vand.u32 $0x7FFF, v2;
	[tilespmem:v7+s3+$0x0] =	vst.idx.add.s32.msk $0xffff, v1  }
0xe4: {  	v2 =	vshrl.u32 v14, $0x10;
	v7 =	vand.u32 $0x7FFF, v12;
	[tilespmem:v8+s3+$0x0] =	vst.idx.add.s32.msk $0xffff, v1  }
0xe5: {  	v8 =	vshrl.u32 v15, $0x10;
	v12 =	vand.u32 $0x7FFF, v2;
	[tilespmem:v9+s3+$0x0] =	vst.idx.add.s32.msk $0xffff, v1  }
0xe6: {  	v9 =	vld [tilespmem:s25+$0xFFFFFC10];
	v14 =	vshrl.u32 v16, $0x10;
	v2 =	vand.u32 $0x7FFF, v8  }
0xe7: {  	v6 =	vshrl.u32 v6, $0x10;
	v8 =	vand.u32 $0x7FFF, v14;
	[tilespmem:v11+s3+$0x0] =	vst.idx.add.s32.msk $0xffff, v1  }
0xe8: {  	v5 =	vshrl.u32 v5, $0x10;
	v6 =	vand.u32 $0x7FFF, v6;
	[tilespmem:v10+s3+$0x0] =	vst.idx.add.s32.msk $0xffff, v1  }
0xe9: {  	v4 =	vshrl.u32 v4, $0x10;
	v5 =	vand.u32 $0x7FFF, v5;
	[tilespmem:v13+s3+$0x0] =	vst.idx.add.s32.msk $0xffff, v1  }
0xea: {  	v3 =	vshrl.u32 v3, $0x10;
	v4 =	vand.u32 $0x7FFF, v4;
	[tilespmem:v12+s3+$0x0] =	vst.idx.add.s32.msk $0xffff, v1  }
0xeb: {  	v10 =	vand.u32 $0x7FFF, v3;
	v9 =	vshrl.u32 v9, $0x10;
	[tilespmem:v7+s3+$0x0] =	vst.idx.add.s32.msk $0xffff, v1  }
.Ltmp5:
0xec: {  	v3 =	vand.u32 $0x7FFF, v9;
	[tilespmem:v8+s3+$0x0] =	vst.idx.add.s32.msk $0xffff, v1;
	(pc) =	sbr.rel @p0 .LBB2_9-.Ltmp5, $4  }
0xed: {  	[tilespmem:v6+s3+$0x0] =	vst.idx.add.s32.msk $0xffff, v1  }
0xee: {  	[tilespmem:v5+s3+$0x0] =	vst.idx.add.s32.msk $0xffff, v1  }
0xef: {  	[tilespmem:v4+s3+$0x0] =	vst.idx.add.s32.msk $0xffff, v1  }
0xf0: {  	[tilespmem:v10+s3+$0x0] =	vst.idx.add.s32.msk $0xffff, v1  }
0xf1: {  	_ =	sdelay $0x3  }
0xf2: {  	[tilespmem:v3+s3+$0x0] =	vst.idx.add.s32.msk $0xffff, v1  }
0xf3: {  	[tilespmem:v2+s3+$0x0] =	vst.idx.add.s32.msk $0xffff, v1  }
0xf4: {  	v2 =	vld [tilespmem:s26+$0xFFFFFC20]  }
0xf5: {  	v3 =	vld [tilespmem:s26+$0xFFFFFC30]  }
0xf6: {  	v4 =	vld [tilespmem:s26+$0xFFFFFC50]  }
0xf7: {  	v5 =	vld [tilespmem:s26+$0xFFFFFC00]  }
0xf8: {  	v6 =	vld [tilespmem:s26+$0x70]  }
0xf9: {  	v7 =	vld [tilespmem:s26+$0x60]  }
0xfa: {  	v8 =	vld [tilespmem:s26+$0x50]  }
0xfb: {  	v9 =	vld [tilespmem:s26+$0x40]  }
0xfc: {  	v10 =	vld [tilespmem:s26+$0x30];
	v5 =	vshrl.u32 v5, $0x10  }
0xfd: {  	v11 =	vld [tilespmem:s26+$0x20];
	v5 =	vand.u32 $0x7FFF, v5  }
0xfe: {  	v13 =	vld [tilespmem:s26+$0x0]  }
0xff: {  	v12 =	vld [tilespmem:s26+$0x10];
	v7 =	vshrl.u32 v7, $0x10  }
0x100: {  	v14 =	vld [tilespmem:s26+$0xFFFFFC70];
	v8 =	vshrl.u32 v8, $0x10;
	v7 =	vand.u32 $0x7FFF, v7  }
0x101: {  	v15 =	vld [tilespmem:s26+$0xFFFFFC60];
	v10 =	vshrl.u32 v10, $0x10;
	v8 =	vand.u32 $0x7FFF, v8  }
0x102: {  	v9 =	vshrl.u32 v9, $0x10;
	[tilespmem:v5+s3+$0x0] =	vst.idx.add.s32.msk $0xffff, v1;
	v5 =	vand.u32 $0x7FFF, v10  }
0x103: {  	v58 =	vld [tilespmem:s26+$0xFFFFFC40];
	v13 =	vshrl.u32 v13, $0x10;
	v9 =	vand.u32 $0x7FFF, v9  }
0x104: {  	v60 =	vld [tilespmem:s26+$0xFFFFFC10];
	v6 =	vshrl.u32 v6, $0x10;
	v59 =	vand.u32 $0x7FFF, v13  }
0x105: {  	v4 =	vshrl.u32 v4, $0x10;
	v6 =	vand.u32 $0x7FFF, v6;
	[tilespmem:v7+s3+$0x0] =	vst.idx.add.s32.msk $0xffff, v1  }
0x106: {  	v61 =	vshrl.u32 v15, $0x10;
	v4 =	vand.u32 $0x7FFF, v4;
	[tilespmem:v8+s3+$0x0] =	vst.idx.add.s32.msk $0xffff, v1  }
0x107: {  	v3 =	vshrl.u32 v3, $0x10;
	[tilespmem:v5+s3+$0x0] =	vst.idx.add.s32.msk $0xffff, v1;
	v5 =	vand.u32 $0x7FFF, v61  }
0x108: {  	v57 =	vshrl.u32 v11, $0x10;
	v63 =	vand.u32 $0x7FFF, v3;
	[tilespmem:v9+s3+$0x0] =	vst.idx.add.s32.msk $0xffff, v1  }
0x109: {  	v62 =	vshrl.u32 v58, $0x10;
	v10 =	vand.u32 $0x7FFF, v57;
	[tilespmem:v59+s3+$0x0] =	vst.idx.add.s32.msk $0xffff, v1  }
0x10a: {  	v7 =	vshrl.u32 v12, $0x10;
	v9 =	vand.u32 $0x7FFF, v62;
	[tilespmem:v6+s3+$0x0] =	vst.idx.add.s32.msk $0xffff, v1  }
0x10b: {  	[tilespmem:v4+s3+$0x0] =	vst.idx.add.s32.msk $0xffff, v1;
	v4 =	vshrl.u32 v2, $0x10;
	v7 =	vand.u32 $0x7FFF, v7  }
0x10c: {  	v3 =	vshrl.u32 v14, $0x10;
	v4 =	vand.u32 $0x7FFF, v4;
	[tilespmem:v5+s3+$0x0] =	vst.idx.add.s32.msk $0xffff, v1;
	v5 =	vshrl.u32 v60, $0x10  }
0x10d: {  	v2 =	vand.u32 $0x7FFF, v3;
	[tilespmem:v63+s3+$0x0] =	vst.idx.add.s32.msk $0xffff, v1;
	v3 =	vand.u32 $0x7FFF, v5  }
0x10e: {  	[tilespmem:v10+s3+$0x0] =	vst.idx.add.s32.msk $0xffff, v1  }
0x10f: {  	[tilespmem:v9+s3+$0x0] =	vst.idx.add.s32.msk $0xffff, v1  }
0x110: {  	s28 =	simm.s32 $0x0;
	s25 =	simm.s32 $0x8600;
	[tilespmem:v7+s3+$0x0] =	vst.idx.add.s32.msk $0xffff, v1  }
.LBB2_11:
0x111: {  	s28 =	sadd.s32 $0x10, s28;
	[tilespmem:v4+s3+$0x0] =	vst.idx.add.s32.msk $0xffff, v1;
	s26 =	sadd.s32 $0x800, s26  }
0x112: {  	p0 =	slt.u32 s28, $0x70;
	[tilespmem:v3+s3+$0x0] =	vst.idx.add.s32.msk $0xffff, v1  }
0x113: {  	[tilespmem:v2+s3+$0x0] =	vst.idx.add.s32.msk $0xffff, v1  }
0x114: {  	v3 =	vld [tilespmem:s26+$0xFFFFFC20]  }
0x115: {  	v4 =	vld [tilespmem:s26+$0xFFFFFC30]  }
0x116: {  	v5 =	vld [tilespmem:s26+$0xFFFFFC50]  }
0x117: {  	v2 =	vld [tilespmem:s26+$0xFFFFFC00]  }
0x118: {  	v6 =	vld [tilespmem:s26+$0x70]  }
0x119: {  	v7 =	vld [tilespmem:s26+$0x60]  }
0x11a: {  	v8 =	vld [tilespmem:s26+$0x50]  }
0x11b: {  	v9 =	vld [tilespmem:s26+$0x40]  }
0x11c: {  	v2 =	vshrl.u32 v2, $0x10;
	v10 =	vld [tilespmem:s26+$0x30]  }
0x11d: {  	v2 =	vand.u32 $0x7FFF, v2;
	v11 =	vld [tilespmem:s26+$0x20];
	v6 =	vshrl.u32 v6, $0x10  }
0x11e: {  	v12 =	vld [tilespmem:s26+$0x10];
	v7 =	vshrl.u32 v7, $0x10  }
0x11f: {  	v13 =	vld [tilespmem:s26+$0x0];
	v8 =	vshrl.u32 v8, $0x10;
	v7 =	vand.u32 $0x7FFF, v7  }
0x120: {  	v14 =	vld [tilespmem:s26+$0xFFFFFC70];
	v9 =	vshrl.u32 v9, $0x10;
	v8 =	vand.u32 $0x7FFF, v8  }
0x121: {  	v15 =	vld [tilespmem:s26+$0xFFFFFC60];
	v10 =	vshrl.u32 v10, $0x10  }
0x122: {  	[tilespmem:v2+s3+$0x0] =	vst.idx.add.s32.msk $0xffff, v1;
	v2 =	vshrl.u32 v11, $0x10;
	v10 =	vand.u32 $0x7FFF, v10  }
0x123: {  	v9 =	vand.u32 $0x7FFF, v9;
	v11 =	vld [tilespmem:s26+$0xFFFFFC40];
	v12 =	vshrl.u32 v12, $0x10;
	v16 =	vand.u32 $0x7FFF, v2  }
0x124: {  	v2 =	vshrl.u32 v13, $0x10;
	v12 =	vand.u32 $0x7FFF, v12;
	[tilespmem:v7+s3+$0x0] =	vst.idx.add.s32.msk $0xffff, v1  }
0x125: {  	v7 =	vshrl.u32 v14, $0x10;
	v13 =	vand.u32 $0x7FFF, v2;
	[tilespmem:v8+s3+$0x0] =	vst.idx.add.s32.msk $0xffff, v1  }
0x126: {  	v6 =	vand.u32 $0x7FFF, v6;
	v8 =	vld [tilespmem:s26+$0xFFFFFC10];
	v14 =	vshrl.u32 v15, $0x10;
	v2 =	vand.u32 $0x7FFF, v7  }
0x127: {  	v5 =	vshrl.u32 v5, $0x10;
	v7 =	vand.u32 $0x7FFF, v14;
	[tilespmem:v10+s3+$0x0] =	vst.idx.add.s32.msk $0xffff, v1  }
0x128: {  	v5 =	vand.u32 $0x7FFF, v5;
	v10 =	vshrl.u32 v11, $0x10;
	[tilespmem:v9+s3+$0x0] =	vst.idx.add.s32.msk $0xffff, v1  }
0x129: {  	v4 =	vshrl.u32 v4, $0x10;
	v9 =	vand.u32 $0x7FFF, v10;
	[tilespmem:v16+s3+$0x0] =	vst.idx.add.s32.msk $0xffff, v1  }
0x12a: {  	v3 =	vshrl.u32 v3, $0x10;
	v10 =	vand.u32 $0x7FFF, v4;
	[tilespmem:v13+s3+$0x0] =	vst.idx.add.s32.msk $0xffff, v1  }
0x12b: {  	v4 =	vand.u32 $0x7FFF, v3;
	v8 =	vshrl.u32 v8, $0x10;
	[tilespmem:v12+s3+$0x0] =	vst.idx.add.s32.msk $0xffff, v1  }
.Ltmp6:
0x12c: {  	v3 =	vand.u32 $0x7FFF, v8;
	[tilespmem:v6+s3+$0x0] =	vst.idx.add.s32.msk $0xffff, v1;
	(pc) =	sbr.rel @p0 .LBB2_11-.Ltmp6, $4  }
0x12d: {  	[tilespmem:v7+s3+$0x0] =	vst.idx.add.s32.msk $0xffff, v1  }
0x12e: {  	[tilespmem:v5+s3+$0x0] =	vst.idx.add.s32.msk $0xffff, v1  }
0x12f: {  	[tilespmem:v9+s3+$0x0] =	vst.idx.add.s32.msk $0xffff, v1  }
0x130: {  	[tilespmem:v10+s3+$0x0] =	vst.idx.add.s32.msk $0xffff, v1  }
0x131: {  	_ =	sdelay $0x3  }
0x132: {  	[tilespmem:v4+s3+$0x0] =	vst.idx.add.s32.msk $0xffff, v1  }
0x133: {  	[tilespmem:v3+s3+$0x0] =	vst.idx.add.s32.msk $0xffff, v1  }
0x134: {  	[tilespmem:v2+s3+$0x0] =	vst.idx.add.s32.msk $0xffff, v1  }
0x135: {  	v2 =	vld [tilespmem:s25+$0xFFFFFC20]  }
0x136: {  	v3 =	vld [tilespmem:s25+$0xFFFFFC30]  }
0x137: {  	v4 =	vld [tilespmem:s25+$0xFFFFFC40]  }
0x138: {  	v5 =	vld [tilespmem:s25+$0xFFFFFC50]  }
0x139: {  	v6 =	vld [tilespmem:s25+$0xFFFFFC00]  }
0x13a: {  	v7 =	vld [tilespmem:s25+$0x70]  }
0x13b: {  	v8 =	vld [tilespmem:s25+$0x60]  }
0x13c: {  	v9 =	vld [tilespmem:s25+$0x50]  }
0x13d: {  	v10 =	vld [tilespmem:s25+$0x40]  }
0x13e: {  	v11 =	vld [tilespmem:s25+$0x30]  }
0x13f: {  	v12 =	vld [tilespmem:s25+$0x20];
	v6 =	vshrl.u32 v6, $0x10  }
0x140: {  	v13 =	vld [tilespmem:s25+$0x10];
	v7 =	vshrl.u32 v7, $0x10;
	v6 =	vand.u32 $0x7FFF, v6  }
0x141: {  	v14 =	vld [tilespmem:s25+$0x0];
	v8 =	vshrl.u32 v8, $0x10;
	v7 =	vand.u32 $0x7FFF, v7  }
0x142: {  	v15 =	vld [tilespmem:s25+$0xFFFFFC70];
	v9 =	vshrl.u32 v9, $0x10;
	v8 =	vand.u32 $0x7FFF, v8  }
0x143: {  	v16 =	vld [tilespmem:s25+$0xFFFFFC60];
	v11 =	vshrl.u32 v11, $0x10;
	v9 =	vand.u32 $0x7FFF, v9  }
0x144: {  	v61 =	vld [tilespmem:s25+$0xFFFFFC10];
	v10 =	vshrl.u32 v10, $0x10;
	v56 =	vand.u32 $0x7FFF, v11  }
0x145: {  	v57 =	vshrl.u32 v12, $0x10;
	v10 =	vand.u32 $0x7FFF, v10;
	[tilespmem:v6+s3+$0x0] =	vst.idx.add.s32.msk $0xffff, v1  }
0x146: {  	v59 =	vshrl.u32 v14, $0x10;
	v58 =	vand.u32 $0x7FFF, v57;
	[tilespmem:v7+s3+$0x0] =	vst.idx.add.s32.msk $0xffff, v1  }
0x147: {  	v4 =	vshrl.u32 v4, $0x10;
	v11 =	vand.u32 $0x7FFF, v59;
	[tilespmem:v8+s3+$0x0] =	vst.idx.add.s32.msk $0xffff, v1  }
0x148: {  	v3 =	vshrl.u32 v3, $0x10;
	v4 =	vand.u32 $0x7FFF, v4;
	[tilespmem:v9+s3+$0x0] =	vst.idx.add.s32.msk $0xffff, v1  }
0x149: {  	v62 =	vshrl.u32 v16, $0x10;
	v3 =	vand.u32 $0x7FFF, v3;
	[tilespmem:v56+s3+$0x0] =	vst.idx.add.s32.msk $0xffff, v1  }
0x14a: {  	v5 =	vshrl.u32 v5, $0x10;
	v12 =	vand.u32 $0x7FFF, v62;
	[tilespmem:v10+s3+$0x0] =	vst.idx.add.s32.msk $0xffff, v1  }
0x14b: {  	v2 =	vshrl.u32 v2, $0x10;
	v5 =	vand.u32 $0x7FFF, v5;
	[tilespmem:v58+s3+$0x0] =	vst.idx.add.s32.msk $0xffff, v1  }
0x14c: {  	v60 =	vshrl.u32 v13, $0x10;
	v63 =	vand.u32 $0x7FFF, v2;
	[tilespmem:v11+s3+$0x0] =	vst.idx.add.s32.msk $0xffff, v1  }
0x14d: {  	v8 =	vand.u32 $0x7FFF, v60;
	[tilespmem:v4+s3+$0x0] =	vst.idx.add.s32.msk $0xffff, v1;
	v4 =	vshrl.u32 v61, $0x10  }
0x14e: {  	v2 =	vshrl.u32 v15, $0x10;
	[tilespmem:v3+s3+$0x0] =	vst.idx.add.s32.msk $0xffff, v1;
	v3 =	vand.u32 $0x7FFF, v4  }
0x14f: {  	v2 =	vand.u32 $0x7FFF, v2;
	[tilespmem:v12+s3+$0x0] =	vst.idx.add.s32.msk $0xffff, v1  }
0x150: {  	[tilespmem:v5+s3+$0x0] =	vst.idx.add.s32.msk $0xffff, v1  }
0x151: {  	[tilespmem:v63+s3+$0x0] =	vst.idx.add.s32.msk $0xffff, v1  }
0x152: {  	s28 =	simm.s32 $0x0;
	[tilespmem:v8+s3+$0x0] =	vst.idx.add.s32.msk $0xffff, v1  }
.LBB2_13:
0x153: {  	s28 =	sadd.s32 $0x10, s28;
	[tilespmem:v3+s3+$0x0] =	vst.idx.add.s32.msk $0xffff, v1;
	s25 =	sadd.s32 $0x800, s25;
	s26 =	simm.s32 $0x8680  }
0x154: {  	p0 =	slt.u32 s28, $0x70;
	[tilespmem:v2+s3+$0x0] =	vst.idx.add.s32.msk $0xffff, v1  }
0x155: {  	v3 =	vld [tilespmem:s25+$0xFFFFFC20]  }
0x156: {  	v4 =	vld [tilespmem:s25+$0xFFFFFC30]  }
0x157: {  	v5 =	vld [tilespmem:s25+$0xFFFFFC40]  }
0x158: {  	v6 =	vld [tilespmem:s25+$0xFFFFFC50]  }
0x159: {  	v2 =	vld [tilespmem:s25+$0xFFFFFC00]  }
0x15a: {  	v7 =	vld [tilespmem:s25+$0x70]  }
0x15b: {  	v8 =	vld [tilespmem:s25+$0x60]  }
0x15c: {  	v9 =	vld [tilespmem:s25+$0x50]  }
0x15d: {  	v10 =	vld [tilespmem:s25+$0x40]  }
0x15e: {  	v2 =	vshrl.u32 v2, $0x10;
	v11 =	vld [tilespmem:s25+$0x30]  }
0x15f: {  	v2 =	vand.u32 $0x7FFF, v2;
	v12 =	vld [tilespmem:s25+$0x20];
	v7 =	vshrl.u32 v7, $0x10  }
0x160: {  	v13 =	vld [tilespmem:s25+$0x10];
	v8 =	vshrl.u32 v8, $0x10;
	v7 =	vand.u32 $0x7FFF, v7  }
0x161: {  	v14 =	vld [tilespmem:s25+$0x0];
	v9 =	vshrl.u32 v9, $0x10;
	v8 =	vand.u32 $0x7FFF, v8  }
0x162: {  	v15 =	vld [tilespmem:s25+$0xFFFFFC70];
	v10 =	vshrl.u32 v10, $0x10;
	v9 =	vand.u32 $0x7FFF, v9  }
0x163: {  	v16 =	vld [tilespmem:s25+$0xFFFFFC60];
	v11 =	vshrl.u32 v11, $0x10  }
0x164: {  	[tilespmem:v2+s3+$0x0] =	vst.idx.add.s32.msk $0xffff, v1;
	v2 =	vshrl.u32 v12, $0x10;
	v11 =	vand.u32 $0x7FFF, v11  }
0x165: {  	v10 =	vand.u32 $0x7FFF, v10;
	v12 =	vshrl.u32 v13, $0x10;
	v13 =	vand.u32 $0x7FFF, v2;
	[tilespmem:v7+s3+$0x0] =	vst.idx.add.s32.msk $0xffff, v1  }
0x166: {  	v2 =	vshrl.u32 v14, $0x10;
	v7 =	vand.u32 $0x7FFF, v12;
	[tilespmem:v8+s3+$0x0] =	vst.idx.add.s32.msk $0xffff, v1  }
0x167: {  	v8 =	vshrl.u32 v15, $0x10;
	v12 =	vand.u32 $0x7FFF, v2;
	[tilespmem:v9+s3+$0x0] =	vst.idx.add.s32.msk $0xffff, v1  }
0x168: {  	v9 =	vld [tilespmem:s25+$0xFFFFFC10];
	v14 =	vshrl.u32 v16, $0x10;
	v2 =	vand.u32 $0x7FFF, v8  }
0x169: {  	v6 =	vshrl.u32 v6, $0x10;
	v8 =	vand.u32 $0x7FFF, v14;
	[tilespmem:v11+s3+$0x0] =	vst.idx.add.s32.msk $0xffff, v1  }
0x16a: {  	v5 =	vshrl.u32 v5, $0x10;
	v6 =	vand.u32 $0x7FFF, v6;
	[tilespmem:v10+s3+$0x0] =	vst.idx.add.s32.msk $0xffff, v1  }
0x16b: {  	v4 =	vshrl.u32 v4, $0x10;
	v5 =	vand.u32 $0x7FFF, v5;
	[tilespmem:v13+s3+$0x0] =	vst.idx.add.s32.msk $0xffff, v1  }
0x16c: {  	v3 =	vshrl.u32 v3, $0x10;
	v4 =	vand.u32 $0x7FFF, v4;
	[tilespmem:v12+s3+$0x0] =	vst.idx.add.s32.msk $0xffff, v1  }
0x16d: {  	v10 =	vand.u32 $0x7FFF, v3;
	v9 =	vshrl.u32 v9, $0x10;
	[tilespmem:v7+s3+$0x0] =	vst.idx.add.s32.msk $0xffff, v1  }
.Ltmp7:
0x16e: {  	v3 =	vand.u32 $0x7FFF, v9;
	[tilespmem:v8+s3+$0x0] =	vst.idx.add.s32.msk $0xffff, v1;
	(pc) =	sbr.rel @p0 .LBB2_13-.Ltmp7, $4  }
0x16f: {  	[tilespmem:v6+s3+$0x0] =	vst.idx.add.s32.msk $0xffff, v1  }
0x170: {  	[tilespmem:v5+s3+$0x0] =	vst.idx.add.s32.msk $0xffff, v1  }
0x171: {  	[tilespmem:v4+s3+$0x0] =	vst.idx.add.s32.msk $0xffff, v1  }
0x172: {  	[tilespmem:v10+s3+$0x0] =	vst.idx.add.s32.msk $0xffff, v1  }
0x173: {  	_ =	sdelay $0x3  }
0x174: {  	[tilespmem:v3+s3+$0x0] =	vst.idx.add.s32.msk $0xffff, v1  }
0x175: {  	[tilespmem:v2+s3+$0x0] =	vst.idx.add.s32.msk $0xffff, v1  }
0x176: {  	v2 =	vld [tilespmem:s26+$0xFFFFFC20]  }
0x177: {  	v3 =	vld [tilespmem:s26+$0xFFFFFC30]  }
0x178: {  	v4 =	vld [tilespmem:s26+$0xFFFFFC50]  }
0x179: {  	v5 =	vld [tilespmem:s26+$0xFFFFFC00]  }
0x17a: {  	v6 =	vld [tilespmem:s26+$0x70]  }
0x17b: {  	v7 =	vld [tilespmem:s26+$0x60]  }
0x17c: {  	v8 =	vld [tilespmem:s26+$0x50]  }
0x17d: {  	v9 =	vld [tilespmem:s26+$0x40]  }
0x17e: {  	v10 =	vld [tilespmem:s26+$0x30];
	v5 =	vshrl.u32 v5, $0x10  }
0x17f: {  	v11 =	vld [tilespmem:s26+$0x20];
	v5 =	vand.u32 $0x7FFF, v5  }
0x180: {  	v13 =	vld [tilespmem:s26+$0x0]  }
0x181: {  	v12 =	vld [tilespmem:s26+$0x10];
	v7 =	vshrl.u32 v7, $0x10  }
0x182: {  	v14 =	vld [tilespmem:s26+$0xFFFFFC70];
	v8 =	vshrl.u32 v8, $0x10;
	v7 =	vand.u32 $0x7FFF, v7  }
0x183: {  	v15 =	vld [tilespmem:s26+$0xFFFFFC60];
	v10 =	vshrl.u32 v10, $0x10;
	v8 =	vand.u32 $0x7FFF, v8  }
0x184: {  	v9 =	vshrl.u32 v9, $0x10;
	[tilespmem:v5+s3+$0x0] =	vst.idx.add.s32.msk $0xffff, v1;
	v5 =	vand.u32 $0x7FFF, v10  }
0x185: {  	v58 =	vld [tilespmem:s26+$0xFFFFFC40];
	v13 =	vshrl.u32 v13, $0x10;
	v9 =	vand.u32 $0x7FFF, v9  }
0x186: {  	v60 =	vld [tilespmem:s26+$0xFFFFFC10];
	v6 =	vshrl.u32 v6, $0x10;
	v59 =	vand.u32 $0x7FFF, v13  }
0x187: {  	v4 =	vshrl.u32 v4, $0x10;
	v6 =	vand.u32 $0x7FFF, v6;
	[tilespmem:v7+s3+$0x0] =	vst.idx.add.s32.msk $0xffff, v1  }
0x188: {  	v61 =	vshrl.u32 v15, $0x10;
	v4 =	vand.u32 $0x7FFF, v4;
	[tilespmem:v8+s3+$0x0] =	vst.idx.add.s32.msk $0xffff, v1  }
0x189: {  	v3 =	vshrl.u32 v3, $0x10;
	[tilespmem:v5+s3+$0x0] =	vst.idx.add.s32.msk $0xffff, v1;
	v5 =	vand.u32 $0x7FFF, v61  }
0x18a: {  	v57 =	vshrl.u32 v11, $0x10;
	v63 =	vand.u32 $0x7FFF, v3;
	[tilespmem:v9+s3+$0x0] =	vst.idx.add.s32.msk $0xffff, v1  }
0x18b: {  	v62 =	vshrl.u32 v58, $0x10;
	v10 =	vand.u32 $0x7FFF, v57;
	[tilespmem:v59+s3+$0x0] =	vst.idx.add.s32.msk $0xffff, v1  }
0x18c: {  	v7 =	vshrl.u32 v12, $0x10;
	v9 =	vand.u32 $0x7FFF, v62;
	[tilespmem:v6+s3+$0x0] =	vst.idx.add.s32.msk $0xffff, v1  }
0x18d: {  	[tilespmem:v4+s3+$0x0] =	vst.idx.add.s32.msk $0xffff, v1;
	v4 =	vshrl.u32 v2, $0x10;
	v7 =	vand.u32 $0x7FFF, v7  }
0x18e: {  	v3 =	vshrl.u32 v14, $0x10;
	v4 =	vand.u32 $0x7FFF, v4;
	[tilespmem:v5+s3+$0x0] =	vst.idx.add.s32.msk $0xffff, v1;
	v5 =	vshrl.u32 v60, $0x10  }
0x18f: {  	v2 =	vand.u32 $0x7FFF, v3;
	[tilespmem:v63+s3+$0x0] =	vst.idx.add.s32.msk $0xffff, v1;
	v3 =	vand.u32 $0x7FFF, v5  }
0x190: {  	[tilespmem:v10+s3+$0x0] =	vst.idx.add.s32.msk $0xffff, v1  }
0x191: {  	[tilespmem:v9+s3+$0x0] =	vst.idx.add.s32.msk $0xffff, v1  }
0x192: {  	s28 =	simm.s32 $0x0;
	s25 =	simm.s32 $0x8700;
	[tilespmem:v7+s3+$0x0] =	vst.idx.add.s32.msk $0xffff, v1  }
.LBB2_15:
0x193: {  	s28 =	sadd.s32 $0x10, s28;
	[tilespmem:v4+s3+$0x0] =	vst.idx.add.s32.msk $0xffff, v1;
	s26 =	sadd.s32 $0x800, s26  }
0x194: {  	p0 =	slt.u32 s28, $0x70;
	[tilespmem:v3+s3+$0x0] =	vst.idx.add.s32.msk $0xffff, v1  }
0x195: {  	[tilespmem:v2+s3+$0x0] =	vst.idx.add.s32.msk $0xffff, v1  }
0x196: {  	v3 =	vld [tilespmem:s26+$0xFFFFFC20]  }
0x197: {  	v4 =	vld [tilespmem:s26+$0xFFFFFC30]  }
0x198: {  	v5 =	vld [tilespmem:s26+$0xFFFFFC50]  }
0x199: {  	v2 =	vld [tilespmem:s26+$0xFFFFFC00]  }
0x19a: {  	v6 =	vld [tilespmem:s26+$0x70]  }
0x19b: {  	v7 =	vld [tilespmem:s26+$0x60]  }
0x19c: {  	v8 =	vld [tilespmem:s26+$0x50]  }
0x19d: {  	v9 =	vld [tilespmem:s26+$0x40]  }
0x19e: {  	v2 =	vshrl.u32 v2, $0x10;
	v10 =	vld [tilespmem:s26+$0x30]  }
0x19f: {  	v2 =	vand.u32 $0x7FFF, v2;
	v11 =	vld [tilespmem:s26+$0x20];
	v6 =	vshrl.u32 v6, $0x10  }
0x1a0: {  	v12 =	vld [tilespmem:s26+$0x10];
	v7 =	vshrl.u32 v7, $0x10  }
0x1a1: {  	v13 =	vld [tilespmem:s26+$0x0];
	v8 =	vshrl.u32 v8, $0x10;
	v7 =	vand.u32 $0x7FFF, v7  }
0x1a2: {  	v14 =	vld [tilespmem:s26+$0xFFFFFC70];
	v9 =	vshrl.u32 v9, $0x10;
	v8 =	vand.u32 $0x7FFF, v8  }
0x1a3: {  	v15 =	vld [tilespmem:s26+$0xFFFFFC60];
	v10 =	vshrl.u32 v10, $0x10  }
0x1a4: {  	[tilespmem:v2+s3+$0x0] =	vst.idx.add.s32.msk $0xffff, v1;
	v2 =	vshrl.u32 v11, $0x10;
	v10 =	vand.u32 $0x7FFF, v10  }
0x1a5: {  	v9 =	vand.u32 $0x7FFF, v9;
	v11 =	vld [tilespmem:s26+$0xFFFFFC40];
	v12 =	vshrl.u32 v12, $0x10;
	v16 =	vand.u32 $0x7FFF, v2  }
0x1a6: {  	v2 =	vshrl.u32 v13, $0x10;
	v12 =	vand.u32 $0x7FFF, v12;
	[tilespmem:v7+s3+$0x0] =	vst.idx.add.s32.msk $0xffff, v1  }
0x1a7: {  	v7 =	vshrl.u32 v14, $0x10;
	v13 =	vand.u32 $0x7FFF, v2;
	[tilespmem:v8+s3+$0x0] =	vst.idx.add.s32.msk $0xffff, v1  }
0x1a8: {  	v6 =	vand.u32 $0x7FFF, v6;
	v8 =	vld [tilespmem:s26+$0xFFFFFC10];
	v14 =	vshrl.u32 v15, $0x10;
	v2 =	vand.u32 $0x7FFF, v7  }
0x1a9: {  	v5 =	vshrl.u32 v5, $0x10;
	v7 =	vand.u32 $0x7FFF, v14;
	[tilespmem:v10+s3+$0x0] =	vst.idx.add.s32.msk $0xffff, v1  }
0x1aa: {  	v5 =	vand.u32 $0x7FFF, v5;
	v10 =	vshrl.u32 v11, $0x10;
	[tilespmem:v9+s3+$0x0] =	vst.idx.add.s32.msk $0xffff, v1  }
0x1ab: {  	v4 =	vshrl.u32 v4, $0x10;
	v9 =	vand.u32 $0x7FFF, v10;
	[tilespmem:v16+s3+$0x0] =	vst.idx.add.s32.msk $0xffff, v1  }
0x1ac: {  	v3 =	vshrl.u32 v3, $0x10;
	v10 =	vand.u32 $0x7FFF, v4;
	[tilespmem:v13+s3+$0x0] =	vst.idx.add.s32.msk $0xffff, v1  }
0x1ad: {  	v4 =	vand.u32 $0x7FFF, v3;
	v8 =	vshrl.u32 v8, $0x10;
	[tilespmem:v12+s3+$0x0] =	vst.idx.add.s32.msk $0xffff, v1  }
.Ltmp8:
0x1ae: {  	v3 =	vand.u32 $0x7FFF, v8;
	[tilespmem:v6+s3+$0x0] =	vst.idx.add.s32.msk $0xffff, v1;
	(pc) =	sbr.rel @p0 .LBB2_15-.Ltmp8, $4  }
0x1af: {  	[tilespmem:v7+s3+$0x0] =	vst.idx.add.s32.msk $0xffff, v1  }
0x1b0: {  	[tilespmem:v5+s3+$0x0] =	vst.idx.add.s32.msk $0xffff, v1  }
0x1b1: {  	[tilespmem:v9+s3+$0x0] =	vst.idx.add.s32.msk $0xffff, v1  }
0x1b2: {  	[tilespmem:v10+s3+$0x0] =	vst.idx.add.s32.msk $0xffff, v1  }
0x1b3: {  	_ =	sdelay $0x3  }
0x1b4: {  	[tilespmem:v4+s3+$0x0] =	vst.idx.add.s32.msk $0xffff, v1  }
0x1b5: {  	[tilespmem:v3+s3+$0x0] =	vst.idx.add.s32.msk $0xffff, v1  }
0x1b6: {  	[tilespmem:v2+s3+$0x0] =	vst.idx.add.s32.msk $0xffff, v1  }
0x1b7: {  	v2 =	vld [tilespmem:s25+$0xFFFFFC20]  }
0x1b8: {  	v3 =	vld [tilespmem:s25+$0xFFFFFC30]  }
0x1b9: {  	v4 =	vld [tilespmem:s25+$0xFFFFFC40]  }
0x1ba: {  	v5 =	vld [tilespmem:s25+$0xFFFFFC50]  }
0x1bb: {  	v6 =	vld [tilespmem:s25+$0xFFFFFC00]  }
0x1bc: {  	v7 =	vld [tilespmem:s25+$0x70]  }
0x1bd: {  	v8 =	vld [tilespmem:s25+$0x60]  }
0x1be: {  	v9 =	vld [tilespmem:s25+$0x50]  }
0x1bf: {  	v10 =	vld [tilespmem:s25+$0x40]  }
0x1c0: {  	v11 =	vld [tilespmem:s25+$0x30]  }
0x1c1: {  	v12 =	vld [tilespmem:s25+$0x20];
	v6 =	vshrl.u32 v6, $0x10  }
0x1c2: {  	v13 =	vld [tilespmem:s25+$0x10];
	v7 =	vshrl.u32 v7, $0x10;
	v6 =	vand.u32 $0x7FFF, v6  }
0x1c3: {  	v14 =	vld [tilespmem:s25+$0x0];
	v8 =	vshrl.u32 v8, $0x10;
	v7 =	vand.u32 $0x7FFF, v7  }
0x1c4: {  	v15 =	vld [tilespmem:s25+$0xFFFFFC70];
	v9 =	vshrl.u32 v9, $0x10;
	v8 =	vand.u32 $0x7FFF, v8  }
0x1c5: {  	v16 =	vld [tilespmem:s25+$0xFFFFFC60];
	v11 =	vshrl.u32 v11, $0x10;
	v9 =	vand.u32 $0x7FFF, v9  }
0x1c6: {  	v61 =	vld [tilespmem:s25+$0xFFFFFC10];
	v10 =	vshrl.u32 v10, $0x10;
	v56 =	vand.u32 $0x7FFF, v11  }
0x1c7: {  	v57 =	vshrl.u32 v12, $0x10;
	v10 =	vand.u32 $0x7FFF, v10;
	[tilespmem:v6+s3+$0x0] =	vst.idx.add.s32.msk $0xffff, v1  }
0x1c8: {  	v59 =	vshrl.u32 v14, $0x10;
	v58 =	vand.u32 $0x7FFF, v57;
	[tilespmem:v7+s3+$0x0] =	vst.idx.add.s32.msk $0xffff, v1  }
0x1c9: {  	v4 =	vshrl.u32 v4, $0x10;
	v11 =	vand.u32 $0x7FFF, v59;
	[tilespmem:v8+s3+$0x0] =	vst.idx.add.s32.msk $0xffff, v1  }
0x1ca: {  	v3 =	vshrl.u32 v3, $0x10;
	v4 =	vand.u32 $0x7FFF, v4;
	[tilespmem:v9+s3+$0x0] =	vst.idx.add.s32.msk $0xffff, v1  }
0x1cb: {  	v62 =	vshrl.u32 v16, $0x10;
	v3 =	vand.u32 $0x7FFF, v3;
	[tilespmem:v56+s3+$0x0] =	vst.idx.add.s32.msk $0xffff, v1  }
0x1cc: {  	v5 =	vshrl.u32 v5, $0x10;
	v12 =	vand.u32 $0x7FFF, v62;
	[tilespmem:v10+s3+$0x0] =	vst.idx.add.s32.msk $0xffff, v1  }
0x1cd: {  	v2 =	vshrl.u32 v2, $0x10;
	v5 =	vand.u32 $0x7FFF, v5;
	[tilespmem:v58+s3+$0x0] =	vst.idx.add.s32.msk $0xffff, v1  }
0x1ce: {  	v60 =	vshrl.u32 v13, $0x10;
	v63 =	vand.u32 $0x7FFF, v2;
	[tilespmem:v11+s3+$0x0] =	vst.idx.add.s32.msk $0xffff, v1  }
0x1cf: {  	v8 =	vand.u32 $0x7FFF, v60;
	[tilespmem:v4+s3+$0x0] =	vst.idx.add.s32.msk $0xffff, v1;
	v4 =	vshrl.u32 v61, $0x10  }
0x1d0: {  	v2 =	vshrl.u32 v15, $0x10;
	[tilespmem:v3+s3+$0x0] =	vst.idx.add.s32.msk $0xffff, v1;
	v3 =	vand.u32 $0x7FFF, v4  }
0x1d1: {  	v2 =	vand.u32 $0x7FFF, v2;
	[tilespmem:v12+s3+$0x0] =	vst.idx.add.s32.msk $0xffff, v1  }
0x1d2: {  	[tilespmem:v5+s3+$0x0] =	vst.idx.add.s32.msk $0xffff, v1  }
0x1d3: {  	[tilespmem:v63+s3+$0x0] =	vst.idx.add.s32.msk $0xffff, v1  }
0x1d4: {  	s28 =	simm.s32 $0x0;
	[tilespmem:v8+s3+$0x0] =	vst.idx.add.s32.msk $0xffff, v1  }
.LBB2_17:
0x1d5: {  	s28 =	sadd.s32 $0x10, s28;
	[tilespmem:v3+s3+$0x0] =	vst.idx.add.s32.msk $0xffff, v1;
	s25 =	sadd.s32 $0x800, s25;
	s26 =	simm.s32 $0x8780  }
0x1d6: {  	p0 =	slt.u32 s28, $0x70;
	[tilespmem:v2+s3+$0x0] =	vst.idx.add.s32.msk $0xffff, v1  }
0x1d7: {  	v3 =	vld [tilespmem:s25+$0xFFFFFC20]  }
0x1d8: {  	v4 =	vld [tilespmem:s25+$0xFFFFFC30]  }
0x1d9: {  	v5 =	vld [tilespmem:s25+$0xFFFFFC40]  }
0x1da: {  	v6 =	vld [tilespmem:s25+$0xFFFFFC50]  }
0x1db: {  	v2 =	vld [tilespmem:s25+$0xFFFFFC00]  }
0x1dc: {  	v7 =	vld [tilespmem:s25+$0x70]  }
0x1dd: {  	v8 =	vld [tilespmem:s25+$0x60]  }
0x1de: {  	v9 =	vld [tilespmem:s25+$0x50]  }
0x1df: {  	v10 =	vld [tilespmem:s25+$0x40]  }
0x1e0: {  	v2 =	vshrl.u32 v2, $0x10;
	v11 =	vld [tilespmem:s25+$0x30]  }
0x1e1: {  	v2 =	vand.u32 $0x7FFF, v2;
	v12 =	vld [tilespmem:s25+$0x20];
	v7 =	vshrl.u32 v7, $0x10  }
0x1e2: {  	v13 =	vld [tilespmem:s25+$0x10];
	v8 =	vshrl.u32 v8, $0x10;
	v7 =	vand.u32 $0x7FFF, v7  }
0x1e3: {  	v14 =	vld [tilespmem:s25+$0x0];
	v9 =	vshrl.u32 v9, $0x10;
	v8 =	vand.u32 $0x7FFF, v8  }
0x1e4: {  	v15 =	vld [tilespmem:s25+$0xFFFFFC70];
	v10 =	vshrl.u32 v10, $0x10;
	v9 =	vand.u32 $0x7FFF, v9  }
0x1e5: {  	v16 =	vld [tilespmem:s25+$0xFFFFFC60];
	v11 =	vshrl.u32 v11, $0x10  }
0x1e6: {  	[tilespmem:v2+s3+$0x0] =	vst.idx.add.s32.msk $0xffff, v1;
	v2 =	vshrl.u32 v12, $0x10;
	v11 =	vand.u32 $0x7FFF, v11  }
0x1e7: {  	v10 =	vand.u32 $0x7FFF, v10;
	v12 =	vshrl.u32 v13, $0x10;
	v13 =	vand.u32 $0x7FFF, v2;
	[tilespmem:v7+s3+$0x0] =	vst.idx.add.s32.msk $0xffff, v1  }
0x1e8: {  	v2 =	vshrl.u32 v14, $0x10;
	v7 =	vand.u32 $0x7FFF, v12;
	[tilespmem:v8+s3+$0x0] =	vst.idx.add.s32.msk $0xffff, v1  }
0x1e9: {  	v8 =	vshrl.u32 v15, $0x10;
	v12 =	vand.u32 $0x7FFF, v2;
	[tilespmem:v9+s3+$0x0] =	vst.idx.add.s32.msk $0xffff, v1  }
0x1ea: {  	v9 =	vld [tilespmem:s25+$0xFFFFFC10];
	v14 =	vshrl.u32 v16, $0x10;
	v2 =	vand.u32 $0x7FFF, v8  }
0x1eb: {  	v6 =	vshrl.u32 v6, $0x10;
	v8 =	vand.u32 $0x7FFF, v14;
	[tilespmem:v11+s3+$0x0] =	vst.idx.add.s32.msk $0xffff, v1  }
0x1ec: {  	v5 =	vshrl.u32 v5, $0x10;
	v6 =	vand.u32 $0x7FFF, v6;
	[tilespmem:v10+s3+$0x0] =	vst.idx.add.s32.msk $0xffff, v1  }
0x1ed: {  	v4 =	vshrl.u32 v4, $0x10;
	v5 =	vand.u32 $0x7FFF, v5;
	[tilespmem:v13+s3+$0x0] =	vst.idx.add.s32.msk $0xffff, v1  }
0x1ee: {  	v3 =	vshrl.u32 v3, $0x10;
	v4 =	vand.u32 $0x7FFF, v4;
	[tilespmem:v12+s3+$0x0] =	vst.idx.add.s32.msk $0xffff, v1  }
0x1ef: {  	v10 =	vand.u32 $0x7FFF, v3;
	v9 =	vshrl.u32 v9, $0x10;
	[tilespmem:v7+s3+$0x0] =	vst.idx.add.s32.msk $0xffff, v1  }
.Ltmp9:
0x1f0: {  	v3 =	vand.u32 $0x7FFF, v9;
	[tilespmem:v8+s3+$0x0] =	vst.idx.add.s32.msk $0xffff, v1;
	(pc) =	sbr.rel @p0 .LBB2_17-.Ltmp9, $4  }
0x1f1: {  	[tilespmem:v6+s3+$0x0] =	vst.idx.add.s32.msk $0xffff, v1  }
0x1f2: {  	[tilespmem:v5+s3+$0x0] =	vst.idx.add.s32.msk $0xffff, v1  }
0x1f3: {  	[tilespmem:v4+s3+$0x0] =	vst.idx.add.s32.msk $0xffff, v1  }
0x1f4: {  	[tilespmem:v10+s3+$0x0] =	vst.idx.add.s32.msk $0xffff, v1  }
0x1f5: {  	_ =	sdelay $0x3  }
0x1f6: {  	[tilespmem:v3+s3+$0x0] =	vst.idx.add.s32.msk $0xffff, v1  }
0x1f7: {  	[tilespmem:v2+s3+$0x0] =	vst.idx.add.s32.msk $0xffff, v1  }
0x1f8: {  	v2 =	vld [tilespmem:s26+$0xFFFFFC20]  }
0x1f9: {  	v3 =	vld [tilespmem:s26+$0xFFFFFC30]  }
0x1fa: {  	v4 =	vld [tilespmem:s26+$0xFFFFFC40]  }
0x1fb: {  	v5 =	vld [tilespmem:s26+$0xFFFFFC50]  }
0x1fc: {  	v6 =	vld [tilespmem:s26+$0xFFFFFC00]  }
0x1fd: {  	v7 =	vld [tilespmem:s26+$0x70]  }
0x1fe: {  	v8 =	vld [tilespmem:s26+$0x60]  }
0x1ff: {  	v9 =	vld [tilespmem:s26+$0x50]  }
0x200: {  	v10 =	vld [tilespmem:s26+$0x40]  }
0x201: {  	v11 =	vld [tilespmem:s26+$0x30]  }
0x202: {  	v12 =	vld [tilespmem:s26+$0x20];
	v6 =	vshrl.u32 v6, $0x10  }
0x203: {  	v13 =	vld [tilespmem:s26+$0x10];
	v7 =	vshrl.u32 v7, $0x10;
	v6 =	vand.u32 $0x7FFF, v6  }
0x204: {  	v16 =	vld [tilespmem:s26+$0xFFFFFC60];
	v8 =	vshrl.u32 v8, $0x10;
	v7 =	vand.u32 $0x7FFF, v7  }
0x205: {  	v14 =	vld [tilespmem:s26+$0x0];
	v9 =	vshrl.u32 v9, $0x10;
	v8 =	vand.u32 $0x7FFF, v8  }
0x206: {  	v15 =	vld [tilespmem:s26+$0xFFFFFC70];
	v11 =	vshrl.u32 v11, $0x10;
	v9 =	vand.u32 $0x7FFF, v9  }
0x207: {  	v60 =	vld [tilespmem:s26+$0xFFFFFC10];
	v10 =	vshrl.u32 v10, $0x10;
	v56 =	vand.u32 $0x7FFF, v11  }
0x208: {  	v57 =	vshrl.u32 v13, $0x10;
	v10 =	vand.u32 $0x7FFF, v10;
	[tilespmem:v6+s3+$0x0] =	vst.idx.add.s32.msk $0xffff, v1  }
0x209: {  	v61 =	vshrl.u32 v16, $0x10;
	v11 =	vand.u32 $0x7FFF, v57;
	[tilespmem:v7+s3+$0x0] =	vst.idx.add.s32.msk $0xffff, v1  }
0x20a: {  	v59 =	vshrl.u32 v12, $0x10;
	v5 =	vshrl.u32 v5, $0x10;
	v12 =	vand.u32 $0x7FFF, v61;
	[tilespmem:v8+s3+$0x0] =	vst.idx.add.s32.msk $0xffff, v1  }
0x20b: {  	v3 =	vshrl.u32 v3, $0x10;
	v5 =	vand.u32 $0x7FFF, v5;
	[tilespmem:v9+s3+$0x0] =	vst.idx.add.s32.msk $0xffff, v1  }
0x20c: {  	v2 =	vshrl.u32 v2, $0x10;
	v3 =	vand.u32 $0x7FFF, v3;
	[tilespmem:v56+s3+$0x0] =	vst.idx.add.s32.msk $0xffff, v1  }
0x20d: {  	v58 =	vshrl.u32 v14, $0x10;
	v63 =	vand.u32 $0x7FFF, v2;
	[tilespmem:v10+s3+$0x0] =	vst.idx.add.s32.msk $0xffff, v1  }
0x20e: {  	v7 =	vand.u32 $0x7FFF, v58;
	[tilespmem:v11+s3+$0x0] =	vst.idx.add.s32.msk $0xffff, v1  }
0x20f: {  	v62 =	vshrl.u32 v15, $0x10;
	v8 =	vand.u32 $0x7FFF, v59;
	[tilespmem:v12+s3+$0x0] =	vst.idx.add.s32.msk $0xffff, v1  }
0x210: {  	v2 =	vshrl.u32 v4, $0x10;
	v4 =	vshrl.u32 v60, $0x10;
	v6 =	vand.u32 $0x7FFF, v62;
	[tilespmem:v5+s3+$0x0] =	vst.idx.add.s32.msk $0xffff, v1  }
0x211: {  	[tilespmem:v3+s3+$0x0] =	vst.idx.add.s32.msk $0xffff, v1;
	v3 =	vand.u32 $0x7FFF, v4  }
0x212: {  	v2 =	vand.u32 $0x7FFF, v2;
	[tilespmem:v63+s3+$0x0] =	vst.idx.add.s32.msk $0xffff, v1  }
0x213: {  	[tilespmem:v7+s3+$0x0] =	vst.idx.add.s32.msk $0xffff, v1  }
0x214: {  	[tilespmem:v8+s3+$0x0] =	vst.idx.add.s32.msk $0xffff, v1  }
0x215: {  	s25 =	simm.s32 $0x0;
	[tilespmem:v6+s3+$0x0] =	vst.idx.add.s32.msk $0xffff, v1  }
.LBB2_19:
0x216: {  	s25 =	sadd.s32 $0x10, s25;
	[tilespmem:v3+s3+$0x0] =	vst.idx.add.s32.msk $0xffff, v1;
	s26 =	sadd.s32 $0x800, s26  }
0x217: {  	p0 =	slt.u32 s25, $0x70;
	[tilespmem:v2+s3+$0x0] =	vst.idx.add.s32.msk $0xffff, v1  }
0x218: {  	v3 =	vld [tilespmem:s26+$0xFFFFFC20]  }
0x219: {  	v2 =	vld [tilespmem:s26+$0xFFFFFC30]  }
0x21a: {  	v4 =	vld [tilespmem:s26+$0xFFFFFC40]  }
0x21b: {  	v5 =	vld [tilespmem:s26+$0xFFFFFC50]  }
0x21c: {  	v6 =	vld [tilespmem:s26+$0xFFFFFC00]  }
0x21d: {  	v7 =	vld [tilespmem:s26+$0x70]  }
0x21e: {  	v8 =	vld [tilespmem:s26+$0x60]  }
0x21f: {  	v9 =	vld [tilespmem:s26+$0x50]  }
0x220: {  	v10 =	vld [tilespmem:s26+$0x40]  }
0x221: {  	v6 =	vshrl.u32 v6, $0x10;
	v11 =	vld [tilespmem:s26+$0x30]  }
0x222: {  	v6 =	vand.u32 $0x7FFF, v6;
	v12 =	vld [tilespmem:s26+$0x20];
	v7 =	vshrl.u32 v7, $0x10  }
0x223: {  	v13 =	vld [tilespmem:s26+$0x10];
	v8 =	vshrl.u32 v8, $0x10;
	v7 =	vand.u32 $0x7FFF, v7  }
0x224: {  	v14 =	vld [tilespmem:s26+$0x0];
	v9 =	vshrl.u32 v9, $0x10;
	v8 =	vand.u32 $0x7FFF, v8  }
0x225: {  	v15 =	vld [tilespmem:s26+$0xFFFFFC70];
	v10 =	vshrl.u32 v10, $0x10;
	v9 =	vand.u32 $0x7FFF, v9  }
0x226: {  	v16 =	vld [tilespmem:s26+$0xFFFFFC60];
	v11 =	vshrl.u32 v11, $0x10  }
0x227: {  	[tilespmem:v6+s3+$0x0] =	vst.idx.add.s32.msk $0xffff, v1;
	v6 =	vshrl.u32 v12, $0x10;
	v11 =	vand.u32 $0x7FFF, v11  }
0x228: {  	v10 =	vand.u32 $0x7FFF, v10;
	v12 =	vshrl.u32 v13, $0x10;
	v6 =	vand.u32 $0x7FFF, v6;
	[tilespmem:v7+s3+$0x0] =	vst.idx.add.s32.msk $0xffff, v1  }
0x229: {  	v7 =	vshrl.u32 v14, $0x10;
	v12 =	vand.u32 $0x7FFF, v12;
	[tilespmem:v8+s3+$0x0] =	vst.idx.add.s32.msk $0xffff, v1  }
0x22a: {  	v8 =	vshrl.u32 v15, $0x10;
	v7 =	vand.u32 $0x7FFF, v7;
	[tilespmem:v9+s3+$0x0] =	vst.idx.add.s32.msk $0xffff, v1  }
0x22b: {  	v9 =	vld [tilespmem:s26+$0xFFFFFC10];
	v13 =	vshrl.u32 v16, $0x10;
	v8 =	vand.u32 $0x7FFF, v8  }
0x22c: {  	v5 =	vshrl.u32 v5, $0x10;
	v13 =	vand.u32 $0x7FFF, v13;
	[tilespmem:v11+s3+$0x0] =	vst.idx.add.s32.msk $0xffff, v1  }
0x22d: {  	v4 =	vshrl.u32 v4, $0x10;
	v5 =	vand.u32 $0x7FFF, v5;
	[tilespmem:v10+s3+$0x0] =	vst.idx.add.s32.msk $0xffff, v1  }
0x22e: {  	v10 =	vshrl.u32 v2, $0x10;
	v2 =	vand.u32 $0x7FFF, v4;
	[tilespmem:v12+s3+$0x0] =	vst.idx.add.s32.msk $0xffff, v1  }
0x22f: {  	v3 =	vshrl.u32 v3, $0x10;
	v4 =	vand.u32 $0x7FFF, v10;
	[tilespmem:v7+s3+$0x0] =	vst.idx.add.s32.msk $0xffff, v1  }
0x230: {  	v7 =	vshrl.u32 v9, $0x10;
	v9 =	vand.u32 $0x7FFF, v3;
	[tilespmem:v6+s3+$0x0] =	vst.idx.add.s32.msk $0xffff, v1  }
.Ltmp10:
0x231: {  	v3 =	vand.u32 $0x7FFF, v7;
	[tilespmem:v13+s3+$0x0] =	vst.idx.add.s32.msk $0xffff, v1;
	(pc) =	sbr.rel @p0 .LBB2_19-.Ltmp10, $4  }
0x232: {  	[tilespmem:v5+s3+$0x0] =	vst.idx.add.s32.msk $0xffff, v1  }
0x233: {  	[tilespmem:v8+s3+$0x0] =	vst.idx.add.s32.msk $0xffff, v1  }
0x234: {  	[tilespmem:v4+s3+$0x0] =	vst.idx.add.s32.msk $0xffff, v1  }
0x235: {  	[tilespmem:v9+s3+$0x0] =	vst.idx.add.s32.msk $0xffff, v1  }
0x236: {  	_ =	sdelay $0x1  }
0x237: {  	s25 =	sshll.u32 s24, $0x10;
	p0 =	seq.s32 s24, $0x7  }
0x238: {  	s26 =	sadd.s32 @!p0 s25, s8  }
0x239: {  	[tilespmem:v3+s3+$0x0] =	vst.idx.add.s32.msk $0xffff, v1;
	s26 =	sshrl.u32 @!p0 s26, $0x3  }
0x23a: {  	[tilespmem:v2+s3+$0x0] =	vst.idx.add.s32.msk $0xffff, v1;
	s28 =	simm.s32 @!p0 $0x0;
	s29 =	simm.s32 @!p0 $0x8000;
	s26 =	sadd.s32 @!p0 s2, s26  }
0x23b: {  	[tilespmem:s29], [sflag:$0x1] =	stream.linear.gather @!p0 [hbm4b:s26+s28], $0x4000, $0x38;
	[tilespmem:$0x18000] =	vst v63  }
0x23c: {  	_ =	swait.ge [sflag:s19], $0x4000  }
0x23d: {  	[sflag:s19] =	ssyncset.done $0x0  }
0x23e: {  	s26 =	simm.s32 $0xC400;
	[sflag:s19] =	ssyncadd.s32 $0xFFFFC000  }
0x23f: {  	v2 =	vld [tilespmem:s26+$0xFFFFFC20]  }
0x240: {  	v3 =	vld [tilespmem:s26+$0xFFFFFC30]  }
0x241: {  	v4 =	vld [tilespmem:s26+$0xFFFFFC40]  }
0x242: {  	v5 =	vld [tilespmem:s26+$0xFFFFFC50]  }
0x243: {  	v6 =	vld [tilespmem:s26+$0xFFFFFC00]  }
0x244: {  	v7 =	vld [tilespmem:s26+$0x70]  }
0x245: {  	v8 =	vld [tilespmem:s26+$0x60]  }
0x246: {  	v9 =	vld [tilespmem:s26+$0x50]  }
0x247: {  	v10 =	vld [tilespmem:s26+$0x40]  }
0x248: {  	v11 =	vld [tilespmem:s26+$0x30]  }
0x249: {  	v12 =	vld [tilespmem:s26+$0x20];
	v6 =	vshrl.u32 v6, $0x10  }
0x24a: {  	v13 =	vld [tilespmem:s26+$0x10];
	v7 =	vshrl.u32 v7, $0x10;
	v6 =	vand.u32 $0x7FFF, v6  }
0x24b: {  	v14 =	vld [tilespmem:s26+$0x0];
	v8 =	vshrl.u32 v8, $0x10;
	v7 =	vand.u32 $0x7FFF, v7  }
0x24c: {  	v15 =	vld [tilespmem:s26+$0xFFFFFC70];
	v9 =	vshrl.u32 v9, $0x10;
	v8 =	vand.u32 $0x7FFF, v8  }
0x24d: {  	v16 =	vld [tilespmem:s26+$0xFFFFFC60];
	v11 =	vshrl.u32 v11, $0x10;
	v9 =	vand.u32 $0x7FFF, v9  }
0x24e: {  	v61 =	vld [tilespmem:s26+$0xFFFFFC10];
	v10 =	vshrl.u32 v10, $0x10;
	v56 =	vand.u32 $0x7FFF, v11  }
0x24f: {  	v57 =	vshrl.u32 v12, $0x10;
	v10 =	vand.u32 $0x7FFF, v10;
	[tilespmem:v6+s3+$0x0] =	vst.idx.add.s32.msk $0xffff, v1  }
0x250: {  	v59 =	vshrl.u32 v14, $0x10;
	v58 =	vand.u32 $0x7FFF, v57;
	[tilespmem:v7+s3+$0x0] =	vst.idx.add.s32.msk $0xffff, v1  }
0x251: {  	v4 =	vshrl.u32 v4, $0x10;
	v11 =	vand.u32 $0x7FFF, v59;
	[tilespmem:v8+s3+$0x0] =	vst.idx.add.s32.msk $0xffff, v1  }
0x252: {  	v3 =	vshrl.u32 v3, $0x10;
	v4 =	vand.u32 $0x7FFF, v4;
	[tilespmem:v9+s3+$0x0] =	vst.idx.add.s32.msk $0xffff, v1  }
0x253: {  	v62 =	vshrl.u32 v16, $0x10;
	v3 =	vand.u32 $0x7FFF, v3;
	[tilespmem:v56+s3+$0x0] =	vst.idx.add.s32.msk $0xffff, v1  }
0x254: {  	v5 =	vshrl.u32 v5, $0x10;
	v12 =	vand.u32 $0x7FFF, v62;
	[tilespmem:v10+s3+$0x0] =	vst.idx.add.s32.msk $0xffff, v1  }
0x255: {  	v2 =	vshrl.u32 v2, $0x10;
	v5 =	vand.u32 $0x7FFF, v5;
	[tilespmem:v58+s3+$0x0] =	vst.idx.add.s32.msk $0xffff, v1  }
0x256: {  	v60 =	vshrl.u32 v13, $0x10;
	v63 =	vand.u32 $0x7FFF, v2;
	[tilespmem:v11+s3+$0x0] =	vst.idx.add.s32.msk $0xffff, v1  }
0x257: {  	v8 =	vand.u32 $0x7FFF, v60;
	[tilespmem:v4+s3+$0x0] =	vst.idx.add.s32.msk $0xffff, v1;
	v4 =	vshrl.u32 v61, $0x10  }
0x258: {  	v2 =	vshrl.u32 v15, $0x10;
	[tilespmem:v3+s3+$0x0] =	vst.idx.add.s32.msk $0xffff, v1;
	v3 =	vand.u32 $0x7FFF, v4  }
0x259: {  	v2 =	vand.u32 $0x7FFF, v2;
	[tilespmem:v12+s3+$0x0] =	vst.idx.add.s32.msk $0xffff, v1  }
0x25a: {  	[tilespmem:v5+s3+$0x0] =	vst.idx.add.s32.msk $0xffff, v1  }
0x25b: {  	[tilespmem:v63+s3+$0x0] =	vst.idx.add.s32.msk $0xffff, v1  }
0x25c: {  	s29 =	simm.s32 $0x0;
	[tilespmem:v8+s3+$0x0] =	vst.idx.add.s32.msk $0xffff, v1  }
.LBB2_21:
0x25d: {  	s29 =	sadd.s32 $0x10, s29;
	[tilespmem:v3+s3+$0x0] =	vst.idx.add.s32.msk $0xffff, v1;
	s26 =	sadd.s32 $0x800, s26;
	s28 =	simm.s32 $0xC480  }
0x25e: {  	p1 =	slt.u32 s29, $0x70;
	[tilespmem:v2+s3+$0x0] =	vst.idx.add.s32.msk $0xffff, v1  }
0x25f: {  	v3 =	vld [tilespmem:s26+$0xFFFFFC20]  }
0x260: {  	v4 =	vld [tilespmem:s26+$0xFFFFFC30]  }
0x261: {  	v5 =	vld [tilespmem:s26+$0xFFFFFC40]  }
0x262: {  	v6 =	vld [tilespmem:s26+$0xFFFFFC50]  }
0x263: {  	v2 =	vld [tilespmem:s26+$0xFFFFFC00]  }
0x264: {  	v7 =	vld [tilespmem:s26+$0x70]  }
0x265: {  	v8 =	vld [tilespmem:s26+$0x60]  }
0x266: {  	v9 =	vld [tilespmem:s26+$0x50]  }
0x267: {  	v10 =	vld [tilespmem:s26+$0x40]  }
0x268: {  	v2 =	vshrl.u32 v2, $0x10;
	v11 =	vld [tilespmem:s26+$0x30]  }
0x269: {  	v2 =	vand.u32 $0x7FFF, v2;
	v12 =	vld [tilespmem:s26+$0x20];
	v7 =	vshrl.u32 v7, $0x10  }
0x26a: {  	v13 =	vld [tilespmem:s26+$0x10];
	v8 =	vshrl.u32 v8, $0x10;
	v7 =	vand.u32 $0x7FFF, v7  }
0x26b: {  	v14 =	vld [tilespmem:s26+$0x0];
	v9 =	vshrl.u32 v9, $0x10;
	v8 =	vand.u32 $0x7FFF, v8  }
0x26c: {  	v15 =	vld [tilespmem:s26+$0xFFFFFC70];
	v10 =	vshrl.u32 v10, $0x10;
	v9 =	vand.u32 $0x7FFF, v9  }
0x26d: {  	v16 =	vld [tilespmem:s26+$0xFFFFFC60];
	v11 =	vshrl.u32 v11, $0x10  }
0x26e: {  	[tilespmem:v2+s3+$0x0] =	vst.idx.add.s32.msk $0xffff, v1;
	v2 =	vshrl.u32 v12, $0x10;
	v11 =	vand.u32 $0x7FFF, v11  }
0x26f: {  	v10 =	vand.u32 $0x7FFF, v10;
	v12 =	vshrl.u32 v13, $0x10;
	v13 =	vand.u32 $0x7FFF, v2;
	[tilespmem:v7+s3+$0x0] =	vst.idx.add.s32.msk $0xffff, v1  }
0x270: {  	v2 =	vshrl.u32 v14, $0x10;
	v7 =	vand.u32 $0x7FFF, v12;
	[tilespmem:v8+s3+$0x0] =	vst.idx.add.s32.msk $0xffff, v1  }
0x271: {  	v8 =	vshrl.u32 v15, $0x10;
	v12 =	vand.u32 $0x7FFF, v2;
	[tilespmem:v9+s3+$0x0] =	vst.idx.add.s32.msk $0xffff, v1  }
0x272: {  	v9 =	vld [tilespmem:s26+$0xFFFFFC10];
	v14 =	vshrl.u32 v16, $0x10;
	v2 =	vand.u32 $0x7FFF, v8  }
0x273: {  	v6 =	vshrl.u32 v6, $0x10;
	v8 =	vand.u32 $0x7FFF, v14;
	[tilespmem:v11+s3+$0x0] =	vst.idx.add.s32.msk $0xffff, v1  }
0x274: {  	v5 =	vshrl.u32 v5, $0x10;
	v6 =	vand.u32 $0x7FFF, v6;
	[tilespmem:v10+s3+$0x0] =	vst.idx.add.s32.msk $0xffff, v1  }
0x275: {  	v4 =	vshrl.u32 v4, $0x10;
	v5 =	vand.u32 $0x7FFF, v5;
	[tilespmem:v13+s3+$0x0] =	vst.idx.add.s32.msk $0xffff, v1  }
0x276: {  	v3 =	vshrl.u32 v3, $0x10;
	v4 =	vand.u32 $0x7FFF, v4;
	[tilespmem:v12+s3+$0x0] =	vst.idx.add.s32.msk $0xffff, v1  }
0x277: {  	v10 =	vand.u32 $0x7FFF, v3;
	v9 =	vshrl.u32 v9, $0x10;
	[tilespmem:v7+s3+$0x0] =	vst.idx.add.s32.msk $0xffff, v1  }
.Ltmp11:
0x278: {  	v3 =	vand.u32 $0x7FFF, v9;
	[tilespmem:v8+s3+$0x0] =	vst.idx.add.s32.msk $0xffff, v1;
	(pc) =	sbr.rel @p1 .LBB2_21-.Ltmp11, $4  }
0x279: {  	[tilespmem:v6+s3+$0x0] =	vst.idx.add.s32.msk $0xffff, v1  }
0x27a: {  	[tilespmem:v5+s3+$0x0] =	vst.idx.add.s32.msk $0xffff, v1  }
0x27b: {  	[tilespmem:v4+s3+$0x0] =	vst.idx.add.s32.msk $0xffff, v1  }
0x27c: {  	[tilespmem:v10+s3+$0x0] =	vst.idx.add.s32.msk $0xffff, v1  }
0x27d: {  	_ =	sdelay $0x3  }
0x27e: {  	[tilespmem:v3+s3+$0x0] =	vst.idx.add.s32.msk $0xffff, v1  }
0x27f: {  	[tilespmem:v2+s3+$0x0] =	vst.idx.add.s32.msk $0xffff, v1  }
0x280: {  	v2 =	vld [tilespmem:s28+$0xFFFFFC20]  }
0x281: {  	v3 =	vld [tilespmem:s28+$0xFFFFFC30]  }
0x282: {  	v4 =	vld [tilespmem:s28+$0xFFFFFC50]  }
0x283: {  	v5 =	vld [tilespmem:s28+$0xFFFFFC00]  }
0x284: {  	v6 =	vld [tilespmem:s28+$0x70]  }
0x285: {  	v7 =	vld [tilespmem:s28+$0x60]  }
0x286: {  	v8 =	vld [tilespmem:s28+$0x50]  }
0x287: {  	v9 =	vld [tilespmem:s28+$0x40]  }
0x288: {  	v10 =	vld [tilespmem:s28+$0x30];
	v5 =	vshrl.u32 v5, $0x10  }
0x289: {  	v11 =	vld [tilespmem:s28+$0x20];
	v5 =	vand.u32 $0x7FFF, v5  }
0x28a: {  	v13 =	vld [tilespmem:s28+$0x0]  }
0x28b: {  	v12 =	vld [tilespmem:s28+$0x10];
	v7 =	vshrl.u32 v7, $0x10  }
0x28c: {  	v14 =	vld [tilespmem:s28+$0xFFFFFC70];
	v8 =	vshrl.u32 v8, $0x10;
	v7 =	vand.u32 $0x7FFF, v7  }
0x28d: {  	v15 =	vld [tilespmem:s28+$0xFFFFFC60];
	v10 =	vshrl.u32 v10, $0x10;
	v8 =	vand.u32 $0x7FFF, v8  }
0x28e: {  	v9 =	vshrl.u32 v9, $0x10;
	[tilespmem:v5+s3+$0x0] =	vst.idx.add.s32.msk $0xffff, v1;
	v5 =	vand.u32 $0x7FFF, v10  }
0x28f: {  	v58 =	vld [tilespmem:s28+$0xFFFFFC40];
	v13 =	vshrl.u32 v13, $0x10;
	v9 =	vand.u32 $0x7FFF, v9  }
0x290: {  	v60 =	vld [tilespmem:s28+$0xFFFFFC10];
	v6 =	vshrl.u32 v6, $0x10;
	v59 =	vand.u32 $0x7FFF, v13  }
0x291: {  	v4 =	vshrl.u32 v4, $0x10;
	v6 =	vand.u32 $0x7FFF, v6;
	[tilespmem:v7+s3+$0x0] =	vst.idx.add.s32.msk $0xffff, v1  }
0x292: {  	v61 =	vshrl.u32 v15, $0x10;
	v4 =	vand.u32 $0x7FFF, v4;
	[tilespmem:v8+s3+$0x0] =	vst.idx.add.s32.msk $0xffff, v1  }
0x293: {  	v3 =	vshrl.u32 v3, $0x10;
	[tilespmem:v5+s3+$0x0] =	vst.idx.add.s32.msk $0xffff, v1;
	v5 =	vand.u32 $0x7FFF, v61  }
0x294: {  	v57 =	vshrl.u32 v11, $0x10;
	v63 =	vand.u32 $0x7FFF, v3;
	[tilespmem:v9+s3+$0x0] =	vst.idx.add.s32.msk $0xffff, v1  }
0x295: {  	v62 =	vshrl.u32 v58, $0x10;
	v10 =	vand.u32 $0x7FFF, v57;
	[tilespmem:v59+s3+$0x0] =	vst.idx.add.s32.msk $0xffff, v1  }
0x296: {  	v7 =	vshrl.u32 v12, $0x10;
	v9 =	vand.u32 $0x7FFF, v62;
	[tilespmem:v6+s3+$0x0] =	vst.idx.add.s32.msk $0xffff, v1  }
0x297: {  	[tilespmem:v4+s3+$0x0] =	vst.idx.add.s32.msk $0xffff, v1;
	v4 =	vshrl.u32 v2, $0x10;
	v7 =	vand.u32 $0x7FFF, v7  }
0x298: {  	v3 =	vshrl.u32 v14, $0x10;
	v4 =	vand.u32 $0x7FFF, v4;
	[tilespmem:v5+s3+$0x0] =	vst.idx.add.s32.msk $0xffff, v1;
	v5 =	vshrl.u32 v60, $0x10  }
0x299: {  	v2 =	vand.u32 $0x7FFF, v3;
	[tilespmem:v63+s3+$0x0] =	vst.idx.add.s32.msk $0xffff, v1;
	v3 =	vand.u32 $0x7FFF, v5  }
0x29a: {  	[tilespmem:v10+s3+$0x0] =	vst.idx.add.s32.msk $0xffff, v1  }
0x29b: {  	[tilespmem:v9+s3+$0x0] =	vst.idx.add.s32.msk $0xffff, v1  }
0x29c: {  	s29 =	simm.s32 $0x0;
	s26 =	simm.s32 $0xC500;
	[tilespmem:v7+s3+$0x0] =	vst.idx.add.s32.msk $0xffff, v1  }
.LBB2_23:
0x29d: {  	s29 =	sadd.s32 $0x10, s29;
	[tilespmem:v4+s3+$0x0] =	vst.idx.add.s32.msk $0xffff, v1;
	s28 =	sadd.s32 $0x800, s28  }
0x29e: {  	p1 =	slt.u32 s29, $0x70;
	[tilespmem:v3+s3+$0x0] =	vst.idx.add.s32.msk $0xffff, v1  }
0x29f: {  	[tilespmem:v2+s3+$0x0] =	vst.idx.add.s32.msk $0xffff, v1  }
0x2a0: {  	v3 =	vld [tilespmem:s28+$0xFFFFFC20]  }
0x2a1: {  	v4 =	vld [tilespmem:s28+$0xFFFFFC30]  }
0x2a2: {  	v5 =	vld [tilespmem:s28+$0xFFFFFC50]  }
0x2a3: {  	v2 =	vld [tilespmem:s28+$0xFFFFFC00]  }
0x2a4: {  	v6 =	vld [tilespmem:s28+$0x70]  }
0x2a5: {  	v7 =	vld [tilespmem:s28+$0x60]  }
0x2a6: {  	v8 =	vld [tilespmem:s28+$0x50]  }
0x2a7: {  	v9 =	vld [tilespmem:s28+$0x40]  }
0x2a8: {  	v2 =	vshrl.u32 v2, $0x10;
	v10 =	vld [tilespmem:s28+$0x30]  }
0x2a9: {  	v2 =	vand.u32 $0x7FFF, v2;
	v11 =	vld [tilespmem:s28+$0x20];
	v6 =	vshrl.u32 v6, $0x10  }
0x2aa: {  	v12 =	vld [tilespmem:s28+$0x10];
	v7 =	vshrl.u32 v7, $0x10  }
0x2ab: {  	v13 =	vld [tilespmem:s28+$0x0];
	v8 =	vshrl.u32 v8, $0x10;
	v7 =	vand.u32 $0x7FFF, v7  }
0x2ac: {  	v14 =	vld [tilespmem:s28+$0xFFFFFC70];
	v9 =	vshrl.u32 v9, $0x10;
	v8 =	vand.u32 $0x7FFF, v8  }
0x2ad: {  	v15 =	vld [tilespmem:s28+$0xFFFFFC60];
	v10 =	vshrl.u32 v10, $0x10  }
0x2ae: {  	[tilespmem:v2+s3+$0x0] =	vst.idx.add.s32.msk $0xffff, v1;
	v2 =	vshrl.u32 v11, $0x10;
	v10 =	vand.u32 $0x7FFF, v10  }
0x2af: {  	v9 =	vand.u32 $0x7FFF, v9;
	v11 =	vld [tilespmem:s28+$0xFFFFFC40];
	v12 =	vshrl.u32 v12, $0x10;
	v16 =	vand.u32 $0x7FFF, v2  }
0x2b0: {  	v2 =	vshrl.u32 v13, $0x10;
	v12 =	vand.u32 $0x7FFF, v12;
	[tilespmem:v7+s3+$0x0] =	vst.idx.add.s32.msk $0xffff, v1  }
0x2b1: {  	v7 =	vshrl.u32 v14, $0x10;
	v13 =	vand.u32 $0x7FFF, v2;
	[tilespmem:v8+s3+$0x0] =	vst.idx.add.s32.msk $0xffff, v1  }
0x2b2: {  	v6 =	vand.u32 $0x7FFF, v6;
	v8 =	vld [tilespmem:s28+$0xFFFFFC10];
	v14 =	vshrl.u32 v15, $0x10;
	v2 =	vand.u32 $0x7FFF, v7  }
0x2b3: {  	v5 =	vshrl.u32 v5, $0x10;
	v7 =	vand.u32 $0x7FFF, v14;
	[tilespmem:v10+s3+$0x0] =	vst.idx.add.s32.msk $0xffff, v1  }
0x2b4: {  	v5 =	vand.u32 $0x7FFF, v5;
	v10 =	vshrl.u32 v11, $0x10;
	[tilespmem:v9+s3+$0x0] =	vst.idx.add.s32.msk $0xffff, v1  }
0x2b5: {  	v4 =	vshrl.u32 v4, $0x10;
	v9 =	vand.u32 $0x7FFF, v10;
	[tilespmem:v16+s3+$0x0] =	vst.idx.add.s32.msk $0xffff, v1  }
0x2b6: {  	v3 =	vshrl.u32 v3, $0x10;
	v10 =	vand.u32 $0x7FFF, v4;
	[tilespmem:v13+s3+$0x0] =	vst.idx.add.s32.msk $0xffff, v1  }
0x2b7: {  	v4 =	vand.u32 $0x7FFF, v3;
	v8 =	vshrl.u32 v8, $0x10;
	[tilespmem:v12+s3+$0x0] =	vst.idx.add.s32.msk $0xffff, v1  }
.Ltmp12:
0x2b8: {  	v3 =	vand.u32 $0x7FFF, v8;
	[tilespmem:v6+s3+$0x0] =	vst.idx.add.s32.msk $0xffff, v1;
	(pc) =	sbr.rel @p1 .LBB2_23-.Ltmp12, $4  }
0x2b9: {  	[tilespmem:v7+s3+$0x0] =	vst.idx.add.s32.msk $0xffff, v1  }
0x2ba: {  	[tilespmem:v5+s3+$0x0] =	vst.idx.add.s32.msk $0xffff, v1  }
0x2bb: {  	[tilespmem:v9+s3+$0x0] =	vst.idx.add.s32.msk $0xffff, v1  }
0x2bc: {  	[tilespmem:v10+s3+$0x0] =	vst.idx.add.s32.msk $0xffff, v1  }
0x2bd: {  	_ =	sdelay $0x3  }
0x2be: {  	[tilespmem:v4+s3+$0x0] =	vst.idx.add.s32.msk $0xffff, v1  }
0x2bf: {  	[tilespmem:v3+s3+$0x0] =	vst.idx.add.s32.msk $0xffff, v1  }
0x2c0: {  	[tilespmem:v2+s3+$0x0] =	vst.idx.add.s32.msk $0xffff, v1  }
0x2c1: {  	v2 =	vld [tilespmem:s26+$0xFFFFFC20]  }
0x2c2: {  	v3 =	vld [tilespmem:s26+$0xFFFFFC30]  }
0x2c3: {  	v4 =	vld [tilespmem:s26+$0xFFFFFC40]  }
0x2c4: {  	v5 =	vld [tilespmem:s26+$0xFFFFFC50]  }
0x2c5: {  	v6 =	vld [tilespmem:s26+$0xFFFFFC00]  }
0x2c6: {  	v7 =	vld [tilespmem:s26+$0x70]  }
0x2c7: {  	v8 =	vld [tilespmem:s26+$0x60]  }
0x2c8: {  	v9 =	vld [tilespmem:s26+$0x50]  }
0x2c9: {  	v10 =	vld [tilespmem:s26+$0x40]  }
0x2ca: {  	v11 =	vld [tilespmem:s26+$0x30]  }
0x2cb: {  	v12 =	vld [tilespmem:s26+$0x20];
	v6 =	vshrl.u32 v6, $0x10  }
0x2cc: {  	v13 =	vld [tilespmem:s26+$0x10];
	v7 =	vshrl.u32 v7, $0x10;
	v6 =	vand.u32 $0x7FFF, v6  }
0x2cd: {  	v14 =	vld [tilespmem:s26+$0x0];
	v8 =	vshrl.u32 v8, $0x10;
	v7 =	vand.u32 $0x7FFF, v7  }
0x2ce: {  	v15 =	vld [tilespmem:s26+$0xFFFFFC70];
	v9 =	vshrl.u32 v9, $0x10;
	v8 =	vand.u32 $0x7FFF, v8  }
0x2cf: {  	v16 =	vld [tilespmem:s26+$0xFFFFFC60];
	v11 =	vshrl.u32 v11, $0x10;
	v9 =	vand.u32 $0x7FFF, v9  }
0x2d0: {  	v61 =	vld [tilespmem:s26+$0xFFFFFC10];
	v10 =	vshrl.u32 v10, $0x10;
	v56 =	vand.u32 $0x7FFF, v11  }
0x2d1: {  	v57 =	vshrl.u32 v12, $0x10;
	v10 =	vand.u32 $0x7FFF, v10;
	[tilespmem:v6+s3+$0x0] =	vst.idx.add.s32.msk $0xffff, v1  }
0x2d2: {  	v59 =	vshrl.u32 v14, $0x10;
	v58 =	vand.u32 $0x7FFF, v57;
	[tilespmem:v7+s3+$0x0] =	vst.idx.add.s32.msk $0xffff, v1  }
0x2d3: {  	v4 =	vshrl.u32 v4, $0x10;
	v11 =	vand.u32 $0x7FFF, v59;
	[tilespmem:v8+s3+$0x0] =	vst.idx.add.s32.msk $0xffff, v1  }
0x2d4: {  	v3 =	vshrl.u32 v3, $0x10;
	v4 =	vand.u32 $0x7FFF, v4;
	[tilespmem:v9+s3+$0x0] =	vst.idx.add.s32.msk $0xffff, v1  }
0x2d5: {  	v62 =	vshrl.u32 v16, $0x10;
	v3 =	vand.u32 $0x7FFF, v3;
	[tilespmem:v56+s3+$0x0] =	vst.idx.add.s32.msk $0xffff, v1  }
0x2d6: {  	v5 =	vshrl.u32 v5, $0x10;
	v12 =	vand.u32 $0x7FFF, v62;
	[tilespmem:v10+s3+$0x0] =	vst.idx.add.s32.msk $0xffff, v1  }
0x2d7: {  	v2 =	vshrl.u32 v2, $0x10;
	v5 =	vand.u32 $0x7FFF, v5;
	[tilespmem:v58+s3+$0x0] =	vst.idx.add.s32.msk $0xffff, v1  }
0x2d8: {  	v60 =	vshrl.u32 v13, $0x10;
	v63 =	vand.u32 $0x7FFF, v2;
	[tilespmem:v11+s3+$0x0] =	vst.idx.add.s32.msk $0xffff, v1  }
0x2d9: {  	v8 =	vand.u32 $0x7FFF, v60;
	[tilespmem:v4+s3+$0x0] =	vst.idx.add.s32.msk $0xffff, v1;
	v4 =	vshrl.u32 v61, $0x10  }
0x2da: {  	v2 =	vshrl.u32 v15, $0x10;
	[tilespmem:v3+s3+$0x0] =	vst.idx.add.s32.msk $0xffff, v1;
	v3 =	vand.u32 $0x7FFF, v4  }
0x2db: {  	v2 =	vand.u32 $0x7FFF, v2;
	[tilespmem:v12+s3+$0x0] =	vst.idx.add.s32.msk $0xffff, v1  }
0x2dc: {  	[tilespmem:v5+s3+$0x0] =	vst.idx.add.s32.msk $0xffff, v1  }
0x2dd: {  	[tilespmem:v63+s3+$0x0] =	vst.idx.add.s32.msk $0xffff, v1  }
0x2de: {  	s29 =	simm.s32 $0x0;
	[tilespmem:v8+s3+$0x0] =	vst.idx.add.s32.msk $0xffff, v1  }
.LBB2_25:
0x2df: {  	s29 =	sadd.s32 $0x10, s29;
	[tilespmem:v3+s3+$0x0] =	vst.idx.add.s32.msk $0xffff, v1;
	s26 =	sadd.s32 $0x800, s26;
	s28 =	simm.s32 $0xC580  }
0x2e0: {  	p1 =	slt.u32 s29, $0x70;
	[tilespmem:v2+s3+$0x0] =	vst.idx.add.s32.msk $0xffff, v1  }
0x2e1: {  	v3 =	vld [tilespmem:s26+$0xFFFFFC20]  }
0x2e2: {  	v4 =	vld [tilespmem:s26+$0xFFFFFC30]  }
0x2e3: {  	v5 =	vld [tilespmem:s26+$0xFFFFFC40]  }
0x2e4: {  	v6 =	vld [tilespmem:s26+$0xFFFFFC50]  }
0x2e5: {  	v2 =	vld [tilespmem:s26+$0xFFFFFC00]  }
0x2e6: {  	v7 =	vld [tilespmem:s26+$0x70]  }
0x2e7: {  	v8 =	vld [tilespmem:s26+$0x60]  }
0x2e8: {  	v9 =	vld [tilespmem:s26+$0x50]  }
0x2e9: {  	v10 =	vld [tilespmem:s26+$0x40]  }
0x2ea: {  	v2 =	vshrl.u32 v2, $0x10;
	v11 =	vld [tilespmem:s26+$0x30]  }
0x2eb: {  	v2 =	vand.u32 $0x7FFF, v2;
	v12 =	vld [tilespmem:s26+$0x20];
	v7 =	vshrl.u32 v7, $0x10  }
0x2ec: {  	v13 =	vld [tilespmem:s26+$0x10];
	v8 =	vshrl.u32 v8, $0x10;
	v7 =	vand.u32 $0x7FFF, v7  }
0x2ed: {  	v14 =	vld [tilespmem:s26+$0x0];
	v9 =	vshrl.u32 v9, $0x10;
	v8 =	vand.u32 $0x7FFF, v8  }
0x2ee: {  	v15 =	vld [tilespmem:s26+$0xFFFFFC70];
	v10 =	vshrl.u32 v10, $0x10;
	v9 =	vand.u32 $0x7FFF, v9  }
0x2ef: {  	v16 =	vld [tilespmem:s26+$0xFFFFFC60];
	v11 =	vshrl.u32 v11, $0x10  }
0x2f0: {  	[tilespmem:v2+s3+$0x0] =	vst.idx.add.s32.msk $0xffff, v1;
	v2 =	vshrl.u32 v12, $0x10;
	v11 =	vand.u32 $0x7FFF, v11  }
0x2f1: {  	v10 =	vand.u32 $0x7FFF, v10;
	v12 =	vshrl.u32 v13, $0x10;
	v13 =	vand.u32 $0x7FFF, v2;
	[tilespmem:v7+s3+$0x0] =	vst.idx.add.s32.msk $0xffff, v1  }
0x2f2: {  	v2 =	vshrl.u32 v14, $0x10;
	v7 =	vand.u32 $0x7FFF, v12;
	[tilespmem:v8+s3+$0x0] =	vst.idx.add.s32.msk $0xffff, v1  }
0x2f3: {  	v8 =	vshrl.u32 v15, $0x10;
	v12 =	vand.u32 $0x7FFF, v2;
	[tilespmem:v9+s3+$0x0] =	vst.idx.add.s32.msk $0xffff, v1  }
0x2f4: {  	v9 =	vld [tilespmem:s26+$0xFFFFFC10];
	v14 =	vshrl.u32 v16, $0x10;
	v2 =	vand.u32 $0x7FFF, v8  }
0x2f5: {  	v6 =	vshrl.u32 v6, $0x10;
	v8 =	vand.u32 $0x7FFF, v14;
	[tilespmem:v11+s3+$0x0] =	vst.idx.add.s32.msk $0xffff, v1  }
0x2f6: {  	v5 =	vshrl.u32 v5, $0x10;
	v6 =	vand.u32 $0x7FFF, v6;
	[tilespmem:v10+s3+$0x0] =	vst.idx.add.s32.msk $0xffff, v1  }
0x2f7: {  	v4 =	vshrl.u32 v4, $0x10;
	v5 =	vand.u32 $0x7FFF, v5;
	[tilespmem:v13+s3+$0x0] =	vst.idx.add.s32.msk $0xffff, v1  }
0x2f8: {  	v3 =	vshrl.u32 v3, $0x10;
	v4 =	vand.u32 $0x7FFF, v4;
	[tilespmem:v12+s3+$0x0] =	vst.idx.add.s32.msk $0xffff, v1  }
0x2f9: {  	v10 =	vand.u32 $0x7FFF, v3;
	v9 =	vshrl.u32 v9, $0x10;
	[tilespmem:v7+s3+$0x0] =	vst.idx.add.s32.msk $0xffff, v1  }
.Ltmp13:
0x2fa: {  	v3 =	vand.u32 $0x7FFF, v9;
	[tilespmem:v8+s3+$0x0] =	vst.idx.add.s32.msk $0xffff, v1;
	(pc) =	sbr.rel @p1 .LBB2_25-.Ltmp13, $4  }
0x2fb: {  	[tilespmem:v6+s3+$0x0] =	vst.idx.add.s32.msk $0xffff, v1  }
0x2fc: {  	[tilespmem:v5+s3+$0x0] =	vst.idx.add.s32.msk $0xffff, v1  }
0x2fd: {  	[tilespmem:v4+s3+$0x0] =	vst.idx.add.s32.msk $0xffff, v1  }
0x2fe: {  	[tilespmem:v10+s3+$0x0] =	vst.idx.add.s32.msk $0xffff, v1  }
0x2ff: {  	_ =	sdelay $0x3  }
0x300: {  	[tilespmem:v3+s3+$0x0] =	vst.idx.add.s32.msk $0xffff, v1  }
0x301: {  	[tilespmem:v2+s3+$0x0] =	vst.idx.add.s32.msk $0xffff, v1  }
0x302: {  	v2 =	vld [tilespmem:s28+$0xFFFFFC20]  }
0x303: {  	v3 =	vld [tilespmem:s28+$0xFFFFFC30]  }
0x304: {  	v4 =	vld [tilespmem:s28+$0xFFFFFC50]  }
0x305: {  	v5 =	vld [tilespmem:s28+$0xFFFFFC00]  }
0x306: {  	v6 =	vld [tilespmem:s28+$0x70]  }
0x307: {  	v7 =	vld [tilespmem:s28+$0x60]  }
0x308: {  	v8 =	vld [tilespmem:s28+$0x50]  }
0x309: {  	v9 =	vld [tilespmem:s28+$0x40]  }
0x30a: {  	v10 =	vld [tilespmem:s28+$0x30];
	v5 =	vshrl.u32 v5, $0x10  }
0x30b: {  	v11 =	vld [tilespmem:s28+$0x20];
	v5 =	vand.u32 $0x7FFF, v5  }
0x30c: {  	v13 =	vld [tilespmem:s28+$0x0]  }
0x30d: {  	v12 =	vld [tilespmem:s28+$0x10];
	v7 =	vshrl.u32 v7, $0x10  }
0x30e: {  	v14 =	vld [tilespmem:s28+$0xFFFFFC70];
	v8 =	vshrl.u32 v8, $0x10;
	v7 =	vand.u32 $0x7FFF, v7  }
0x30f: {  	v15 =	vld [tilespmem:s28+$0xFFFFFC60];
	v10 =	vshrl.u32 v10, $0x10;
	v8 =	vand.u32 $0x7FFF, v8  }
0x310: {  	v9 =	vshrl.u32 v9, $0x10;
	[tilespmem:v5+s3+$0x0] =	vst.idx.add.s32.msk $0xffff, v1;
	v5 =	vand.u32 $0x7FFF, v10  }
0x311: {  	v58 =	vld [tilespmem:s28+$0xFFFFFC40];
	v13 =	vshrl.u32 v13, $0x10;
	v9 =	vand.u32 $0x7FFF, v9  }
0x312: {  	v60 =	vld [tilespmem:s28+$0xFFFFFC10];
	v6 =	vshrl.u32 v6, $0x10;
	v59 =	vand.u32 $0x7FFF, v13  }
0x313: {  	v4 =	vshrl.u32 v4, $0x10;
	v6 =	vand.u32 $0x7FFF, v6;
	[tilespmem:v7+s3+$0x0] =	vst.idx.add.s32.msk $0xffff, v1  }
0x314: {  	v61 =	vshrl.u32 v15, $0x10;
	v4 =	vand.u32 $0x7FFF, v4;
	[tilespmem:v8+s3+$0x0] =	vst.idx.add.s32.msk $0xffff, v1  }
0x315: {  	v3 =	vshrl.u32 v3, $0x10;
	[tilespmem:v5+s3+$0x0] =	vst.idx.add.s32.msk $0xffff, v1;
	v5 =	vand.u32 $0x7FFF, v61  }
0x316: {  	v57 =	vshrl.u32 v11, $0x10;
	v63 =	vand.u32 $0x7FFF, v3;
	[tilespmem:v9+s3+$0x0] =	vst.idx.add.s32.msk $0xffff, v1  }
0x317: {  	v62 =	vshrl.u32 v58, $0x10;
	v10 =	vand.u32 $0x7FFF, v57;
	[tilespmem:v59+s3+$0x0] =	vst.idx.add.s32.msk $0xffff, v1  }
0x318: {  	v7 =	vshrl.u32 v12, $0x10;
	v9 =	vand.u32 $0x7FFF, v62;
	[tilespmem:v6+s3+$0x0] =	vst.idx.add.s32.msk $0xffff, v1  }
0x319: {  	[tilespmem:v4+s3+$0x0] =	vst.idx.add.s32.msk $0xffff, v1;
	v4 =	vshrl.u32 v2, $0x10;
	v7 =	vand.u32 $0x7FFF, v7  }
0x31a: {  	v3 =	vshrl.u32 v14, $0x10;
	v4 =	vand.u32 $0x7FFF, v4;
	[tilespmem:v5+s3+$0x0] =	vst.idx.add.s32.msk $0xffff, v1;
	v5 =	vshrl.u32 v60, $0x10  }
0x31b: {  	v2 =	vand.u32 $0x7FFF, v3;
	[tilespmem:v63+s3+$0x0] =	vst.idx.add.s32.msk $0xffff, v1;
	v3 =	vand.u32 $0x7FFF, v5  }
0x31c: {  	[tilespmem:v10+s3+$0x0] =	vst.idx.add.s32.msk $0xffff, v1  }
0x31d: {  	[tilespmem:v9+s3+$0x0] =	vst.idx.add.s32.msk $0xffff, v1  }
0x31e: {  	s29 =	simm.s32 $0x0;
	s26 =	simm.s32 $0xC600;
	[tilespmem:v7+s3+$0x0] =	vst.idx.add.s32.msk $0xffff, v1  }
.LBB2_27:
0x31f: {  	s29 =	sadd.s32 $0x10, s29;
	[tilespmem:v4+s3+$0x0] =	vst.idx.add.s32.msk $0xffff, v1;
	s28 =	sadd.s32 $0x800, s28  }
0x320: {  	p1 =	slt.u32 s29, $0x70;
	[tilespmem:v3+s3+$0x0] =	vst.idx.add.s32.msk $0xffff, v1  }
0x321: {  	[tilespmem:v2+s3+$0x0] =	vst.idx.add.s32.msk $0xffff, v1  }
0x322: {  	v3 =	vld [tilespmem:s28+$0xFFFFFC20]  }
0x323: {  	v4 =	vld [tilespmem:s28+$0xFFFFFC30]  }
0x324: {  	v5 =	vld [tilespmem:s28+$0xFFFFFC50]  }
0x325: {  	v2 =	vld [tilespmem:s28+$0xFFFFFC00]  }
0x326: {  	v6 =	vld [tilespmem:s28+$0x70]  }
0x327: {  	v7 =	vld [tilespmem:s28+$0x60]  }
0x328: {  	v8 =	vld [tilespmem:s28+$0x50]  }
0x329: {  	v9 =	vld [tilespmem:s28+$0x40]  }
0x32a: {  	v2 =	vshrl.u32 v2, $0x10;
	v10 =	vld [tilespmem:s28+$0x30]  }
0x32b: {  	v2 =	vand.u32 $0x7FFF, v2;
	v11 =	vld [tilespmem:s28+$0x20];
	v6 =	vshrl.u32 v6, $0x10  }
0x32c: {  	v12 =	vld [tilespmem:s28+$0x10];
	v7 =	vshrl.u32 v7, $0x10  }
0x32d: {  	v13 =	vld [tilespmem:s28+$0x0];
	v8 =	vshrl.u32 v8, $0x10;
	v7 =	vand.u32 $0x7FFF, v7  }
0x32e: {  	v14 =	vld [tilespmem:s28+$0xFFFFFC70];
	v9 =	vshrl.u32 v9, $0x10;
	v8 =	vand.u32 $0x7FFF, v8  }
0x32f: {  	v15 =	vld [tilespmem:s28+$0xFFFFFC60];
	v10 =	vshrl.u32 v10, $0x10  }
0x330: {  	[tilespmem:v2+s3+$0x0] =	vst.idx.add.s32.msk $0xffff, v1;
	v2 =	vshrl.u32 v11, $0x10;
	v10 =	vand.u32 $0x7FFF, v10  }
0x331: {  	v9 =	vand.u32 $0x7FFF, v9;
	v11 =	vld [tilespmem:s28+$0xFFFFFC40];
	v12 =	vshrl.u32 v12, $0x10;
	v16 =	vand.u32 $0x7FFF, v2  }
0x332: {  	v2 =	vshrl.u32 v13, $0x10;
	v12 =	vand.u32 $0x7FFF, v12;
	[tilespmem:v7+s3+$0x0] =	vst.idx.add.s32.msk $0xffff, v1  }
0x333: {  	v7 =	vshrl.u32 v14, $0x10;
	v13 =	vand.u32 $0x7FFF, v2;
	[tilespmem:v8+s3+$0x0] =	vst.idx.add.s32.msk $0xffff, v1  }
0x334: {  	v6 =	vand.u32 $0x7FFF, v6;
	v8 =	vld [tilespmem:s28+$0xFFFFFC10];
	v14 =	vshrl.u32 v15, $0x10;
	v2 =	vand.u32 $0x7FFF, v7  }
0x335: {  	v5 =	vshrl.u32 v5, $0x10;
	v7 =	vand.u32 $0x7FFF, v14;
	[tilespmem:v10+s3+$0x0] =	vst.idx.add.s32.msk $0xffff, v1  }
0x336: {  	v5 =	vand.u32 $0x7FFF, v5;
	v10 =	vshrl.u32 v11, $0x10;
	[tilespmem:v9+s3+$0x0] =	vst.idx.add.s32.msk $0xffff, v1  }
0x337: {  	v4 =	vshrl.u32 v4, $0x10;
	v9 =	vand.u32 $0x7FFF, v10;
	[tilespmem:v16+s3+$0x0] =	vst.idx.add.s32.msk $0xffff, v1  }
0x338: {  	v3 =	vshrl.u32 v3, $0x10;
	v10 =	vand.u32 $0x7FFF, v4;
	[tilespmem:v13+s3+$0x0] =	vst.idx.add.s32.msk $0xffff, v1  }
0x339: {  	v4 =	vand.u32 $0x7FFF, v3;
	v8 =	vshrl.u32 v8, $0x10;
	[tilespmem:v12+s3+$0x0] =	vst.idx.add.s32.msk $0xffff, v1  }
.Ltmp14:
0x33a: {  	v3 =	vand.u32 $0x7FFF, v8;
	[tilespmem:v6+s3+$0x0] =	vst.idx.add.s32.msk $0xffff, v1;
	(pc) =	sbr.rel @p1 .LBB2_27-.Ltmp14, $4  }
0x33b: {  	[tilespmem:v7+s3+$0x0] =	vst.idx.add.s32.msk $0xffff, v1  }
0x33c: {  	[tilespmem:v5+s3+$0x0] =	vst.idx.add.s32.msk $0xffff, v1  }
0x33d: {  	[tilespmem:v9+s3+$0x0] =	vst.idx.add.s32.msk $0xffff, v1  }
0x33e: {  	[tilespmem:v10+s3+$0x0] =	vst.idx.add.s32.msk $0xffff, v1  }
0x33f: {  	_ =	sdelay $0x3  }
0x340: {  	[tilespmem:v4+s3+$0x0] =	vst.idx.add.s32.msk $0xffff, v1  }
0x341: {  	[tilespmem:v3+s3+$0x0] =	vst.idx.add.s32.msk $0xffff, v1  }
0x342: {  	[tilespmem:v2+s3+$0x0] =	vst.idx.add.s32.msk $0xffff, v1  }
0x343: {  	v2 =	vld [tilespmem:s26+$0xFFFFFC20]  }
0x344: {  	v3 =	vld [tilespmem:s26+$0xFFFFFC30]  }
0x345: {  	v4 =	vld [tilespmem:s26+$0xFFFFFC40]  }
0x346: {  	v5 =	vld [tilespmem:s26+$0xFFFFFC50]  }
0x347: {  	v6 =	vld [tilespmem:s26+$0xFFFFFC00]  }
0x348: {  	v7 =	vld [tilespmem:s26+$0x70]  }
0x349: {  	v8 =	vld [tilespmem:s26+$0x60]  }
0x34a: {  	v9 =	vld [tilespmem:s26+$0x50]  }
0x34b: {  	v10 =	vld [tilespmem:s26+$0x40]  }
0x34c: {  	v11 =	vld [tilespmem:s26+$0x30]  }
0x34d: {  	v12 =	vld [tilespmem:s26+$0x20];
	v6 =	vshrl.u32 v6, $0x10  }
0x34e: {  	v13 =	vld [tilespmem:s26+$0x10];
	v7 =	vshrl.u32 v7, $0x10;
	v6 =	vand.u32 $0x7FFF, v6  }
0x34f: {  	v14 =	vld [tilespmem:s26+$0x0];
	v8 =	vshrl.u32 v8, $0x10;
	v7 =	vand.u32 $0x7FFF, v7  }
0x350: {  	v15 =	vld [tilespmem:s26+$0xFFFFFC70];
	v9 =	vshrl.u32 v9, $0x10;
	v8 =	vand.u32 $0x7FFF, v8  }
0x351: {  	v16 =	vld [tilespmem:s26+$0xFFFFFC60];
	v11 =	vshrl.u32 v11, $0x10;
	v9 =	vand.u32 $0x7FFF, v9  }
0x352: {  	v61 =	vld [tilespmem:s26+$0xFFFFFC10];
	v10 =	vshrl.u32 v10, $0x10;
	v56 =	vand.u32 $0x7FFF, v11  }
0x353: {  	v57 =	vshrl.u32 v12, $0x10;
	v10 =	vand.u32 $0x7FFF, v10;
	[tilespmem:v6+s3+$0x0] =	vst.idx.add.s32.msk $0xffff, v1  }
0x354: {  	v59 =	vshrl.u32 v14, $0x10;
	v58 =	vand.u32 $0x7FFF, v57;
	[tilespmem:v7+s3+$0x0] =	vst.idx.add.s32.msk $0xffff, v1  }
0x355: {  	v4 =	vshrl.u32 v4, $0x10;
	v11 =	vand.u32 $0x7FFF, v59;
	[tilespmem:v8+s3+$0x0] =	vst.idx.add.s32.msk $0xffff, v1  }
0x356: {  	v3 =	vshrl.u32 v3, $0x10;
	v4 =	vand.u32 $0x7FFF, v4;
	[tilespmem:v9+s3+$0x0] =	vst.idx.add.s32.msk $0xffff, v1  }
0x357: {  	v62 =	vshrl.u32 v16, $0x10;
	v3 =	vand.u32 $0x7FFF, v3;
	[tilespmem:v56+s3+$0x0] =	vst.idx.add.s32.msk $0xffff, v1  }
0x358: {  	v5 =	vshrl.u32 v5, $0x10;
	v12 =	vand.u32 $0x7FFF, v62;
	[tilespmem:v10+s3+$0x0] =	vst.idx.add.s32.msk $0xffff, v1  }
0x359: {  	v2 =	vshrl.u32 v2, $0x10;
	v5 =	vand.u32 $0x7FFF, v5;
	[tilespmem:v58+s3+$0x0] =	vst.idx.add.s32.msk $0xffff, v1  }
0x35a: {  	v60 =	vshrl.u32 v13, $0x10;
	v63 =	vand.u32 $0x7FFF, v2;
	[tilespmem:v11+s3+$0x0] =	vst.idx.add.s32.msk $0xffff, v1  }
0x35b: {  	v8 =	vand.u32 $0x7FFF, v60;
	[tilespmem:v4+s3+$0x0] =	vst.idx.add.s32.msk $0xffff, v1;
	v4 =	vshrl.u32 v61, $0x10  }
0x35c: {  	v2 =	vshrl.u32 v15, $0x10;
	[tilespmem:v3+s3+$0x0] =	vst.idx.add.s32.msk $0xffff, v1;
	v3 =	vand.u32 $0x7FFF, v4  }
0x35d: {  	v2 =	vand.u32 $0x7FFF, v2;
	[tilespmem:v12+s3+$0x0] =	vst.idx.add.s32.msk $0xffff, v1  }
0x35e: {  	[tilespmem:v5+s3+$0x0] =	vst.idx.add.s32.msk $0xffff, v1  }
0x35f: {  	[tilespmem:v63+s3+$0x0] =	vst.idx.add.s32.msk $0xffff, v1  }
0x360: {  	s29 =	simm.s32 $0x0;
	[tilespmem:v8+s3+$0x0] =	vst.idx.add.s32.msk $0xffff, v1  }
.LBB2_29:
0x361: {  	s29 =	sadd.s32 $0x10, s29;
	[tilespmem:v3+s3+$0x0] =	vst.idx.add.s32.msk $0xffff, v1;
	s26 =	sadd.s32 $0x800, s26;
	s28 =	simm.s32 $0xC680  }
0x362: {  	p1 =	slt.u32 s29, $0x70;
	[tilespmem:v2+s3+$0x0] =	vst.idx.add.s32.msk $0xffff, v1  }
0x363: {  	v3 =	vld [tilespmem:s26+$0xFFFFFC20]  }
0x364: {  	v4 =	vld [tilespmem:s26+$0xFFFFFC30]  }
0x365: {  	v5 =	vld [tilespmem:s26+$0xFFFFFC40]  }
0x366: {  	v6 =	vld [tilespmem:s26+$0xFFFFFC50]  }
0x367: {  	v2 =	vld [tilespmem:s26+$0xFFFFFC00]  }
0x368: {  	v7 =	vld [tilespmem:s26+$0x70]  }
0x369: {  	v8 =	vld [tilespmem:s26+$0x60]  }
0x36a: {  	v9 =	vld [tilespmem:s26+$0x50]  }
0x36b: {  	v10 =	vld [tilespmem:s26+$0x40]  }
0x36c: {  	v2 =	vshrl.u32 v2, $0x10;
	v11 =	vld [tilespmem:s26+$0x30]  }
0x36d: {  	v2 =	vand.u32 $0x7FFF, v2;
	v12 =	vld [tilespmem:s26+$0x20];
	v7 =	vshrl.u32 v7, $0x10  }
0x36e: {  	v13 =	vld [tilespmem:s26+$0x10];
	v8 =	vshrl.u32 v8, $0x10;
	v7 =	vand.u32 $0x7FFF, v7  }
0x36f: {  	v14 =	vld [tilespmem:s26+$0x0];
	v9 =	vshrl.u32 v9, $0x10;
	v8 =	vand.u32 $0x7FFF, v8  }
0x370: {  	v15 =	vld [tilespmem:s26+$0xFFFFFC70];
	v10 =	vshrl.u32 v10, $0x10;
	v9 =	vand.u32 $0x7FFF, v9  }
0x371: {  	v16 =	vld [tilespmem:s26+$0xFFFFFC60];
	v11 =	vshrl.u32 v11, $0x10  }
0x372: {  	[tilespmem:v2+s3+$0x0] =	vst.idx.add.s32.msk $0xffff, v1;
	v2 =	vshrl.u32 v12, $0x10;
	v11 =	vand.u32 $0x7FFF, v11  }
0x373: {  	v10 =	vand.u32 $0x7FFF, v10;
	v12 =	vshrl.u32 v13, $0x10;
	v13 =	vand.u32 $0x7FFF, v2;
	[tilespmem:v7+s3+$0x0] =	vst.idx.add.s32.msk $0xffff, v1  }
0x374: {  	v2 =	vshrl.u32 v14, $0x10;
	v7 =	vand.u32 $0x7FFF, v12;
	[tilespmem:v8+s3+$0x0] =	vst.idx.add.s32.msk $0xffff, v1  }
0x375: {  	v8 =	vshrl.u32 v15, $0x10;
	v12 =	vand.u32 $0x7FFF, v2;
	[tilespmem:v9+s3+$0x0] =	vst.idx.add.s32.msk $0xffff, v1  }
0x376: {  	v9 =	vld [tilespmem:s26+$0xFFFFFC10];
	v14 =	vshrl.u32 v16, $0x10;
	v2 =	vand.u32 $0x7FFF, v8  }
0x377: {  	v6 =	vshrl.u32 v6, $0x10;
	v8 =	vand.u32 $0x7FFF, v14;
	[tilespmem:v11+s3+$0x0] =	vst.idx.add.s32.msk $0xffff, v1  }
0x378: {  	v5 =	vshrl.u32 v5, $0x10;
	v6 =	vand.u32 $0x7FFF, v6;
	[tilespmem:v10+s3+$0x0] =	vst.idx.add.s32.msk $0xffff, v1  }
0x379: {  	v4 =	vshrl.u32 v4, $0x10;
	v5 =	vand.u32 $0x7FFF, v5;
	[tilespmem:v13+s3+$0x0] =	vst.idx.add.s32.msk $0xffff, v1  }
0x37a: {  	v3 =	vshrl.u32 v3, $0x10;
	v4 =	vand.u32 $0x7FFF, v4;
	[tilespmem:v12+s3+$0x0] =	vst.idx.add.s32.msk $0xffff, v1  }
0x37b: {  	v10 =	vand.u32 $0x7FFF, v3;
	v9 =	vshrl.u32 v9, $0x10;
	[tilespmem:v7+s3+$0x0] =	vst.idx.add.s32.msk $0xffff, v1  }
.Ltmp15:
0x37c: {  	v3 =	vand.u32 $0x7FFF, v9;
	[tilespmem:v8+s3+$0x0] =	vst.idx.add.s32.msk $0xffff, v1;
	(pc) =	sbr.rel @p1 .LBB2_29-.Ltmp15, $4  }
0x37d: {  	[tilespmem:v6+s3+$0x0] =	vst.idx.add.s32.msk $0xffff, v1  }
0x37e: {  	[tilespmem:v5+s3+$0x0] =	vst.idx.add.s32.msk $0xffff, v1  }
0x37f: {  	[tilespmem:v4+s3+$0x0] =	vst.idx.add.s32.msk $0xffff, v1  }
0x380: {  	[tilespmem:v10+s3+$0x0] =	vst.idx.add.s32.msk $0xffff, v1  }
0x381: {  	_ =	sdelay $0x3  }
0x382: {  	[tilespmem:v3+s3+$0x0] =	vst.idx.add.s32.msk $0xffff, v1  }
0x383: {  	[tilespmem:v2+s3+$0x0] =	vst.idx.add.s32.msk $0xffff, v1  }
0x384: {  	v2 =	vld [tilespmem:s28+$0xFFFFFC20]  }
0x385: {  	v3 =	vld [tilespmem:s28+$0xFFFFFC30]  }
0x386: {  	v4 =	vld [tilespmem:s28+$0xFFFFFC50]  }
0x387: {  	v5 =	vld [tilespmem:s28+$0xFFFFFC00]  }
0x388: {  	v6 =	vld [tilespmem:s28+$0x70]  }
0x389: {  	v7 =	vld [tilespmem:s28+$0x60]  }
0x38a: {  	v8 =	vld [tilespmem:s28+$0x50]  }
0x38b: {  	v9 =	vld [tilespmem:s28+$0x40]  }
0x38c: {  	v10 =	vld [tilespmem:s28+$0x30];
	v5 =	vshrl.u32 v5, $0x10  }
0x38d: {  	v11 =	vld [tilespmem:s28+$0x20];
	v5 =	vand.u32 $0x7FFF, v5  }
0x38e: {  	v13 =	vld [tilespmem:s28+$0x0]  }
0x38f: {  	v12 =	vld [tilespmem:s28+$0x10];
	v7 =	vshrl.u32 v7, $0x10  }
0x390: {  	v14 =	vld [tilespmem:s28+$0xFFFFFC70];
	v8 =	vshrl.u32 v8, $0x10;
	v7 =	vand.u32 $0x7FFF, v7  }
0x391: {  	v15 =	vld [tilespmem:s28+$0xFFFFFC60];
	v10 =	vshrl.u32 v10, $0x10;
	v8 =	vand.u32 $0x7FFF, v8  }
0x392: {  	v9 =	vshrl.u32 v9, $0x10;
	[tilespmem:v5+s3+$0x0] =	vst.idx.add.s32.msk $0xffff, v1;
	v5 =	vand.u32 $0x7FFF, v10  }
0x393: {  	v58 =	vld [tilespmem:s28+$0xFFFFFC40];
	v13 =	vshrl.u32 v13, $0x10;
	v9 =	vand.u32 $0x7FFF, v9  }
0x394: {  	v60 =	vld [tilespmem:s28+$0xFFFFFC10];
	v6 =	vshrl.u32 v6, $0x10;
	v59 =	vand.u32 $0x7FFF, v13  }
0x395: {  	v4 =	vshrl.u32 v4, $0x10;
	v6 =	vand.u32 $0x7FFF, v6;
	[tilespmem:v7+s3+$0x0] =	vst.idx.add.s32.msk $0xffff, v1  }
0x396: {  	v61 =	vshrl.u32 v15, $0x10;
	v4 =	vand.u32 $0x7FFF, v4;
	[tilespmem:v8+s3+$0x0] =	vst.idx.add.s32.msk $0xffff, v1  }
0x397: {  	v3 =	vshrl.u32 v3, $0x10;
	[tilespmem:v5+s3+$0x0] =	vst.idx.add.s32.msk $0xffff, v1;
	v5 =	vand.u32 $0x7FFF, v61  }
0x398: {  	v57 =	vshrl.u32 v11, $0x10;
	v63 =	vand.u32 $0x7FFF, v3;
	[tilespmem:v9+s3+$0x0] =	vst.idx.add.s32.msk $0xffff, v1  }
0x399: {  	v62 =	vshrl.u32 v58, $0x10;
	v10 =	vand.u32 $0x7FFF, v57;
	[tilespmem:v59+s3+$0x0] =	vst.idx.add.s32.msk $0xffff, v1  }
0x39a: {  	v7 =	vshrl.u32 v12, $0x10;
	v9 =	vand.u32 $0x7FFF, v62;
	[tilespmem:v6+s3+$0x0] =	vst.idx.add.s32.msk $0xffff, v1  }
0x39b: {  	[tilespmem:v4+s3+$0x0] =	vst.idx.add.s32.msk $0xffff, v1;
	v4 =	vshrl.u32 v2, $0x10;
	v7 =	vand.u32 $0x7FFF, v7  }
0x39c: {  	v3 =	vshrl.u32 v14, $0x10;
	v4 =	vand.u32 $0x7FFF, v4;
	[tilespmem:v5+s3+$0x0] =	vst.idx.add.s32.msk $0xffff, v1;
	v5 =	vshrl.u32 v60, $0x10  }
0x39d: {  	v2 =	vand.u32 $0x7FFF, v3;
	[tilespmem:v63+s3+$0x0] =	vst.idx.add.s32.msk $0xffff, v1;
	v3 =	vand.u32 $0x7FFF, v5  }
0x39e: {  	[tilespmem:v10+s3+$0x0] =	vst.idx.add.s32.msk $0xffff, v1  }
0x39f: {  	[tilespmem:v9+s3+$0x0] =	vst.idx.add.s32.msk $0xffff, v1  }
0x3a0: {  	s29 =	simm.s32 $0x0;
	s26 =	simm.s32 $0xC700;
	[tilespmem:v7+s3+$0x0] =	vst.idx.add.s32.msk $0xffff, v1  }
.LBB2_31:
0x3a1: {  	s29 =	sadd.s32 $0x10, s29;
	[tilespmem:v4+s3+$0x0] =	vst.idx.add.s32.msk $0xffff, v1;
	s28 =	sadd.s32 $0x800, s28  }
0x3a2: {  	p1 =	slt.u32 s29, $0x70;
	[tilespmem:v3+s3+$0x0] =	vst.idx.add.s32.msk $0xffff, v1  }
0x3a3: {  	[tilespmem:v2+s3+$0x0] =	vst.idx.add.s32.msk $0xffff, v1  }
0x3a4: {  	v3 =	vld [tilespmem:s28+$0xFFFFFC20]  }
0x3a5: {  	v4 =	vld [tilespmem:s28+$0xFFFFFC30]  }
0x3a6: {  	v5 =	vld [tilespmem:s28+$0xFFFFFC50]  }
0x3a7: {  	v2 =	vld [tilespmem:s28+$0xFFFFFC00]  }
0x3a8: {  	v6 =	vld [tilespmem:s28+$0x70]  }
0x3a9: {  	v7 =	vld [tilespmem:s28+$0x60]  }
0x3aa: {  	v8 =	vld [tilespmem:s28+$0x50]  }
0x3ab: {  	v9 =	vld [tilespmem:s28+$0x40]  }
0x3ac: {  	v2 =	vshrl.u32 v2, $0x10;
	v10 =	vld [tilespmem:s28+$0x30]  }
0x3ad: {  	v2 =	vand.u32 $0x7FFF, v2;
	v11 =	vld [tilespmem:s28+$0x20];
	v6 =	vshrl.u32 v6, $0x10  }
0x3ae: {  	v12 =	vld [tilespmem:s28+$0x10];
	v7 =	vshrl.u32 v7, $0x10  }
0x3af: {  	v13 =	vld [tilespmem:s28+$0x0];
	v8 =	vshrl.u32 v8, $0x10;
	v7 =	vand.u32 $0x7FFF, v7  }
0x3b0: {  	v14 =	vld [tilespmem:s28+$0xFFFFFC70];
	v9 =	vshrl.u32 v9, $0x10;
	v8 =	vand.u32 $0x7FFF, v8  }
0x3b1: {  	v15 =	vld [tilespmem:s28+$0xFFFFFC60];
	v10 =	vshrl.u32 v10, $0x10  }
0x3b2: {  	[tilespmem:v2+s3+$0x0] =	vst.idx.add.s32.msk $0xffff, v1;
	v2 =	vshrl.u32 v11, $0x10;
	v10 =	vand.u32 $0x7FFF, v10  }
0x3b3: {  	v9 =	vand.u32 $0x7FFF, v9;
	v11 =	vld [tilespmem:s28+$0xFFFFFC40];
	v12 =	vshrl.u32 v12, $0x10;
	v16 =	vand.u32 $0x7FFF, v2  }
0x3b4: {  	v2 =	vshrl.u32 v13, $0x10;
	v12 =	vand.u32 $0x7FFF, v12;
	[tilespmem:v7+s3+$0x0] =	vst.idx.add.s32.msk $0xffff, v1  }
0x3b5: {  	v7 =	vshrl.u32 v14, $0x10;
	v13 =	vand.u32 $0x7FFF, v2;
	[tilespmem:v8+s3+$0x0] =	vst.idx.add.s32.msk $0xffff, v1  }
0x3b6: {  	v6 =	vand.u32 $0x7FFF, v6;
	v8 =	vld [tilespmem:s28+$0xFFFFFC10];
	v14 =	vshrl.u32 v15, $0x10;
	v2 =	vand.u32 $0x7FFF, v7  }
0x3b7: {  	v5 =	vshrl.u32 v5, $0x10;
	v7 =	vand.u32 $0x7FFF, v14;
	[tilespmem:v10+s3+$0x0] =	vst.idx.add.s32.msk $0xffff, v1  }
0x3b8: {  	v5 =	vand.u32 $0x7FFF, v5;
	v10 =	vshrl.u32 v11, $0x10;
	[tilespmem:v9+s3+$0x0] =	vst.idx.add.s32.msk $0xffff, v1  }
0x3b9: {  	v4 =	vshrl.u32 v4, $0x10;
	v9 =	vand.u32 $0x7FFF, v10;
	[tilespmem:v16+s3+$0x0] =	vst.idx.add.s32.msk $0xffff, v1  }
0x3ba: {  	v3 =	vshrl.u32 v3, $0x10;
	v10 =	vand.u32 $0x7FFF, v4;
	[tilespmem:v13+s3+$0x0] =	vst.idx.add.s32.msk $0xffff, v1  }
0x3bb: {  	v4 =	vand.u32 $0x7FFF, v3;
	v8 =	vshrl.u32 v8, $0x10;
	[tilespmem:v12+s3+$0x0] =	vst.idx.add.s32.msk $0xffff, v1  }
.Ltmp16:
0x3bc: {  	v3 =	vand.u32 $0x7FFF, v8;
	[tilespmem:v6+s3+$0x0] =	vst.idx.add.s32.msk $0xffff, v1;
	(pc) =	sbr.rel @p1 .LBB2_31-.Ltmp16, $4  }
0x3bd: {  	[tilespmem:v7+s3+$0x0] =	vst.idx.add.s32.msk $0xffff, v1  }
0x3be: {  	[tilespmem:v5+s3+$0x0] =	vst.idx.add.s32.msk $0xffff, v1  }
0x3bf: {  	[tilespmem:v9+s3+$0x0] =	vst.idx.add.s32.msk $0xffff, v1  }
0x3c0: {  	[tilespmem:v10+s3+$0x0] =	vst.idx.add.s32.msk $0xffff, v1  }
0x3c1: {  	_ =	sdelay $0x3  }
0x3c2: {  	[tilespmem:v4+s3+$0x0] =	vst.idx.add.s32.msk $0xffff, v1  }
0x3c3: {  	[tilespmem:v3+s3+$0x0] =	vst.idx.add.s32.msk $0xffff, v1  }
0x3c4: {  	[tilespmem:v2+s3+$0x0] =	vst.idx.add.s32.msk $0xffff, v1  }
0x3c5: {  	v2 =	vld [tilespmem:s26+$0xFFFFFC20]  }
0x3c6: {  	v3 =	vld [tilespmem:s26+$0xFFFFFC30]  }
0x3c7: {  	v4 =	vld [tilespmem:s26+$0xFFFFFC40]  }
0x3c8: {  	v5 =	vld [tilespmem:s26+$0xFFFFFC50]  }
0x3c9: {  	v6 =	vld [tilespmem:s26+$0xFFFFFC00]  }
0x3ca: {  	v7 =	vld [tilespmem:s26+$0x70]  }
0x3cb: {  	v8 =	vld [tilespmem:s26+$0x60]  }
0x3cc: {  	v9 =	vld [tilespmem:s26+$0x50]  }
0x3cd: {  	v10 =	vld [tilespmem:s26+$0x40]  }
0x3ce: {  	v11 =	vld [tilespmem:s26+$0x30]  }
0x3cf: {  	v12 =	vld [tilespmem:s26+$0x20];
	v6 =	vshrl.u32 v6, $0x10  }
0x3d0: {  	v13 =	vld [tilespmem:s26+$0x10];
	v7 =	vshrl.u32 v7, $0x10;
	v6 =	vand.u32 $0x7FFF, v6  }
0x3d1: {  	v14 =	vld [tilespmem:s26+$0x0];
	v8 =	vshrl.u32 v8, $0x10;
	v7 =	vand.u32 $0x7FFF, v7  }
0x3d2: {  	v15 =	vld [tilespmem:s26+$0xFFFFFC70];
	v9 =	vshrl.u32 v9, $0x10;
	v8 =	vand.u32 $0x7FFF, v8  }
0x3d3: {  	v16 =	vld [tilespmem:s26+$0xFFFFFC60];
	v11 =	vshrl.u32 v11, $0x10;
	v9 =	vand.u32 $0x7FFF, v9  }
0x3d4: {  	v61 =	vld [tilespmem:s26+$0xFFFFFC10];
	v10 =	vshrl.u32 v10, $0x10;
	v56 =	vand.u32 $0x7FFF, v11  }
0x3d5: {  	v57 =	vshrl.u32 v12, $0x10;
	v10 =	vand.u32 $0x7FFF, v10;
	[tilespmem:v6+s3+$0x0] =	vst.idx.add.s32.msk $0xffff, v1  }
0x3d6: {  	v59 =	vshrl.u32 v14, $0x10;
	v58 =	vand.u32 $0x7FFF, v57;
	[tilespmem:v7+s3+$0x0] =	vst.idx.add.s32.msk $0xffff, v1  }
0x3d7: {  	v4 =	vshrl.u32 v4, $0x10;
	v11 =	vand.u32 $0x7FFF, v59;
	[tilespmem:v8+s3+$0x0] =	vst.idx.add.s32.msk $0xffff, v1  }
0x3d8: {  	v3 =	vshrl.u32 v3, $0x10;
	v4 =	vand.u32 $0x7FFF, v4;
	[tilespmem:v9+s3+$0x0] =	vst.idx.add.s32.msk $0xffff, v1  }
0x3d9: {  	v62 =	vshrl.u32 v16, $0x10;
	v3 =	vand.u32 $0x7FFF, v3;
	[tilespmem:v56+s3+$0x0] =	vst.idx.add.s32.msk $0xffff, v1  }
0x3da: {  	v5 =	vshrl.u32 v5, $0x10;
	v12 =	vand.u32 $0x7FFF, v62;
	[tilespmem:v10+s3+$0x0] =	vst.idx.add.s32.msk $0xffff, v1  }
0x3db: {  	v2 =	vshrl.u32 v2, $0x10;
	v5 =	vand.u32 $0x7FFF, v5;
	[tilespmem:v58+s3+$0x0] =	vst.idx.add.s32.msk $0xffff, v1  }
0x3dc: {  	v60 =	vshrl.u32 v13, $0x10;
	v63 =	vand.u32 $0x7FFF, v2;
	[tilespmem:v11+s3+$0x0] =	vst.idx.add.s32.msk $0xffff, v1  }
0x3dd: {  	v8 =	vand.u32 $0x7FFF, v60;
	[tilespmem:v4+s3+$0x0] =	vst.idx.add.s32.msk $0xffff, v1;
	v4 =	vshrl.u32 v61, $0x10  }
0x3de: {  	v2 =	vshrl.u32 v15, $0x10;
	[tilespmem:v3+s3+$0x0] =	vst.idx.add.s32.msk $0xffff, v1;
	v3 =	vand.u32 $0x7FFF, v4  }
0x3df: {  	v2 =	vand.u32 $0x7FFF, v2;
	[tilespmem:v12+s3+$0x0] =	vst.idx.add.s32.msk $0xffff, v1  }
0x3e0: {  	[tilespmem:v5+s3+$0x0] =	vst.idx.add.s32.msk $0xffff, v1  }
0x3e1: {  	[tilespmem:v63+s3+$0x0] =	vst.idx.add.s32.msk $0xffff, v1  }
0x3e2: {  	s29 =	simm.s32 $0x0;
	[tilespmem:v8+s3+$0x0] =	vst.idx.add.s32.msk $0xffff, v1  }
.LBB2_33:
0x3e3: {  	s29 =	sadd.s32 $0x10, s29;
	[tilespmem:v3+s3+$0x0] =	vst.idx.add.s32.msk $0xffff, v1;
	s26 =	sadd.s32 $0x800, s26;
	s28 =	simm.s32 $0xC780  }
0x3e4: {  	p1 =	slt.u32 s29, $0x70;
	[tilespmem:v2+s3+$0x0] =	vst.idx.add.s32.msk $0xffff, v1  }
0x3e5: {  	v3 =	vld [tilespmem:s26+$0xFFFFFC20]  }
0x3e6: {  	v4 =	vld [tilespmem:s26+$0xFFFFFC30]  }
0x3e7: {  	v5 =	vld [tilespmem:s26+$0xFFFFFC40]  }
0x3e8: {  	v6 =	vld [tilespmem:s26+$0xFFFFFC50]  }
0x3e9: {  	v2 =	vld [tilespmem:s26+$0xFFFFFC00]  }
0x3ea: {  	v7 =	vld [tilespmem:s26+$0x70]  }
0x3eb: {  	v8 =	vld [tilespmem:s26+$0x60]  }
0x3ec: {  	v9 =	vld [tilespmem:s26+$0x50]  }
0x3ed: {  	v10 =	vld [tilespmem:s26+$0x40]  }
0x3ee: {  	v2 =	vshrl.u32 v2, $0x10;
	v11 =	vld [tilespmem:s26+$0x30]  }
0x3ef: {  	v2 =	vand.u32 $0x7FFF, v2;
	v12 =	vld [tilespmem:s26+$0x20];
	v7 =	vshrl.u32 v7, $0x10  }
0x3f0: {  	v13 =	vld [tilespmem:s26+$0x10];
	v8 =	vshrl.u32 v8, $0x10;
	v7 =	vand.u32 $0x7FFF, v7  }
0x3f1: {  	v14 =	vld [tilespmem:s26+$0x0];
	v9 =	vshrl.u32 v9, $0x10;
	v8 =	vand.u32 $0x7FFF, v8  }
0x3f2: {  	v15 =	vld [tilespmem:s26+$0xFFFFFC70];
	v10 =	vshrl.u32 v10, $0x10;
	v9 =	vand.u32 $0x7FFF, v9  }
0x3f3: {  	v16 =	vld [tilespmem:s26+$0xFFFFFC60];
	v11 =	vshrl.u32 v11, $0x10  }
0x3f4: {  	[tilespmem:v2+s3+$0x0] =	vst.idx.add.s32.msk $0xffff, v1;
	v2 =	vshrl.u32 v12, $0x10;
	v11 =	vand.u32 $0x7FFF, v11  }
0x3f5: {  	v10 =	vand.u32 $0x7FFF, v10;
	v12 =	vshrl.u32 v13, $0x10;
	v13 =	vand.u32 $0x7FFF, v2;
	[tilespmem:v7+s3+$0x0] =	vst.idx.add.s32.msk $0xffff, v1  }
0x3f6: {  	v2 =	vshrl.u32 v14, $0x10;
	v7 =	vand.u32 $0x7FFF, v12;
	[tilespmem:v8+s3+$0x0] =	vst.idx.add.s32.msk $0xffff, v1  }
0x3f7: {  	v8 =	vshrl.u32 v15, $0x10;
	v12 =	vand.u32 $0x7FFF, v2;
	[tilespmem:v9+s3+$0x0] =	vst.idx.add.s32.msk $0xffff, v1  }
0x3f8: {  	v9 =	vld [tilespmem:s26+$0xFFFFFC10];
	v14 =	vshrl.u32 v16, $0x10;
	v2 =	vand.u32 $0x7FFF, v8  }
0x3f9: {  	v6 =	vshrl.u32 v6, $0x10;
	v8 =	vand.u32 $0x7FFF, v14;
	[tilespmem:v11+s3+$0x0] =	vst.idx.add.s32.msk $0xffff, v1  }
0x3fa: {  	v5 =	vshrl.u32 v5, $0x10;
	v6 =	vand.u32 $0x7FFF, v6;
	[tilespmem:v10+s3+$0x0] =	vst.idx.add.s32.msk $0xffff, v1  }
0x3fb: {  	v4 =	vshrl.u32 v4, $0x10;
	v5 =	vand.u32 $0x7FFF, v5;
	[tilespmem:v13+s3+$0x0] =	vst.idx.add.s32.msk $0xffff, v1  }
0x3fc: {  	v3 =	vshrl.u32 v3, $0x10;
	v4 =	vand.u32 $0x7FFF, v4;
	[tilespmem:v12+s3+$0x0] =	vst.idx.add.s32.msk $0xffff, v1  }
0x3fd: {  	v10 =	vand.u32 $0x7FFF, v3;
	v9 =	vshrl.u32 v9, $0x10;
	[tilespmem:v7+s3+$0x0] =	vst.idx.add.s32.msk $0xffff, v1  }
.Ltmp17:
0x3fe: {  	v3 =	vand.u32 $0x7FFF, v9;
	[tilespmem:v8+s3+$0x0] =	vst.idx.add.s32.msk $0xffff, v1;
	(pc) =	sbr.rel @p1 .LBB2_33-.Ltmp17, $4  }
0x3ff: {  	[tilespmem:v6+s3+$0x0] =	vst.idx.add.s32.msk $0xffff, v1  }
0x400: {  	[tilespmem:v5+s3+$0x0] =	vst.idx.add.s32.msk $0xffff, v1  }
0x401: {  	[tilespmem:v4+s3+$0x0] =	vst.idx.add.s32.msk $0xffff, v1  }
0x402: {  	[tilespmem:v10+s3+$0x0] =	vst.idx.add.s32.msk $0xffff, v1  }
0x403: {  	_ =	sdelay $0x3  }
0x404: {  	[tilespmem:v3+s3+$0x0] =	vst.idx.add.s32.msk $0xffff, v1  }
0x405: {  	[tilespmem:v2+s3+$0x0] =	vst.idx.add.s32.msk $0xffff, v1  }
0x406: {  	v2 =	vld [tilespmem:s28+$0xFFFFFC20]  }
0x407: {  	v3 =	vld [tilespmem:s28+$0xFFFFFC30]  }
0x408: {  	v4 =	vld [tilespmem:s28+$0xFFFFFC40]  }
0x409: {  	v5 =	vld [tilespmem:s28+$0xFFFFFC50]  }
0x40a: {  	v6 =	vld [tilespmem:s28+$0xFFFFFC00]  }
0x40b: {  	v7 =	vld [tilespmem:s28+$0x70]  }
0x40c: {  	v8 =	vld [tilespmem:s28+$0x60]  }
0x40d: {  	v9 =	vld [tilespmem:s28+$0x50]  }
0x40e: {  	v10 =	vld [tilespmem:s28+$0x40]  }
0x40f: {  	v11 =	vld [tilespmem:s28+$0x30]  }
0x410: {  	v12 =	vld [tilespmem:s28+$0x20];
	v6 =	vshrl.u32 v6, $0x10  }
0x411: {  	v13 =	vld [tilespmem:s28+$0x10];
	v7 =	vshrl.u32 v7, $0x10;
	v6 =	vand.u32 $0x7FFF, v6  }
0x412: {  	v16 =	vld [tilespmem:s28+$0xFFFFFC60];
	v8 =	vshrl.u32 v8, $0x10;
	v7 =	vand.u32 $0x7FFF, v7  }
0x413: {  	v14 =	vld [tilespmem:s28+$0x0];
	v9 =	vshrl.u32 v9, $0x10;
	v8 =	vand.u32 $0x7FFF, v8  }
0x414: {  	v15 =	vld [tilespmem:s28+$0xFFFFFC70];
	v11 =	vshrl.u32 v11, $0x10;
	v9 =	vand.u32 $0x7FFF, v9  }
0x415: {  	v60 =	vld [tilespmem:s28+$0xFFFFFC10];
	v10 =	vshrl.u32 v10, $0x10;
	v56 =	vand.u32 $0x7FFF, v11  }
0x416: {  	v57 =	vshrl.u32 v13, $0x10;
	v10 =	vand.u32 $0x7FFF, v10;
	[tilespmem:v6+s3+$0x0] =	vst.idx.add.s32.msk $0xffff, v1  }
0x417: {  	v61 =	vshrl.u32 v16, $0x10;
	v11 =	vand.u32 $0x7FFF, v57;
	[tilespmem:v7+s3+$0x0] =	vst.idx.add.s32.msk $0xffff, v1  }
0x418: {  	v59 =	vshrl.u32 v12, $0x10;
	v5 =	vshrl.u32 v5, $0x10;
	v12 =	vand.u32 $0x7FFF, v61;
	[tilespmem:v8+s3+$0x0] =	vst.idx.add.s32.msk $0xffff, v1  }
0x419: {  	v3 =	vshrl.u32 v3, $0x10;
	v5 =	vand.u32 $0x7FFF, v5;
	[tilespmem:v9+s3+$0x0] =	vst.idx.add.s32.msk $0xffff, v1  }
0x41a: {  	v2 =	vshrl.u32 v2, $0x10;
	v3 =	vand.u32 $0x7FFF, v3;
	[tilespmem:v56+s3+$0x0] =	vst.idx.add.s32.msk $0xffff, v1  }
0x41b: {  	v58 =	vshrl.u32 v14, $0x10;
	v63 =	vand.u32 $0x7FFF, v2;
	[tilespmem:v10+s3+$0x0] =	vst.idx.add.s32.msk $0xffff, v1  }
0x41c: {  	v7 =	vand.u32 $0x7FFF, v58;
	[tilespmem:v11+s3+$0x0] =	vst.idx.add.s32.msk $0xffff, v1  }
0x41d: {  	v62 =	vshrl.u32 v15, $0x10;
	v8 =	vand.u32 $0x7FFF, v59;
	[tilespmem:v12+s3+$0x0] =	vst.idx.add.s32.msk $0xffff, v1  }
0x41e: {  	v2 =	vshrl.u32 v4, $0x10;
	v4 =	vshrl.u32 v60, $0x10;
	v6 =	vand.u32 $0x7FFF, v62;
	[tilespmem:v5+s3+$0x0] =	vst.idx.add.s32.msk $0xffff, v1  }
0x41f: {  	[tilespmem:v3+s3+$0x0] =	vst.idx.add.s32.msk $0xffff, v1;
	v3 =	vand.u32 $0x7FFF, v4  }
0x420: {  	v2 =	vand.u32 $0x7FFF, v2;
	[tilespmem:v63+s3+$0x0] =	vst.idx.add.s32.msk $0xffff, v1  }
0x421: {  	[tilespmem:v7+s3+$0x0] =	vst.idx.add.s32.msk $0xffff, v1  }
0x422: {  	[tilespmem:v8+s3+$0x0] =	vst.idx.add.s32.msk $0xffff, v1  }
0x423: {  	s26 =	simm.s32 $0x0;
	[tilespmem:v6+s3+$0x0] =	vst.idx.add.s32.msk $0xffff, v1  }
.LBB2_35:
0x424: {  	s26 =	sadd.s32 $0x10, s26;
	[tilespmem:v3+s3+$0x0] =	vst.idx.add.s32.msk $0xffff, v1;
	s28 =	sadd.s32 $0x800, s28  }
0x425: {  	p1 =	slt.u32 s26, $0x70;
	[tilespmem:v2+s3+$0x0] =	vst.idx.add.s32.msk $0xffff, v1  }
0x426: {  	v3 =	vld [tilespmem:s28+$0xFFFFFC20]  }
0x427: {  	v2 =	vld [tilespmem:s28+$0xFFFFFC30]  }
0x428: {  	v4 =	vld [tilespmem:s28+$0xFFFFFC40]  }
0x429: {  	v5 =	vld [tilespmem:s28+$0xFFFFFC50]  }
0x42a: {  	v6 =	vld [tilespmem:s28+$0xFFFFFC00]  }
0x42b: {  	v7 =	vld [tilespmem:s28+$0x70]  }
0x42c: {  	v8 =	vld [tilespmem:s28+$0x60]  }
0x42d: {  	v9 =	vld [tilespmem:s28+$0x50]  }
0x42e: {  	v10 =	vld [tilespmem:s28+$0x40]  }
0x42f: {  	v6 =	vshrl.u32 v6, $0x10;
	v11 =	vld [tilespmem:s28+$0x30]  }
0x430: {  	v6 =	vand.u32 $0x7FFF, v6;
	v12 =	vld [tilespmem:s28+$0x20];
	v7 =	vshrl.u32 v7, $0x10  }
0x431: {  	v13 =	vld [tilespmem:s28+$0x10];
	v8 =	vshrl.u32 v8, $0x10;
	v7 =	vand.u32 $0x7FFF, v7  }
0x432: {  	v14 =	vld [tilespmem:s28+$0x0];
	v9 =	vshrl.u32 v9, $0x10;
	v8 =	vand.u32 $0x7FFF, v8  }
0x433: {  	v15 =	vld [tilespmem:s28+$0xFFFFFC70];
	v10 =	vshrl.u32 v10, $0x10;
	v9 =	vand.u32 $0x7FFF, v9  }
0x434: {  	v16 =	vld [tilespmem:s28+$0xFFFFFC60];
	v11 =	vshrl.u32 v11, $0x10  }
0x435: {  	[tilespmem:v6+s3+$0x0] =	vst.idx.add.s32.msk $0xffff, v1;
	v6 =	vshrl.u32 v12, $0x10;
	v11 =	vand.u32 $0x7FFF, v11  }
0x436: {  	v10 =	vand.u32 $0x7FFF, v10;
	v12 =	vshrl.u32 v13, $0x10;
	v6 =	vand.u32 $0x7FFF, v6;
	[tilespmem:v7+s3+$0x0] =	vst.idx.add.s32.msk $0xffff, v1  }
0x437: {  	v7 =	vshrl.u32 v14, $0x10;
	v12 =	vand.u32 $0x7FFF, v12;
	[tilespmem:v8+s3+$0x0] =	vst.idx.add.s32.msk $0xffff, v1  }
0x438: {  	v8 =	vshrl.u32 v15, $0x10;
	v7 =	vand.u32 $0x7FFF, v7;
	[tilespmem:v9+s3+$0x0] =	vst.idx.add.s32.msk $0xffff, v1  }
0x439: {  	v9 =	vld [tilespmem:s28+$0xFFFFFC10];
	v13 =	vshrl.u32 v16, $0x10;
	v8 =	vand.u32 $0x7FFF, v8  }
0x43a: {  	v5 =	vshrl.u32 v5, $0x10;
	v13 =	vand.u32 $0x7FFF, v13;
	[tilespmem:v11+s3+$0x0] =	vst.idx.add.s32.msk $0xffff, v1  }
0x43b: {  	v4 =	vshrl.u32 v4, $0x10;
	v5 =	vand.u32 $0x7FFF, v5;
	[tilespmem:v10+s3+$0x0] =	vst.idx.add.s32.msk $0xffff, v1  }
0x43c: {  	v10 =	vshrl.u32 v2, $0x10;
	v2 =	vand.u32 $0x7FFF, v4;
	[tilespmem:v12+s3+$0x0] =	vst.idx.add.s32.msk $0xffff, v1  }
0x43d: {  	v3 =	vshrl.u32 v3, $0x10;
	v4 =	vand.u32 $0x7FFF, v10;
	[tilespmem:v7+s3+$0x0] =	vst.idx.add.s32.msk $0xffff, v1  }
0x43e: {  	v7 =	vshrl.u32 v9, $0x10;
	v9 =	vand.u32 $0x7FFF, v3;
	[tilespmem:v6+s3+$0x0] =	vst.idx.add.s32.msk $0xffff, v1  }
.Ltmp18:
0x43f: {  	v3 =	vand.u32 $0x7FFF, v7;
	[tilespmem:v13+s3+$0x0] =	vst.idx.add.s32.msk $0xffff, v1;
	(pc) =	sbr.rel @p1 .LBB2_35-.Ltmp18, $4  }
0x440: {  	[tilespmem:v5+s3+$0x0] =	vst.idx.add.s32.msk $0xffff, v1  }
0x441: {  	[tilespmem:v8+s3+$0x0] =	vst.idx.add.s32.msk $0xffff, v1  }
0x442: {  	[tilespmem:v4+s3+$0x0] =	vst.idx.add.s32.msk $0xffff, v1  }
0x443: {  	[tilespmem:v9+s3+$0x0] =	vst.idx.add.s32.msk $0xffff, v1  }
0x444: {  	_ =	sdelay $0x2  }
0x445: {  	s26 =	sadd.s32 @!p0 s25, s9  }
0x446: {  	[tilespmem:v3+s3+$0x0] =	vst.idx.add.s32.msk $0xffff, v1;
	s26 =	sshrl.u32 @!p0 s26, $0x3  }
0x447: {  	[tilespmem:v2+s3+$0x0] =	vst.idx.add.s32.msk $0xffff, v1;
	s28 =	simm.s32 @!p0 $0x0;
	s29 =	simm.s32 @!p0 $0xC000;
	s26 =	sadd.s32 @!p0 s2, s26  }
0x448: {  	[tilespmem:s29], [sflag:$0x2] =	stream.linear.gather @!p0 [hbm4b:s26+s28], $0x4000, $0x38;
	[tilespmem:$0x18000] =	vst v63  }
0x449: {  	_ =	swait.ge [sflag:s20], $0x4000  }
0x44a: {  	[sflag:s20] =	ssyncset.done $0x0  }
0x44b: {  	s26 =	simm.s32 $0x10400;
	[sflag:s20] =	ssyncadd.s32 $0xFFFFC000  }
0x44c: {  	v2 =	vld [tilespmem:s26+$0xFFFFFC20]  }
0x44d: {  	v3 =	vld [tilespmem:s26+$0xFFFFFC30]  }
0x44e: {  	v4 =	vld [tilespmem:s26+$0xFFFFFC40]  }
0x44f: {  	v5 =	vld [tilespmem:s26+$0xFFFFFC50]  }
0x450: {  	v6 =	vld [tilespmem:s26+$0xFFFFFC00]  }
0x451: {  	v7 =	vld [tilespmem:s26+$0x70]  }
0x452: {  	v8 =	vld [tilespmem:s26+$0x60]  }
0x453: {  	v9 =	vld [tilespmem:s26+$0x50]  }
0x454: {  	v10 =	vld [tilespmem:s26+$0x40]  }
0x455: {  	v11 =	vld [tilespmem:s26+$0x30]  }
0x456: {  	v12 =	vld [tilespmem:s26+$0x20];
	v6 =	vshrl.u32 v6, $0x10  }
0x457: {  	v13 =	vld [tilespmem:s26+$0x10];
	v7 =	vshrl.u32 v7, $0x10;
	v6 =	vand.u32 $0x7FFF, v6  }
0x458: {  	v14 =	vld [tilespmem:s26+$0x0];
	v8 =	vshrl.u32 v8, $0x10;
	v7 =	vand.u32 $0x7FFF, v7  }
0x459: {  	v15 =	vld [tilespmem:s26+$0xFFFFFC70];
	v9 =	vshrl.u32 v9, $0x10;
	v8 =	vand.u32 $0x7FFF, v8  }
0x45a: {  	v16 =	vld [tilespmem:s26+$0xFFFFFC60];
	v11 =	vshrl.u32 v11, $0x10;
	v9 =	vand.u32 $0x7FFF, v9  }
0x45b: {  	v61 =	vld [tilespmem:s26+$0xFFFFFC10];
	v10 =	vshrl.u32 v10, $0x10;
	v56 =	vand.u32 $0x7FFF, v11  }
0x45c: {  	v57 =	vshrl.u32 v12, $0x10;
	v10 =	vand.u32 $0x7FFF, v10;
	[tilespmem:v6+s3+$0x0] =	vst.idx.add.s32.msk $0xffff, v1  }
0x45d: {  	v59 =	vshrl.u32 v14, $0x10;
	v58 =	vand.u32 $0x7FFF, v57;
	[tilespmem:v7+s3+$0x0] =	vst.idx.add.s32.msk $0xffff, v1  }
0x45e: {  	v4 =	vshrl.u32 v4, $0x10;
	v11 =	vand.u32 $0x7FFF, v59;
	[tilespmem:v8+s3+$0x0] =	vst.idx.add.s32.msk $0xffff, v1  }
0x45f: {  	v3 =	vshrl.u32 v3, $0x10;
	v4 =	vand.u32 $0x7FFF, v4;
	[tilespmem:v9+s3+$0x0] =	vst.idx.add.s32.msk $0xffff, v1  }
0x460: {  	v62 =	vshrl.u32 v16, $0x10;
	v3 =	vand.u32 $0x7FFF, v3;
	[tilespmem:v56+s3+$0x0] =	vst.idx.add.s32.msk $0xffff, v1  }
0x461: {  	v5 =	vshrl.u32 v5, $0x10;
	v12 =	vand.u32 $0x7FFF, v62;
	[tilespmem:v10+s3+$0x0] =	vst.idx.add.s32.msk $0xffff, v1  }
0x462: {  	v2 =	vshrl.u32 v2, $0x10;
	v5 =	vand.u32 $0x7FFF, v5;
	[tilespmem:v58+s3+$0x0] =	vst.idx.add.s32.msk $0xffff, v1  }
0x463: {  	v60 =	vshrl.u32 v13, $0x10;
	v63 =	vand.u32 $0x7FFF, v2;
	[tilespmem:v11+s3+$0x0] =	vst.idx.add.s32.msk $0xffff, v1  }
0x464: {  	v8 =	vand.u32 $0x7FFF, v60;
	[tilespmem:v4+s3+$0x0] =	vst.idx.add.s32.msk $0xffff, v1;
	v4 =	vshrl.u32 v61, $0x10  }
0x465: {  	v2 =	vshrl.u32 v15, $0x10;
	[tilespmem:v3+s3+$0x0] =	vst.idx.add.s32.msk $0xffff, v1;
	v3 =	vand.u32 $0x7FFF, v4  }
0x466: {  	v2 =	vand.u32 $0x7FFF, v2;
	[tilespmem:v12+s3+$0x0] =	vst.idx.add.s32.msk $0xffff, v1  }
0x467: {  	[tilespmem:v5+s3+$0x0] =	vst.idx.add.s32.msk $0xffff, v1  }
0x468: {  	[tilespmem:v63+s3+$0x0] =	vst.idx.add.s32.msk $0xffff, v1  }
0x469: {  	s29 =	simm.s32 $0x0;
	[tilespmem:v8+s3+$0x0] =	vst.idx.add.s32.msk $0xffff, v1  }
.LBB2_37:
0x46a: {  	s29 =	sadd.s32 $0x10, s29;
	[tilespmem:v3+s3+$0x0] =	vst.idx.add.s32.msk $0xffff, v1;
	s26 =	sadd.s32 $0x800, s26;
	s28 =	simm.s32 $0x10480  }
0x46b: {  	p1 =	slt.u32 s29, $0x70;
	[tilespmem:v2+s3+$0x0] =	vst.idx.add.s32.msk $0xffff, v1  }
0x46c: {  	v3 =	vld [tilespmem:s26+$0xFFFFFC20]  }
0x46d: {  	v4 =	vld [tilespmem:s26+$0xFFFFFC30]  }
0x46e: {  	v5 =	vld [tilespmem:s26+$0xFFFFFC40]  }
0x46f: {  	v6 =	vld [tilespmem:s26+$0xFFFFFC50]  }
0x470: {  	v2 =	vld [tilespmem:s26+$0xFFFFFC00]  }
0x471: {  	v7 =	vld [tilespmem:s26+$0x70]  }
0x472: {  	v8 =	vld [tilespmem:s26+$0x60]  }
0x473: {  	v9 =	vld [tilespmem:s26+$0x50]  }
0x474: {  	v10 =	vld [tilespmem:s26+$0x40]  }
0x475: {  	v2 =	vshrl.u32 v2, $0x10;
	v11 =	vld [tilespmem:s26+$0x30]  }
0x476: {  	v2 =	vand.u32 $0x7FFF, v2;
	v12 =	vld [tilespmem:s26+$0x20];
	v7 =	vshrl.u32 v7, $0x10  }
0x477: {  	v13 =	vld [tilespmem:s26+$0x10];
	v8 =	vshrl.u32 v8, $0x10;
	v7 =	vand.u32 $0x7FFF, v7  }
0x478: {  	v14 =	vld [tilespmem:s26+$0x0];
	v9 =	vshrl.u32 v9, $0x10;
	v8 =	vand.u32 $0x7FFF, v8  }
0x479: {  	v15 =	vld [tilespmem:s26+$0xFFFFFC70];
	v10 =	vshrl.u32 v10, $0x10;
	v9 =	vand.u32 $0x7FFF, v9  }
0x47a: {  	v16 =	vld [tilespmem:s26+$0xFFFFFC60];
	v11 =	vshrl.u32 v11, $0x10  }
0x47b: {  	[tilespmem:v2+s3+$0x0] =	vst.idx.add.s32.msk $0xffff, v1;
	v2 =	vshrl.u32 v12, $0x10;
	v11 =	vand.u32 $0x7FFF, v11  }
0x47c: {  	v10 =	vand.u32 $0x7FFF, v10;
	v12 =	vshrl.u32 v13, $0x10;
	v13 =	vand.u32 $0x7FFF, v2;
	[tilespmem:v7+s3+$0x0] =	vst.idx.add.s32.msk $0xffff, v1  }
0x47d: {  	v2 =	vshrl.u32 v14, $0x10;
	v7 =	vand.u32 $0x7FFF, v12;
	[tilespmem:v8+s3+$0x0] =	vst.idx.add.s32.msk $0xffff, v1  }
0x47e: {  	v8 =	vshrl.u32 v15, $0x10;
	v12 =	vand.u32 $0x7FFF, v2;
	[tilespmem:v9+s3+$0x0] =	vst.idx.add.s32.msk $0xffff, v1  }
0x47f: {  	v9 =	vld [tilespmem:s26+$0xFFFFFC10];
	v14 =	vshrl.u32 v16, $0x10;
	v2 =	vand.u32 $0x7FFF, v8  }
0x480: {  	v6 =	vshrl.u32 v6, $0x10;
	v8 =	vand.u32 $0x7FFF, v14;
	[tilespmem:v11+s3+$0x0] =	vst.idx.add.s32.msk $0xffff, v1  }
0x481: {  	v5 =	vshrl.u32 v5, $0x10;
	v6 =	vand.u32 $0x7FFF, v6;
	[tilespmem:v10+s3+$0x0] =	vst.idx.add.s32.msk $0xffff, v1  }
0x482: {  	v4 =	vshrl.u32 v4, $0x10;
	v5 =	vand.u32 $0x7FFF, v5;
	[tilespmem:v13+s3+$0x0] =	vst.idx.add.s32.msk $0xffff, v1  }
0x483: {  	v3 =	vshrl.u32 v3, $0x10;
	v4 =	vand.u32 $0x7FFF, v4;
	[tilespmem:v12+s3+$0x0] =	vst.idx.add.s32.msk $0xffff, v1  }
0x484: {  	v10 =	vand.u32 $0x7FFF, v3;
	v9 =	vshrl.u32 v9, $0x10;
	[tilespmem:v7+s3+$0x0] =	vst.idx.add.s32.msk $0xffff, v1  }
.Ltmp19:
0x485: {  	v3 =	vand.u32 $0x7FFF, v9;
	[tilespmem:v8+s3+$0x0] =	vst.idx.add.s32.msk $0xffff, v1;
	(pc) =	sbr.rel @p1 .LBB2_37-.Ltmp19, $4  }
0x486: {  	[tilespmem:v6+s3+$0x0] =	vst.idx.add.s32.msk $0xffff, v1  }
0x487: {  	[tilespmem:v5+s3+$0x0] =	vst.idx.add.s32.msk $0xffff, v1  }
0x488: {  	[tilespmem:v4+s3+$0x0] =	vst.idx.add.s32.msk $0xffff, v1  }
0x489: {  	[tilespmem:v10+s3+$0x0] =	vst.idx.add.s32.msk $0xffff, v1  }
0x48a: {  	_ =	sdelay $0x3  }
0x48b: {  	[tilespmem:v3+s3+$0x0] =	vst.idx.add.s32.msk $0xffff, v1  }
0x48c: {  	[tilespmem:v2+s3+$0x0] =	vst.idx.add.s32.msk $0xffff, v1  }
0x48d: {  	v2 =	vld [tilespmem:s28+$0xFFFFFC20]  }
0x48e: {  	v3 =	vld [tilespmem:s28+$0xFFFFFC30]  }
0x48f: {  	v4 =	vld [tilespmem:s28+$0xFFFFFC50]  }
0x490: {  	v5 =	vld [tilespmem:s28+$0xFFFFFC00]  }
0x491: {  	v6 =	vld [tilespmem:s28+$0x70]  }
0x492: {  	v7 =	vld [tilespmem:s28+$0x60]  }
0x493: {  	v8 =	vld [tilespmem:s28+$0x50]  }
0x494: {  	v9 =	vld [tilespmem:s28+$0x40]  }
0x495: {  	v10 =	vld [tilespmem:s28+$0x30];
	v5 =	vshrl.u32 v5, $0x10  }
0x496: {  	v11 =	vld [tilespmem:s28+$0x20];
	v5 =	vand.u32 $0x7FFF, v5  }
0x497: {  	v13 =	vld [tilespmem:s28+$0x0]  }
0x498: {  	v12 =	vld [tilespmem:s28+$0x10];
	v7 =	vshrl.u32 v7, $0x10  }
0x499: {  	v14 =	vld [tilespmem:s28+$0xFFFFFC70];
	v8 =	vshrl.u32 v8, $0x10;
	v7 =	vand.u32 $0x7FFF, v7  }
0x49a: {  	v15 =	vld [tilespmem:s28+$0xFFFFFC60];
	v10 =	vshrl.u32 v10, $0x10;
	v8 =	vand.u32 $0x7FFF, v8  }
0x49b: {  	v9 =	vshrl.u32 v9, $0x10;
	[tilespmem:v5+s3+$0x0] =	vst.idx.add.s32.msk $0xffff, v1;
	v5 =	vand.u32 $0x7FFF, v10  }
0x49c: {  	v58 =	vld [tilespmem:s28+$0xFFFFFC40];
	v13 =	vshrl.u32 v13, $0x10;
	v9 =	vand.u32 $0x7FFF, v9  }
0x49d: {  	v60 =	vld [tilespmem:s28+$0xFFFFFC10];
	v6 =	vshrl.u32 v6, $0x10;
	v59 =	vand.u32 $0x7FFF, v13  }
0x49e: {  	v4 =	vshrl.u32 v4, $0x10;
	v6 =	vand.u32 $0x7FFF, v6;
	[tilespmem:v7+s3+$0x0] =	vst.idx.add.s32.msk $0xffff, v1  }
0x49f: {  	v61 =	vshrl.u32 v15, $0x10;
	v4 =	vand.u32 $0x7FFF, v4;
	[tilespmem:v8+s3+$0x0] =	vst.idx.add.s32.msk $0xffff, v1  }
0x4a0: {  	v3 =	vshrl.u32 v3, $0x10;
	[tilespmem:v5+s3+$0x0] =	vst.idx.add.s32.msk $0xffff, v1;
	v5 =	vand.u32 $0x7FFF, v61  }
0x4a1: {  	v57 =	vshrl.u32 v11, $0x10;
	v63 =	vand.u32 $0x7FFF, v3;
	[tilespmem:v9+s3+$0x0] =	vst.idx.add.s32.msk $0xffff, v1  }
0x4a2: {  	v62 =	vshrl.u32 v58, $0x10;
	v10 =	vand.u32 $0x7FFF, v57;
	[tilespmem:v59+s3+$0x0] =	vst.idx.add.s32.msk $0xffff, v1  }
0x4a3: {  	v7 =	vshrl.u32 v12, $0x10;
	v9 =	vand.u32 $0x7FFF, v62;
	[tilespmem:v6+s3+$0x0] =	vst.idx.add.s32.msk $0xffff, v1  }
0x4a4: {  	[tilespmem:v4+s3+$0x0] =	vst.idx.add.s32.msk $0xffff, v1;
	v4 =	vshrl.u32 v2, $0x10;
	v7 =	vand.u32 $0x7FFF, v7  }
0x4a5: {  	v3 =	vshrl.u32 v14, $0x10;
	v4 =	vand.u32 $0x7FFF, v4;
	[tilespmem:v5+s3+$0x0] =	vst.idx.add.s32.msk $0xffff, v1;
	v5 =	vshrl.u32 v60, $0x10  }
0x4a6: {  	v2 =	vand.u32 $0x7FFF, v3;
	[tilespmem:v63+s3+$0x0] =	vst.idx.add.s32.msk $0xffff, v1;
	v3 =	vand.u32 $0x7FFF, v5  }
0x4a7: {  	[tilespmem:v10+s3+$0x0] =	vst.idx.add.s32.msk $0xffff, v1  }
0x4a8: {  	[tilespmem:v9+s3+$0x0] =	vst.idx.add.s32.msk $0xffff, v1  }
0x4a9: {  	s29 =	simm.s32 $0x0;
	s26 =	simm.s32 $0x10500;
	[tilespmem:v7+s3+$0x0] =	vst.idx.add.s32.msk $0xffff, v1  }
.LBB2_39:
0x4aa: {  	s29 =	sadd.s32 $0x10, s29;
	[tilespmem:v4+s3+$0x0] =	vst.idx.add.s32.msk $0xffff, v1;
	s28 =	sadd.s32 $0x800, s28  }
0x4ab: {  	p1 =	slt.u32 s29, $0x70;
	[tilespmem:v3+s3+$0x0] =	vst.idx.add.s32.msk $0xffff, v1  }
0x4ac: {  	[tilespmem:v2+s3+$0x0] =	vst.idx.add.s32.msk $0xffff, v1  }
0x4ad: {  	v3 =	vld [tilespmem:s28+$0xFFFFFC20]  }
0x4ae: {  	v4 =	vld [tilespmem:s28+$0xFFFFFC30]  }
0x4af: {  	v5 =	vld [tilespmem:s28+$0xFFFFFC50]  }
0x4b0: {  	v2 =	vld [tilespmem:s28+$0xFFFFFC00]  }
0x4b1: {  	v6 =	vld [tilespmem:s28+$0x70]  }
0x4b2: {  	v7 =	vld [tilespmem:s28+$0x60]  }
0x4b3: {  	v8 =	vld [tilespmem:s28+$0x50]  }
0x4b4: {  	v9 =	vld [tilespmem:s28+$0x40]  }
0x4b5: {  	v2 =	vshrl.u32 v2, $0x10;
	v10 =	vld [tilespmem:s28+$0x30]  }
0x4b6: {  	v2 =	vand.u32 $0x7FFF, v2;
	v11 =	vld [tilespmem:s28+$0x20];
	v6 =	vshrl.u32 v6, $0x10  }
0x4b7: {  	v12 =	vld [tilespmem:s28+$0x10];
	v7 =	vshrl.u32 v7, $0x10  }
0x4b8: {  	v13 =	vld [tilespmem:s28+$0x0];
	v8 =	vshrl.u32 v8, $0x10;
	v7 =	vand.u32 $0x7FFF, v7  }
0x4b9: {  	v14 =	vld [tilespmem:s28+$0xFFFFFC70];
	v9 =	vshrl.u32 v9, $0x10;
	v8 =	vand.u32 $0x7FFF, v8  }
0x4ba: {  	v15 =	vld [tilespmem:s28+$0xFFFFFC60];
	v10 =	vshrl.u32 v10, $0x10  }
0x4bb: {  	[tilespmem:v2+s3+$0x0] =	vst.idx.add.s32.msk $0xffff, v1;
	v2 =	vshrl.u32 v11, $0x10;
	v10 =	vand.u32 $0x7FFF, v10  }
0x4bc: {  	v9 =	vand.u32 $0x7FFF, v9;
	v11 =	vld [tilespmem:s28+$0xFFFFFC40];
	v12 =	vshrl.u32 v12, $0x10;
	v16 =	vand.u32 $0x7FFF, v2  }
0x4bd: {  	v2 =	vshrl.u32 v13, $0x10;
	v12 =	vand.u32 $0x7FFF, v12;
	[tilespmem:v7+s3+$0x0] =	vst.idx.add.s32.msk $0xffff, v1  }
0x4be: {  	v7 =	vshrl.u32 v14, $0x10;
	v13 =	vand.u32 $0x7FFF, v2;
	[tilespmem:v8+s3+$0x0] =	vst.idx.add.s32.msk $0xffff, v1  }
0x4bf: {  	v6 =	vand.u32 $0x7FFF, v6;
	v8 =	vld [tilespmem:s28+$0xFFFFFC10];
	v14 =	vshrl.u32 v15, $0x10;
	v2 =	vand.u32 $0x7FFF, v7  }
0x4c0: {  	v5 =	vshrl.u32 v5, $0x10;
	v7 =	vand.u32 $0x7FFF, v14;
	[tilespmem:v10+s3+$0x0] =	vst.idx.add.s32.msk $0xffff, v1  }
0x4c1: {  	v5 =	vand.u32 $0x7FFF, v5;
	v10 =	vshrl.u32 v11, $0x10;
	[tilespmem:v9+s3+$0x0] =	vst.idx.add.s32.msk $0xffff, v1  }
0x4c2: {  	v4 =	vshrl.u32 v4, $0x10;
	v9 =	vand.u32 $0x7FFF, v10;
	[tilespmem:v16+s3+$0x0] =	vst.idx.add.s32.msk $0xffff, v1  }
0x4c3: {  	v3 =	vshrl.u32 v3, $0x10;
	v10 =	vand.u32 $0x7FFF, v4;
	[tilespmem:v13+s3+$0x0] =	vst.idx.add.s32.msk $0xffff, v1  }
0x4c4: {  	v4 =	vand.u32 $0x7FFF, v3;
	v8 =	vshrl.u32 v8, $0x10;
	[tilespmem:v12+s3+$0x0] =	vst.idx.add.s32.msk $0xffff, v1  }
.Ltmp20:
0x4c5: {  	v3 =	vand.u32 $0x7FFF, v8;
	[tilespmem:v6+s3+$0x0] =	vst.idx.add.s32.msk $0xffff, v1;
	(pc) =	sbr.rel @p1 .LBB2_39-.Ltmp20, $4  }
0x4c6: {  	[tilespmem:v7+s3+$0x0] =	vst.idx.add.s32.msk $0xffff, v1  }
0x4c7: {  	[tilespmem:v5+s3+$0x0] =	vst.idx.add.s32.msk $0xffff, v1  }
0x4c8: {  	[tilespmem:v9+s3+$0x0] =	vst.idx.add.s32.msk $0xffff, v1  }
0x4c9: {  	[tilespmem:v10+s3+$0x0] =	vst.idx.add.s32.msk $0xffff, v1  }
0x4ca: {  	_ =	sdelay $0x3  }
0x4cb: {  	[tilespmem:v4+s3+$0x0] =	vst.idx.add.s32.msk $0xffff, v1  }
0x4cc: {  	[tilespmem:v3+s3+$0x0] =	vst.idx.add.s32.msk $0xffff, v1  }
0x4cd: {  	[tilespmem:v2+s3+$0x0] =	vst.idx.add.s32.msk $0xffff, v1  }
0x4ce: {  	v2 =	vld [tilespmem:s26+$0xFFFFFC20]  }
0x4cf: {  	v3 =	vld [tilespmem:s26+$0xFFFFFC30]  }
0x4d0: {  	v4 =	vld [tilespmem:s26+$0xFFFFFC40]  }
0x4d1: {  	v5 =	vld [tilespmem:s26+$0xFFFFFC50]  }
0x4d2: {  	v6 =	vld [tilespmem:s26+$0xFFFFFC00]  }
0x4d3: {  	v7 =	vld [tilespmem:s26+$0x70]  }
0x4d4: {  	v8 =	vld [tilespmem:s26+$0x60]  }
0x4d5: {  	v9 =	vld [tilespmem:s26+$0x50]  }
0x4d6: {  	v10 =	vld [tilespmem:s26+$0x40]  }
0x4d7: {  	v11 =	vld [tilespmem:s26+$0x30]  }
0x4d8: {  	v12 =	vld [tilespmem:s26+$0x20];
	v6 =	vshrl.u32 v6, $0x10  }
0x4d9: {  	v13 =	vld [tilespmem:s26+$0x10];
	v7 =	vshrl.u32 v7, $0x10;
	v6 =	vand.u32 $0x7FFF, v6  }
0x4da: {  	v14 =	vld [tilespmem:s26+$0x0];
	v8 =	vshrl.u32 v8, $0x10;
	v7 =	vand.u32 $0x7FFF, v7  }
0x4db: {  	v15 =	vld [tilespmem:s26+$0xFFFFFC70];
	v9 =	vshrl.u32 v9, $0x10;
	v8 =	vand.u32 $0x7FFF, v8  }
0x4dc: {  	v16 =	vld [tilespmem:s26+$0xFFFFFC60];
	v11 =	vshrl.u32 v11, $0x10;
	v9 =	vand.u32 $0x7FFF, v9  }
0x4dd: {  	v61 =	vld [tilespmem:s26+$0xFFFFFC10];
	v10 =	vshrl.u32 v10, $0x10;
	v56 =	vand.u32 $0x7FFF, v11  }
0x4de: {  	v57 =	vshrl.u32 v12, $0x10;
	v10 =	vand.u32 $0x7FFF, v10;
	[tilespmem:v6+s3+$0x0] =	vst.idx.add.s32.msk $0xffff, v1  }
0x4df: {  	v59 =	vshrl.u32 v14, $0x10;
	v58 =	vand.u32 $0x7FFF, v57;
	[tilespmem:v7+s3+$0x0] =	vst.idx.add.s32.msk $0xffff, v1  }
0x4e0: {  	v4 =	vshrl.u32 v4, $0x10;
	v11 =	vand.u32 $0x7FFF, v59;
	[tilespmem:v8+s3+$0x0] =	vst.idx.add.s32.msk $0xffff, v1  }
0x4e1: {  	v3 =	vshrl.u32 v3, $0x10;
	v4 =	vand.u32 $0x7FFF, v4;
	[tilespmem:v9+s3+$0x0] =	vst.idx.add.s32.msk $0xffff, v1  }
0x4e2: {  	v62 =	vshrl.u32 v16, $0x10;
	v3 =	vand.u32 $0x7FFF, v3;
	[tilespmem:v56+s3+$0x0] =	vst.idx.add.s32.msk $0xffff, v1  }
0x4e3: {  	v5 =	vshrl.u32 v5, $0x10;
	v12 =	vand.u32 $0x7FFF, v62;
	[tilespmem:v10+s3+$0x0] =	vst.idx.add.s32.msk $0xffff, v1  }
0x4e4: {  	v2 =	vshrl.u32 v2, $0x10;
	v5 =	vand.u32 $0x7FFF, v5;
	[tilespmem:v58+s3+$0x0] =	vst.idx.add.s32.msk $0xffff, v1  }
0x4e5: {  	v60 =	vshrl.u32 v13, $0x10;
	v63 =	vand.u32 $0x7FFF, v2;
	[tilespmem:v11+s3+$0x0] =	vst.idx.add.s32.msk $0xffff, v1  }
0x4e6: {  	v8 =	vand.u32 $0x7FFF, v60;
	[tilespmem:v4+s3+$0x0] =	vst.idx.add.s32.msk $0xffff, v1;
	v4 =	vshrl.u32 v61, $0x10  }
0x4e7: {  	v2 =	vshrl.u32 v15, $0x10;
	[tilespmem:v3+s3+$0x0] =	vst.idx.add.s32.msk $0xffff, v1;
	v3 =	vand.u32 $0x7FFF, v4  }
0x4e8: {  	v2 =	vand.u32 $0x7FFF, v2;
	[tilespmem:v12+s3+$0x0] =	vst.idx.add.s32.msk $0xffff, v1  }
0x4e9: {  	[tilespmem:v5+s3+$0x0] =	vst.idx.add.s32.msk $0xffff, v1  }
0x4ea: {  	[tilespmem:v63+s3+$0x0] =	vst.idx.add.s32.msk $0xffff, v1  }
0x4eb: {  	s29 =	simm.s32 $0x0;
	[tilespmem:v8+s3+$0x0] =	vst.idx.add.s32.msk $0xffff, v1  }
.LBB2_41:
0x4ec: {  	s29 =	sadd.s32 $0x10, s29;
	[tilespmem:v3+s3+$0x0] =	vst.idx.add.s32.msk $0xffff, v1;
	s26 =	sadd.s32 $0x800, s26;
	s28 =	simm.s32 $0x10580  }
0x4ed: {  	p1 =	slt.u32 s29, $0x70;
	[tilespmem:v2+s3+$0x0] =	vst.idx.add.s32.msk $0xffff, v1  }
0x4ee: {  	v3 =	vld [tilespmem:s26+$0xFFFFFC20]  }
0x4ef: {  	v4 =	vld [tilespmem:s26+$0xFFFFFC30]  }
0x4f0: {  	v5 =	vld [tilespmem:s26+$0xFFFFFC40]  }
0x4f1: {  	v6 =	vld [tilespmem:s26+$0xFFFFFC50]  }
0x4f2: {  	v2 =	vld [tilespmem:s26+$0xFFFFFC00]  }
0x4f3: {  	v7 =	vld [tilespmem:s26+$0x70]  }
0x4f4: {  	v8 =	vld [tilespmem:s26+$0x60]  }
0x4f5: {  	v9 =	vld [tilespmem:s26+$0x50]  }
0x4f6: {  	v10 =	vld [tilespmem:s26+$0x40]  }
0x4f7: {  	v2 =	vshrl.u32 v2, $0x10;
	v11 =	vld [tilespmem:s26+$0x30]  }
0x4f8: {  	v2 =	vand.u32 $0x7FFF, v2;
	v12 =	vld [tilespmem:s26+$0x20];
	v7 =	vshrl.u32 v7, $0x10  }
0x4f9: {  	v13 =	vld [tilespmem:s26+$0x10];
	v8 =	vshrl.u32 v8, $0x10;
	v7 =	vand.u32 $0x7FFF, v7  }
0x4fa: {  	v14 =	vld [tilespmem:s26+$0x0];
	v9 =	vshrl.u32 v9, $0x10;
	v8 =	vand.u32 $0x7FFF, v8  }
0x4fb: {  	v15 =	vld [tilespmem:s26+$0xFFFFFC70];
	v10 =	vshrl.u32 v10, $0x10;
	v9 =	vand.u32 $0x7FFF, v9  }
0x4fc: {  	v16 =	vld [tilespmem:s26+$0xFFFFFC60];
	v11 =	vshrl.u32 v11, $0x10  }
0x4fd: {  	[tilespmem:v2+s3+$0x0] =	vst.idx.add.s32.msk $0xffff, v1;
	v2 =	vshrl.u32 v12, $0x10;
	v11 =	vand.u32 $0x7FFF, v11  }
0x4fe: {  	v10 =	vand.u32 $0x7FFF, v10;
	v12 =	vshrl.u32 v13, $0x10;
	v13 =	vand.u32 $0x7FFF, v2;
	[tilespmem:v7+s3+$0x0] =	vst.idx.add.s32.msk $0xffff, v1  }
0x4ff: {  	v2 =	vshrl.u32 v14, $0x10;
	v7 =	vand.u32 $0x7FFF, v12;
	[tilespmem:v8+s3+$0x0] =	vst.idx.add.s32.msk $0xffff, v1  }
0x500: {  	v8 =	vshrl.u32 v15, $0x10;
	v12 =	vand.u32 $0x7FFF, v2;
	[tilespmem:v9+s3+$0x0] =	vst.idx.add.s32.msk $0xffff, v1  }
0x501: {  	v9 =	vld [tilespmem:s26+$0xFFFFFC10];
	v14 =	vshrl.u32 v16, $0x10;
	v2 =	vand.u32 $0x7FFF, v8  }
0x502: {  	v6 =	vshrl.u32 v6, $0x10;
	v8 =	vand.u32 $0x7FFF, v14;
	[tilespmem:v11+s3+$0x0] =	vst.idx.add.s32.msk $0xffff, v1  }
0x503: {  	v5 =	vshrl.u32 v5, $0x10;
	v6 =	vand.u32 $0x7FFF, v6;
	[tilespmem:v10+s3+$0x0] =	vst.idx.add.s32.msk $0xffff, v1  }
0x504: {  	v4 =	vshrl.u32 v4, $0x10;
	v5 =	vand.u32 $0x7FFF, v5;
	[tilespmem:v13+s3+$0x0] =	vst.idx.add.s32.msk $0xffff, v1  }
0x505: {  	v3 =	vshrl.u32 v3, $0x10;
	v4 =	vand.u32 $0x7FFF, v4;
	[tilespmem:v12+s3+$0x0] =	vst.idx.add.s32.msk $0xffff, v1  }
0x506: {  	v10 =	vand.u32 $0x7FFF, v3;
	v9 =	vshrl.u32 v9, $0x10;
	[tilespmem:v7+s3+$0x0] =	vst.idx.add.s32.msk $0xffff, v1  }
.Ltmp21:
0x507: {  	v3 =	vand.u32 $0x7FFF, v9;
	[tilespmem:v8+s3+$0x0] =	vst.idx.add.s32.msk $0xffff, v1;
	(pc) =	sbr.rel @p1 .LBB2_41-.Ltmp21, $4  }
0x508: {  	[tilespmem:v6+s3+$0x0] =	vst.idx.add.s32.msk $0xffff, v1  }
0x509: {  	[tilespmem:v5+s3+$0x0] =	vst.idx.add.s32.msk $0xffff, v1  }
0x50a: {  	[tilespmem:v4+s3+$0x0] =	vst.idx.add.s32.msk $0xffff, v1  }
0x50b: {  	[tilespmem:v10+s3+$0x0] =	vst.idx.add.s32.msk $0xffff, v1  }
0x50c: {  	_ =	sdelay $0x3  }
0x50d: {  	[tilespmem:v3+s3+$0x0] =	vst.idx.add.s32.msk $0xffff, v1  }
0x50e: {  	[tilespmem:v2+s3+$0x0] =	vst.idx.add.s32.msk $0xffff, v1  }
0x50f: {  	v2 =	vld [tilespmem:s28+$0xFFFFFC20]  }
0x510: {  	v3 =	vld [tilespmem:s28+$0xFFFFFC30]  }
0x511: {  	v4 =	vld [tilespmem:s28+$0xFFFFFC50]  }
0x512: {  	v5 =	vld [tilespmem:s28+$0xFFFFFC00]  }
0x513: {  	v6 =	vld [tilespmem:s28+$0x70]  }
0x514: {  	v7 =	vld [tilespmem:s28+$0x60]  }
0x515: {  	v8 =	vld [tilespmem:s28+$0x50]  }
0x516: {  	v9 =	vld [tilespmem:s28+$0x40]  }
0x517: {  	v10 =	vld [tilespmem:s28+$0x30];
	v5 =	vshrl.u32 v5, $0x10  }
0x518: {  	v11 =	vld [tilespmem:s28+$0x20];
	v5 =	vand.u32 $0x7FFF, v5  }
0x519: {  	v13 =	vld [tilespmem:s28+$0x0]  }
0x51a: {  	v12 =	vld [tilespmem:s28+$0x10];
	v7 =	vshrl.u32 v7, $0x10  }
0x51b: {  	v14 =	vld [tilespmem:s28+$0xFFFFFC70];
	v8 =	vshrl.u32 v8, $0x10;
	v7 =	vand.u32 $0x7FFF, v7  }
0x51c: {  	v15 =	vld [tilespmem:s28+$0xFFFFFC60];
	v10 =	vshrl.u32 v10, $0x10;
	v8 =	vand.u32 $0x7FFF, v8  }
0x51d: {  	v9 =	vshrl.u32 v9, $0x10;
	[tilespmem:v5+s3+$0x0] =	vst.idx.add.s32.msk $0xffff, v1;
	v5 =	vand.u32 $0x7FFF, v10  }
0x51e: {  	v58 =	vld [tilespmem:s28+$0xFFFFFC40];
	v13 =	vshrl.u32 v13, $0x10;
	v9 =	vand.u32 $0x7FFF, v9  }
0x51f: {  	v60 =	vld [tilespmem:s28+$0xFFFFFC10];
	v6 =	vshrl.u32 v6, $0x10;
	v59 =	vand.u32 $0x7FFF, v13  }
0x520: {  	v4 =	vshrl.u32 v4, $0x10;
	v6 =	vand.u32 $0x7FFF, v6;
	[tilespmem:v7+s3+$0x0] =	vst.idx.add.s32.msk $0xffff, v1  }
0x521: {  	v61 =	vshrl.u32 v15, $0x10;
	v4 =	vand.u32 $0x7FFF, v4;
	[tilespmem:v8+s3+$0x0] =	vst.idx.add.s32.msk $0xffff, v1  }
0x522: {  	v3 =	vshrl.u32 v3, $0x10;
	[tilespmem:v5+s3+$0x0] =	vst.idx.add.s32.msk $0xffff, v1;
	v5 =	vand.u32 $0x7FFF, v61  }
0x523: {  	v57 =	vshrl.u32 v11, $0x10;
	v63 =	vand.u32 $0x7FFF, v3;
	[tilespmem:v9+s3+$0x0] =	vst.idx.add.s32.msk $0xffff, v1  }
0x524: {  	v62 =	vshrl.u32 v58, $0x10;
	v10 =	vand.u32 $0x7FFF, v57;
	[tilespmem:v59+s3+$0x0] =	vst.idx.add.s32.msk $0xffff, v1  }
0x525: {  	v7 =	vshrl.u32 v12, $0x10;
	v9 =	vand.u32 $0x7FFF, v62;
	[tilespmem:v6+s3+$0x0] =	vst.idx.add.s32.msk $0xffff, v1  }
0x526: {  	[tilespmem:v4+s3+$0x0] =	vst.idx.add.s32.msk $0xffff, v1;
	v4 =	vshrl.u32 v2, $0x10;
	v7 =	vand.u32 $0x7FFF, v7  }
0x527: {  	v3 =	vshrl.u32 v14, $0x10;
	v4 =	vand.u32 $0x7FFF, v4;
	[tilespmem:v5+s3+$0x0] =	vst.idx.add.s32.msk $0xffff, v1;
	v5 =	vshrl.u32 v60, $0x10  }
0x528: {  	v2 =	vand.u32 $0x7FFF, v3;
	[tilespmem:v63+s3+$0x0] =	vst.idx.add.s32.msk $0xffff, v1;
	v3 =	vand.u32 $0x7FFF, v5  }
0x529: {  	[tilespmem:v10+s3+$0x0] =	vst.idx.add.s32.msk $0xffff, v1  }
0x52a: {  	[tilespmem:v9+s3+$0x0] =	vst.idx.add.s32.msk $0xffff, v1  }
0x52b: {  	s29 =	simm.s32 $0x0;
	s26 =	simm.s32 $0x10600;
	[tilespmem:v7+s3+$0x0] =	vst.idx.add.s32.msk $0xffff, v1  }
.LBB2_43:
0x52c: {  	s29 =	sadd.s32 $0x10, s29;
	[tilespmem:v4+s3+$0x0] =	vst.idx.add.s32.msk $0xffff, v1;
	s28 =	sadd.s32 $0x800, s28  }
0x52d: {  	p1 =	slt.u32 s29, $0x70;
	[tilespmem:v3+s3+$0x0] =	vst.idx.add.s32.msk $0xffff, v1  }
0x52e: {  	[tilespmem:v2+s3+$0x0] =	vst.idx.add.s32.msk $0xffff, v1  }
0x52f: {  	v3 =	vld [tilespmem:s28+$0xFFFFFC20]  }
0x530: {  	v4 =	vld [tilespmem:s28+$0xFFFFFC30]  }
0x531: {  	v5 =	vld [tilespmem:s28+$0xFFFFFC50]  }
0x532: {  	v2 =	vld [tilespmem:s28+$0xFFFFFC00]  }
0x533: {  	v6 =	vld [tilespmem:s28+$0x70]  }
0x534: {  	v7 =	vld [tilespmem:s28+$0x60]  }
0x535: {  	v8 =	vld [tilespmem:s28+$0x50]  }
0x536: {  	v9 =	vld [tilespmem:s28+$0x40]  }
0x537: {  	v2 =	vshrl.u32 v2, $0x10;
	v10 =	vld [tilespmem:s28+$0x30]  }
0x538: {  	v2 =	vand.u32 $0x7FFF, v2;
	v11 =	vld [tilespmem:s28+$0x20];
	v6 =	vshrl.u32 v6, $0x10  }
0x539: {  	v12 =	vld [tilespmem:s28+$0x10];
	v7 =	vshrl.u32 v7, $0x10  }
0x53a: {  	v13 =	vld [tilespmem:s28+$0x0];
	v8 =	vshrl.u32 v8, $0x10;
	v7 =	vand.u32 $0x7FFF, v7  }
0x53b: {  	v14 =	vld [tilespmem:s28+$0xFFFFFC70];
	v9 =	vshrl.u32 v9, $0x10;
	v8 =	vand.u32 $0x7FFF, v8  }
0x53c: {  	v15 =	vld [tilespmem:s28+$0xFFFFFC60];
	v10 =	vshrl.u32 v10, $0x10  }
0x53d: {  	[tilespmem:v2+s3+$0x0] =	vst.idx.add.s32.msk $0xffff, v1;
	v2 =	vshrl.u32 v11, $0x10;
	v10 =	vand.u32 $0x7FFF, v10  }
0x53e: {  	v9 =	vand.u32 $0x7FFF, v9;
	v11 =	vld [tilespmem:s28+$0xFFFFFC40];
	v12 =	vshrl.u32 v12, $0x10;
	v16 =	vand.u32 $0x7FFF, v2  }
0x53f: {  	v2 =	vshrl.u32 v13, $0x10;
	v12 =	vand.u32 $0x7FFF, v12;
	[tilespmem:v7+s3+$0x0] =	vst.idx.add.s32.msk $0xffff, v1  }
0x540: {  	v7 =	vshrl.u32 v14, $0x10;
	v13 =	vand.u32 $0x7FFF, v2;
	[tilespmem:v8+s3+$0x0] =	vst.idx.add.s32.msk $0xffff, v1  }
0x541: {  	v6 =	vand.u32 $0x7FFF, v6;
	v8 =	vld [tilespmem:s28+$0xFFFFFC10];
	v14 =	vshrl.u32 v15, $0x10;
	v2 =	vand.u32 $0x7FFF, v7  }
0x542: {  	v5 =	vshrl.u32 v5, $0x10;
	v7 =	vand.u32 $0x7FFF, v14;
	[tilespmem:v10+s3+$0x0] =	vst.idx.add.s32.msk $0xffff, v1  }
0x543: {  	v5 =	vand.u32 $0x7FFF, v5;
	v10 =	vshrl.u32 v11, $0x10;
	[tilespmem:v9+s3+$0x0] =	vst.idx.add.s32.msk $0xffff, v1  }
0x544: {  	v4 =	vshrl.u32 v4, $0x10;
	v9 =	vand.u32 $0x7FFF, v10;
	[tilespmem:v16+s3+$0x0] =	vst.idx.add.s32.msk $0xffff, v1  }
0x545: {  	v3 =	vshrl.u32 v3, $0x10;
	v10 =	vand.u32 $0x7FFF, v4;
	[tilespmem:v13+s3+$0x0] =	vst.idx.add.s32.msk $0xffff, v1  }
0x546: {  	v4 =	vand.u32 $0x7FFF, v3;
	v8 =	vshrl.u32 v8, $0x10;
	[tilespmem:v12+s3+$0x0] =	vst.idx.add.s32.msk $0xffff, v1  }
.Ltmp22:
0x547: {  	v3 =	vand.u32 $0x7FFF, v8;
	[tilespmem:v6+s3+$0x0] =	vst.idx.add.s32.msk $0xffff, v1;
	(pc) =	sbr.rel @p1 .LBB2_43-.Ltmp22, $4  }
0x548: {  	[tilespmem:v7+s3+$0x0] =	vst.idx.add.s32.msk $0xffff, v1  }
0x549: {  	[tilespmem:v5+s3+$0x0] =	vst.idx.add.s32.msk $0xffff, v1  }
0x54a: {  	[tilespmem:v9+s3+$0x0] =	vst.idx.add.s32.msk $0xffff, v1  }
0x54b: {  	[tilespmem:v10+s3+$0x0] =	vst.idx.add.s32.msk $0xffff, v1  }
0x54c: {  	_ =	sdelay $0x3  }
0x54d: {  	[tilespmem:v4+s3+$0x0] =	vst.idx.add.s32.msk $0xffff, v1  }
0x54e: {  	[tilespmem:v3+s3+$0x0] =	vst.idx.add.s32.msk $0xffff, v1  }
0x54f: {  	[tilespmem:v2+s3+$0x0] =	vst.idx.add.s32.msk $0xffff, v1  }
0x550: {  	v2 =	vld [tilespmem:s26+$0xFFFFFC20]  }
0x551: {  	v3 =	vld [tilespmem:s26+$0xFFFFFC30]  }
0x552: {  	v4 =	vld [tilespmem:s26+$0xFFFFFC40]  }
0x553: {  	v5 =	vld [tilespmem:s26+$0xFFFFFC50]  }
0x554: {  	v6 =	vld [tilespmem:s26+$0xFFFFFC00]  }
0x555: {  	v7 =	vld [tilespmem:s26+$0x70]  }
0x556: {  	v8 =	vld [tilespmem:s26+$0x60]  }
0x557: {  	v9 =	vld [tilespmem:s26+$0x50]  }
0x558: {  	v10 =	vld [tilespmem:s26+$0x40]  }
0x559: {  	v11 =	vld [tilespmem:s26+$0x30]  }
0x55a: {  	v12 =	vld [tilespmem:s26+$0x20];
	v6 =	vshrl.u32 v6, $0x10  }
0x55b: {  	v13 =	vld [tilespmem:s26+$0x10];
	v7 =	vshrl.u32 v7, $0x10;
	v6 =	vand.u32 $0x7FFF, v6  }
0x55c: {  	v14 =	vld [tilespmem:s26+$0x0];
	v8 =	vshrl.u32 v8, $0x10;
	v7 =	vand.u32 $0x7FFF, v7  }
0x55d: {  	v15 =	vld [tilespmem:s26+$0xFFFFFC70];
	v9 =	vshrl.u32 v9, $0x10;
	v8 =	vand.u32 $0x7FFF, v8  }
0x55e: {  	v16 =	vld [tilespmem:s26+$0xFFFFFC60];
	v11 =	vshrl.u32 v11, $0x10;
	v9 =	vand.u32 $0x7FFF, v9  }
0x55f: {  	v61 =	vld [tilespmem:s26+$0xFFFFFC10];
	v10 =	vshrl.u32 v10, $0x10;
	v56 =	vand.u32 $0x7FFF, v11  }
0x560: {  	v57 =	vshrl.u32 v12, $0x10;
	v10 =	vand.u32 $0x7FFF, v10;
	[tilespmem:v6+s3+$0x0] =	vst.idx.add.s32.msk $0xffff, v1  }
0x561: {  	v59 =	vshrl.u32 v14, $0x10;
	v58 =	vand.u32 $0x7FFF, v57;
	[tilespmem:v7+s3+$0x0] =	vst.idx.add.s32.msk $0xffff, v1  }
0x562: {  	v4 =	vshrl.u32 v4, $0x10;
	v11 =	vand.u32 $0x7FFF, v59;
	[tilespmem:v8+s3+$0x0] =	vst.idx.add.s32.msk $0xffff, v1  }
0x563: {  	v3 =	vshrl.u32 v3, $0x10;
	v4 =	vand.u32 $0x7FFF, v4;
	[tilespmem:v9+s3+$0x0] =	vst.idx.add.s32.msk $0xffff, v1  }
0x564: {  	v62 =	vshrl.u32 v16, $0x10;
	v3 =	vand.u32 $0x7FFF, v3;
	[tilespmem:v56+s3+$0x0] =	vst.idx.add.s32.msk $0xffff, v1  }
0x565: {  	v5 =	vshrl.u32 v5, $0x10;
	v12 =	vand.u32 $0x7FFF, v62;
	[tilespmem:v10+s3+$0x0] =	vst.idx.add.s32.msk $0xffff, v1  }
0x566: {  	v2 =	vshrl.u32 v2, $0x10;
	v5 =	vand.u32 $0x7FFF, v5;
	[tilespmem:v58+s3+$0x0] =	vst.idx.add.s32.msk $0xffff, v1  }
0x567: {  	v60 =	vshrl.u32 v13, $0x10;
	v63 =	vand.u32 $0x7FFF, v2;
	[tilespmem:v11+s3+$0x0] =	vst.idx.add.s32.msk $0xffff, v1  }
0x568: {  	v8 =	vand.u32 $0x7FFF, v60;
	[tilespmem:v4+s3+$0x0] =	vst.idx.add.s32.msk $0xffff, v1;
	v4 =	vshrl.u32 v61, $0x10  }
0x569: {  	v2 =	vshrl.u32 v15, $0x10;
	[tilespmem:v3+s3+$0x0] =	vst.idx.add.s32.msk $0xffff, v1;
	v3 =	vand.u32 $0x7FFF, v4  }
0x56a: {  	v2 =	vand.u32 $0x7FFF, v2;
	[tilespmem:v12+s3+$0x0] =	vst.idx.add.s32.msk $0xffff, v1  }
0x56b: {  	[tilespmem:v5+s3+$0x0] =	vst.idx.add.s32.msk $0xffff, v1  }
0x56c: {  	[tilespmem:v63+s3+$0x0] =	vst.idx.add.s32.msk $0xffff, v1  }
0x56d: {  	s29 =	simm.s32 $0x0;
	[tilespmem:v8+s3+$0x0] =	vst.idx.add.s32.msk $0xffff, v1  }
.LBB2_45:
0x56e: {  	s29 =	sadd.s32 $0x10, s29;
	[tilespmem:v3+s3+$0x0] =	vst.idx.add.s32.msk $0xffff, v1;
	s26 =	sadd.s32 $0x800, s26;
	s28 =	simm.s32 $0x10680  }
0x56f: {  	p1 =	slt.u32 s29, $0x70;
	[tilespmem:v2+s3+$0x0] =	vst.idx.add.s32.msk $0xffff, v1  }
0x570: {  	v3 =	vld [tilespmem:s26+$0xFFFFFC20]  }
0x571: {  	v4 =	vld [tilespmem:s26+$0xFFFFFC30]  }
0x572: {  	v5 =	vld [tilespmem:s26+$0xFFFFFC40]  }
0x573: {  	v6 =	vld [tilespmem:s26+$0xFFFFFC50]  }
0x574: {  	v2 =	vld [tilespmem:s26+$0xFFFFFC00]  }
0x575: {  	v7 =	vld [tilespmem:s26+$0x70]  }
0x576: {  	v8 =	vld [tilespmem:s26+$0x60]  }
0x577: {  	v9 =	vld [tilespmem:s26+$0x50]  }
0x578: {  	v10 =	vld [tilespmem:s26+$0x40]  }
0x579: {  	v2 =	vshrl.u32 v2, $0x10;
	v11 =	vld [tilespmem:s26+$0x30]  }
0x57a: {  	v2 =	vand.u32 $0x7FFF, v2;
	v12 =	vld [tilespmem:s26+$0x20];
	v7 =	vshrl.u32 v7, $0x10  }
0x57b: {  	v13 =	vld [tilespmem:s26+$0x10];
	v8 =	vshrl.u32 v8, $0x10;
	v7 =	vand.u32 $0x7FFF, v7  }
0x57c: {  	v14 =	vld [tilespmem:s26+$0x0];
	v9 =	vshrl.u32 v9, $0x10;
	v8 =	vand.u32 $0x7FFF, v8  }
0x57d: {  	v15 =	vld [tilespmem:s26+$0xFFFFFC70];
	v10 =	vshrl.u32 v10, $0x10;
	v9 =	vand.u32 $0x7FFF, v9  }
0x57e: {  	v16 =	vld [tilespmem:s26+$0xFFFFFC60];
	v11 =	vshrl.u32 v11, $0x10  }
0x57f: {  	[tilespmem:v2+s3+$0x0] =	vst.idx.add.s32.msk $0xffff, v1;
	v2 =	vshrl.u32 v12, $0x10;
	v11 =	vand.u32 $0x7FFF, v11  }
0x580: {  	v10 =	vand.u32 $0x7FFF, v10;
	v12 =	vshrl.u32 v13, $0x10;
	v13 =	vand.u32 $0x7FFF, v2;
	[tilespmem:v7+s3+$0x0] =	vst.idx.add.s32.msk $0xffff, v1  }
0x581: {  	v2 =	vshrl.u32 v14, $0x10;
	v7 =	vand.u32 $0x7FFF, v12;
	[tilespmem:v8+s3+$0x0] =	vst.idx.add.s32.msk $0xffff, v1  }
0x582: {  	v8 =	vshrl.u32 v15, $0x10;
	v12 =	vand.u32 $0x7FFF, v2;
	[tilespmem:v9+s3+$0x0] =	vst.idx.add.s32.msk $0xffff, v1  }
0x583: {  	v9 =	vld [tilespmem:s26+$0xFFFFFC10];
	v14 =	vshrl.u32 v16, $0x10;
	v2 =	vand.u32 $0x7FFF, v8  }
0x584: {  	v6 =	vshrl.u32 v6, $0x10;
	v8 =	vand.u32 $0x7FFF, v14;
	[tilespmem:v11+s3+$0x0] =	vst.idx.add.s32.msk $0xffff, v1  }
0x585: {  	v5 =	vshrl.u32 v5, $0x10;
	v6 =	vand.u32 $0x7FFF, v6;
	[tilespmem:v10+s3+$0x0] =	vst.idx.add.s32.msk $0xffff, v1  }
0x586: {  	v4 =	vshrl.u32 v4, $0x10;
	v5 =	vand.u32 $0x7FFF, v5;
	[tilespmem:v13+s3+$0x0] =	vst.idx.add.s32.msk $0xffff, v1  }
0x587: {  	v3 =	vshrl.u32 v3, $0x10;
	v4 =	vand.u32 $0x7FFF, v4;
	[tilespmem:v12+s3+$0x0] =	vst.idx.add.s32.msk $0xffff, v1  }
0x588: {  	v10 =	vand.u32 $0x7FFF, v3;
	v9 =	vshrl.u32 v9, $0x10;
	[tilespmem:v7+s3+$0x0] =	vst.idx.add.s32.msk $0xffff, v1  }
.Ltmp23:
0x589: {  	v3 =	vand.u32 $0x7FFF, v9;
	[tilespmem:v8+s3+$0x0] =	vst.idx.add.s32.msk $0xffff, v1;
	(pc) =	sbr.rel @p1 .LBB2_45-.Ltmp23, $4  }
0x58a: {  	[tilespmem:v6+s3+$0x0] =	vst.idx.add.s32.msk $0xffff, v1  }
0x58b: {  	[tilespmem:v5+s3+$0x0] =	vst.idx.add.s32.msk $0xffff, v1  }
0x58c: {  	[tilespmem:v4+s3+$0x0] =	vst.idx.add.s32.msk $0xffff, v1  }
0x58d: {  	[tilespmem:v10+s3+$0x0] =	vst.idx.add.s32.msk $0xffff, v1  }
0x58e: {  	_ =	sdelay $0x3  }
0x58f: {  	[tilespmem:v3+s3+$0x0] =	vst.idx.add.s32.msk $0xffff, v1  }
0x590: {  	[tilespmem:v2+s3+$0x0] =	vst.idx.add.s32.msk $0xffff, v1  }
0x591: {  	v2 =	vld [tilespmem:s28+$0xFFFFFC20]  }
0x592: {  	v3 =	vld [tilespmem:s28+$0xFFFFFC30]  }
0x593: {  	v4 =	vld [tilespmem:s28+$0xFFFFFC50]  }
0x594: {  	v5 =	vld [tilespmem:s28+$0xFFFFFC00]  }
0x595: {  	v6 =	vld [tilespmem:s28+$0x70]  }
0x596: {  	v7 =	vld [tilespmem:s28+$0x60]  }
0x597: {  	v8 =	vld [tilespmem:s28+$0x50]  }
0x598: {  	v9 =	vld [tilespmem:s28+$0x40]  }
0x599: {  	v10 =	vld [tilespmem:s28+$0x30];
	v5 =	vshrl.u32 v5, $0x10  }
0x59a: {  	v11 =	vld [tilespmem:s28+$0x20];
	v5 =	vand.u32 $0x7FFF, v5  }
0x59b: {  	v13 =	vld [tilespmem:s28+$0x0]  }
0x59c: {  	v12 =	vld [tilespmem:s28+$0x10];
	v7 =	vshrl.u32 v7, $0x10  }
0x59d: {  	v14 =	vld [tilespmem:s28+$0xFFFFFC70];
	v8 =	vshrl.u32 v8, $0x10;
	v7 =	vand.u32 $0x7FFF, v7  }
0x59e: {  	v15 =	vld [tilespmem:s28+$0xFFFFFC60];
	v10 =	vshrl.u32 v10, $0x10;
	v8 =	vand.u32 $0x7FFF, v8  }
0x59f: {  	v9 =	vshrl.u32 v9, $0x10;
	[tilespmem:v5+s3+$0x0] =	vst.idx.add.s32.msk $0xffff, v1;
	v5 =	vand.u32 $0x7FFF, v10  }
0x5a0: {  	v58 =	vld [tilespmem:s28+$0xFFFFFC40];
	v13 =	vshrl.u32 v13, $0x10;
	v9 =	vand.u32 $0x7FFF, v9  }
0x5a1: {  	v60 =	vld [tilespmem:s28+$0xFFFFFC10];
	v6 =	vshrl.u32 v6, $0x10;
	v59 =	vand.u32 $0x7FFF, v13  }
0x5a2: {  	v4 =	vshrl.u32 v4, $0x10;
	v6 =	vand.u32 $0x7FFF, v6;
	[tilespmem:v7+s3+$0x0] =	vst.idx.add.s32.msk $0xffff, v1  }
0x5a3: {  	v61 =	vshrl.u32 v15, $0x10;
	v4 =	vand.u32 $0x7FFF, v4;
	[tilespmem:v8+s3+$0x0] =	vst.idx.add.s32.msk $0xffff, v1  }
0x5a4: {  	v3 =	vshrl.u32 v3, $0x10;
	[tilespmem:v5+s3+$0x0] =	vst.idx.add.s32.msk $0xffff, v1;
	v5 =	vand.u32 $0x7FFF, v61  }
0x5a5: {  	v57 =	vshrl.u32 v11, $0x10;
	v63 =	vand.u32 $0x7FFF, v3;
	[tilespmem:v9+s3+$0x0] =	vst.idx.add.s32.msk $0xffff, v1  }
0x5a6: {  	v62 =	vshrl.u32 v58, $0x10;
	v10 =	vand.u32 $0x7FFF, v57;
	[tilespmem:v59+s3+$0x0] =	vst.idx.add.s32.msk $0xffff, v1  }
0x5a7: {  	v7 =	vshrl.u32 v12, $0x10;
	v9 =	vand.u32 $0x7FFF, v62;
	[tilespmem:v6+s3+$0x0] =	vst.idx.add.s32.msk $0xffff, v1  }
0x5a8: {  	[tilespmem:v4+s3+$0x0] =	vst.idx.add.s32.msk $0xffff, v1;
	v4 =	vshrl.u32 v2, $0x10;
	v7 =	vand.u32 $0x7FFF, v7  }
0x5a9: {  	v3 =	vshrl.u32 v14, $0x10;
	v4 =	vand.u32 $0x7FFF, v4;
	[tilespmem:v5+s3+$0x0] =	vst.idx.add.s32.msk $0xffff, v1;
	v5 =	vshrl.u32 v60, $0x10  }
0x5aa: {  	v2 =	vand.u32 $0x7FFF, v3;
	[tilespmem:v63+s3+$0x0] =	vst.idx.add.s32.msk $0xffff, v1;
	v3 =	vand.u32 $0x7FFF, v5  }
0x5ab: {  	[tilespmem:v10+s3+$0x0] =	vst.idx.add.s32.msk $0xffff, v1  }
0x5ac: {  	[tilespmem:v9+s3+$0x0] =	vst.idx.add.s32.msk $0xffff, v1  }
0x5ad: {  	s29 =	simm.s32 $0x0;
	s26 =	simm.s32 $0x10700;
	[tilespmem:v7+s3+$0x0] =	vst.idx.add.s32.msk $0xffff, v1  }
.LBB2_47:
0x5ae: {  	s29 =	sadd.s32 $0x10, s29;
	[tilespmem:v4+s3+$0x0] =	vst.idx.add.s32.msk $0xffff, v1;
	s28 =	sadd.s32 $0x800, s28  }
0x5af: {  	p1 =	slt.u32 s29, $0x70;
	[tilespmem:v3+s3+$0x0] =	vst.idx.add.s32.msk $0xffff, v1  }
0x5b0: {  	[tilespmem:v2+s3+$0x0] =	vst.idx.add.s32.msk $0xffff, v1  }
0x5b1: {  	v3 =	vld [tilespmem:s28+$0xFFFFFC20]  }
0x5b2: {  	v4 =	vld [tilespmem:s28+$0xFFFFFC30]  }
0x5b3: {  	v5 =	vld [tilespmem:s28+$0xFFFFFC50]  }
0x5b4: {  	v2 =	vld [tilespmem:s28+$0xFFFFFC00]  }
0x5b5: {  	v6 =	vld [tilespmem:s28+$0x70]  }
0x5b6: {  	v7 =	vld [tilespmem:s28+$0x60]  }
0x5b7: {  	v8 =	vld [tilespmem:s28+$0x50]  }
0x5b8: {  	v9 =	vld [tilespmem:s28+$0x40]  }
0x5b9: {  	v2 =	vshrl.u32 v2, $0x10;
	v10 =	vld [tilespmem:s28+$0x30]  }
0x5ba: {  	v2 =	vand.u32 $0x7FFF, v2;
	v11 =	vld [tilespmem:s28+$0x20];
	v6 =	vshrl.u32 v6, $0x10  }
0x5bb: {  	v12 =	vld [tilespmem:s28+$0x10];
	v7 =	vshrl.u32 v7, $0x10  }
0x5bc: {  	v13 =	vld [tilespmem:s28+$0x0];
	v8 =	vshrl.u32 v8, $0x10;
	v7 =	vand.u32 $0x7FFF, v7  }
0x5bd: {  	v14 =	vld [tilespmem:s28+$0xFFFFFC70];
	v9 =	vshrl.u32 v9, $0x10;
	v8 =	vand.u32 $0x7FFF, v8  }
0x5be: {  	v15 =	vld [tilespmem:s28+$0xFFFFFC60];
	v10 =	vshrl.u32 v10, $0x10  }
0x5bf: {  	[tilespmem:v2+s3+$0x0] =	vst.idx.add.s32.msk $0xffff, v1;
	v2 =	vshrl.u32 v11, $0x10;
	v10 =	vand.u32 $0x7FFF, v10  }
0x5c0: {  	v9 =	vand.u32 $0x7FFF, v9;
	v11 =	vld [tilespmem:s28+$0xFFFFFC40];
	v12 =	vshrl.u32 v12, $0x10;
	v16 =	vand.u32 $0x7FFF, v2  }
0x5c1: {  	v2 =	vshrl.u32 v13, $0x10;
	v12 =	vand.u32 $0x7FFF, v12;
	[tilespmem:v7+s3+$0x0] =	vst.idx.add.s32.msk $0xffff, v1  }
0x5c2: {  	v7 =	vshrl.u32 v14, $0x10;
	v13 =	vand.u32 $0x7FFF, v2;
	[tilespmem:v8+s3+$0x0] =	vst.idx.add.s32.msk $0xffff, v1  }
0x5c3: {  	v6 =	vand.u32 $0x7FFF, v6;
	v8 =	vld [tilespmem:s28+$0xFFFFFC10];
	v14 =	vshrl.u32 v15, $0x10;
	v2 =	vand.u32 $0x7FFF, v7  }
0x5c4: {  	v5 =	vshrl.u32 v5, $0x10;
	v7 =	vand.u32 $0x7FFF, v14;
	[tilespmem:v10+s3+$0x0] =	vst.idx.add.s32.msk $0xffff, v1  }
0x5c5: {  	v5 =	vand.u32 $0x7FFF, v5;
	v10 =	vshrl.u32 v11, $0x10;
	[tilespmem:v9+s3+$0x0] =	vst.idx.add.s32.msk $0xffff, v1  }
0x5c6: {  	v4 =	vshrl.u32 v4, $0x10;
	v9 =	vand.u32 $0x7FFF, v10;
	[tilespmem:v16+s3+$0x0] =	vst.idx.add.s32.msk $0xffff, v1  }
0x5c7: {  	v3 =	vshrl.u32 v3, $0x10;
	v10 =	vand.u32 $0x7FFF, v4;
	[tilespmem:v13+s3+$0x0] =	vst.idx.add.s32.msk $0xffff, v1  }
0x5c8: {  	v4 =	vand.u32 $0x7FFF, v3;
	v8 =	vshrl.u32 v8, $0x10;
	[tilespmem:v12+s3+$0x0] =	vst.idx.add.s32.msk $0xffff, v1  }
.Ltmp24:
0x5c9: {  	v3 =	vand.u32 $0x7FFF, v8;
	[tilespmem:v6+s3+$0x0] =	vst.idx.add.s32.msk $0xffff, v1;
	(pc) =	sbr.rel @p1 .LBB2_47-.Ltmp24, $4  }
0x5ca: {  	[tilespmem:v7+s3+$0x0] =	vst.idx.add.s32.msk $0xffff, v1  }
0x5cb: {  	[tilespmem:v5+s3+$0x0] =	vst.idx.add.s32.msk $0xffff, v1  }
0x5cc: {  	[tilespmem:v9+s3+$0x0] =	vst.idx.add.s32.msk $0xffff, v1  }
0x5cd: {  	[tilespmem:v10+s3+$0x0] =	vst.idx.add.s32.msk $0xffff, v1  }
0x5ce: {  	_ =	sdelay $0x3  }
0x5cf: {  	[tilespmem:v4+s3+$0x0] =	vst.idx.add.s32.msk $0xffff, v1  }
0x5d0: {  	[tilespmem:v3+s3+$0x0] =	vst.idx.add.s32.msk $0xffff, v1  }
0x5d1: {  	[tilespmem:v2+s3+$0x0] =	vst.idx.add.s32.msk $0xffff, v1  }
0x5d2: {  	v2 =	vld [tilespmem:s26+$0xFFFFFC20]  }
0x5d3: {  	v3 =	vld [tilespmem:s26+$0xFFFFFC30]  }
0x5d4: {  	v4 =	vld [tilespmem:s26+$0xFFFFFC40]  }
0x5d5: {  	v5 =	vld [tilespmem:s26+$0xFFFFFC50]  }
0x5d6: {  	v6 =	vld [tilespmem:s26+$0xFFFFFC00]  }
0x5d7: {  	v7 =	vld [tilespmem:s26+$0x70]  }
0x5d8: {  	v8 =	vld [tilespmem:s26+$0x60]  }
0x5d9: {  	v9 =	vld [tilespmem:s26+$0x50]  }
0x5da: {  	v10 =	vld [tilespmem:s26+$0x40]  }
0x5db: {  	v11 =	vld [tilespmem:s26+$0x30]  }
0x5dc: {  	v12 =	vld [tilespmem:s26+$0x20];
	v6 =	vshrl.u32 v6, $0x10  }
0x5dd: {  	v13 =	vld [tilespmem:s26+$0x10];
	v7 =	vshrl.u32 v7, $0x10;
	v6 =	vand.u32 $0x7FFF, v6  }
0x5de: {  	v14 =	vld [tilespmem:s26+$0x0];
	v8 =	vshrl.u32 v8, $0x10;
	v7 =	vand.u32 $0x7FFF, v7  }
0x5df: {  	v15 =	vld [tilespmem:s26+$0xFFFFFC70];
	v9 =	vshrl.u32 v9, $0x10;
	v8 =	vand.u32 $0x7FFF, v8  }
0x5e0: {  	v16 =	vld [tilespmem:s26+$0xFFFFFC60];
	v11 =	vshrl.u32 v11, $0x10;
	v9 =	vand.u32 $0x7FFF, v9  }
0x5e1: {  	v61 =	vld [tilespmem:s26+$0xFFFFFC10];
	v10 =	vshrl.u32 v10, $0x10;
	v56 =	vand.u32 $0x7FFF, v11  }
0x5e2: {  	v57 =	vshrl.u32 v12, $0x10;
	v10 =	vand.u32 $0x7FFF, v10;
	[tilespmem:v6+s3+$0x0] =	vst.idx.add.s32.msk $0xffff, v1  }
0x5e3: {  	v59 =	vshrl.u32 v14, $0x10;
	v58 =	vand.u32 $0x7FFF, v57;
	[tilespmem:v7+s3+$0x0] =	vst.idx.add.s32.msk $0xffff, v1  }
0x5e4: {  	v4 =	vshrl.u32 v4, $0x10;
	v11 =	vand.u32 $0x7FFF, v59;
	[tilespmem:v8+s3+$0x0] =	vst.idx.add.s32.msk $0xffff, v1  }
0x5e5: {  	v3 =	vshrl.u32 v3, $0x10;
	v4 =	vand.u32 $0x7FFF, v4;
	[tilespmem:v9+s3+$0x0] =	vst.idx.add.s32.msk $0xffff, v1  }
0x5e6: {  	v62 =	vshrl.u32 v16, $0x10;
	v3 =	vand.u32 $0x7FFF, v3;
	[tilespmem:v56+s3+$0x0] =	vst.idx.add.s32.msk $0xffff, v1  }
0x5e7: {  	v5 =	vshrl.u32 v5, $0x10;
	v12 =	vand.u32 $0x7FFF, v62;
	[tilespmem:v10+s3+$0x0] =	vst.idx.add.s32.msk $0xffff, v1  }
0x5e8: {  	v2 =	vshrl.u32 v2, $0x10;
	v5 =	vand.u32 $0x7FFF, v5;
	[tilespmem:v58+s3+$0x0] =	vst.idx.add.s32.msk $0xffff, v1  }
0x5e9: {  	v60 =	vshrl.u32 v13, $0x10;
	v63 =	vand.u32 $0x7FFF, v2;
	[tilespmem:v11+s3+$0x0] =	vst.idx.add.s32.msk $0xffff, v1  }
0x5ea: {  	v8 =	vand.u32 $0x7FFF, v60;
	[tilespmem:v4+s3+$0x0] =	vst.idx.add.s32.msk $0xffff, v1;
	v4 =	vshrl.u32 v61, $0x10  }
0x5eb: {  	v2 =	vshrl.u32 v15, $0x10;
	[tilespmem:v3+s3+$0x0] =	vst.idx.add.s32.msk $0xffff, v1;
	v3 =	vand.u32 $0x7FFF, v4  }
0x5ec: {  	v2 =	vand.u32 $0x7FFF, v2;
	[tilespmem:v12+s3+$0x0] =	vst.idx.add.s32.msk $0xffff, v1  }
0x5ed: {  	[tilespmem:v5+s3+$0x0] =	vst.idx.add.s32.msk $0xffff, v1  }
0x5ee: {  	[tilespmem:v63+s3+$0x0] =	vst.idx.add.s32.msk $0xffff, v1  }
0x5ef: {  	s29 =	simm.s32 $0x0;
	[tilespmem:v8+s3+$0x0] =	vst.idx.add.s32.msk $0xffff, v1  }
.LBB2_49:
0x5f0: {  	s29 =	sadd.s32 $0x10, s29;
	[tilespmem:v3+s3+$0x0] =	vst.idx.add.s32.msk $0xffff, v1;
	s26 =	sadd.s32 $0x800, s26;
	s28 =	simm.s32 $0x10780  }
0x5f1: {  	p1 =	slt.u32 s29, $0x70;
	[tilespmem:v2+s3+$0x0] =	vst.idx.add.s32.msk $0xffff, v1  }
0x5f2: {  	v3 =	vld [tilespmem:s26+$0xFFFFFC20]  }
0x5f3: {  	v4 =	vld [tilespmem:s26+$0xFFFFFC30]  }
0x5f4: {  	v5 =	vld [tilespmem:s26+$0xFFFFFC40]  }
0x5f5: {  	v6 =	vld [tilespmem:s26+$0xFFFFFC50]  }
0x5f6: {  	v2 =	vld [tilespmem:s26+$0xFFFFFC00]  }
0x5f7: {  	v7 =	vld [tilespmem:s26+$0x70]  }
0x5f8: {  	v8 =	vld [tilespmem:s26+$0x60]  }
0x5f9: {  	v9 =	vld [tilespmem:s26+$0x50]  }
0x5fa: {  	v10 =	vld [tilespmem:s26+$0x40]  }
0x5fb: {  	v2 =	vshrl.u32 v2, $0x10;
	v11 =	vld [tilespmem:s26+$0x30]  }
0x5fc: {  	v2 =	vand.u32 $0x7FFF, v2;
	v12 =	vld [tilespmem:s26+$0x20];
	v7 =	vshrl.u32 v7, $0x10  }
0x5fd: {  	v13 =	vld [tilespmem:s26+$0x10];
	v8 =	vshrl.u32 v8, $0x10;
	v7 =	vand.u32 $0x7FFF, v7  }
0x5fe: {  	v14 =	vld [tilespmem:s26+$0x0];
	v9 =	vshrl.u32 v9, $0x10;
	v8 =	vand.u32 $0x7FFF, v8  }
0x5ff: {  	v15 =	vld [tilespmem:s26+$0xFFFFFC70];
	v10 =	vshrl.u32 v10, $0x10;
	v9 =	vand.u32 $0x7FFF, v9  }
0x600: {  	v16 =	vld [tilespmem:s26+$0xFFFFFC60];
	v11 =	vshrl.u32 v11, $0x10  }
0x601: {  	[tilespmem:v2+s3+$0x0] =	vst.idx.add.s32.msk $0xffff, v1;
	v2 =	vshrl.u32 v12, $0x10;
	v11 =	vand.u32 $0x7FFF, v11  }
0x602: {  	v10 =	vand.u32 $0x7FFF, v10;
	v12 =	vshrl.u32 v13, $0x10;
	v13 =	vand.u32 $0x7FFF, v2;
	[tilespmem:v7+s3+$0x0] =	vst.idx.add.s32.msk $0xffff, v1  }
0x603: {  	v2 =	vshrl.u32 v14, $0x10;
	v7 =	vand.u32 $0x7FFF, v12;
	[tilespmem:v8+s3+$0x0] =	vst.idx.add.s32.msk $0xffff, v1  }
0x604: {  	v8 =	vshrl.u32 v15, $0x10;
	v12 =	vand.u32 $0x7FFF, v2;
	[tilespmem:v9+s3+$0x0] =	vst.idx.add.s32.msk $0xffff, v1  }
0x605: {  	v9 =	vld [tilespmem:s26+$0xFFFFFC10];
	v14 =	vshrl.u32 v16, $0x10;
	v2 =	vand.u32 $0x7FFF, v8  }
0x606: {  	v6 =	vshrl.u32 v6, $0x10;
	v8 =	vand.u32 $0x7FFF, v14;
	[tilespmem:v11+s3+$0x0] =	vst.idx.add.s32.msk $0xffff, v1  }
0x607: {  	v5 =	vshrl.u32 v5, $0x10;
	v6 =	vand.u32 $0x7FFF, v6;
	[tilespmem:v10+s3+$0x0] =	vst.idx.add.s32.msk $0xffff, v1  }
0x608: {  	v4 =	vshrl.u32 v4, $0x10;
	v5 =	vand.u32 $0x7FFF, v5;
	[tilespmem:v13+s3+$0x0] =	vst.idx.add.s32.msk $0xffff, v1  }
0x609: {  	v3 =	vshrl.u32 v3, $0x10;
	v4 =	vand.u32 $0x7FFF, v4;
	[tilespmem:v12+s3+$0x0] =	vst.idx.add.s32.msk $0xffff, v1  }
0x60a: {  	v10 =	vand.u32 $0x7FFF, v3;
	v9 =	vshrl.u32 v9, $0x10;
	[tilespmem:v7+s3+$0x0] =	vst.idx.add.s32.msk $0xffff, v1  }
.Ltmp25:
0x60b: {  	v3 =	vand.u32 $0x7FFF, v9;
	[tilespmem:v8+s3+$0x0] =	vst.idx.add.s32.msk $0xffff, v1;
	(pc) =	sbr.rel @p1 .LBB2_49-.Ltmp25, $4  }
0x60c: {  	[tilespmem:v6+s3+$0x0] =	vst.idx.add.s32.msk $0xffff, v1  }
0x60d: {  	[tilespmem:v5+s3+$0x0] =	vst.idx.add.s32.msk $0xffff, v1  }
0x60e: {  	[tilespmem:v4+s3+$0x0] =	vst.idx.add.s32.msk $0xffff, v1  }
0x60f: {  	[tilespmem:v10+s3+$0x0] =	vst.idx.add.s32.msk $0xffff, v1  }
0x610: {  	_ =	sdelay $0x3  }
0x611: {  	[tilespmem:v3+s3+$0x0] =	vst.idx.add.s32.msk $0xffff, v1  }
0x612: {  	[tilespmem:v2+s3+$0x0] =	vst.idx.add.s32.msk $0xffff, v1  }
0x613: {  	v2 =	vld [tilespmem:s28+$0xFFFFFC20]  }
0x614: {  	v3 =	vld [tilespmem:s28+$0xFFFFFC30]  }
0x615: {  	v4 =	vld [tilespmem:s28+$0xFFFFFC40]  }
0x616: {  	v5 =	vld [tilespmem:s28+$0xFFFFFC50]  }
0x617: {  	v6 =	vld [tilespmem:s28+$0xFFFFFC00]  }
0x618: {  	v7 =	vld [tilespmem:s28+$0x70]  }
0x619: {  	v8 =	vld [tilespmem:s28+$0x60]  }
0x61a: {  	v9 =	vld [tilespmem:s28+$0x50]  }
0x61b: {  	v10 =	vld [tilespmem:s28+$0x40]  }
0x61c: {  	v11 =	vld [tilespmem:s28+$0x30]  }
0x61d: {  	v12 =	vld [tilespmem:s28+$0x20];
	v6 =	vshrl.u32 v6, $0x10  }
0x61e: {  	v13 =	vld [tilespmem:s28+$0x10];
	v7 =	vshrl.u32 v7, $0x10;
	v6 =	vand.u32 $0x7FFF, v6  }
0x61f: {  	v16 =	vld [tilespmem:s28+$0xFFFFFC60];
	v8 =	vshrl.u32 v8, $0x10;
	v7 =	vand.u32 $0x7FFF, v7  }
0x620: {  	v14 =	vld [tilespmem:s28+$0x0];
	v9 =	vshrl.u32 v9, $0x10;
	v8 =	vand.u32 $0x7FFF, v8  }
0x621: {  	v15 =	vld [tilespmem:s28+$0xFFFFFC70];
	v11 =	vshrl.u32 v11, $0x10;
	v9 =	vand.u32 $0x7FFF, v9  }
0x622: {  	v60 =	vld [tilespmem:s28+$0xFFFFFC10];
	v10 =	vshrl.u32 v10, $0x10;
	v56 =	vand.u32 $0x7FFF, v11  }
0x623: {  	v57 =	vshrl.u32 v13, $0x10;
	v10 =	vand.u32 $0x7FFF, v10;
	[tilespmem:v6+s3+$0x0] =	vst.idx.add.s32.msk $0xffff, v1  }
0x624: {  	v61 =	vshrl.u32 v16, $0x10;
	v11 =	vand.u32 $0x7FFF, v57;
	[tilespmem:v7+s3+$0x0] =	vst.idx.add.s32.msk $0xffff, v1  }
0x625: {  	v59 =	vshrl.u32 v12, $0x10;
	v5 =	vshrl.u32 v5, $0x10;
	v12 =	vand.u32 $0x7FFF, v61;
	[tilespmem:v8+s3+$0x0] =	vst.idx.add.s32.msk $0xffff, v1  }
0x626: {  	v3 =	vshrl.u32 v3, $0x10;
	v5 =	vand.u32 $0x7FFF, v5;
	[tilespmem:v9+s3+$0x0] =	vst.idx.add.s32.msk $0xffff, v1  }
0x627: {  	v2 =	vshrl.u32 v2, $0x10;
	v3 =	vand.u32 $0x7FFF, v3;
	[tilespmem:v56+s3+$0x0] =	vst.idx.add.s32.msk $0xffff, v1  }
0x628: {  	v58 =	vshrl.u32 v14, $0x10;
	v63 =	vand.u32 $0x7FFF, v2;
	[tilespmem:v10+s3+$0x0] =	vst.idx.add.s32.msk $0xffff, v1  }
0x629: {  	v7 =	vand.u32 $0x7FFF, v58;
	[tilespmem:v11+s3+$0x0] =	vst.idx.add.s32.msk $0xffff, v1  }
0x62a: {  	v62 =	vshrl.u32 v15, $0x10;
	v8 =	vand.u32 $0x7FFF, v59;
	[tilespmem:v12+s3+$0x0] =	vst.idx.add.s32.msk $0xffff, v1  }
0x62b: {  	v2 =	vshrl.u32 v4, $0x10;
	v4 =	vshrl.u32 v60, $0x10;
	v6 =	vand.u32 $0x7FFF, v62;
	[tilespmem:v5+s3+$0x0] =	vst.idx.add.s32.msk $0xffff, v1  }
0x62c: {  	[tilespmem:v3+s3+$0x0] =	vst.idx.add.s32.msk $0xffff, v1;
	v3 =	vand.u32 $0x7FFF, v4  }
0x62d: {  	v2 =	vand.u32 $0x7FFF, v2;
	[tilespmem:v63+s3+$0x0] =	vst.idx.add.s32.msk $0xffff, v1  }
0x62e: {  	[tilespmem:v7+s3+$0x0] =	vst.idx.add.s32.msk $0xffff, v1  }
0x62f: {  	[tilespmem:v8+s3+$0x0] =	vst.idx.add.s32.msk $0xffff, v1  }
0x630: {  	s26 =	simm.s32 $0x0;
	[tilespmem:v6+s3+$0x0] =	vst.idx.add.s32.msk $0xffff, v1  }
.LBB2_51:
0x631: {  	s26 =	sadd.s32 $0x10, s26;
	[tilespmem:v3+s3+$0x0] =	vst.idx.add.s32.msk $0xffff, v1;
	s28 =	sadd.s32 $0x800, s28  }
0x632: {  	p1 =	slt.u32 s26, $0x70;
	[tilespmem:v2+s3+$0x0] =	vst.idx.add.s32.msk $0xffff, v1  }
0x633: {  	v3 =	vld [tilespmem:s28+$0xFFFFFC20]  }
0x634: {  	v2 =	vld [tilespmem:s28+$0xFFFFFC30]  }
0x635: {  	v4 =	vld [tilespmem:s28+$0xFFFFFC40]  }
0x636: {  	v5 =	vld [tilespmem:s28+$0xFFFFFC50]  }
0x637: {  	v6 =	vld [tilespmem:s28+$0xFFFFFC00]  }
0x638: {  	v7 =	vld [tilespmem:s28+$0x70]  }
0x639: {  	v8 =	vld [tilespmem:s28+$0x60]  }
0x63a: {  	v9 =	vld [tilespmem:s28+$0x50]  }
0x63b: {  	v10 =	vld [tilespmem:s28+$0x40]  }
0x63c: {  	v6 =	vshrl.u32 v6, $0x10;
	v11 =	vld [tilespmem:s28+$0x30]  }
0x63d: {  	v6 =	vand.u32 $0x7FFF, v6;
	v12 =	vld [tilespmem:s28+$0x20];
	v7 =	vshrl.u32 v7, $0x10  }
0x63e: {  	v13 =	vld [tilespmem:s28+$0x10];
	v8 =	vshrl.u32 v8, $0x10;
	v7 =	vand.u32 $0x7FFF, v7  }
0x63f: {  	v14 =	vld [tilespmem:s28+$0x0];
	v9 =	vshrl.u32 v9, $0x10;
	v8 =	vand.u32 $0x7FFF, v8  }
0x640: {  	v15 =	vld [tilespmem:s28+$0xFFFFFC70];
	v10 =	vshrl.u32 v10, $0x10;
	v9 =	vand.u32 $0x7FFF, v9  }
0x641: {  	v16 =	vld [tilespmem:s28+$0xFFFFFC60];
	v11 =	vshrl.u32 v11, $0x10  }
0x642: {  	[tilespmem:v6+s3+$0x0] =	vst.idx.add.s32.msk $0xffff, v1;
	v6 =	vshrl.u32 v12, $0x10;
	v11 =	vand.u32 $0x7FFF, v11  }
0x643: {  	v10 =	vand.u32 $0x7FFF, v10;
	v12 =	vshrl.u32 v13, $0x10;
	v6 =	vand.u32 $0x7FFF, v6;
	[tilespmem:v7+s3+$0x0] =	vst.idx.add.s32.msk $0xffff, v1  }
0x644: {  	v7 =	vshrl.u32 v14, $0x10;
	v12 =	vand.u32 $0x7FFF, v12;
	[tilespmem:v8+s3+$0x0] =	vst.idx.add.s32.msk $0xffff, v1  }
0x645: {  	v8 =	vshrl.u32 v15, $0x10;
	v7 =	vand.u32 $0x7FFF, v7;
	[tilespmem:v9+s3+$0x0] =	vst.idx.add.s32.msk $0xffff, v1  }
0x646: {  	v9 =	vld [tilespmem:s28+$0xFFFFFC10];
	v13 =	vshrl.u32 v16, $0x10;
	v8 =	vand.u32 $0x7FFF, v8  }
0x647: {  	v5 =	vshrl.u32 v5, $0x10;
	v13 =	vand.u32 $0x7FFF, v13;
	[tilespmem:v11+s3+$0x0] =	vst.idx.add.s32.msk $0xffff, v1  }
0x648: {  	v4 =	vshrl.u32 v4, $0x10;
	v5 =	vand.u32 $0x7FFF, v5;
	[tilespmem:v10+s3+$0x0] =	vst.idx.add.s32.msk $0xffff, v1  }
0x649: {  	v10 =	vshrl.u32 v2, $0x10;
	v2 =	vand.u32 $0x7FFF, v4;
	[tilespmem:v12+s3+$0x0] =	vst.idx.add.s32.msk $0xffff, v1  }
0x64a: {  	v3 =	vshrl.u32 v3, $0x10;
	v4 =	vand.u32 $0x7FFF, v10;
	[tilespmem:v7+s3+$0x0] =	vst.idx.add.s32.msk $0xffff, v1  }
0x64b: {  	v7 =	vshrl.u32 v9, $0x10;
	v9 =	vand.u32 $0x7FFF, v3;
	[tilespmem:v6+s3+$0x0] =	vst.idx.add.s32.msk $0xffff, v1  }
.Ltmp26:
0x64c: {  	v3 =	vand.u32 $0x7FFF, v7;
	[tilespmem:v13+s3+$0x0] =	vst.idx.add.s32.msk $0xffff, v1;
	(pc) =	sbr.rel @p1 .LBB2_51-.Ltmp26, $4  }
0x64d: {  	[tilespmem:v5+s3+$0x0] =	vst.idx.add.s32.msk $0xffff, v1  }
0x64e: {  	[tilespmem:v8+s3+$0x0] =	vst.idx.add.s32.msk $0xffff, v1  }
0x64f: {  	[tilespmem:v4+s3+$0x0] =	vst.idx.add.s32.msk $0xffff, v1  }
0x650: {  	[tilespmem:v9+s3+$0x0] =	vst.idx.add.s32.msk $0xffff, v1  }
0x651: {  	_ =	sdelay $0x2  }
0x652: {  	s26 =	sadd.s32 @!p0 s25, s10  }
0x653: {  	[tilespmem:v3+s3+$0x0] =	vst.idx.add.s32.msk $0xffff, v1;
	s26 =	sshrl.u32 @!p0 s26, $0x3  }
0x654: {  	[tilespmem:v2+s3+$0x0] =	vst.idx.add.s32.msk $0xffff, v1;
	s28 =	simm.s32 @!p0 $0x0;
	s29 =	simm.s32 @!p0 $0x10000;
	s26 =	sadd.s32 @!p0 s2, s26  }
0x655: {  	[tilespmem:s29], [sflag:$0x3] =	stream.linear.gather @!p0 [hbm4b:s26+s28], $0x4000, $0x38;
	[tilespmem:$0x18000] =	vst v63  }
0x656: {  	_ =	swait.ge [sflag:s21], $0x4000  }
0x657: {  	[sflag:s21] =	ssyncset.done $0x0  }
0x658: {  	s26 =	simm.s32 $0x14400;
	[sflag:s21] =	ssyncadd.s32 $0xFFFFC000  }
0x659: {  	v2 =	vld [tilespmem:s26+$0xFFFFFC20]  }
0x65a: {  	v3 =	vld [tilespmem:s26+$0xFFFFFC30]  }
0x65b: {  	v4 =	vld [tilespmem:s26+$0xFFFFFC40]  }
0x65c: {  	v5 =	vld [tilespmem:s26+$0xFFFFFC50]  }
0x65d: {  	v6 =	vld [tilespmem:s26+$0xFFFFFC00]  }
0x65e: {  	v7 =	vld [tilespmem:s26+$0x70]  }
0x65f: {  	v8 =	vld [tilespmem:s26+$0x60]  }
0x660: {  	v9 =	vld [tilespmem:s26+$0x50]  }
0x661: {  	v10 =	vld [tilespmem:s26+$0x40]  }
0x662: {  	v11 =	vld [tilespmem:s26+$0x30]  }
0x663: {  	v12 =	vld [tilespmem:s26+$0x20];
	v6 =	vshrl.u32 v6, $0x10  }
0x664: {  	v13 =	vld [tilespmem:s26+$0x10];
	v7 =	vshrl.u32 v7, $0x10;
	v6 =	vand.u32 $0x7FFF, v6  }
0x665: {  	v14 =	vld [tilespmem:s26+$0x0];
	v8 =	vshrl.u32 v8, $0x10;
	v7 =	vand.u32 $0x7FFF, v7  }
0x666: {  	v15 =	vld [tilespmem:s26+$0xFFFFFC70];
	v9 =	vshrl.u32 v9, $0x10;
	v8 =	vand.u32 $0x7FFF, v8  }
0x667: {  	v16 =	vld [tilespmem:s26+$0xFFFFFC60];
	v11 =	vshrl.u32 v11, $0x10;
	v9 =	vand.u32 $0x7FFF, v9  }
0x668: {  	v61 =	vld [tilespmem:s26+$0xFFFFFC10];
	v10 =	vshrl.u32 v10, $0x10;
	v56 =	vand.u32 $0x7FFF, v11  }
0x669: {  	v57 =	vshrl.u32 v12, $0x10;
	v10 =	vand.u32 $0x7FFF, v10;
	[tilespmem:v6+s3+$0x0] =	vst.idx.add.s32.msk $0xffff, v1  }
0x66a: {  	v59 =	vshrl.u32 v14, $0x10;
	v58 =	vand.u32 $0x7FFF, v57;
	[tilespmem:v7+s3+$0x0] =	vst.idx.add.s32.msk $0xffff, v1  }
0x66b: {  	v4 =	vshrl.u32 v4, $0x10;
	v11 =	vand.u32 $0x7FFF, v59;
	[tilespmem:v8+s3+$0x0] =	vst.idx.add.s32.msk $0xffff, v1  }
0x66c: {  	v3 =	vshrl.u32 v3, $0x10;
	v4 =	vand.u32 $0x7FFF, v4;
	[tilespmem:v9+s3+$0x0] =	vst.idx.add.s32.msk $0xffff, v1  }
0x66d: {  	v62 =	vshrl.u32 v16, $0x10;
	v3 =	vand.u32 $0x7FFF, v3;
	[tilespmem:v56+s3+$0x0] =	vst.idx.add.s32.msk $0xffff, v1  }
0x66e: {  	v5 =	vshrl.u32 v5, $0x10;
	v12 =	vand.u32 $0x7FFF, v62;
	[tilespmem:v10+s3+$0x0] =	vst.idx.add.s32.msk $0xffff, v1  }
0x66f: {  	v2 =	vshrl.u32 v2, $0x10;
	v5 =	vand.u32 $0x7FFF, v5;
	[tilespmem:v58+s3+$0x0] =	vst.idx.add.s32.msk $0xffff, v1  }
0x670: {  	v60 =	vshrl.u32 v13, $0x10;
	v63 =	vand.u32 $0x7FFF, v2;
	[tilespmem:v11+s3+$0x0] =	vst.idx.add.s32.msk $0xffff, v1  }
0x671: {  	v8 =	vand.u32 $0x7FFF, v60;
	[tilespmem:v4+s3+$0x0] =	vst.idx.add.s32.msk $0xffff, v1;
	v4 =	vshrl.u32 v61, $0x10  }
0x672: {  	v2 =	vshrl.u32 v15, $0x10;
	[tilespmem:v3+s3+$0x0] =	vst.idx.add.s32.msk $0xffff, v1;
	v3 =	vand.u32 $0x7FFF, v4  }
0x673: {  	v2 =	vand.u32 $0x7FFF, v2;
	[tilespmem:v12+s3+$0x0] =	vst.idx.add.s32.msk $0xffff, v1  }
0x674: {  	[tilespmem:v5+s3+$0x0] =	vst.idx.add.s32.msk $0xffff, v1  }
0x675: {  	[tilespmem:v63+s3+$0x0] =	vst.idx.add.s32.msk $0xffff, v1  }
0x676: {  	s29 =	simm.s32 $0x0;
	[tilespmem:v8+s3+$0x0] =	vst.idx.add.s32.msk $0xffff, v1  }
.LBB2_53:
0x677: {  	s29 =	sadd.s32 $0x10, s29;
	[tilespmem:v3+s3+$0x0] =	vst.idx.add.s32.msk $0xffff, v1;
	s26 =	sadd.s32 $0x800, s26;
	s28 =	simm.s32 $0x14480  }
0x678: {  	p1 =	slt.u32 s29, $0x70;
	[tilespmem:v2+s3+$0x0] =	vst.idx.add.s32.msk $0xffff, v1  }
0x679: {  	v3 =	vld [tilespmem:s26+$0xFFFFFC20]  }
0x67a: {  	v4 =	vld [tilespmem:s26+$0xFFFFFC30]  }
0x67b: {  	v5 =	vld [tilespmem:s26+$0xFFFFFC40]  }
0x67c: {  	v6 =	vld [tilespmem:s26+$0xFFFFFC50]  }
0x67d: {  	v2 =	vld [tilespmem:s26+$0xFFFFFC00]  }
0x67e: {  	v7 =	vld [tilespmem:s26+$0x70]  }
0x67f: {  	v8 =	vld [tilespmem:s26+$0x60]  }
0x680: {  	v9 =	vld [tilespmem:s26+$0x50]  }
0x681: {  	v10 =	vld [tilespmem:s26+$0x40]  }
0x682: {  	v2 =	vshrl.u32 v2, $0x10;
	v11 =	vld [tilespmem:s26+$0x30]  }
0x683: {  	v2 =	vand.u32 $0x7FFF, v2;
	v12 =	vld [tilespmem:s26+$0x20];
	v7 =	vshrl.u32 v7, $0x10  }
0x684: {  	v13 =	vld [tilespmem:s26+$0x10];
	v8 =	vshrl.u32 v8, $0x10;
	v7 =	vand.u32 $0x7FFF, v7  }
0x685: {  	v14 =	vld [tilespmem:s26+$0x0];
	v9 =	vshrl.u32 v9, $0x10;
	v8 =	vand.u32 $0x7FFF, v8  }
0x686: {  	v15 =	vld [tilespmem:s26+$0xFFFFFC70];
	v10 =	vshrl.u32 v10, $0x10;
	v9 =	vand.u32 $0x7FFF, v9  }
0x687: {  	v16 =	vld [tilespmem:s26+$0xFFFFFC60];
	v11 =	vshrl.u32 v11, $0x10  }
0x688: {  	[tilespmem:v2+s3+$0x0] =	vst.idx.add.s32.msk $0xffff, v1;
	v2 =	vshrl.u32 v12, $0x10;
	v11 =	vand.u32 $0x7FFF, v11  }
0x689: {  	v10 =	vand.u32 $0x7FFF, v10;
	v12 =	vshrl.u32 v13, $0x10;
	v13 =	vand.u32 $0x7FFF, v2;
	[tilespmem:v7+s3+$0x0] =	vst.idx.add.s32.msk $0xffff, v1  }
0x68a: {  	v2 =	vshrl.u32 v14, $0x10;
	v7 =	vand.u32 $0x7FFF, v12;
	[tilespmem:v8+s3+$0x0] =	vst.idx.add.s32.msk $0xffff, v1  }
0x68b: {  	v8 =	vshrl.u32 v15, $0x10;
	v12 =	vand.u32 $0x7FFF, v2;
	[tilespmem:v9+s3+$0x0] =	vst.idx.add.s32.msk $0xffff, v1  }
0x68c: {  	v9 =	vld [tilespmem:s26+$0xFFFFFC10];
	v14 =	vshrl.u32 v16, $0x10;
	v2 =	vand.u32 $0x7FFF, v8  }
0x68d: {  	v6 =	vshrl.u32 v6, $0x10;
	v8 =	vand.u32 $0x7FFF, v14;
	[tilespmem:v11+s3+$0x0] =	vst.idx.add.s32.msk $0xffff, v1  }
0x68e: {  	v5 =	vshrl.u32 v5, $0x10;
	v6 =	vand.u32 $0x7FFF, v6;
	[tilespmem:v10+s3+$0x0] =	vst.idx.add.s32.msk $0xffff, v1  }
0x68f: {  	v4 =	vshrl.u32 v4, $0x10;
	v5 =	vand.u32 $0x7FFF, v5;
	[tilespmem:v13+s3+$0x0] =	vst.idx.add.s32.msk $0xffff, v1  }
0x690: {  	v3 =	vshrl.u32 v3, $0x10;
	v4 =	vand.u32 $0x7FFF, v4;
	[tilespmem:v12+s3+$0x0] =	vst.idx.add.s32.msk $0xffff, v1  }
0x691: {  	v10 =	vand.u32 $0x7FFF, v3;
	v9 =	vshrl.u32 v9, $0x10;
	[tilespmem:v7+s3+$0x0] =	vst.idx.add.s32.msk $0xffff, v1  }
.Ltmp27:
0x692: {  	v3 =	vand.u32 $0x7FFF, v9;
	[tilespmem:v8+s3+$0x0] =	vst.idx.add.s32.msk $0xffff, v1;
	(pc) =	sbr.rel @p1 .LBB2_53-.Ltmp27, $4  }
0x693: {  	[tilespmem:v6+s3+$0x0] =	vst.idx.add.s32.msk $0xffff, v1  }
0x694: {  	[tilespmem:v5+s3+$0x0] =	vst.idx.add.s32.msk $0xffff, v1  }
0x695: {  	[tilespmem:v4+s3+$0x0] =	vst.idx.add.s32.msk $0xffff, v1  }
0x696: {  	[tilespmem:v10+s3+$0x0] =	vst.idx.add.s32.msk $0xffff, v1  }
0x697: {  	_ =	sdelay $0x3  }
0x698: {  	[tilespmem:v3+s3+$0x0] =	vst.idx.add.s32.msk $0xffff, v1  }
0x699: {  	[tilespmem:v2+s3+$0x0] =	vst.idx.add.s32.msk $0xffff, v1  }
0x69a: {  	v2 =	vld [tilespmem:s28+$0xFFFFFC20]  }
0x69b: {  	v3 =	vld [tilespmem:s28+$0xFFFFFC30]  }
0x69c: {  	v4 =	vld [tilespmem:s28+$0xFFFFFC50]  }
0x69d: {  	v5 =	vld [tilespmem:s28+$0xFFFFFC00]  }
0x69e: {  	v6 =	vld [tilespmem:s28+$0x70]  }
0x69f: {  	v7 =	vld [tilespmem:s28+$0x60]  }
0x6a0: {  	v8 =	vld [tilespmem:s28+$0x50]  }
0x6a1: {  	v9 =	vld [tilespmem:s28+$0x40]  }
0x6a2: {  	v10 =	vld [tilespmem:s28+$0x30];
	v5 =	vshrl.u32 v5, $0x10  }
0x6a3: {  	v11 =	vld [tilespmem:s28+$0x20];
	v5 =	vand.u32 $0x7FFF, v5  }
0x6a4: {  	v13 =	vld [tilespmem:s28+$0x0]  }
0x6a5: {  	v12 =	vld [tilespmem:s28+$0x10];
	v7 =	vshrl.u32 v7, $0x10  }
0x6a6: {  	v14 =	vld [tilespmem:s28+$0xFFFFFC70];
	v8 =	vshrl.u32 v8, $0x10;
	v7 =	vand.u32 $0x7FFF, v7  }
0x6a7: {  	v15 =	vld [tilespmem:s28+$0xFFFFFC60];
	v10 =	vshrl.u32 v10, $0x10;
	v8 =	vand.u32 $0x7FFF, v8  }
0x6a8: {  	v9 =	vshrl.u32 v9, $0x10;
	[tilespmem:v5+s3+$0x0] =	vst.idx.add.s32.msk $0xffff, v1;
	v5 =	vand.u32 $0x7FFF, v10  }
0x6a9: {  	v58 =	vld [tilespmem:s28+$0xFFFFFC40];
	v13 =	vshrl.u32 v13, $0x10;
	v9 =	vand.u32 $0x7FFF, v9  }
0x6aa: {  	v60 =	vld [tilespmem:s28+$0xFFFFFC10];
	v6 =	vshrl.u32 v6, $0x10;
	v59 =	vand.u32 $0x7FFF, v13  }
0x6ab: {  	v4 =	vshrl.u32 v4, $0x10;
	v6 =	vand.u32 $0x7FFF, v6;
	[tilespmem:v7+s3+$0x0] =	vst.idx.add.s32.msk $0xffff, v1  }
0x6ac: {  	v61 =	vshrl.u32 v15, $0x10;
	v4 =	vand.u32 $0x7FFF, v4;
	[tilespmem:v8+s3+$0x0] =	vst.idx.add.s32.msk $0xffff, v1  }
0x6ad: {  	v3 =	vshrl.u32 v3, $0x10;
	[tilespmem:v5+s3+$0x0] =	vst.idx.add.s32.msk $0xffff, v1;
	v5 =	vand.u32 $0x7FFF, v61  }
0x6ae: {  	v57 =	vshrl.u32 v11, $0x10;
	v63 =	vand.u32 $0x7FFF, v3;
	[tilespmem:v9+s3+$0x0] =	vst.idx.add.s32.msk $0xffff, v1  }
0x6af: {  	v62 =	vshrl.u32 v58, $0x10;
	v10 =	vand.u32 $0x7FFF, v57;
	[tilespmem:v59+s3+$0x0] =	vst.idx.add.s32.msk $0xffff, v1  }
0x6b0: {  	v7 =	vshrl.u32 v12, $0x10;
	v9 =	vand.u32 $0x7FFF, v62;
	[tilespmem:v6+s3+$0x0] =	vst.idx.add.s32.msk $0xffff, v1  }
0x6b1: {  	[tilespmem:v4+s3+$0x0] =	vst.idx.add.s32.msk $0xffff, v1;
	v4 =	vshrl.u32 v2, $0x10;
	v7 =	vand.u32 $0x7FFF, v7  }
0x6b2: {  	v3 =	vshrl.u32 v14, $0x10;
	v4 =	vand.u32 $0x7FFF, v4;
	[tilespmem:v5+s3+$0x0] =	vst.idx.add.s32.msk $0xffff, v1;
	v5 =	vshrl.u32 v60, $0x10  }
0x6b3: {  	v2 =	vand.u32 $0x7FFF, v3;
	[tilespmem:v63+s3+$0x0] =	vst.idx.add.s32.msk $0xffff, v1;
	v3 =	vand.u32 $0x7FFF, v5  }
0x6b4: {  	[tilespmem:v10+s3+$0x0] =	vst.idx.add.s32.msk $0xffff, v1  }
0x6b5: {  	[tilespmem:v9+s3+$0x0] =	vst.idx.add.s32.msk $0xffff, v1  }
0x6b6: {  	s29 =	simm.s32 $0x0;
	s26 =	simm.s32 $0x14500;
	[tilespmem:v7+s3+$0x0] =	vst.idx.add.s32.msk $0xffff, v1  }
.LBB2_55:
0x6b7: {  	s29 =	sadd.s32 $0x10, s29;
	[tilespmem:v4+s3+$0x0] =	vst.idx.add.s32.msk $0xffff, v1;
	s28 =	sadd.s32 $0x800, s28  }
0x6b8: {  	p1 =	slt.u32 s29, $0x70;
	[tilespmem:v3+s3+$0x0] =	vst.idx.add.s32.msk $0xffff, v1  }
0x6b9: {  	[tilespmem:v2+s3+$0x0] =	vst.idx.add.s32.msk $0xffff, v1  }
0x6ba: {  	v3 =	vld [tilespmem:s28+$0xFFFFFC20]  }
0x6bb: {  	v4 =	vld [tilespmem:s28+$0xFFFFFC30]  }
0x6bc: {  	v5 =	vld [tilespmem:s28+$0xFFFFFC50]  }
0x6bd: {  	v2 =	vld [tilespmem:s28+$0xFFFFFC00]  }
0x6be: {  	v6 =	vld [tilespmem:s28+$0x70]  }
0x6bf: {  	v7 =	vld [tilespmem:s28+$0x60]  }
0x6c0: {  	v8 =	vld [tilespmem:s28+$0x50]  }
0x6c1: {  	v9 =	vld [tilespmem:s28+$0x40]  }
0x6c2: {  	v2 =	vshrl.u32 v2, $0x10;
	v10 =	vld [tilespmem:s28+$0x30]  }
0x6c3: {  	v2 =	vand.u32 $0x7FFF, v2;
	v11 =	vld [tilespmem:s28+$0x20];
	v6 =	vshrl.u32 v6, $0x10  }
0x6c4: {  	v12 =	vld [tilespmem:s28+$0x10];
	v7 =	vshrl.u32 v7, $0x10  }
0x6c5: {  	v13 =	vld [tilespmem:s28+$0x0];
	v8 =	vshrl.u32 v8, $0x10;
	v7 =	vand.u32 $0x7FFF, v7  }
0x6c6: {  	v14 =	vld [tilespmem:s28+$0xFFFFFC70];
	v9 =	vshrl.u32 v9, $0x10;
	v8 =	vand.u32 $0x7FFF, v8  }
0x6c7: {  	v15 =	vld [tilespmem:s28+$0xFFFFFC60];
	v10 =	vshrl.u32 v10, $0x10  }
0x6c8: {  	[tilespmem:v2+s3+$0x0] =	vst.idx.add.s32.msk $0xffff, v1;
	v2 =	vshrl.u32 v11, $0x10;
	v10 =	vand.u32 $0x7FFF, v10  }
0x6c9: {  	v9 =	vand.u32 $0x7FFF, v9;
	v11 =	vld [tilespmem:s28+$0xFFFFFC40];
	v12 =	vshrl.u32 v12, $0x10;
	v16 =	vand.u32 $0x7FFF, v2  }
0x6ca: {  	v2 =	vshrl.u32 v13, $0x10;
	v12 =	vand.u32 $0x7FFF, v12;
	[tilespmem:v7+s3+$0x0] =	vst.idx.add.s32.msk $0xffff, v1  }
0x6cb: {  	v7 =	vshrl.u32 v14, $0x10;
	v13 =	vand.u32 $0x7FFF, v2;
	[tilespmem:v8+s3+$0x0] =	vst.idx.add.s32.msk $0xffff, v1  }
0x6cc: {  	v6 =	vand.u32 $0x7FFF, v6;
	v8 =	vld [tilespmem:s28+$0xFFFFFC10];
	v14 =	vshrl.u32 v15, $0x10;
	v2 =	vand.u32 $0x7FFF, v7  }
0x6cd: {  	v5 =	vshrl.u32 v5, $0x10;
	v7 =	vand.u32 $0x7FFF, v14;
	[tilespmem:v10+s3+$0x0] =	vst.idx.add.s32.msk $0xffff, v1  }
0x6ce: {  	v5 =	vand.u32 $0x7FFF, v5;
	v10 =	vshrl.u32 v11, $0x10;
	[tilespmem:v9+s3+$0x0] =	vst.idx.add.s32.msk $0xffff, v1  }
0x6cf: {  	v4 =	vshrl.u32 v4, $0x10;
	v9 =	vand.u32 $0x7FFF, v10;
	[tilespmem:v16+s3+$0x0] =	vst.idx.add.s32.msk $0xffff, v1  }
0x6d0: {  	v3 =	vshrl.u32 v3, $0x10;
	v10 =	vand.u32 $0x7FFF, v4;
	[tilespmem:v13+s3+$0x0] =	vst.idx.add.s32.msk $0xffff, v1  }
0x6d1: {  	v4 =	vand.u32 $0x7FFF, v3;
	v8 =	vshrl.u32 v8, $0x10;
	[tilespmem:v12+s3+$0x0] =	vst.idx.add.s32.msk $0xffff, v1  }
.Ltmp28:
0x6d2: {  	v3 =	vand.u32 $0x7FFF, v8;
	[tilespmem:v6+s3+$0x0] =	vst.idx.add.s32.msk $0xffff, v1;
	(pc) =	sbr.rel @p1 .LBB2_55-.Ltmp28, $4  }
0x6d3: {  	[tilespmem:v7+s3+$0x0] =	vst.idx.add.s32.msk $0xffff, v1  }
0x6d4: {  	[tilespmem:v5+s3+$0x0] =	vst.idx.add.s32.msk $0xffff, v1  }
0x6d5: {  	[tilespmem:v9+s3+$0x0] =	vst.idx.add.s32.msk $0xffff, v1  }
0x6d6: {  	[tilespmem:v10+s3+$0x0] =	vst.idx.add.s32.msk $0xffff, v1  }
0x6d7: {  	_ =	sdelay $0x3  }
0x6d8: {  	[tilespmem:v4+s3+$0x0] =	vst.idx.add.s32.msk $0xffff, v1  }
0x6d9: {  	[tilespmem:v3+s3+$0x0] =	vst.idx.add.s32.msk $0xffff, v1  }
0x6da: {  	[tilespmem:v2+s3+$0x0] =	vst.idx.add.s32.msk $0xffff, v1  }
0x6db: {  	v2 =	vld [tilespmem:s26+$0xFFFFFC20]  }
0x6dc: {  	v3 =	vld [tilespmem:s26+$0xFFFFFC30]  }
0x6dd: {  	v4 =	vld [tilespmem:s26+$0xFFFFFC40]  }
0x6de: {  	v5 =	vld [tilespmem:s26+$0xFFFFFC50]  }
0x6df: {  	v6 =	vld [tilespmem:s26+$0xFFFFFC00]  }
0x6e0: {  	v7 =	vld [tilespmem:s26+$0x70]  }
0x6e1: {  	v8 =	vld [tilespmem:s26+$0x60]  }
0x6e2: {  	v9 =	vld [tilespmem:s26+$0x50]  }
0x6e3: {  	v10 =	vld [tilespmem:s26+$0x40]  }
0x6e4: {  	v11 =	vld [tilespmem:s26+$0x30]  }
0x6e5: {  	v12 =	vld [tilespmem:s26+$0x20];
	v6 =	vshrl.u32 v6, $0x10  }
0x6e6: {  	v13 =	vld [tilespmem:s26+$0x10];
	v7 =	vshrl.u32 v7, $0x10;
	v6 =	vand.u32 $0x7FFF, v6  }
0x6e7: {  	v14 =	vld [tilespmem:s26+$0x0];
	v8 =	vshrl.u32 v8, $0x10;
	v7 =	vand.u32 $0x7FFF, v7  }
0x6e8: {  	v15 =	vld [tilespmem:s26+$0xFFFFFC70];
	v9 =	vshrl.u32 v9, $0x10;
	v8 =	vand.u32 $0x7FFF, v8  }
0x6e9: {  	v16 =	vld [tilespmem:s26+$0xFFFFFC60];
	v11 =	vshrl.u32 v11, $0x10;
	v9 =	vand.u32 $0x7FFF, v9  }
0x6ea: {  	v61 =	vld [tilespmem:s26+$0xFFFFFC10];
	v10 =	vshrl.u32 v10, $0x10;
	v56 =	vand.u32 $0x7FFF, v11  }
0x6eb: {  	v57 =	vshrl.u32 v12, $0x10;
	v10 =	vand.u32 $0x7FFF, v10;
	[tilespmem:v6+s3+$0x0] =	vst.idx.add.s32.msk $0xffff, v1  }
0x6ec: {  	v59 =	vshrl.u32 v14, $0x10;
	v58 =	vand.u32 $0x7FFF, v57;
	[tilespmem:v7+s3+$0x0] =	vst.idx.add.s32.msk $0xffff, v1  }
0x6ed: {  	v4 =	vshrl.u32 v4, $0x10;
	v11 =	vand.u32 $0x7FFF, v59;
	[tilespmem:v8+s3+$0x0] =	vst.idx.add.s32.msk $0xffff, v1  }
0x6ee: {  	v3 =	vshrl.u32 v3, $0x10;
	v4 =	vand.u32 $0x7FFF, v4;
	[tilespmem:v9+s3+$0x0] =	vst.idx.add.s32.msk $0xffff, v1  }
0x6ef: {  	v62 =	vshrl.u32 v16, $0x10;
	v3 =	vand.u32 $0x7FFF, v3;
	[tilespmem:v56+s3+$0x0] =	vst.idx.add.s32.msk $0xffff, v1  }
0x6f0: {  	v5 =	vshrl.u32 v5, $0x10;
	v12 =	vand.u32 $0x7FFF, v62;
	[tilespmem:v10+s3+$0x0] =	vst.idx.add.s32.msk $0xffff, v1  }
0x6f1: {  	v2 =	vshrl.u32 v2, $0x10;
	v5 =	vand.u32 $0x7FFF, v5;
	[tilespmem:v58+s3+$0x0] =	vst.idx.add.s32.msk $0xffff, v1  }
0x6f2: {  	v60 =	vshrl.u32 v13, $0x10;
	v63 =	vand.u32 $0x7FFF, v2;
	[tilespmem:v11+s3+$0x0] =	vst.idx.add.s32.msk $0xffff, v1  }
0x6f3: {  	v8 =	vand.u32 $0x7FFF, v60;
	[tilespmem:v4+s3+$0x0] =	vst.idx.add.s32.msk $0xffff, v1;
	v4 =	vshrl.u32 v61, $0x10  }
0x6f4: {  	v2 =	vshrl.u32 v15, $0x10;
	[tilespmem:v3+s3+$0x0] =	vst.idx.add.s32.msk $0xffff, v1;
	v3 =	vand.u32 $0x7FFF, v4  }
0x6f5: {  	v2 =	vand.u32 $0x7FFF, v2;
	[tilespmem:v12+s3+$0x0] =	vst.idx.add.s32.msk $0xffff, v1  }
0x6f6: {  	[tilespmem:v5+s3+$0x0] =	vst.idx.add.s32.msk $0xffff, v1  }
0x6f7: {  	[tilespmem:v63+s3+$0x0] =	vst.idx.add.s32.msk $0xffff, v1  }
0x6f8: {  	s29 =	simm.s32 $0x0;
	[tilespmem:v8+s3+$0x0] =	vst.idx.add.s32.msk $0xffff, v1  }
.LBB2_57:
0x6f9: {  	s29 =	sadd.s32 $0x10, s29;
	[tilespmem:v3+s3+$0x0] =	vst.idx.add.s32.msk $0xffff, v1;
	s26 =	sadd.s32 $0x800, s26;
	s28 =	simm.s32 $0x14580  }
0x6fa: {  	p1 =	slt.u32 s29, $0x70;
	[tilespmem:v2+s3+$0x0] =	vst.idx.add.s32.msk $0xffff, v1  }
0x6fb: {  	v3 =	vld [tilespmem:s26+$0xFFFFFC20]  }
0x6fc: {  	v4 =	vld [tilespmem:s26+$0xFFFFFC30]  }
0x6fd: {  	v5 =	vld [tilespmem:s26+$0xFFFFFC40]  }
0x6fe: {  	v6 =	vld [tilespmem:s26+$0xFFFFFC50]  }
0x6ff: {  	v2 =	vld [tilespmem:s26+$0xFFFFFC00]  }
0x700: {  	v7 =	vld [tilespmem:s26+$0x70]  }
0x701: {  	v8 =	vld [tilespmem:s26+$0x60]  }
0x702: {  	v9 =	vld [tilespmem:s26+$0x50]  }
0x703: {  	v10 =	vld [tilespmem:s26+$0x40]  }
0x704: {  	v2 =	vshrl.u32 v2, $0x10;
	v11 =	vld [tilespmem:s26+$0x30]  }
0x705: {  	v2 =	vand.u32 $0x7FFF, v2;
	v12 =	vld [tilespmem:s26+$0x20];
	v7 =	vshrl.u32 v7, $0x10  }
0x706: {  	v13 =	vld [tilespmem:s26+$0x10];
	v8 =	vshrl.u32 v8, $0x10;
	v7 =	vand.u32 $0x7FFF, v7  }
0x707: {  	v14 =	vld [tilespmem:s26+$0x0];
	v9 =	vshrl.u32 v9, $0x10;
	v8 =	vand.u32 $0x7FFF, v8  }
0x708: {  	v15 =	vld [tilespmem:s26+$0xFFFFFC70];
	v10 =	vshrl.u32 v10, $0x10;
	v9 =	vand.u32 $0x7FFF, v9  }
0x709: {  	v16 =	vld [tilespmem:s26+$0xFFFFFC60];
	v11 =	vshrl.u32 v11, $0x10  }
0x70a: {  	[tilespmem:v2+s3+$0x0] =	vst.idx.add.s32.msk $0xffff, v1;
	v2 =	vshrl.u32 v12, $0x10;
	v11 =	vand.u32 $0x7FFF, v11  }
0x70b: {  	v10 =	vand.u32 $0x7FFF, v10;
	v12 =	vshrl.u32 v13, $0x10;
	v13 =	vand.u32 $0x7FFF, v2;
	[tilespmem:v7+s3+$0x0] =	vst.idx.add.s32.msk $0xffff, v1  }
0x70c: {  	v2 =	vshrl.u32 v14, $0x10;
	v7 =	vand.u32 $0x7FFF, v12;
	[tilespmem:v8+s3+$0x0] =	vst.idx.add.s32.msk $0xffff, v1  }
0x70d: {  	v8 =	vshrl.u32 v15, $0x10;
	v12 =	vand.u32 $0x7FFF, v2;
	[tilespmem:v9+s3+$0x0] =	vst.idx.add.s32.msk $0xffff, v1  }
0x70e: {  	v9 =	vld [tilespmem:s26+$0xFFFFFC10];
	v14 =	vshrl.u32 v16, $0x10;
	v2 =	vand.u32 $0x7FFF, v8  }
0x70f: {  	v6 =	vshrl.u32 v6, $0x10;
	v8 =	vand.u32 $0x7FFF, v14;
	[tilespmem:v11+s3+$0x0] =	vst.idx.add.s32.msk $0xffff, v1  }
0x710: {  	v5 =	vshrl.u32 v5, $0x10;
	v6 =	vand.u32 $0x7FFF, v6;
	[tilespmem:v10+s3+$0x0] =	vst.idx.add.s32.msk $0xffff, v1  }
0x711: {  	v4 =	vshrl.u32 v4, $0x10;
	v5 =	vand.u32 $0x7FFF, v5;
	[tilespmem:v13+s3+$0x0] =	vst.idx.add.s32.msk $0xffff, v1  }
0x712: {  	v3 =	vshrl.u32 v3, $0x10;
	v4 =	vand.u32 $0x7FFF, v4;
	[tilespmem:v12+s3+$0x0] =	vst.idx.add.s32.msk $0xffff, v1  }
0x713: {  	v10 =	vand.u32 $0x7FFF, v3;
	v9 =	vshrl.u32 v9, $0x10;
	[tilespmem:v7+s3+$0x0] =	vst.idx.add.s32.msk $0xffff, v1  }
.Ltmp29:
0x714: {  	v3 =	vand.u32 $0x7FFF, v9;
	[tilespmem:v8+s3+$0x0] =	vst.idx.add.s32.msk $0xffff, v1;
	(pc) =	sbr.rel @p1 .LBB2_57-.Ltmp29, $4  }
0x715: {  	[tilespmem:v6+s3+$0x0] =	vst.idx.add.s32.msk $0xffff, v1  }
0x716: {  	[tilespmem:v5+s3+$0x0] =	vst.idx.add.s32.msk $0xffff, v1  }
0x717: {  	[tilespmem:v4+s3+$0x0] =	vst.idx.add.s32.msk $0xffff, v1  }
0x718: {  	[tilespmem:v10+s3+$0x0] =	vst.idx.add.s32.msk $0xffff, v1  }
0x719: {  	_ =	sdelay $0x3  }
0x71a: {  	[tilespmem:v3+s3+$0x0] =	vst.idx.add.s32.msk $0xffff, v1  }
0x71b: {  	[tilespmem:v2+s3+$0x0] =	vst.idx.add.s32.msk $0xffff, v1  }
0x71c: {  	v2 =	vld [tilespmem:s28+$0xFFFFFC20]  }
0x71d: {  	v3 =	vld [tilespmem:s28+$0xFFFFFC30]  }
0x71e: {  	v4 =	vld [tilespmem:s28+$0xFFFFFC50]  }
0x71f: {  	v5 =	vld [tilespmem:s28+$0xFFFFFC00]  }
0x720: {  	v6 =	vld [tilespmem:s28+$0x70]  }
0x721: {  	v7 =	vld [tilespmem:s28+$0x60]  }
0x722: {  	v8 =	vld [tilespmem:s28+$0x50]  }
0x723: {  	v9 =	vld [tilespmem:s28+$0x40]  }
0x724: {  	v10 =	vld [tilespmem:s28+$0x30];
	v5 =	vshrl.u32 v5, $0x10  }
0x725: {  	v11 =	vld [tilespmem:s28+$0x20];
	v5 =	vand.u32 $0x7FFF, v5  }
0x726: {  	v13 =	vld [tilespmem:s28+$0x0]  }
0x727: {  	v12 =	vld [tilespmem:s28+$0x10];
	v7 =	vshrl.u32 v7, $0x10  }
0x728: {  	v14 =	vld [tilespmem:s28+$0xFFFFFC70];
	v8 =	vshrl.u32 v8, $0x10;
	v7 =	vand.u32 $0x7FFF, v7  }
0x729: {  	v15 =	vld [tilespmem:s28+$0xFFFFFC60];
	v10 =	vshrl.u32 v10, $0x10;
	v8 =	vand.u32 $0x7FFF, v8  }
0x72a: {  	v9 =	vshrl.u32 v9, $0x10;
	[tilespmem:v5+s3+$0x0] =	vst.idx.add.s32.msk $0xffff, v1;
	v5 =	vand.u32 $0x7FFF, v10  }
0x72b: {  	v58 =	vld [tilespmem:s28+$0xFFFFFC40];
	v13 =	vshrl.u32 v13, $0x10;
	v9 =	vand.u32 $0x7FFF, v9  }
0x72c: {  	v60 =	vld [tilespmem:s28+$0xFFFFFC10];
	v6 =	vshrl.u32 v6, $0x10;
	v59 =	vand.u32 $0x7FFF, v13  }
0x72d: {  	v4 =	vshrl.u32 v4, $0x10;
	v6 =	vand.u32 $0x7FFF, v6;
	[tilespmem:v7+s3+$0x0] =	vst.idx.add.s32.msk $0xffff, v1  }
0x72e: {  	v61 =	vshrl.u32 v15, $0x10;
	v4 =	vand.u32 $0x7FFF, v4;
	[tilespmem:v8+s3+$0x0] =	vst.idx.add.s32.msk $0xffff, v1  }
0x72f: {  	v3 =	vshrl.u32 v3, $0x10;
	[tilespmem:v5+s3+$0x0] =	vst.idx.add.s32.msk $0xffff, v1;
	v5 =	vand.u32 $0x7FFF, v61  }
0x730: {  	v57 =	vshrl.u32 v11, $0x10;
	v63 =	vand.u32 $0x7FFF, v3;
	[tilespmem:v9+s3+$0x0] =	vst.idx.add.s32.msk $0xffff, v1  }
0x731: {  	v62 =	vshrl.u32 v58, $0x10;
	v10 =	vand.u32 $0x7FFF, v57;
	[tilespmem:v59+s3+$0x0] =	vst.idx.add.s32.msk $0xffff, v1  }
0x732: {  	v7 =	vshrl.u32 v12, $0x10;
	v9 =	vand.u32 $0x7FFF, v62;
	[tilespmem:v6+s3+$0x0] =	vst.idx.add.s32.msk $0xffff, v1  }
0x733: {  	[tilespmem:v4+s3+$0x0] =	vst.idx.add.s32.msk $0xffff, v1;
	v4 =	vshrl.u32 v2, $0x10;
	v7 =	vand.u32 $0x7FFF, v7  }
0x734: {  	v3 =	vshrl.u32 v14, $0x10;
	v4 =	vand.u32 $0x7FFF, v4;
	[tilespmem:v5+s3+$0x0] =	vst.idx.add.s32.msk $0xffff, v1;
	v5 =	vshrl.u32 v60, $0x10  }
0x735: {  	v2 =	vand.u32 $0x7FFF, v3;
	[tilespmem:v63+s3+$0x0] =	vst.idx.add.s32.msk $0xffff, v1;
	v3 =	vand.u32 $0x7FFF, v5  }
0x736: {  	[tilespmem:v10+s3+$0x0] =	vst.idx.add.s32.msk $0xffff, v1  }
0x737: {  	[tilespmem:v9+s3+$0x0] =	vst.idx.add.s32.msk $0xffff, v1  }
0x738: {  	s29 =	simm.s32 $0x0;
	s26 =	simm.s32 $0x14600;
	[tilespmem:v7+s3+$0x0] =	vst.idx.add.s32.msk $0xffff, v1  }
.LBB2_59:
0x739: {  	s29 =	sadd.s32 $0x10, s29;
	[tilespmem:v4+s3+$0x0] =	vst.idx.add.s32.msk $0xffff, v1;
	s28 =	sadd.s32 $0x800, s28  }
0x73a: {  	p1 =	slt.u32 s29, $0x70;
	[tilespmem:v3+s3+$0x0] =	vst.idx.add.s32.msk $0xffff, v1  }
0x73b: {  	[tilespmem:v2+s3+$0x0] =	vst.idx.add.s32.msk $0xffff, v1  }
0x73c: {  	v3 =	vld [tilespmem:s28+$0xFFFFFC20]  }
0x73d: {  	v4 =	vld [tilespmem:s28+$0xFFFFFC30]  }
0x73e: {  	v5 =	vld [tilespmem:s28+$0xFFFFFC50]  }
0x73f: {  	v2 =	vld [tilespmem:s28+$0xFFFFFC00]  }
0x740: {  	v6 =	vld [tilespmem:s28+$0x70]  }
0x741: {  	v7 =	vld [tilespmem:s28+$0x60]  }
0x742: {  	v8 =	vld [tilespmem:s28+$0x50]  }
0x743: {  	v9 =	vld [tilespmem:s28+$0x40]  }
0x744: {  	v2 =	vshrl.u32 v2, $0x10;
	v10 =	vld [tilespmem:s28+$0x30]  }
0x745: {  	v2 =	vand.u32 $0x7FFF, v2;
	v11 =	vld [tilespmem:s28+$0x20];
	v6 =	vshrl.u32 v6, $0x10  }
0x746: {  	v12 =	vld [tilespmem:s28+$0x10];
	v7 =	vshrl.u32 v7, $0x10  }
0x747: {  	v13 =	vld [tilespmem:s28+$0x0];
	v8 =	vshrl.u32 v8, $0x10;
	v7 =	vand.u32 $0x7FFF, v7  }
0x748: {  	v14 =	vld [tilespmem:s28+$0xFFFFFC70];
	v9 =	vshrl.u32 v9, $0x10;
	v8 =	vand.u32 $0x7FFF, v8  }
0x749: {  	v15 =	vld [tilespmem:s28+$0xFFFFFC60];
	v10 =	vshrl.u32 v10, $0x10  }
0x74a: {  	[tilespmem:v2+s3+$0x0] =	vst.idx.add.s32.msk $0xffff, v1;
	v2 =	vshrl.u32 v11, $0x10;
	v10 =	vand.u32 $0x7FFF, v10  }
0x74b: {  	v9 =	vand.u32 $0x7FFF, v9;
	v11 =	vld [tilespmem:s28+$0xFFFFFC40];
	v12 =	vshrl.u32 v12, $0x10;
	v16 =	vand.u32 $0x7FFF, v2  }
0x74c: {  	v2 =	vshrl.u32 v13, $0x10;
	v12 =	vand.u32 $0x7FFF, v12;
	[tilespmem:v7+s3+$0x0] =	vst.idx.add.s32.msk $0xffff, v1  }
0x74d: {  	v7 =	vshrl.u32 v14, $0x10;
	v13 =	vand.u32 $0x7FFF, v2;
	[tilespmem:v8+s3+$0x0] =	vst.idx.add.s32.msk $0xffff, v1  }
0x74e: {  	v6 =	vand.u32 $0x7FFF, v6;
	v8 =	vld [tilespmem:s28+$0xFFFFFC10];
	v14 =	vshrl.u32 v15, $0x10;
	v2 =	vand.u32 $0x7FFF, v7  }
0x74f: {  	v5 =	vshrl.u32 v5, $0x10;
	v7 =	vand.u32 $0x7FFF, v14;
	[tilespmem:v10+s3+$0x0] =	vst.idx.add.s32.msk $0xffff, v1  }
0x750: {  	v5 =	vand.u32 $0x7FFF, v5;
	v10 =	vshrl.u32 v11, $0x10;
	[tilespmem:v9+s3+$0x0] =	vst.idx.add.s32.msk $0xffff, v1  }
0x751: {  	v4 =	vshrl.u32 v4, $0x10;
	v9 =	vand.u32 $0x7FFF, v10;
	[tilespmem:v16+s3+$0x0] =	vst.idx.add.s32.msk $0xffff, v1  }
0x752: {  	v3 =	vshrl.u32 v3, $0x10;
	v10 =	vand.u32 $0x7FFF, v4;
	[tilespmem:v13+s3+$0x0] =	vst.idx.add.s32.msk $0xffff, v1  }
0x753: {  	v4 =	vand.u32 $0x7FFF, v3;
	v8 =	vshrl.u32 v8, $0x10;
	[tilespmem:v12+s3+$0x0] =	vst.idx.add.s32.msk $0xffff, v1  }
.Ltmp30:
0x754: {  	v3 =	vand.u32 $0x7FFF, v8;
	[tilespmem:v6+s3+$0x0] =	vst.idx.add.s32.msk $0xffff, v1;
	(pc) =	sbr.rel @p1 .LBB2_59-.Ltmp30, $4  }
0x755: {  	[tilespmem:v7+s3+$0x0] =	vst.idx.add.s32.msk $0xffff, v1  }
0x756: {  	[tilespmem:v5+s3+$0x0] =	vst.idx.add.s32.msk $0xffff, v1  }
0x757: {  	[tilespmem:v9+s3+$0x0] =	vst.idx.add.s32.msk $0xffff, v1  }
0x758: {  	[tilespmem:v10+s3+$0x0] =	vst.idx.add.s32.msk $0xffff, v1  }
0x759: {  	_ =	sdelay $0x3  }
0x75a: {  	[tilespmem:v4+s3+$0x0] =	vst.idx.add.s32.msk $0xffff, v1  }
0x75b: {  	[tilespmem:v3+s3+$0x0] =	vst.idx.add.s32.msk $0xffff, v1  }
0x75c: {  	[tilespmem:v2+s3+$0x0] =	vst.idx.add.s32.msk $0xffff, v1  }
0x75d: {  	v2 =	vld [tilespmem:s26+$0xFFFFFC20]  }
0x75e: {  	v3 =	vld [tilespmem:s26+$0xFFFFFC30]  }
0x75f: {  	v4 =	vld [tilespmem:s26+$0xFFFFFC40]  }
0x760: {  	v5 =	vld [tilespmem:s26+$0xFFFFFC50]  }
0x761: {  	v6 =	vld [tilespmem:s26+$0xFFFFFC00]  }
0x762: {  	v7 =	vld [tilespmem:s26+$0x70]  }
0x763: {  	v8 =	vld [tilespmem:s26+$0x60]  }
0x764: {  	v9 =	vld [tilespmem:s26+$0x50]  }
0x765: {  	v10 =	vld [tilespmem:s26+$0x40]  }
0x766: {  	v11 =	vld [tilespmem:s26+$0x30]  }
0x767: {  	v12 =	vld [tilespmem:s26+$0x20];
	v6 =	vshrl.u32 v6, $0x10  }
0x768: {  	v13 =	vld [tilespmem:s26+$0x10];
	v7 =	vshrl.u32 v7, $0x10;
	v6 =	vand.u32 $0x7FFF, v6  }
0x769: {  	v14 =	vld [tilespmem:s26+$0x0];
	v8 =	vshrl.u32 v8, $0x10;
	v7 =	vand.u32 $0x7FFF, v7  }
0x76a: {  	v15 =	vld [tilespmem:s26+$0xFFFFFC70];
	v9 =	vshrl.u32 v9, $0x10;
	v8 =	vand.u32 $0x7FFF, v8  }
0x76b: {  	v16 =	vld [tilespmem:s26+$0xFFFFFC60];
	v11 =	vshrl.u32 v11, $0x10;
	v9 =	vand.u32 $0x7FFF, v9  }
0x76c: {  	v61 =	vld [tilespmem:s26+$0xFFFFFC10];
	v10 =	vshrl.u32 v10, $0x10;
	v56 =	vand.u32 $0x7FFF, v11  }
0x76d: {  	v57 =	vshrl.u32 v12, $0x10;
	v10 =	vand.u32 $0x7FFF, v10;
	[tilespmem:v6+s3+$0x0] =	vst.idx.add.s32.msk $0xffff, v1  }
0x76e: {  	v59 =	vshrl.u32 v14, $0x10;
	v58 =	vand.u32 $0x7FFF, v57;
	[tilespmem:v7+s3+$0x0] =	vst.idx.add.s32.msk $0xffff, v1  }
0x76f: {  	v4 =	vshrl.u32 v4, $0x10;
	v11 =	vand.u32 $0x7FFF, v59;
	[tilespmem:v8+s3+$0x0] =	vst.idx.add.s32.msk $0xffff, v1  }
0x770: {  	v3 =	vshrl.u32 v3, $0x10;
	v4 =	vand.u32 $0x7FFF, v4;
	[tilespmem:v9+s3+$0x0] =	vst.idx.add.s32.msk $0xffff, v1  }
0x771: {  	v62 =	vshrl.u32 v16, $0x10;
	v3 =	vand.u32 $0x7FFF, v3;
	[tilespmem:v56+s3+$0x0] =	vst.idx.add.s32.msk $0xffff, v1  }
0x772: {  	v5 =	vshrl.u32 v5, $0x10;
	v12 =	vand.u32 $0x7FFF, v62;
	[tilespmem:v10+s3+$0x0] =	vst.idx.add.s32.msk $0xffff, v1  }
0x773: {  	v2 =	vshrl.u32 v2, $0x10;
	v5 =	vand.u32 $0x7FFF, v5;
	[tilespmem:v58+s3+$0x0] =	vst.idx.add.s32.msk $0xffff, v1  }
0x774: {  	v60 =	vshrl.u32 v13, $0x10;
	v63 =	vand.u32 $0x7FFF, v2;
	[tilespmem:v11+s3+$0x0] =	vst.idx.add.s32.msk $0xffff, v1  }
0x775: {  	v8 =	vand.u32 $0x7FFF, v60;
	[tilespmem:v4+s3+$0x0] =	vst.idx.add.s32.msk $0xffff, v1;
	v4 =	vshrl.u32 v61, $0x10  }
0x776: {  	v2 =	vshrl.u32 v15, $0x10;
	[tilespmem:v3+s3+$0x0] =	vst.idx.add.s32.msk $0xffff, v1;
	v3 =	vand.u32 $0x7FFF, v4  }
0x777: {  	v2 =	vand.u32 $0x7FFF, v2;
	[tilespmem:v12+s3+$0x0] =	vst.idx.add.s32.msk $0xffff, v1  }
0x778: {  	[tilespmem:v5+s3+$0x0] =	vst.idx.add.s32.msk $0xffff, v1  }
0x779: {  	[tilespmem:v63+s3+$0x0] =	vst.idx.add.s32.msk $0xffff, v1  }
0x77a: {  	s29 =	simm.s32 $0x0;
	[tilespmem:v8+s3+$0x0] =	vst.idx.add.s32.msk $0xffff, v1  }
.LBB2_61:
0x77b: {  	s29 =	sadd.s32 $0x10, s29;
	[tilespmem:v3+s3+$0x0] =	vst.idx.add.s32.msk $0xffff, v1;
	s26 =	sadd.s32 $0x800, s26;
	s28 =	simm.s32 $0x14680  }
0x77c: {  	p1 =	slt.u32 s29, $0x70;
	[tilespmem:v2+s3+$0x0] =	vst.idx.add.s32.msk $0xffff, v1  }
0x77d: {  	v3 =	vld [tilespmem:s26+$0xFFFFFC20]  }
0x77e: {  	v4 =	vld [tilespmem:s26+$0xFFFFFC30]  }
0x77f: {  	v5 =	vld [tilespmem:s26+$0xFFFFFC40]  }
0x780: {  	v6 =	vld [tilespmem:s26+$0xFFFFFC50]  }
0x781: {  	v2 =	vld [tilespmem:s26+$0xFFFFFC00]  }
0x782: {  	v7 =	vld [tilespmem:s26+$0x70]  }
0x783: {  	v8 =	vld [tilespmem:s26+$0x60]  }
0x784: {  	v9 =	vld [tilespmem:s26+$0x50]  }
0x785: {  	v10 =	vld [tilespmem:s26+$0x40]  }
0x786: {  	v2 =	vshrl.u32 v2, $0x10;
	v11 =	vld [tilespmem:s26+$0x30]  }
0x787: {  	v2 =	vand.u32 $0x7FFF, v2;
	v12 =	vld [tilespmem:s26+$0x20];
	v7 =	vshrl.u32 v7, $0x10  }
0x788: {  	v13 =	vld [tilespmem:s26+$0x10];
	v8 =	vshrl.u32 v8, $0x10;
	v7 =	vand.u32 $0x7FFF, v7  }
0x789: {  	v14 =	vld [tilespmem:s26+$0x0];
	v9 =	vshrl.u32 v9, $0x10;
	v8 =	vand.u32 $0x7FFF, v8  }
0x78a: {  	v15 =	vld [tilespmem:s26+$0xFFFFFC70];
	v10 =	vshrl.u32 v10, $0x10;
	v9 =	vand.u32 $0x7FFF, v9  }
0x78b: {  	v16 =	vld [tilespmem:s26+$0xFFFFFC60];
	v11 =	vshrl.u32 v11, $0x10  }
0x78c: {  	[tilespmem:v2+s3+$0x0] =	vst.idx.add.s32.msk $0xffff, v1;
	v2 =	vshrl.u32 v12, $0x10;
	v11 =	vand.u32 $0x7FFF, v11  }
0x78d: {  	v10 =	vand.u32 $0x7FFF, v10;
	v12 =	vshrl.u32 v13, $0x10;
	v13 =	vand.u32 $0x7FFF, v2;
	[tilespmem:v7+s3+$0x0] =	vst.idx.add.s32.msk $0xffff, v1  }
0x78e: {  	v2 =	vshrl.u32 v14, $0x10;
	v7 =	vand.u32 $0x7FFF, v12;
	[tilespmem:v8+s3+$0x0] =	vst.idx.add.s32.msk $0xffff, v1  }
0x78f: {  	v8 =	vshrl.u32 v15, $0x10;
	v12 =	vand.u32 $0x7FFF, v2;
	[tilespmem:v9+s3+$0x0] =	vst.idx.add.s32.msk $0xffff, v1  }
0x790: {  	v9 =	vld [tilespmem:s26+$0xFFFFFC10];
	v14 =	vshrl.u32 v16, $0x10;
	v2 =	vand.u32 $0x7FFF, v8  }
0x791: {  	v6 =	vshrl.u32 v6, $0x10;
	v8 =	vand.u32 $0x7FFF, v14;
	[tilespmem:v11+s3+$0x0] =	vst.idx.add.s32.msk $0xffff, v1  }
0x792: {  	v5 =	vshrl.u32 v5, $0x10;
	v6 =	vand.u32 $0x7FFF, v6;
	[tilespmem:v10+s3+$0x0] =	vst.idx.add.s32.msk $0xffff, v1  }
0x793: {  	v4 =	vshrl.u32 v4, $0x10;
	v5 =	vand.u32 $0x7FFF, v5;
	[tilespmem:v13+s3+$0x0] =	vst.idx.add.s32.msk $0xffff, v1  }
0x794: {  	v3 =	vshrl.u32 v3, $0x10;
	v4 =	vand.u32 $0x7FFF, v4;
	[tilespmem:v12+s3+$0x0] =	vst.idx.add.s32.msk $0xffff, v1  }
0x795: {  	v10 =	vand.u32 $0x7FFF, v3;
	v9 =	vshrl.u32 v9, $0x10;
	[tilespmem:v7+s3+$0x0] =	vst.idx.add.s32.msk $0xffff, v1  }
.Ltmp31:
0x796: {  	v3 =	vand.u32 $0x7FFF, v9;
	[tilespmem:v8+s3+$0x0] =	vst.idx.add.s32.msk $0xffff, v1;
	(pc) =	sbr.rel @p1 .LBB2_61-.Ltmp31, $4  }
0x797: {  	[tilespmem:v6+s3+$0x0] =	vst.idx.add.s32.msk $0xffff, v1  }
0x798: {  	[tilespmem:v5+s3+$0x0] =	vst.idx.add.s32.msk $0xffff, v1  }
0x799: {  	[tilespmem:v4+s3+$0x0] =	vst.idx.add.s32.msk $0xffff, v1  }
0x79a: {  	[tilespmem:v10+s3+$0x0] =	vst.idx.add.s32.msk $0xffff, v1  }
0x79b: {  	_ =	sdelay $0x3  }
0x79c: {  	[tilespmem:v3+s3+$0x0] =	vst.idx.add.s32.msk $0xffff, v1  }
0x79d: {  	[tilespmem:v2+s3+$0x0] =	vst.idx.add.s32.msk $0xffff, v1  }
0x79e: {  	v2 =	vld [tilespmem:s28+$0xFFFFFC20]  }
0x79f: {  	v3 =	vld [tilespmem:s28+$0xFFFFFC30]  }
0x7a0: {  	v4 =	vld [tilespmem:s28+$0xFFFFFC50]  }
0x7a1: {  	v5 =	vld [tilespmem:s28+$0xFFFFFC00]  }
0x7a2: {  	v6 =	vld [tilespmem:s28+$0x70]  }
0x7a3: {  	v7 =	vld [tilespmem:s28+$0x60]  }
0x7a4: {  	v8 =	vld [tilespmem:s28+$0x50]  }
0x7a5: {  	v9 =	vld [tilespmem:s28+$0x40]  }
0x7a6: {  	v10 =	vld [tilespmem:s28+$0x30];
	v5 =	vshrl.u32 v5, $0x10  }
0x7a7: {  	v11 =	vld [tilespmem:s28+$0x20];
	v5 =	vand.u32 $0x7FFF, v5  }
0x7a8: {  	v13 =	vld [tilespmem:s28+$0x0]  }
0x7a9: {  	v12 =	vld [tilespmem:s28+$0x10];
	v7 =	vshrl.u32 v7, $0x10  }
0x7aa: {  	v14 =	vld [tilespmem:s28+$0xFFFFFC70];
	v8 =	vshrl.u32 v8, $0x10;
	v7 =	vand.u32 $0x7FFF, v7  }
0x7ab: {  	v15 =	vld [tilespmem:s28+$0xFFFFFC60];
	v10 =	vshrl.u32 v10, $0x10;
	v8 =	vand.u32 $0x7FFF, v8  }
0x7ac: {  	v9 =	vshrl.u32 v9, $0x10;
	[tilespmem:v5+s3+$0x0] =	vst.idx.add.s32.msk $0xffff, v1;
	v5 =	vand.u32 $0x7FFF, v10  }
0x7ad: {  	v58 =	vld [tilespmem:s28+$0xFFFFFC40];
	v13 =	vshrl.u32 v13, $0x10;
	v9 =	vand.u32 $0x7FFF, v9  }
0x7ae: {  	v60 =	vld [tilespmem:s28+$0xFFFFFC10];
	v6 =	vshrl.u32 v6, $0x10;
	v59 =	vand.u32 $0x7FFF, v13  }
0x7af: {  	v4 =	vshrl.u32 v4, $0x10;
	v6 =	vand.u32 $0x7FFF, v6;
	[tilespmem:v7+s3+$0x0] =	vst.idx.add.s32.msk $0xffff, v1  }
0x7b0: {  	v61 =	vshrl.u32 v15, $0x10;
	v4 =	vand.u32 $0x7FFF, v4;
	[tilespmem:v8+s3+$0x0] =	vst.idx.add.s32.msk $0xffff, v1  }
0x7b1: {  	v3 =	vshrl.u32 v3, $0x10;
	[tilespmem:v5+s3+$0x0] =	vst.idx.add.s32.msk $0xffff, v1;
	v5 =	vand.u32 $0x7FFF, v61  }
0x7b2: {  	v57 =	vshrl.u32 v11, $0x10;
	v63 =	vand.u32 $0x7FFF, v3;
	[tilespmem:v9+s3+$0x0] =	vst.idx.add.s32.msk $0xffff, v1  }
0x7b3: {  	v62 =	vshrl.u32 v58, $0x10;
	v10 =	vand.u32 $0x7FFF, v57;
	[tilespmem:v59+s3+$0x0] =	vst.idx.add.s32.msk $0xffff, v1  }
0x7b4: {  	v7 =	vshrl.u32 v12, $0x10;
	v9 =	vand.u32 $0x7FFF, v62;
	[tilespmem:v6+s3+$0x0] =	vst.idx.add.s32.msk $0xffff, v1  }
0x7b5: {  	[tilespmem:v4+s3+$0x0] =	vst.idx.add.s32.msk $0xffff, v1;
	v4 =	vshrl.u32 v2, $0x10;
	v7 =	vand.u32 $0x7FFF, v7  }
0x7b6: {  	v3 =	vshrl.u32 v14, $0x10;
	v4 =	vand.u32 $0x7FFF, v4;
	[tilespmem:v5+s3+$0x0] =	vst.idx.add.s32.msk $0xffff, v1;
	v5 =	vshrl.u32 v60, $0x10  }
0x7b7: {  	v2 =	vand.u32 $0x7FFF, v3;
	[tilespmem:v63+s3+$0x0] =	vst.idx.add.s32.msk $0xffff, v1;
	v3 =	vand.u32 $0x7FFF, v5  }
0x7b8: {  	[tilespmem:v10+s3+$0x0] =	vst.idx.add.s32.msk $0xffff, v1  }
0x7b9: {  	[tilespmem:v9+s3+$0x0] =	vst.idx.add.s32.msk $0xffff, v1  }
0x7ba: {  	s29 =	simm.s32 $0x0;
	s26 =	simm.s32 $0x14700;
	[tilespmem:v7+s3+$0x0] =	vst.idx.add.s32.msk $0xffff, v1  }
.LBB2_63:
0x7bb: {  	s29 =	sadd.s32 $0x10, s29;
	[tilespmem:v4+s3+$0x0] =	vst.idx.add.s32.msk $0xffff, v1;
	s28 =	sadd.s32 $0x800, s28  }
0x7bc: {  	p1 =	slt.u32 s29, $0x70;
	[tilespmem:v3+s3+$0x0] =	vst.idx.add.s32.msk $0xffff, v1  }
0x7bd: {  	[tilespmem:v2+s3+$0x0] =	vst.idx.add.s32.msk $0xffff, v1  }
0x7be: {  	v3 =	vld [tilespmem:s28+$0xFFFFFC20]  }
0x7bf: {  	v4 =	vld [tilespmem:s28+$0xFFFFFC30]  }
0x7c0: {  	v5 =	vld [tilespmem:s28+$0xFFFFFC50]  }
0x7c1: {  	v2 =	vld [tilespmem:s28+$0xFFFFFC00]  }
0x7c2: {  	v6 =	vld [tilespmem:s28+$0x70]  }
0x7c3: {  	v7 =	vld [tilespmem:s28+$0x60]  }
0x7c4: {  	v8 =	vld [tilespmem:s28+$0x50]  }
0x7c5: {  	v9 =	vld [tilespmem:s28+$0x40]  }
0x7c6: {  	v2 =	vshrl.u32 v2, $0x10;
	v10 =	vld [tilespmem:s28+$0x30]  }
0x7c7: {  	v2 =	vand.u32 $0x7FFF, v2;
	v11 =	vld [tilespmem:s28+$0x20];
	v6 =	vshrl.u32 v6, $0x10  }
0x7c8: {  	v12 =	vld [tilespmem:s28+$0x10];
	v7 =	vshrl.u32 v7, $0x10  }
0x7c9: {  	v13 =	vld [tilespmem:s28+$0x0];
	v8 =	vshrl.u32 v8, $0x10;
	v7 =	vand.u32 $0x7FFF, v7  }
0x7ca: {  	v14 =	vld [tilespmem:s28+$0xFFFFFC70];
	v9 =	vshrl.u32 v9, $0x10;
	v8 =	vand.u32 $0x7FFF, v8  }
0x7cb: {  	v15 =	vld [tilespmem:s28+$0xFFFFFC60];
	v10 =	vshrl.u32 v10, $0x10  }
0x7cc: {  	[tilespmem:v2+s3+$0x0] =	vst.idx.add.s32.msk $0xffff, v1;
	v2 =	vshrl.u32 v11, $0x10;
	v10 =	vand.u32 $0x7FFF, v10  }
0x7cd: {  	v9 =	vand.u32 $0x7FFF, v9;
	v11 =	vld [tilespmem:s28+$0xFFFFFC40];
	v12 =	vshrl.u32 v12, $0x10;
	v16 =	vand.u32 $0x7FFF, v2  }
0x7ce: {  	v2 =	vshrl.u32 v13, $0x10;
	v12 =	vand.u32 $0x7FFF, v12;
	[tilespmem:v7+s3+$0x0] =	vst.idx.add.s32.msk $0xffff, v1  }
0x7cf: {  	v7 =	vshrl.u32 v14, $0x10;
	v13 =	vand.u32 $0x7FFF, v2;
	[tilespmem:v8+s3+$0x0] =	vst.idx.add.s32.msk $0xffff, v1  }
0x7d0: {  	v6 =	vand.u32 $0x7FFF, v6;
	v8 =	vld [tilespmem:s28+$0xFFFFFC10];
	v14 =	vshrl.u32 v15, $0x10;
	v2 =	vand.u32 $0x7FFF, v7  }
0x7d1: {  	v5 =	vshrl.u32 v5, $0x10;
	v7 =	vand.u32 $0x7FFF, v14;
	[tilespmem:v10+s3+$0x0] =	vst.idx.add.s32.msk $0xffff, v1  }
0x7d2: {  	v5 =	vand.u32 $0x7FFF, v5;
	v10 =	vshrl.u32 v11, $0x10;
	[tilespmem:v9+s3+$0x0] =	vst.idx.add.s32.msk $0xffff, v1  }
0x7d3: {  	v4 =	vshrl.u32 v4, $0x10;
	v9 =	vand.u32 $0x7FFF, v10;
	[tilespmem:v16+s3+$0x0] =	vst.idx.add.s32.msk $0xffff, v1  }
0x7d4: {  	v3 =	vshrl.u32 v3, $0x10;
	v10 =	vand.u32 $0x7FFF, v4;
	[tilespmem:v13+s3+$0x0] =	vst.idx.add.s32.msk $0xffff, v1  }
0x7d5: {  	v4 =	vand.u32 $0x7FFF, v3;
	v8 =	vshrl.u32 v8, $0x10;
	[tilespmem:v12+s3+$0x0] =	vst.idx.add.s32.msk $0xffff, v1  }
.Ltmp32:
0x7d6: {  	v3 =	vand.u32 $0x7FFF, v8;
	[tilespmem:v6+s3+$0x0] =	vst.idx.add.s32.msk $0xffff, v1;
	(pc) =	sbr.rel @p1 .LBB2_63-.Ltmp32, $4  }
0x7d7: {  	[tilespmem:v7+s3+$0x0] =	vst.idx.add.s32.msk $0xffff, v1  }
0x7d8: {  	[tilespmem:v5+s3+$0x0] =	vst.idx.add.s32.msk $0xffff, v1  }
0x7d9: {  	[tilespmem:v9+s3+$0x0] =	vst.idx.add.s32.msk $0xffff, v1  }
0x7da: {  	[tilespmem:v10+s3+$0x0] =	vst.idx.add.s32.msk $0xffff, v1  }
0x7db: {  	_ =	sdelay $0x3  }
0x7dc: {  	[tilespmem:v4+s3+$0x0] =	vst.idx.add.s32.msk $0xffff, v1  }
0x7dd: {  	[tilespmem:v3+s3+$0x0] =	vst.idx.add.s32.msk $0xffff, v1  }
0x7de: {  	[tilespmem:v2+s3+$0x0] =	vst.idx.add.s32.msk $0xffff, v1  }
0x7df: {  	v2 =	vld [tilespmem:s26+$0xFFFFFC20]  }
0x7e0: {  	v3 =	vld [tilespmem:s26+$0xFFFFFC30]  }
0x7e1: {  	v4 =	vld [tilespmem:s26+$0xFFFFFC40]  }
0x7e2: {  	v5 =	vld [tilespmem:s26+$0xFFFFFC50]  }
0x7e3: {  	v6 =	vld [tilespmem:s26+$0xFFFFFC00]  }
0x7e4: {  	v7 =	vld [tilespmem:s26+$0x70]  }
0x7e5: {  	v8 =	vld [tilespmem:s26+$0x60]  }
0x7e6: {  	v9 =	vld [tilespmem:s26+$0x50]  }
0x7e7: {  	v10 =	vld [tilespmem:s26+$0x40]  }
0x7e8: {  	v11 =	vld [tilespmem:s26+$0x30]  }
0x7e9: {  	v12 =	vld [tilespmem:s26+$0x20];
	v6 =	vshrl.u32 v6, $0x10  }
0x7ea: {  	v13 =	vld [tilespmem:s26+$0x10];
	v7 =	vshrl.u32 v7, $0x10;
	v6 =	vand.u32 $0x7FFF, v6  }
0x7eb: {  	v14 =	vld [tilespmem:s26+$0x0];
	v8 =	vshrl.u32 v8, $0x10;
	v7 =	vand.u32 $0x7FFF, v7  }
0x7ec: {  	v15 =	vld [tilespmem:s26+$0xFFFFFC70];
	v9 =	vshrl.u32 v9, $0x10;
	v8 =	vand.u32 $0x7FFF, v8  }
0x7ed: {  	v16 =	vld [tilespmem:s26+$0xFFFFFC60];
	v11 =	vshrl.u32 v11, $0x10;
	v9 =	vand.u32 $0x7FFF, v9  }
0x7ee: {  	v61 =	vld [tilespmem:s26+$0xFFFFFC10];
	v10 =	vshrl.u32 v10, $0x10;
	v56 =	vand.u32 $0x7FFF, v11  }
0x7ef: {  	v57 =	vshrl.u32 v12, $0x10;
	v10 =	vand.u32 $0x7FFF, v10;
	[tilespmem:v6+s3+$0x0] =	vst.idx.add.s32.msk $0xffff, v1  }
0x7f0: {  	v59 =	vshrl.u32 v14, $0x10;
	v58 =	vand.u32 $0x7FFF, v57;
	[tilespmem:v7+s3+$0x0] =	vst.idx.add.s32.msk $0xffff, v1  }
0x7f1: {  	v4 =	vshrl.u32 v4, $0x10;
	v11 =	vand.u32 $0x7FFF, v59;
	[tilespmem:v8+s3+$0x0] =	vst.idx.add.s32.msk $0xffff, v1  }
0x7f2: {  	v3 =	vshrl.u32 v3, $0x10;
	v4 =	vand.u32 $0x7FFF, v4;
	[tilespmem:v9+s3+$0x0] =	vst.idx.add.s32.msk $0xffff, v1  }
0x7f3: {  	v62 =	vshrl.u32 v16, $0x10;
	v3 =	vand.u32 $0x7FFF, v3;
	[tilespmem:v56+s3+$0x0] =	vst.idx.add.s32.msk $0xffff, v1  }
0x7f4: {  	v5 =	vshrl.u32 v5, $0x10;
	v12 =	vand.u32 $0x7FFF, v62;
	[tilespmem:v10+s3+$0x0] =	vst.idx.add.s32.msk $0xffff, v1  }
0x7f5: {  	v2 =	vshrl.u32 v2, $0x10;
	v5 =	vand.u32 $0x7FFF, v5;
	[tilespmem:v58+s3+$0x0] =	vst.idx.add.s32.msk $0xffff, v1  }
0x7f6: {  	v60 =	vshrl.u32 v13, $0x10;
	v63 =	vand.u32 $0x7FFF, v2;
	[tilespmem:v11+s3+$0x0] =	vst.idx.add.s32.msk $0xffff, v1  }
0x7f7: {  	v8 =	vand.u32 $0x7FFF, v60;
	[tilespmem:v4+s3+$0x0] =	vst.idx.add.s32.msk $0xffff, v1;
	v4 =	vshrl.u32 v61, $0x10  }
0x7f8: {  	v2 =	vshrl.u32 v15, $0x10;
	[tilespmem:v3+s3+$0x0] =	vst.idx.add.s32.msk $0xffff, v1;
	v3 =	vand.u32 $0x7FFF, v4  }
0x7f9: {  	v2 =	vand.u32 $0x7FFF, v2;
	[tilespmem:v12+s3+$0x0] =	vst.idx.add.s32.msk $0xffff, v1  }
0x7fa: {  	[tilespmem:v5+s3+$0x0] =	vst.idx.add.s32.msk $0xffff, v1  }
0x7fb: {  	[tilespmem:v63+s3+$0x0] =	vst.idx.add.s32.msk $0xffff, v1  }
0x7fc: {  	s29 =	simm.s32 $0x0;
	[tilespmem:v8+s3+$0x0] =	vst.idx.add.s32.msk $0xffff, v1  }
.LBB2_65:
0x7fd: {  	s29 =	sadd.s32 $0x10, s29;
	[tilespmem:v3+s3+$0x0] =	vst.idx.add.s32.msk $0xffff, v1;
	s26 =	sadd.s32 $0x800, s26;
	s28 =	simm.s32 $0x14780  }
0x7fe: {  	p1 =	slt.u32 s29, $0x70;
	[tilespmem:v2+s3+$0x0] =	vst.idx.add.s32.msk $0xffff, v1  }
0x7ff: {  	v3 =	vld [tilespmem:s26+$0xFFFFFC20]  }
0x800: {  	v4 =	vld [tilespmem:s26+$0xFFFFFC30]  }
0x801: {  	v5 =	vld [tilespmem:s26+$0xFFFFFC40]  }
0x802: {  	v6 =	vld [tilespmem:s26+$0xFFFFFC50]  }
0x803: {  	v2 =	vld [tilespmem:s26+$0xFFFFFC00]  }
0x804: {  	v7 =	vld [tilespmem:s26+$0x70]  }
0x805: {  	v8 =	vld [tilespmem:s26+$0x60]  }
0x806: {  	v9 =	vld [tilespmem:s26+$0x50]  }
0x807: {  	v10 =	vld [tilespmem:s26+$0x40]  }
0x808: {  	v2 =	vshrl.u32 v2, $0x10;
	v11 =	vld [tilespmem:s26+$0x30]  }
0x809: {  	v2 =	vand.u32 $0x7FFF, v2;
	v12 =	vld [tilespmem:s26+$0x20];
	v7 =	vshrl.u32 v7, $0x10  }
0x80a: {  	v13 =	vld [tilespmem:s26+$0x10];
	v8 =	vshrl.u32 v8, $0x10;
	v7 =	vand.u32 $0x7FFF, v7  }
0x80b: {  	v14 =	vld [tilespmem:s26+$0x0];
	v9 =	vshrl.u32 v9, $0x10;
	v8 =	vand.u32 $0x7FFF, v8  }
0x80c: {  	v15 =	vld [tilespmem:s26+$0xFFFFFC70];
	v10 =	vshrl.u32 v10, $0x10;
	v9 =	vand.u32 $0x7FFF, v9  }
0x80d: {  	v16 =	vld [tilespmem:s26+$0xFFFFFC60];
	v11 =	vshrl.u32 v11, $0x10  }
0x80e: {  	[tilespmem:v2+s3+$0x0] =	vst.idx.add.s32.msk $0xffff, v1;
	v2 =	vshrl.u32 v12, $0x10;
	v11 =	vand.u32 $0x7FFF, v11  }
0x80f: {  	v10 =	vand.u32 $0x7FFF, v10;
	v12 =	vshrl.u32 v13, $0x10;
	v13 =	vand.u32 $0x7FFF, v2;
	[tilespmem:v7+s3+$0x0] =	vst.idx.add.s32.msk $0xffff, v1  }
0x810: {  	v2 =	vshrl.u32 v14, $0x10;
	v7 =	vand.u32 $0x7FFF, v12;
	[tilespmem:v8+s3+$0x0] =	vst.idx.add.s32.msk $0xffff, v1  }
0x811: {  	v8 =	vshrl.u32 v15, $0x10;
	v12 =	vand.u32 $0x7FFF, v2;
	[tilespmem:v9+s3+$0x0] =	vst.idx.add.s32.msk $0xffff, v1  }
0x812: {  	v9 =	vld [tilespmem:s26+$0xFFFFFC10];
	v14 =	vshrl.u32 v16, $0x10;
	v2 =	vand.u32 $0x7FFF, v8  }
0x813: {  	v6 =	vshrl.u32 v6, $0x10;
	v8 =	vand.u32 $0x7FFF, v14;
	[tilespmem:v11+s3+$0x0] =	vst.idx.add.s32.msk $0xffff, v1  }
0x814: {  	v5 =	vshrl.u32 v5, $0x10;
	v6 =	vand.u32 $0x7FFF, v6;
	[tilespmem:v10+s3+$0x0] =	vst.idx.add.s32.msk $0xffff, v1  }
0x815: {  	v4 =	vshrl.u32 v4, $0x10;
	v5 =	vand.u32 $0x7FFF, v5;
	[tilespmem:v13+s3+$0x0] =	vst.idx.add.s32.msk $0xffff, v1  }
0x816: {  	v3 =	vshrl.u32 v3, $0x10;
	v4 =	vand.u32 $0x7FFF, v4;
	[tilespmem:v12+s3+$0x0] =	vst.idx.add.s32.msk $0xffff, v1  }
0x817: {  	v10 =	vand.u32 $0x7FFF, v3;
	v9 =	vshrl.u32 v9, $0x10;
	[tilespmem:v7+s3+$0x0] =	vst.idx.add.s32.msk $0xffff, v1  }
.Ltmp33:
0x818: {  	v3 =	vand.u32 $0x7FFF, v9;
	[tilespmem:v8+s3+$0x0] =	vst.idx.add.s32.msk $0xffff, v1;
	(pc) =	sbr.rel @p1 .LBB2_65-.Ltmp33, $4  }
0x819: {  	[tilespmem:v6+s3+$0x0] =	vst.idx.add.s32.msk $0xffff, v1  }
0x81a: {  	[tilespmem:v5+s3+$0x0] =	vst.idx.add.s32.msk $0xffff, v1  }
0x81b: {  	[tilespmem:v4+s3+$0x0] =	vst.idx.add.s32.msk $0xffff, v1  }
0x81c: {  	[tilespmem:v10+s3+$0x0] =	vst.idx.add.s32.msk $0xffff, v1  }
0x81d: {  	_ =	sdelay $0x3  }
0x81e: {  	[tilespmem:v3+s3+$0x0] =	vst.idx.add.s32.msk $0xffff, v1  }
0x81f: {  	[tilespmem:v2+s3+$0x0] =	vst.idx.add.s32.msk $0xffff, v1  }
0x820: {  	v2 =	vld [tilespmem:s28+$0xFFFFFC20]  }
0x821: {  	v3 =	vld [tilespmem:s28+$0xFFFFFC30]  }
0x822: {  	v4 =	vld [tilespmem:s28+$0xFFFFFC40]  }
0x823: {  	v5 =	vld [tilespmem:s28+$0xFFFFFC50]  }
0x824: {  	v6 =	vld [tilespmem:s28+$0xFFFFFC00]  }
0x825: {  	v7 =	vld [tilespmem:s28+$0x70]  }
0x826: {  	v8 =	vld [tilespmem:s28+$0x60]  }
0x827: {  	v9 =	vld [tilespmem:s28+$0x50]  }
0x828: {  	v10 =	vld [tilespmem:s28+$0x40]  }
0x829: {  	v11 =	vld [tilespmem:s28+$0x30]  }
0x82a: {  	v12 =	vld [tilespmem:s28+$0x20];
	v6 =	vshrl.u32 v6, $0x10  }
0x82b: {  	v13 =	vld [tilespmem:s28+$0x10];
	v7 =	vshrl.u32 v7, $0x10;
	v6 =	vand.u32 $0x7FFF, v6  }
0x82c: {  	v16 =	vld [tilespmem:s28+$0xFFFFFC60];
	v8 =	vshrl.u32 v8, $0x10;
	v7 =	vand.u32 $0x7FFF, v7  }
0x82d: {  	v14 =	vld [tilespmem:s28+$0x0];
	v9 =	vshrl.u32 v9, $0x10;
	v8 =	vand.u32 $0x7FFF, v8  }
0x82e: {  	v15 =	vld [tilespmem:s28+$0xFFFFFC70];
	v11 =	vshrl.u32 v11, $0x10;
	v9 =	vand.u32 $0x7FFF, v9  }
0x82f: {  	v60 =	vld [tilespmem:s28+$0xFFFFFC10];
	v10 =	vshrl.u32 v10, $0x10;
	v56 =	vand.u32 $0x7FFF, v11  }
0x830: {  	v57 =	vshrl.u32 v13, $0x10;
	v10 =	vand.u32 $0x7FFF, v10;
	[tilespmem:v6+s3+$0x0] =	vst.idx.add.s32.msk $0xffff, v1  }
0x831: {  	v61 =	vshrl.u32 v16, $0x10;
	v11 =	vand.u32 $0x7FFF, v57;
	[tilespmem:v7+s3+$0x0] =	vst.idx.add.s32.msk $0xffff, v1  }
0x832: {  	v59 =	vshrl.u32 v12, $0x10;
	v5 =	vshrl.u32 v5, $0x10;
	v12 =	vand.u32 $0x7FFF, v61;
	[tilespmem:v8+s3+$0x0] =	vst.idx.add.s32.msk $0xffff, v1  }
0x833: {  	v3 =	vshrl.u32 v3, $0x10;
	v5 =	vand.u32 $0x7FFF, v5;
	[tilespmem:v9+s3+$0x0] =	vst.idx.add.s32.msk $0xffff, v1  }
0x834: {  	v2 =	vshrl.u32 v2, $0x10;
	v3 =	vand.u32 $0x7FFF, v3;
	[tilespmem:v56+s3+$0x0] =	vst.idx.add.s32.msk $0xffff, v1  }
0x835: {  	v58 =	vshrl.u32 v14, $0x10;
	v63 =	vand.u32 $0x7FFF, v2;
	[tilespmem:v10+s3+$0x0] =	vst.idx.add.s32.msk $0xffff, v1  }
0x836: {  	v7 =	vand.u32 $0x7FFF, v58;
	[tilespmem:v11+s3+$0x0] =	vst.idx.add.s32.msk $0xffff, v1  }
0x837: {  	v62 =	vshrl.u32 v15, $0x10;
	v8 =	vand.u32 $0x7FFF, v59;
	[tilespmem:v12+s3+$0x0] =	vst.idx.add.s32.msk $0xffff, v1  }
0x838: {  	v2 =	vshrl.u32 v4, $0x10;
	v4 =	vshrl.u32 v60, $0x10;
	v6 =	vand.u32 $0x7FFF, v62;
	[tilespmem:v5+s3+$0x0] =	vst.idx.add.s32.msk $0xffff, v1  }
0x839: {  	[tilespmem:v3+s3+$0x0] =	vst.idx.add.s32.msk $0xffff, v1;
	v3 =	vand.u32 $0x7FFF, v4  }
0x83a: {  	v2 =	vand.u32 $0x7FFF, v2;
	[tilespmem:v63+s3+$0x0] =	vst.idx.add.s32.msk $0xffff, v1  }
0x83b: {  	[tilespmem:v7+s3+$0x0] =	vst.idx.add.s32.msk $0xffff, v1  }
0x83c: {  	[tilespmem:v8+s3+$0x0] =	vst.idx.add.s32.msk $0xffff, v1  }
0x83d: {  	s26 =	simm.s32 $0x0;
	[tilespmem:v6+s3+$0x0] =	vst.idx.add.s32.msk $0xffff, v1  }
.LBB2_67:
0x83e: {  	s26 =	sadd.s32 $0x10, s26;
	[tilespmem:v3+s3+$0x0] =	vst.idx.add.s32.msk $0xffff, v1;
	s28 =	sadd.s32 $0x800, s28  }
0x83f: {  	p1 =	slt.u32 s26, $0x70;
	[tilespmem:v2+s3+$0x0] =	vst.idx.add.s32.msk $0xffff, v1  }
0x840: {  	v3 =	vld [tilespmem:s28+$0xFFFFFC20]  }
0x841: {  	v2 =	vld [tilespmem:s28+$0xFFFFFC30]  }
0x842: {  	v4 =	vld [tilespmem:s28+$0xFFFFFC40]  }
0x843: {  	v5 =	vld [tilespmem:s28+$0xFFFFFC50]  }
0x844: {  	v6 =	vld [tilespmem:s28+$0xFFFFFC00]  }
0x845: {  	v7 =	vld [tilespmem:s28+$0x70]  }
0x846: {  	v8 =	vld [tilespmem:s28+$0x60]  }
0x847: {  	v9 =	vld [tilespmem:s28+$0x50]  }
0x848: {  	v10 =	vld [tilespmem:s28+$0x40]  }
0x849: {  	v6 =	vshrl.u32 v6, $0x10;
	v11 =	vld [tilespmem:s28+$0x30]  }
0x84a: {  	v6 =	vand.u32 $0x7FFF, v6;
	v12 =	vld [tilespmem:s28+$0x20];
	v7 =	vshrl.u32 v7, $0x10  }
0x84b: {  	v13 =	vld [tilespmem:s28+$0x10];
	v8 =	vshrl.u32 v8, $0x10;
	v7 =	vand.u32 $0x7FFF, v7  }
0x84c: {  	v14 =	vld [tilespmem:s28+$0x0];
	v9 =	vshrl.u32 v9, $0x10;
	v8 =	vand.u32 $0x7FFF, v8  }
0x84d: {  	v15 =	vld [tilespmem:s28+$0xFFFFFC70];
	v10 =	vshrl.u32 v10, $0x10;
	v9 =	vand.u32 $0x7FFF, v9  }
0x84e: {  	v16 =	vld [tilespmem:s28+$0xFFFFFC60];
	v11 =	vshrl.u32 v11, $0x10  }
0x84f: {  	[tilespmem:v6+s3+$0x0] =	vst.idx.add.s32.msk $0xffff, v1;
	v6 =	vshrl.u32 v12, $0x10;
	v11 =	vand.u32 $0x7FFF, v11  }
0x850: {  	v10 =	vand.u32 $0x7FFF, v10;
	v12 =	vshrl.u32 v13, $0x10;
	v6 =	vand.u32 $0x7FFF, v6;
	[tilespmem:v7+s3+$0x0] =	vst.idx.add.s32.msk $0xffff, v1  }
0x851: {  	v7 =	vshrl.u32 v14, $0x10;
	v12 =	vand.u32 $0x7FFF, v12;
	[tilespmem:v8+s3+$0x0] =	vst.idx.add.s32.msk $0xffff, v1  }
0x852: {  	v8 =	vshrl.u32 v15, $0x10;
	v7 =	vand.u32 $0x7FFF, v7;
	[tilespmem:v9+s3+$0x0] =	vst.idx.add.s32.msk $0xffff, v1  }
0x853: {  	v9 =	vld [tilespmem:s28+$0xFFFFFC10];
	v13 =	vshrl.u32 v16, $0x10;
	v8 =	vand.u32 $0x7FFF, v8  }
0x854: {  	v5 =	vshrl.u32 v5, $0x10;
	v13 =	vand.u32 $0x7FFF, v13;
	[tilespmem:v11+s3+$0x0] =	vst.idx.add.s32.msk $0xffff, v1  }
0x855: {  	v4 =	vshrl.u32 v4, $0x10;
	v5 =	vand.u32 $0x7FFF, v5;
	[tilespmem:v10+s3+$0x0] =	vst.idx.add.s32.msk $0xffff, v1  }
0x856: {  	v10 =	vshrl.u32 v2, $0x10;
	v2 =	vand.u32 $0x7FFF, v4;
	[tilespmem:v12+s3+$0x0] =	vst.idx.add.s32.msk $0xffff, v1  }
0x857: {  	v3 =	vshrl.u32 v3, $0x10;
	v4 =	vand.u32 $0x7FFF, v10;
	[tilespmem:v7+s3+$0x0] =	vst.idx.add.s32.msk $0xffff, v1  }
0x858: {  	v7 =	vshrl.u32 v9, $0x10;
	v9 =	vand.u32 $0x7FFF, v3;
	[tilespmem:v6+s3+$0x0] =	vst.idx.add.s32.msk $0xffff, v1  }
.Ltmp34:
0x859: {  	v3 =	vand.u32 $0x7FFF, v7;
	[tilespmem:v13+s3+$0x0] =	vst.idx.add.s32.msk $0xffff, v1;
	(pc) =	sbr.rel @p1 .LBB2_67-.Ltmp34, $4  }
0x85a: {  	[tilespmem:v5+s3+$0x0] =	vst.idx.add.s32.msk $0xffff, v1  }
0x85b: {  	[tilespmem:v8+s3+$0x0] =	vst.idx.add.s32.msk $0xffff, v1  }
0x85c: {  	[tilespmem:v4+s3+$0x0] =	vst.idx.add.s32.msk $0xffff, v1  }
0x85d: {  	[tilespmem:v9+s3+$0x0] =	vst.idx.add.s32.msk $0xffff, v1  }
0x85e: {  	_ = 	snop  }
.Ltmp35:
0x85f: {  	_ = 	snop;
	(pc) =	sbr.rel @p0 .LBB2_70-.Ltmp35, $3  }
0x860: {  	_ =	sdelay $0x1  }
0x861: {  	[tilespmem:v3+s3+$0x0] =	vst.idx.add.s32.msk $0xffff, v1  }
0x862: {  	[tilespmem:v2+s3+$0x0] =	vst.idx.add.s32.msk $0xffff, v1  }
.Ltmp36:
0x863: {  	(pc) =	sbr.rel .LBB2_4-.Ltmp36, $4  }
0x864: {  	s25 =	sadd.s32 s25, s11  }
0x865: {  	s25 =	sshrl.u32 s25, $0x3  }
0x866: {  	s24 =	sadd.s32 $0x1, s24;
	s25 =	sadd.s32 s2, s25  }
0x867: {  	[tilespmem:s17], [sflag:$0x4] =	stream.linear.gather [hbm4b:s25+s3], $0x4000, $0x38;
	[tilespmem:$0x18000] =	vst v63  }
.LBB2_71:
0x868: {  	_ =	sfence.sel $0x180000  }
0x869: {  	[bflag:$0x0] =	sbarrier.arrive $0xFFFF  }
0x86a: {  	p0 =	sne.s32 s0, $0x0;
	_ =	strace $0x90000047  }
0x86b: {  	s0 =	sadd.s32 @!p0 $0x100000, s1;
	[bflag:$0x2] =	sbarrier.arrive $0xFFFF  }
0x86c: {  	[sflag:s0] =	ssyncadd.tile.s32 @!p0 $0x1;
	_ =	shalt  }
.Lfunc_end2:
_tile_overlayer_lowered:
.L_overlay_start_2:
0x86d: {  	(tag) =	ssettag $0x2  }
0x86e: {  	s0 =	rddreg [dreg:$0x0];
	s2 =	stileid.u32  }
0x86f: {  	s1 =	rddreg [dreg:$0x1];
	p0 =	sne.s32 s2, $0x0  }
0x870: {  	s3 =	rddreg [dreg:$0x2];
	[bflag:$0x3] =	sbarrier.arrive $0xFFFF;
	s2 =	simm.s32 @!p0 $0x1C05  }
0x871: {  	[timem:s3], [sflag:s2] =	dma.local @!p0 [hbm:s0], s1  }
0x872: {  	s0 =	simm.s32 @!p0 $0x5  }
0x873: {  	_ =	swait.ge @!p0 [sflag:s0], s1  }
0x874: {  	s1 =	ssub.s32 @!p0 $0x0, s1;
	[sflag:s0] =	ssyncset.done @!p0 $0x0  }
0x875: {  	[sflag:s0] =	ssyncadd.s32 @!p0 s1  }
0x876: {  	[bflag:$0x3] =	sbarrier.arrive $0xFFFF  }
0x877: {  	_ =	shalt  }

</sc_bundles>
